<compile_context>
chip_gen: v7x
topology: tpu7x:2x2x1
jax: 0.10.2.dev20260603
libtpu: 0.0.44.dev20260713+nightly
codegen_flags: <defaults>
</compile_context>

<pallas_src>
import functools

import jax
import jax.numpy as jnp
from jax import lax
from jax.experimental import pallas as pl
from jax.experimental.pallas import tpu as pltpu
from jax.experimental.pallas import tpu_sc as plsc

N = 10000
E = 320000
D = 128
H = 4
DH = 32
AUG = 144
MLP2 = 128
C = 16

BLK = 1000

NC = 2
NS = 16
EP = E // (NC * NS)
CH = 80
NCH = EP // CH
NP = 10240
NPS = NP // NS


def _edge_body(src_hbm, dst_hbm, alpha_hbm, haug_hbm, out_hbm,
               srcA, dstA, asA, adA, rowsA, srcB, dstB, asB, adB, rowsB,
               w_v, acc_sh,
               sAs, sAd, sAa, sAb, sAr, sBs, sBd, sBa, sBb, sBr):
    c = lax.axis_index("c")
    s = lax.axis_index("s")
    iota = lax.iota(jnp.int32, 16)
    zeros16 = jnp.zeros((16,), jnp.float32)

    def _zrow(r, carry):
        for kk in range(AUG // 16):
            rowsA[r, pl.ds(kk * 16, 16)] = zeros16
        return carry

    lax.fori_loop(0, CH, _zrow, 0)
    for t in range(NPS // CH):
        pltpu.sync_copy(rowsA, acc_sh.at[pl.ds(s * NPS + t * CH, CH)])
    plsc.subcore_barrier()

    ebase = (c * NS + s) * EP
    row4 = iota // 4
    col4 = iota % 4

    def _idx_cp(ci, sv, dv, ss, sd):
        cl = jnp.minimum(ci, NCH - 1)
        base = pl.multiple_of(ebase + cl * CH, 8)
        return (pltpu.make_async_copy(src_hbm.at[pl.ds(base, CH)], sv, ss),
                pltpu.make_async_copy(dst_hbm.at[pl.ds(base, CH)], dv, sd))

    def _gath_cp(sv, dv, as_b, ad_b, rows_b, sa, sb, sr):
        return (pltpu.make_async_copy(alpha_hbm.at[sv], as_b, sa),
                pltpu.make_async_copy(alpha_hbm.at[dv], ad_b, sb),
                pltpu.make_async_copy(haug_hbm.at[sv], rows_b, sr))

    def _compute_w(as_b, ad_b):
        for t in range(CH // 4):
            a_s = plsc.load_gather(as_b, [4 * t + row4, col4])
            a_d = plsc.load_gather(ad_b, [4 * t + row4, H + col4])
            e = a_s + a_d
            e = jnp.where(e >= 0, e, 0.2 * e)
            w_v[pl.ds(t * 16, 16)] = jnp.exp(e)

    def _mult_scatter(rows_b, dst_b):
        def _mrow(q, carry):
            for dj in range(4):
                j = q * 4 + dj
                wv = plsc.load_gather(w_v, [j * 4 + (iota & 3)])
                for kk in range(8):
                    rows_b[j, pl.ds(kk * 16, 16)] = (
                        rows_b[j, pl.ds(kk * 16, 16)] * wv)
                rows_b[j, pl.ds(8 * 16, 16)] = wv
            return carry

        lax.fori_loop(0, CH // 4, _mrow, 0)
        pltpu.sync_copy(rows_b, acc_sh.at[dst_b], add=True)

    def _phase(ci, cur, nxt):
        (c_sv, c_dv, c_as, c_ad, c_rows, c_ss, c_sd, c_sa, c_sb, c_sr) = cur
        (n_sv, n_dv, n_as, n_ad, n_rows, n_ss, n_sd, n_sa, n_sb, n_sr) = nxt
        i1, i2 = _idx_cp(ci + 1, n_sv, n_dv, n_ss, n_sd)
        i1.wait()
        i2.wait()
        g1, g2, g3 = _gath_cp(n_sv, n_dv, n_as, n_ad, n_rows, n_sa, n_sb, n_sr)
        g1.start()
        g2.start()
        g3.start()
        c1, c2, c3 = _gath_cp(c_sv, c_dv, c_as, c_ad, c_rows, c_sa, c_sb, c_sr)
        c1.wait()
        c2.wait()
        _compute_w(c_as, c_ad)
        c3.wait()
        j1, j2 = _idx_cp(ci + 2, c_sv, c_dv, c_ss, c_sd)
        j1.start()
        _mult_scatter(c_rows, c_dv)
        j2.start()

    bufA = (srcA, dstA, asA, adA, rowsA, sAs, sAd, sAa, sAb, sAr)
    bufB = (srcB, dstB, asB, adB, rowsB, sBs, sBd, sBa, sBb, sBr)

    p1, p2 = _idx_cp(0, srcA, dstA, sAs, sAd)
    p1.start()
    p2.start()
    p1, p2 = _idx_cp(0, srcA, dstA, sAs, sAd)
    p1.wait()
    p2.wait()
    g1, g2, g3 = _gath_cp(srcA, dstA, asA, adA, rowsA, sAa, sAb, sAr)
    g1.start()
    g2.start()
    g3.start()
    q1, q2 = _idx_cp(1, srcB, dstB, sBs, sBd)
    q1.start()
    q2.start()

    def _pair(q, carry):
        _phase(2 * q, bufA, bufB)
        _phase(2 * q + 1, bufB, bufA)
        return carry

    lax.fori_loop(0, (NCH - 1) // 2, _pair, 0)

    d1, d2 = _idx_cp(NCH, srcB, dstB, sBs, sBd)
    d1.wait()
    d2.wait()
    e1, e2, e3 = _gath_cp(srcA, dstA, asA, adA, rowsA, sAa, sAb, sAr)
    e1.wait()
    e2.wait()
    _compute_w(asA, adA)
    e3.wait()
    _mult_scatter(rowsA, dstA)

    plsc.subcore_barrier()
    pltpu.sync_copy(acc_sh.at[pl.ds(s * NPS, NPS)],
                    out_hbm.at[c, pl.ds(s * NPS, NPS)])


def _edge_sc(src, dst, alpha, haug):
    mesh = plsc.VectorSubcoreMesh(core_axis_name="c", subcore_axis_name="s")
    f = pl.kernel(
        _edge_body,
        out_type=jax.ShapeDtypeStruct((NC, NP, AUG), jnp.float32),
        mesh=mesh,
        compiler_params=pltpu.CompilerParams(use_tc_tiling_on_sc=False,
                                             needs_layout_passes=False),
        scratch_types=(
            [pltpu.VMEM((CH,), jnp.int32),
             pltpu.VMEM((CH,), jnp.int32),
             pltpu.VMEM((CH, 2 * H), jnp.float32),
             pltpu.VMEM((CH, 2 * H), jnp.float32),
             pltpu.VMEM((CH, AUG), jnp.float32)] * 2
            + [pltpu.VMEM((H * CH,), jnp.float32),
               pltpu.VMEM_SHARED((NP, AUG), jnp.float32)]
            + [pltpu.SemaphoreType.DMA] * 10
        ),
    )
    return f(src, dst, alpha, haug)


def _pre_body(x_ref, wg_ref, s_ref, haug_ref, alpha_ref):
    h = jnp.dot(x_ref[...], wg_ref[...], preferred_element_type=jnp.float32)
    alpha_ref[...] = jnp.dot(h, s_ref[...], preferred_element_type=jnp.float32)
    haug_ref[...] = jnp.concatenate(
        [h,
         jnp.ones((BLK, H), jnp.float32),
         jnp.zeros((BLK, AUG - D - H), jnp.float32)],
        axis=1,
    )


def _pre(x, w_gat, s_mat):
    grid = N // BLK
    return pl.pallas_call(
        _pre_body,
        grid=(grid,),
        in_specs=[
            pl.BlockSpec((BLK, D), lambda i: (i, 0)),
            pl.BlockSpec((D, H * DH), lambda i: (0, 0)),
            pl.BlockSpec((D, 2 * H), lambda i: (0, 0)),
        ],
        out_specs=[
            pl.BlockSpec((BLK, AUG), lambda i: (i, 0)),
            pl.BlockSpec((BLK, 2 * H), lambda i: (i, 0)),
        ],
        out_shape=[
            jax.ShapeDtypeStruct((N, AUG), jnp.float32),
            jax.ShapeDtypeStruct((N, 2 * H), jnp.float32),
        ],
    )(x, w_gat, s_mat)


def _post_body(a0_ref, a1_ref, r_ref, wm_ref, bm_ref, wf_ref, bf_ref,
               wc_ref, bc_ref, out_ref):
    a = a0_ref[...] + a1_ref[...]
    sums = a[:, :D]
    d4 = a[:, D:D + H]
    denom = jnp.dot(d4, r_ref[...], preferred_element_type=jnp.float32) + 1e-16
    agg = sums / denom
    agg = jnp.where(agg > 0, agg, jnp.exp(jnp.minimum(agg, 0.0)) - 1.0)
    o = jnp.dot(agg, wm_ref[...], preferred_element_type=jnp.float32) + bm_ref[...]
    o = jnp.maximum(o, 0.0)
    o = jnp.dot(o, wf_ref[...], preferred_element_type=jnp.float32) + bf_ref[...]
    logits = jnp.dot(o, wc_ref[...], preferred_element_type=jnp.float32) + bc_ref[...]
    m = jnp.max(logits, axis=1, keepdims=True)
    ex = jnp.exp(logits - m)
    out_ref[...] = ex / jnp.sum(ex, axis=1, keepdims=True)


def _post(a0, a1, r_mat, w_mlp2, b_mlp2, w_ft, b_ft, w_cls, b_cls):
    grid = N // BLK
    return pl.pallas_call(
        _post_body,
        grid=(grid,),
        in_specs=[
            pl.BlockSpec((BLK, AUG), lambda i: (i, 0)),
            pl.BlockSpec((BLK, AUG), lambda i: (i, 0)),
            pl.BlockSpec((H, D), lambda i: (0, 0)),
            pl.BlockSpec((D, MLP2), lambda i: (0, 0)),
            pl.BlockSpec((1, MLP2), lambda i: (0, 0)),
            pl.BlockSpec((MLP2, MLP2), lambda i: (0, 0)),
            pl.BlockSpec((1, MLP2), lambda i: (0, 0)),
            pl.BlockSpec((MLP2, C), lambda i: (0, 0)),
            pl.BlockSpec((1, C), lambda i: (0, 0)),
        ],
        out_specs=pl.BlockSpec((BLK, C), lambda i: (i, 0)),
        out_shape=jax.ShapeDtypeStruct((N, C), jnp.float32),
    )(a0, a1, r_mat, w_mlp2, b_mlp2, w_ft, b_ft, w_cls, b_cls)


def kernel(x, edge_index, W_gat, a_src, a_dst, W_mlp2, b_mlp2, W_ft, b_ft,
           W_cls, b_cls):
    src = edge_index[0]
    dst = edge_index[1]

    eye = jnp.eye(H, dtype=jnp.float32)
    s_src = (a_src[:, :, None] * eye[:, None, :]).reshape(H * DH, H)
    s_dst = (a_dst[:, :, None] * eye[:, None, :]).reshape(H * DH, H)
    s_mat = jnp.concatenate([s_src, s_dst], axis=1)

    perm = (jnp.arange(D) % H) * DH + jnp.arange(D) // H
    haug, alpha = _pre(x, W_gat[:, perm], s_mat[perm, :])

    acc = _edge_sc(src.astype(jnp.int32), dst.astype(jnp.int32), alpha, haug)

    r_mat = jnp.tile(jnp.eye(H, dtype=jnp.float32), (1, DH))
    return _post(acc[0, :N], acc[1, :N], r_mat, W_mlp2[perm, :],
                 b_mlp2.reshape(1, MLP2), W_ft,
                 b_ft.reshape(1, MLP2), W_cls, b_cls.reshape(1, C))

# --- scband reference (transcript-rebuilt; emitter-appended) ---
"""Pipeline reference for scband-gat-with-extra-head-88046829568495 (READ-ONLY COPY).

The authoritative reference and input builder live on the scoring server;
editing this copy changes nothing except your own understanding.
"""

import jax, jax.numpy as jnp
import numpy as np

N = 10000
E = 320000
D = 128
H = 4
DH = 32
MLP2 = 128
C = 16


def setup_inputs(seed: int = 0) -> dict:
    key = jax.random.key(seed)
    ks = jax.random.split(key, 12)
    x = jax.random.normal(ks[0], (N, D), dtype=jnp.float32)
    edge_index = jax.random.randint(ks[1], (2, E), 0, N)
    W_gat = jax.random.normal(ks[2], (D, H * DH), dtype=jnp.float32) * 0.05
    a_src = jax.random.normal(ks[3], (H, DH), dtype=jnp.float32) * 0.05
    a_dst = jax.random.normal(ks[4], (H, DH), dtype=jnp.float32) * 0.05
    W_mlp2 = jax.random.normal(ks[5], (H * DH, MLP2), dtype=jnp.float32) * 0.05
    b_mlp2 = jnp.zeros((MLP2,), dtype=jnp.float32)
    W_ft = jax.random.normal(ks[6], (MLP2, MLP2), dtype=jnp.float32) * 0.05
    b_ft = jnp.zeros((MLP2,), dtype=jnp.float32)
    W_cls = jax.random.normal(ks[7], (MLP2, C), dtype=jnp.float32) * 0.05
    b_cls = jnp.zeros((C,), dtype=jnp.float32)
    return {"x": x, "edge_index": edge_index, "W_gat": W_gat, "a_src": a_src,
            "a_dst": a_dst, "W_mlp2": W_mlp2, "b_mlp2": b_mlp2, "W_ft": W_ft,
            "b_ft": b_ft, "W_cls": W_cls, "b_cls": b_cls}


def reference(x, edge_index, W_gat, a_src, a_dst, W_mlp2, b_mlp2, W_ft, b_ft, W_cls, b_cls):
    src = edge_index[0]
    dst = edge_index[1]
    # GAT layer (multi-head attention message passing)
    h = (x @ W_gat).reshape(N, H, DH)
    alpha_s = jnp.einsum('nhd,hd->nh', h, a_src)
    alpha_d = jnp.einsum('nhd,hd->nh', h, a_dst)
    e = jax.nn.leaky_relu(alpha_s[src] + alpha_d[dst], 0.2)  # [E, H]
    e_max = jax.ops.segment_max(e, dst, num_segments=N)
    e_max = jnp.where(jnp.isfinite(e_max), e_max, 0.0)
    ex = jnp.exp(e - e_max[dst])
    denom = jax.ops.segment_sum(ex, dst, num_segments=N)
    attn = ex / (denom[dst] + 1e-16)  # segment softmax over incoming edges
    msg = h[src] * attn[:, :, None]
    agg = jax.ops.segment_sum(msg, dst, num_segments=N).reshape(N, H * DH)
    agg = jax.nn.elu(agg)
    out = agg @ W_mlp2 + b_mlp2  # GAT_model output MLP (MLP2_dim)
    # Gat_with_extra_head forward
    out = jax.nn.relu(out)
    out = out @ W_ft + b_ft
    logits = out @ W_cls + b_cls
    return jax.nn.softmax(logits, axis=1)

if __name__ == "__main__":
    import jax
    _d = setup_inputs()
    print(jax.jit(kernel)(*tuple(_d.values())))

</pallas_src>

<mosaic_0001>
#map = affine_map<(d0, d1) -> (0)>
#map1 = affine_map<(d0, d1) -> (0, 0)>
#map2 = affine_map<(d0, d1) -> (0, 0, 0)>
module attributes {stable_mosaic.version = 14 : i64} {
  func.func @_edge_body(%arg0: i32, %arg1: i32, %arg2: memref<320000xi32, #tpu.memory_space<hbm>>, %arg3: memref<320000xi32, #tpu.memory_space<hbm>>, %arg4: memref<10000x8xf32, #tpu.memory_space<hbm>>, %arg5: memref<10000x144xf32, #tpu.memory_space<hbm>>, %arg6: memref<2x10240x144xf32, #tpu.memory_space<hbm>>, %arg7: memref<80xi32, #tpu.memory_space<vmem>>, %arg8: memref<80xi32, #tpu.memory_space<vmem>>, %arg9: memref<80x8xf32, #tpu.memory_space<vmem>>, %arg10: memref<80x8xf32, #tpu.memory_space<vmem>>, %arg11: memref<80x144xf32, #tpu.memory_space<vmem>>, %arg12: memref<80xi32, #tpu.memory_space<vmem>>, %arg13: memref<80xi32, #tpu.memory_space<vmem>>, %arg14: memref<80x8xf32, #tpu.memory_space<vmem>>, %arg15: memref<80x8xf32, #tpu.memory_space<vmem>>, %arg16: memref<80x144xf32, #tpu.memory_space<vmem>>, %arg17: memref<320xf32, #tpu.memory_space<vmem>>, %arg18: memref<10240x144xf32, #tpu.memory_space<vmem_shared>>, %arg19: memref<!tpu.dma_semaphore, #tpu.memory_space<semaphore_mem>>, %arg20: memref<!tpu.dma_semaphore, #tpu.memory_space<semaphore_mem>>, %arg21: memref<!tpu.dma_semaphore, #tpu.memory_space<semaphore_mem>>, %arg22: memref<!tpu.dma_semaphore, #tpu.memory_space<semaphore_mem>>, %arg23: memref<!tpu.dma_semaphore, #tpu.memory_space<semaphore_mem>>, %arg24: memref<!tpu.dma_semaphore, #tpu.memory_space<semaphore_mem>>, %arg25: memref<!tpu.dma_semaphore, #tpu.memory_space<semaphore_mem>>, %arg26: memref<!tpu.dma_semaphore, #tpu.memory_space<semaphore_mem>>, %arg27: memref<!tpu.dma_semaphore, #tpu.memory_space<semaphore_mem>>, %arg28: memref<!tpu.dma_semaphore, #tpu.memory_space<semaphore_mem>>) attributes {dimension_semantics = [#tpu.dimension_semantics<core_parallel>, #tpu.dimension_semantics<subcore_parallel>], iteration_bounds = array<i64: 2, 16>, scalar_prefetch = 0 : i64, scratch_operands = 22 : i64, tpu.core_type = #tpu.core_type<sc_vector_subcore>, window_params = [{transform_indices = #map}, {transform_indices = #map}, {transform_indices = #map1}, {transform_indices = #map1}, {transform_indices = #map2}]} {
    %iota3A = tpu.iota {dimensions = array<i32: 0>} : vector<16xi32>
    %broadcast_in_dim3A = arith.constant 0.000000e+00 : f32
    %broadcast_in_dim3A_0 = vector.broadcast %broadcast_in_dim3A : f32 to vector<16xf32>
    %scan3A = arith.constant 0 : i32
    %scan3A_1 = arith.constant 0 : i32
    %scan3A_2 = arith.constant 80 : i32
    %scan3A_3 = arith.addi %scan3A_1, %scan3A_2 : i32
    %scan3A_4 = arith.constant 1 : i32
    scf.for %scan3A_595 = %scan3A_1 to %scan3A_3 step %scan3A_4  : i32 {
      %swap3A_596 = arith.index_cast %scan3A_595 : i32 to index
      %swap3A_597 = arith.constant 0 : index
      %swap3A_598 = tpu.vector_load %arg11[%swap3A_596, %swap3A_597] {strides = array<i32>} : memref<80x144xf32, #tpu.memory_space<vmem>>, vector<16xf32>,
      tpu.vector_store %arg11[%swap3A_596, %swap3A_597], %broadcast_in_dim3A_0 {strides = array<i32>} : memref<80x144xf32, #tpu.memory_space<vmem>>, vector<16xf32>,
      %swap3A_599 = arith.index_cast %scan3A_595 : i32 to index
      %swap3A_600 = arith.constant 16 : index
      %swap3A_601 = tpu.vector_load %arg11[%swap3A_599, %swap3A_600] {strides = array<i32>} : memref<80x144xf32, #tpu.memory_space<vmem>>, vector<16xf32>,
      tpu.vector_store %arg11[%swap3A_599, %swap3A_600], %broadcast_in_dim3A_0 {strides = array<i32>} : memref<80x144xf32, #tpu.memory_space<vmem>>, vector<16xf32>,
      %swap3A_602 = arith.index_cast %scan3A_595 : i32 to index
      %swap3A_603 = arith.constant 32 : index
      %swap3A_604 = tpu.vector_load %arg11[%swap3A_602, %swap3A_603] {strides = array<i32>} : memref<80x144xf32, #tpu.memory_space<vmem>>, vector<16xf32>,
      tpu.vector_store %arg11[%swap3A_602, %swap3A_603], %broadcast_in_dim3A_0 {strides = array<i32>} : memref<80x144xf32, #tpu.memory_space<vmem>>, vector<16xf32>,
      %swap3A_605 = arith.index_cast %scan3A_595 : i32 to index
      %swap3A_606 = arith.constant 48 : index
      %swap3A_607 = tpu.vector_load %arg11[%swap3A_605, %swap3A_606] {strides = array<i32>} : memref<80x144xf32, #tpu.memory_space<vmem>>, vector<16xf32>,
      tpu.vector_store %arg11[%swap3A_605, %swap3A_606], %broadcast_in_dim3A_0 {strides = array<i32>} : memref<80x144xf32, #tpu.memory_space<vmem>>, vector<16xf32>,
      %swap3A_608 = arith.index_cast %scan3A_595 : i32 to index
      %swap3A_609 = arith.constant 64 : index
      %swap3A_610 = tpu.vector_load %arg11[%swap3A_608, %swap3A_609] {strides = array<i32>} : memref<80x144xf32, #tpu.memory_space<vmem>>, vector<16xf32>,
      tpu.vector_store %arg11[%swap3A_608, %swap3A_609], %broadcast_in_dim3A_0 {strides = array<i32>} : memref<80x144xf32, #tpu.memory_space<vmem>>, vector<16xf32>,
      %swap3A_611 = arith.index_cast %scan3A_595 : i32 to index
      %swap3A_612 = arith.constant 80 : index
      %swap3A_613 = tpu.vector_load %arg11[%swap3A_611, %swap3A_612] {strides = array<i32>} : memref<80x144xf32, #tpu.memory_space<vmem>>, vector<16xf32>,
      tpu.vector_store %arg11[%swap3A_611, %swap3A_612], %broadcast_in_dim3A_0 {strides = array<i32>} : memref<80x144xf32, #tpu.memory_space<vmem>>, vector<16xf32>,
      %swap3A_614 = arith.index_cast %scan3A_595 : i32 to index
      %swap3A_615 = arith.constant 96 : index
      %swap3A_616 = tpu.vector_load %arg11[%swap3A_614, %swap3A_615] {strides = array<i32>} : memref<80x144xf32, #tpu.memory_space<vmem>>, vector<16xf32>,
      tpu.vector_store %arg11[%swap3A_614, %swap3A_615], %broadcast_in_dim3A_0 {strides = array<i32>} : memref<80x144xf32, #tpu.memory_space<vmem>>, vector<16xf32>,
      %swap3A_617 = arith.index_cast %scan3A_595 : i32 to index
      %swap3A_618 = arith.constant 112 : index
      %swap3A_619 = tpu.vector_load %arg11[%swap3A_617, %swap3A_618] {strides = array<i32>} : memref<80x144xf32, #tpu.memory_space<vmem>>, vector<16xf32>,
      tpu.vector_store %arg11[%swap3A_617, %swap3A_618], %broadcast_in_dim3A_0 {strides = array<i32>} : memref<80x144xf32, #tpu.memory_space<vmem>>, vector<16xf32>,
      %swap3A_620 = arith.index_cast %scan3A_595 : i32 to index
      %swap3A_621 = arith.constant 128 : index
      %swap3A_622 = tpu.vector_load %arg11[%swap3A_620, %swap3A_621] {strides = array<i32>} : memref<80x144xf32, #tpu.memory_space<vmem>>, vector<16xf32>,
      tpu.vector_store %arg11[%swap3A_620, %swap3A_621], %broadcast_in_dim3A_0 {strides = array<i32>} : memref<80x144xf32, #tpu.memory_space<vmem>>, vector<16xf32>,
    }
    %scan3A_5 = arith.constant 80 : i32
    %mul3A = arith.constant 640 : i32
    %mul3A_6 = arith.muli %arg1, %mul3A : i32
    %add3A = arith.constant 0 : i32
    %add3A_7 = arith.addi %mul3A_6, %add3A : i32
    "tpu.region"() ({
      %run_scoped3A = tpu.sem_alloc : memref<!tpu.dma_semaphore, #tpu.memory_space<semaphore_mem>>
      %dma_start3A_595 = arith.constant 0 : i32
      %dma_start3A_596 = tpu.memref_slice %arg18[%add3A_7, %dma_start3A_595] : memref<10240x144xf32, #tpu.memory_space<vmem_shared>> -> memref<80x144xf32, #tpu.memory_space<vmem_shared>>
      %dma_start3A_597 = arith.constant 0 : i32
      %dma_start3A_598 = tpu.memref_slice %arg18[%add3A_7, %dma_start3A_597] : memref<10240x144xf32, #tpu.memory_space<vmem_shared>> -> memref<80x144xf32, #tpu.memory_space<vmem_shared>>
      tpu.enqueue_dma source(%arg11 : memref<80x144xf32, #tpu.memory_space<vmem>>) target(%dma_start3A_598 : memref<80x144xf32, #tpu.memory_space<vmem_shared>>) target_semaphore(%run_scoped3A : memref<!tpu.dma_semaphore, #tpu.memory_space<semaphore_mem>>)
      %dma_wait3A_599 = arith.constant 0 : i32
      %dma_wait3A_600 = tpu.memref_slice %arg18[%add3A_7, %dma_wait3A_599] : memref<10240x144xf32, #tpu.memory_space<vmem_shared>> -> memref<80x144xf32, #tpu.memory_space<vmem_shared>>
      %dma_wait3A_601 = arith.constant 0 : i32
      %dma_wait3A_602 = tpu.memref_slice %arg18[%add3A_7, %dma_wait3A_601] : memref<10240x144xf32, #tpu.memory_space<vmem_shared>> -> memref<80x144xf32, #tpu.memory_space<vmem_shared>>
      tpu.wait_dma2 semaphore(%run_scoped3A : memref<!tpu.dma_semaphore, #tpu.memory_space<semaphore_mem>>) src(%arg11 : memref<80x144xf32, #tpu.memory_space<vmem>>) dst(%dma_wait3A_602 : memref<80x144xf32, #tpu.memory_space<vmem_shared>>)
      tpu.yield
    }) : () -> ()
    %mul3A_8 = arith.constant 640 : i32
    %mul3A_9 = arith.muli %arg1, %mul3A_8 : i32
    %add3A_10 = arith.constant 80 : i32
    %add3A_11 = arith.addi %mul3A_9, %add3A_10 : i32
    "tpu.region"() ({
      %run_scoped3A = tpu.sem_alloc : memref<!tpu.dma_semaphore, #tpu.memory_space<semaphore_mem>>
      %dma_start3A_595 = arith.constant 0 : i32
      %dma_start3A_596 = tpu.memref_slice %arg18[%add3A_11, %dma_start3A_595] : memref<10240x144xf32, #tpu.memory_space<vmem_shared>> -> memref<80x144xf32, #tpu.memory_space<vmem_shared>>
      %dma_start3A_597 = arith.constant 0 : i32
      %dma_start3A_598 = tpu.memref_slice %arg18[%add3A_11, %dma_start3A_597] : memref<10240x144xf32, #tpu.memory_space<vmem_shared>> -> memref<80x144xf32, #tpu.memory_space<vmem_shared>>
      tpu.enqueue_dma source(%arg11 : memref<80x144xf32, #tpu.memory_space<vmem>>) target(%dma_start3A_598 : memref<80x144xf32, #tpu.memory_space<vmem_shared>>) target_semaphore(%run_scoped3A : memref<!tpu.dma_semaphore, #tpu.memory_space<semaphore_mem>>)
      %dma_wait3A_599 = arith.constant 0 : i32
      %dma_wait3A_600 = tpu.memref_slice %arg18[%add3A_11, %dma_wait3A_599] : memref<10240x144xf32, #tpu.memory_space<vmem_shared>> -> memref<80x144xf32, #tpu.memory_space<vmem_shared>>
      %dma_wait3A_601 = arith.constant 0 : i32
      %dma_wait3A_602 = tpu.memref_slice %arg18[%add3A_11, %dma_wait3A_601] : memref<10240x144xf32, #tpu.memory_space<vmem_shared>> -> memref<80x144xf32, #tpu.memory_space<vmem_shared>>
      tpu.wait_dma2 semaphore(%run_scoped3A : memref<!tpu.dma_semaphore, #tpu.memory_space<semaphore_mem>>) src(%arg11 : memref<80x144xf32, #tpu.memory_space<vmem>>) dst(%dma_wait3A_602 : memref<80x144xf32, #tpu.memory_space<vmem_shared>>)
      tpu.yield
    }) : () -> ()
    %mul3A_12 = arith.constant 640 : i32
    %mul3A_13 = arith.muli %arg1, %mul3A_12 : i32
    %add3A_14 = arith.constant 160 : i32
    %add3A_15 = arith.addi %mul3A_13, %add3A_14 : i32
    "tpu.region"() ({
      %run_scoped3A = tpu.sem_alloc : memref<!tpu.dma_semaphore, #tpu.memory_space<semaphore_mem>>
      %dma_start3A_595 = arith.constant 0 : i32
      %dma_start3A_596 = tpu.memref_slice %arg18[%add3A_15, %dma_start3A_595] : memref<10240x144xf32, #tpu.memory_space<vmem_shared>> -> memref<80x144xf32, #tpu.memory_space<vmem_shared>>
      %dma_start3A_597 = arith.constant 0 : i32
      %dma_start3A_598 = tpu.memref_slice %arg18[%add3A_15, %dma_start3A_597] : memref<10240x144xf32, #tpu.memory_space<vmem_shared>> -> memref<80x144xf32, #tpu.memory_space<vmem_shared>>
      tpu.enqueue_dma source(%arg11 : memref<80x144xf32, #tpu.memory_space<vmem>>) target(%dma_start3A_598 : memref<80x144xf32, #tpu.memory_space<vmem_shared>>) target_semaphore(%run_scoped3A : memref<!tpu.dma_semaphore, #tpu.memory_space<semaphore_mem>>)
      %dma_wait3A_599 = arith.constant 0 : i32
      %dma_wait3A_600 = tpu.memref_slice %arg18[%add3A_15, %dma_wait3A_599] : memref<10240x144xf32, #tpu.memory_space<vmem_shared>> -> memref<80x144xf32, #tpu.memory_space<vmem_shared>>
      %dma_wait3A_601 = arith.constant 0 : i32
      %dma_wait3A_602 = tpu.memref_slice %arg18[%add3A_15, %dma_wait3A_601] : memref<10240x144xf32, #tpu.memory_space<vmem_shared>> -> memref<80x144xf32, #tpu.memory_space<vmem_shared>>
      tpu.wait_dma2 semaphore(%run_scoped3A : memref<!tpu.dma_semaphore, #tpu.memory_space<semaphore_mem>>) src(%arg11 : memref<80x144xf32, #tpu.memory_space<vmem>>) dst(%dma_wait3A_602 : memref<80x144xf32, #tpu.memory_space<vmem_shared>>)
      tpu.yield
    }) : () -> ()
    %mul3A_16 = arith.constant 640 : i32
    %mul3A_17 = arith.muli %arg1, %mul3A_16 : i32
    %add3A_18 = arith.constant 240 : i32
    %add3A_19 = arith.addi %mul3A_17, %add3A_18 : i32
    "tpu.region"() ({
      %run_scoped3A = tpu.sem_alloc : memref<!tpu.dma_semaphore, #tpu.memory_space<semaphore_mem>>
      %dma_start3A_595 = arith.constant 0 : i32
      %dma_start3A_596 = tpu.memref_slice %arg18[%add3A_19, %dma_start3A_595] : memref<10240x144xf32, #tpu.memory_space<vmem_shared>> -> memref<80x144xf32, #tpu.memory_space<vmem_shared>>
      %dma_start3A_597 = arith.constant 0 : i32
      %dma_start3A_598 = tpu.memref_slice %arg18[%add3A_19, %dma_start3A_597] : memref<10240x144xf32, #tpu.memory_space<vmem_shared>> -> memref<80x144xf32, #tpu.memory_space<vmem_shared>>
      tpu.enqueue_dma source(%arg11 : memref<80x144xf32, #tpu.memory_space<vmem>>) target(%dma_start3A_598 : memref<80x144xf32, #tpu.memory_space<vmem_shared>>) target_semaphore(%run_scoped3A : memref<!tpu.dma_semaphore, #tpu.memory_space<semaphore_mem>>)
      %dma_wait3A_599 = arith.constant 0 : i32
      %dma_wait3A_600 = tpu.memref_slice %arg18[%add3A_19, %dma_wait3A_599] : memref<10240x144xf32, #tpu.memory_space<vmem_shared>> -> memref<80x144xf32, #tpu.memory_space<vmem_shared>>
      %dma_wait3A_601 = arith.constant 0 : i32
      %dma_wait3A_602 = tpu.memref_slice %arg18[%add3A_19, %dma_wait3A_601] : memref<10240x144xf32, #tpu.memory_space<vmem_shared>> -> memref<80x144xf32, #tpu.memory_space<vmem_shared>>
      tpu.wait_dma2 semaphore(%run_scoped3A : memref<!tpu.dma_semaphore, #tpu.memory_space<semaphore_mem>>) src(%arg11 : memref<80x144xf32, #tpu.memory_space<vmem>>) dst(%dma_wait3A_602 : memref<80x144xf32, #tpu.memory_space<vmem_shared>>)
      tpu.yield
    }) : () -> ()
    %mul3A_20 = arith.constant 640 : i32
    %mul3A_21 = arith.muli %arg1, %mul3A_20 : i32
    %add3A_22 = arith.constant 320 : i32
    %add3A_23 = arith.addi %mul3A_21, %add3A_22 : i32
    "tpu.region"() ({
      %run_scoped3A = tpu.sem_alloc : memref<!tpu.dma_semaphore, #tpu.memory_space<semaphore_mem>>
      %dma_start3A_595 = arith.constant 0 : i32
      %dma_start3A_596 = tpu.memref_slice %arg18[%add3A_23, %dma_start3A_595] : memref<10240x144xf32, #tpu.memory_space<vmem_shared>> -> memref<80x144xf32, #tpu.memory_space<vmem_shared>>
      %dma_start3A_597 = arith.constant 0 : i32
      %dma_start3A_598 = tpu.memref_slice %arg18[%add3A_23, %dma_start3A_597] : memref<10240x144xf32, #tpu.memory_space<vmem_shared>> -> memref<80x144xf32, #tpu.memory_space<vmem_shared>>
      tpu.enqueue_dma source(%arg11 : memref<80x144xf32, #tpu.memory_space<vmem>>) target(%dma_start3A_598 : memref<80x144xf32, #tpu.memory_space<vmem_shared>>) target_semaphore(%run_scoped3A : memref<!tpu.dma_semaphore, #tpu.memory_space<semaphore_mem>>)
      %dma_wait3A_599 = arith.constant 0 : i32
      %dma_wait3A_600 = tpu.memref_slice %arg18[%add3A_23, %dma_wait3A_599] : memref<10240x144xf32, #tpu.memory_space<vmem_shared>> -> memref<80x144xf32, #tpu.memory_space<vmem_shared>>
      %dma_wait3A_601 = arith.constant 0 : i32
      %dma_wait3A_602 = tpu.memref_slice %arg18[%add3A_23, %dma_wait3A_601] : memref<10240x144xf32, #tpu.memory_space<vmem_shared>> -> memref<80x144xf32, #tpu.memory_space<vmem_shared>>
      tpu.wait_dma2 semaphore(%run_scoped3A : memref<!tpu.dma_semaphore, #tpu.memory_space<semaphore_mem>>) src(%arg11 : memref<80x144xf32, #tpu.memory_space<vmem>>) dst(%dma_wait3A_602 : memref<80x144xf32, #tpu.memory_space<vmem_shared>>)
      tpu.yield
    }) : () -> ()
    %mul3A_24 = arith.constant 640 : i32
    %mul3A_25 = arith.muli %arg1, %mul3A_24 : i32
    %add3A_26 = arith.constant 400 : i32
    %add3A_27 = arith.addi %mul3A_25, %add3A_26 : i32
    "tpu.region"() ({
      %run_scoped3A = tpu.sem_alloc : memref<!tpu.dma_semaphore, #tpu.memory_space<semaphore_mem>>
      %dma_start3A_595 = arith.constant 0 : i32
      %dma_start3A_596 = tpu.memref_slice %arg18[%add3A_27, %dma_start3A_595] : memref<10240x144xf32, #tpu.memory_space<vmem_shared>> -> memref<80x144xf32, #tpu.memory_space<vmem_shared>>
      %dma_start3A_597 = arith.constant 0 : i32
      %dma_start3A_598 = tpu.memref_slice %arg18[%add3A_27, %dma_start3A_597] : memref<10240x144xf32, #tpu.memory_space<vmem_shared>> -> memref<80x144xf32, #tpu.memory_space<vmem_shared>>
      tpu.enqueue_dma source(%arg11 : memref<80x144xf32, #tpu.memory_space<vmem>>) target(%dma_start3A_598 : memref<80x144xf32, #tpu.memory_space<vmem_shared>>) target_semaphore(%run_scoped3A : memref<!tpu.dma_semaphore, #tpu.memory_space<semaphore_mem>>)
      %dma_wait3A_599 = arith.constant 0 : i32
      %dma_wait3A_600 = tpu.memref_slice %arg18[%add3A_27, %dma_wait3A_599] : memref<10240x144xf32, #tpu.memory_space<vmem_shared>> -> memref<80x144xf32, #tpu.memory_space<vmem_shared>>
      %dma_wait3A_601 = arith.constant 0 : i32
      %dma_wait3A_602 = tpu.memref_slice %arg18[%add3A_27, %dma_wait3A_601] : memref<10240x144xf32, #tpu.memory_space<vmem_shared>> -> memref<80x144xf32, #tpu.memory_space<vmem_shared>>
      tpu.wait_dma2 semaphore(%run_scoped3A : memref<!tpu.dma_semaphore, #tpu.memory_space<semaphore_mem>>) src(%arg11 : memref<80x144xf32, #tpu.memory_space<vmem>>) dst(%dma_wait3A_602 : memref<80x144xf32, #tpu.memory_space<vmem_shared>>)
      tpu.yield
    }) : () -> ()
    %mul3A_28 = arith.constant 640 : i32
    %mul3A_29 = arith.muli %arg1, %mul3A_28 : i32
    %add3A_30 = arith.constant 480 : i32
    %add3A_31 = arith.addi %mul3A_29, %add3A_30 : i32
    "tpu.region"() ({
      %run_scoped3A = tpu.sem_alloc : memref<!tpu.dma_semaphore, #tpu.memory_space<semaphore_mem>>
      %dma_start3A_595 = arith.constant 0 : i32
      %dma_start3A_596 = tpu.memref_slice %arg18[%add3A_31, %dma_start3A_595] : memref<10240x144xf32, #tpu.memory_space<vmem_shared>> -> memref<80x144xf32, #tpu.memory_space<vmem_shared>>
      %dma_start3A_597 = arith.constant 0 : i32
      %dma_start3A_598 = tpu.memref_slice %arg18[%add3A_31, %dma_start3A_597] : memref<10240x144xf32, #tpu.memory_space<vmem_shared>> -> memref<80x144xf32, #tpu.memory_space<vmem_shared>>
      tpu.enqueue_dma source(%arg11 : memref<80x144xf32, #tpu.memory_space<vmem>>) target(%dma_start3A_598 : memref<80x144xf32, #tpu.memory_space<vmem_shared>>) target_semaphore(%run_scoped3A : memref<!tpu.dma_semaphore, #tpu.memory_space<semaphore_mem>>)
      %dma_wait3A_599 = arith.constant 0 : i32
      %dma_wait3A_600 = tpu.memref_slice %arg18[%add3A_31, %dma_wait3A_599] : memref<10240x144xf32, #tpu.memory_space<vmem_shared>> -> memref<80x144xf32, #tpu.memory_space<vmem_shared>>
      %dma_wait3A_601 = arith.constant 0 : i32
      %dma_wait3A_602 = tpu.memref_slice %arg18[%add3A_31, %dma_wait3A_601] : memref<10240x144xf32, #tpu.memory_space<vmem_shared>> -> memref<80x144xf32, #tpu.memory_space<vmem_shared>>
      tpu.wait_dma2 semaphore(%run_scoped3A : memref<!tpu.dma_semaphore, #tpu.memory_space<semaphore_mem>>) src(%arg11 : memref<80x144xf32, #tpu.memory_space<vmem>>) dst(%dma_wait3A_602 : memref<80x144xf32, #tpu.memory_space<vmem_shared>>)
      tpu.yield
    }) : () -> ()
    %mul3A_32 = arith.constant 640 : i32
    %mul3A_33 = arith.muli %arg1, %mul3A_32 : i32
    %add3A_34 = arith.constant 560 : i32
    %add3A_35 = arith.addi %mul3A_33, %add3A_34 : i32
    "tpu.region"() ({
      %run_scoped3A = tpu.sem_alloc : memref<!tpu.dma_semaphore, #tpu.memory_space<semaphore_mem>>
      %dma_start3A_595 = arith.constant 0 : i32
      %dma_start3A_596 = tpu.memref_slice %arg18[%add3A_35, %dma_start3A_595] : memref<10240x144xf32, #tpu.memory_space<vmem_shared>> -> memref<80x144xf32, #tpu.memory_space<vmem_shared>>
      %dma_start3A_597 = arith.constant 0 : i32
      %dma_start3A_598 = tpu.memref_slice %arg18[%add3A_35, %dma_start3A_597] : memref<10240x144xf32, #tpu.memory_space<vmem_shared>> -> memref<80x144xf32, #tpu.memory_space<vmem_shared>>
      tpu.enqueue_dma source(%arg11 : memref<80x144xf32, #tpu.memory_space<vmem>>) target(%dma_start3A_598 : memref<80x144xf32, #tpu.memory_space<vmem_shared>>) target_semaphore(%run_scoped3A : memref<!tpu.dma_semaphore, #tpu.memory_space<semaphore_mem>>)
      %dma_wait3A_599 = arith.constant 0 : i32
      %dma_wait3A_600 = tpu.memref_slice %arg18[%add3A_35, %dma_wait3A_599] : memref<10240x144xf32, #tpu.memory_space<vmem_shared>> -> memref<80x144xf32, #tpu.memory_space<vmem_shared>>
      %dma_wait3A_601 = arith.constant 0 : i32
      %dma_wait3A_602 = tpu.memref_slice %arg18[%add3A_35, %dma_wait3A_601] : memref<10240x144xf32, #tpu.memory_space<vmem_shared>> -> memref<80x144xf32, #tpu.memory_space<vmem_shared>>
      tpu.wait_dma2 semaphore(%run_scoped3A : memref<!tpu.dma_semaphore, #tpu.memory_space<semaphore_mem>>) src(%arg11 : memref<80x144xf32, #tpu.memory_space<vmem>>) dst(%dma_wait3A_602 : memref<80x144xf32, #tpu.memory_space<vmem_shared>>)
      tpu.yield
    }) : () -> ()
    %barrier3A = arith.constant 0 : index
    tpu.barrier barrier_id(%barrier3A)
    %mul3A_36 = arith.constant 16 : i32
    %mul3A_37 = arith.muli %arg0, %mul3A_36 : i32
    %add3A_38 = arith.addi %mul3A_37, %arg1 : i32
    %mul3A_39 = arith.constant 10000 : i32
    %mul3A_40 = arith.muli %add3A_38, %mul3A_39 : i32
    %jit3A = arith.constant 4 : i32
    %div3A = vector.broadcast %jit3A : i32 to vector<16xi32>
    %div3A_41 = arith.divsi %iota3A, %div3A : vector<16xi32>
    %sign3A = arith.constant 0 : i32
    %sign3A_42 = vector.broadcast %sign3A : i32 to vector<16xi32>
    %sign3A_43 = arith.cmpi sgt, %iota3A, %sign3A_42 : vector<16xi32>
    %sign3A_44 = arith.extui %sign3A_43 : vector<16xi1> to vector<16xi32>
    %sign3A_45 = arith.constant 0 : i32
    %sign3A_46 = vector.broadcast %sign3A_45 : i32 to vector<16xi32>
    %sign3A_47 = arith.cmpi slt, %iota3A, %sign3A_46 : vector<16xi32>
    %sign3A_48 = arith.extui %sign3A_47 : vector<16xi1> to vector<16xi32>
    %sign3A_49 = arith.subi %sign3A_44, %sign3A_48 : vector<16xi32>
    %sign3A_50 = arith.constant 0 : i32
    %sign3A_51 = arith.cmpi sgt, %jit3A, %sign3A_50 : i32
    %sign3A_52 = arith.extui %sign3A_51 : i1 to i32
    %sign3A_53 = arith.constant 0 : i32
    %sign3A_54 = arith.cmpi slt, %jit3A, %sign3A_53 : i32
    %sign3A_55 = arith.extui %sign3A_54 : i1 to i32
    %sign3A_56 = arith.subi %sign3A_52, %sign3A_55 : i32
    %ne3A = vector.broadcast %sign3A_56 : i32 to vector<16xi32>
    %ne3A_57 = arith.cmpi ne, %sign3A_49, %ne3A : vector<16xi32>
    %rem3A = vector.broadcast %jit3A : i32 to vector<16xi32>
    %rem3A_58 = arith.remsi %iota3A, %rem3A : vector<16xi32>
    %ne3A_59 = arith.constant 0 : i32
    %ne3A_60 = vector.broadcast %ne3A_59 : i32 to vector<16xi32>
    %ne3A_61 = arith.cmpi ne, %rem3A_58, %ne3A_60 : vector<16xi32>
    %and3A = arith.andi %ne3A_57, %ne3A_61 : vector<16xi1>
    %sub3A = arith.constant 1 : i32
    %sub3A_62 = vector.broadcast %sub3A : i32 to vector<16xi32>
    %sub3A_63 = arith.subi %div3A_41, %sub3A_62 : vector<16xi32>
    %select_n3A = arith.select %and3A, %sub3A_63, %div3A_41 : vector<16xi1>, vector<16xi32>
    %jit3A_64 = arith.constant 4 : i32
    %eq3A = arith.constant 0 : i32
    %eq3A_65 = arith.cmpi eq, %jit3A_64, %eq3A : i32
    %jit3A_66 = arith.constant 1 : i32
    %select_n3A_67 = arith.select %eq3A_65, %jit3A_66, %jit3A_64 : i32
    %rem3A_68 = vector.broadcast %select_n3A_67 : i32 to vector<16xi32>
    %rem3A_69 = arith.remsi %iota3A, %rem3A_68 : vector<16xi32>
    %ne3A_70 = arith.constant 0 : i32
    %ne3A_71 = vector.broadcast %ne3A_70 : i32 to vector<16xi32>
    %ne3A_72 = arith.cmpi ne, %rem3A_69, %ne3A_71 : vector<16xi32>
    %lt3A = arith.constant 0 : i32
    %lt3A_73 = vector.broadcast %lt3A : i32 to vector<16xi32>
    %lt3A_74 = arith.cmpi slt, %rem3A_69, %lt3A_73 : vector<16xi32>
    %lt3A_75 = arith.constant 0 : i32
    %lt3A_76 = arith.cmpi slt, %select_n3A_67, %lt3A_75 : i32
    %ne3A_77 = vector.broadcast %lt3A_76 : i1 to vector<16xi1>
    %ne3A_78 = vector.broadcast %ne3A_77 : vector<16xi1> to vector<16xi1>
    %ne3A_79 = arith.xori %lt3A_74, %ne3A_78 : vector<16xi1>
    %and3A_80 = arith.andi %ne3A_79, %ne3A_72 : vector<16xi1>
    %add3A_81 = vector.broadcast %select_n3A_67 : i32 to vector<16xi32>
    %add3A_82 = arith.addi %rem3A_69, %add3A_81 : vector<16xi32>
    %select_n3A_83 = arith.select %and3A_80, %add3A_82, %rem3A_69 : vector<16xi1>, vector<16xi32>
    %min3A = arith.constant 0 : i32
    %min3A_84 = arith.constant 124 : i32
    %min3A_85 = arith.minsi %min3A, %min3A_84 : i32
    %mul3A_86 = arith.constant 80 : i32
    %mul3A_87 = arith.muli %min3A_85, %mul3A_86 : i32
    %add3A_88 = arith.addi %mul3A_40, %mul3A_87 : i32
    %multiple_of3A = tpu.assume_multiple %add3A_88, 8 : i32
    %dma_start3A = tpu.memref_slice %arg2[%multiple_of3A] : memref<320000xi32, #tpu.memory_space<hbm>> -> memref<80xi32, #tpu.memory_space<hbm>>
    %dma_start3A_89 = tpu.memref_slice %arg2[%multiple_of3A] : memref<320000xi32, #tpu.memory_space<hbm>> -> memref<80xi32, #tpu.memory_space<hbm>>
    tpu.enqueue_dma source(%dma_start3A_89 : memref<80xi32, #tpu.memory_space<hbm>>) target(%arg7 : memref<80xi32, #tpu.memory_space<vmem>>) target_semaphore(%arg19 : memref<!tpu.dma_semaphore, #tpu.memory_space<semaphore_mem>>)
    %dma_start3A_90 = tpu.memref_slice %arg3[%multiple_of3A] : memref<320000xi32, #tpu.memory_space<hbm>> -> memref<80xi32, #tpu.memory_space<hbm>>
    %dma_start3A_91 = tpu.memref_slice %arg3[%multiple_of3A] : memref<320000xi32, #tpu.memory_space<hbm>> -> memref<80xi32, #tpu.memory_space<hbm>>
    tpu.enqueue_dma source(%dma_start3A_91 : memref<80xi32, #tpu.memory_space<hbm>>) target(%arg8 : memref<80xi32, #tpu.memory_space<vmem>>) target_semaphore(%arg20 : memref<!tpu.dma_semaphore, #tpu.memory_space<semaphore_mem>>)
    %min3A_92 = arith.constant 0 : i32
    %min3A_93 = arith.constant 124 : i32
    %min3A_94 = arith.minsi %min3A_92, %min3A_93 : i32
    %mul3A_95 = arith.constant 80 : i32
    %mul3A_96 = arith.muli %min3A_94, %mul3A_95 : i32
    %add3A_97 = arith.addi %mul3A_40, %mul3A_96 : i32
    %multiple_of3A_98 = tpu.assume_multiple %add3A_97, 8 : i32
    %dma_wait3A = tpu.memref_slice %arg2[%multiple_of3A_98] : memref<320000xi32, #tpu.memory_space<hbm>> -> memref<80xi32, #tpu.memory_space<hbm>>
    %dma_wait3A_99 = tpu.memref_slice %arg2[%multiple_of3A_98] : memref<320000xi32, #tpu.memory_space<hbm>> -> memref<80xi32, #tpu.memory_space<hbm>>
    tpu.wait_dma2 semaphore(%arg19 : memref<!tpu.dma_semaphore, #tpu.memory_space<semaphore_mem>>) src(%dma_wait3A_99 : memref<80xi32, #tpu.memory_space<hbm>>) dst(%arg7 : memref<80xi32, #tpu.memory_space<vmem>>)
    %dma_wait3A_100 = tpu.memref_slice %arg3[%multiple_of3A_98] : memref<320000xi32, #tpu.memory_space<hbm>> -> memref<80xi32, #tpu.memory_space<hbm>>
    %dma_wait3A_101 = tpu.memref_slice %arg3[%multiple_of3A_98] : memref<320000xi32, #tpu.memory_space<hbm>> -> memref<80xi32, #tpu.memory_space<hbm>>
    tpu.wait_dma2 semaphore(%arg20 : memref<!tpu.dma_semaphore, #tpu.memory_space<semaphore_mem>>) src(%dma_wait3A_101 : memref<80xi32, #tpu.memory_space<hbm>>) dst(%arg8 : memref<80xi32, #tpu.memory_space<vmem>>)
    %dma_start3A_102 = arith.constant 0 : i32
    %dma_start3A_103 = arith.constant 0 : i32
    %dma_start3A_104 = tpu.memref_slice %arg4[%dma_start3A_102, %dma_start3A_103] : memref<10000x8xf32, #tpu.memory_space<hbm>> -> memref<10000x8xf32, #tpu.memory_space<hbm>>
    tpu.enqueue_indirect_dma source(%dma_start3A_104 : memref<10000x8xf32, #tpu.memory_space<hbm>>) target(%arg9 : memref<80x8xf32, #tpu.memory_space<vmem>>) offsets(%arg7 : memref<80xi32, #tpu.memory_space<vmem>>) semaphore(%arg21 : memref<!tpu.dma_semaphore, #tpu.memory_space<semaphore_mem>>)
    %dma_start3A_105 = arith.constant 0 : i32
    %dma_start3A_106 = arith.constant 0 : i32
    %dma_start3A_107 = tpu.memref_slice %arg4[%dma_start3A_105, %dma_start3A_106] : memref<10000x8xf32, #tpu.memory_space<hbm>> -> memref<10000x8xf32, #tpu.memory_space<hbm>>
    tpu.enqueue_indirect_dma source(%dma_start3A_107 : memref<10000x8xf32, #tpu.memory_space<hbm>>) target(%arg10 : memref<80x8xf32, #tpu.memory_space<vmem>>) offsets(%arg8 : memref<80xi32, #tpu.memory_space<vmem>>) semaphore(%arg22 : memref<!tpu.dma_semaphore, #tpu.memory_space<semaphore_mem>>)
    %dma_start3A_108 = arith.constant 0 : i32
    %dma_start3A_109 = arith.constant 0 : i32
    %dma_start3A_110 = tpu.memref_slice %arg5[%dma_start3A_108, %dma_start3A_109] : memref<10000x144xf32, #tpu.memory_space<hbm>> -> memref<10000x144xf32, #tpu.memory_space<hbm>>
    tpu.enqueue_indirect_dma source(%dma_start3A_110 : memref<10000x144xf32, #tpu.memory_space<hbm>>) target(%arg11 : memref<80x144xf32, #tpu.memory_space<vmem>>) offsets(%arg7 : memref<80xi32, #tpu.memory_space<vmem>>) semaphore(%arg23 : memref<!tpu.dma_semaphore, #tpu.memory_space<semaphore_mem>>)
    %min3A_111 = arith.constant 1 : i32
    %min3A_112 = arith.constant 124 : i32
    %min3A_113 = arith.minsi %min3A_111, %min3A_112 : i32
    %mul3A_114 = arith.constant 80 : i32
    %mul3A_115 = arith.muli %min3A_113, %mul3A_114 : i32
    %add3A_116 = arith.addi %mul3A_40, %mul3A_115 : i32
    %multiple_of3A_117 = tpu.assume_multiple %add3A_116, 8 : i32
    %dma_start3A_118 = tpu.memref_slice %arg2[%multiple_of3A_117] : memref<320000xi32, #tpu.memory_space<hbm>> -> memref<80xi32, #tpu.memory_space<hbm>>
    %dma_start3A_119 = tpu.memref_slice %arg2[%multiple_of3A_117] : memref<320000xi32, #tpu.memory_space<hbm>> -> memref<80xi32, #tpu.memory_space<hbm>>
    tpu.enqueue_dma source(%dma_start3A_119 : memref<80xi32, #tpu.memory_space<hbm>>) target(%arg12 : memref<80xi32, #tpu.memory_space<vmem>>) target_semaphore(%arg24 : memref<!tpu.dma_semaphore, #tpu.memory_space<semaphore_mem>>)
    %dma_start3A_120 = tpu.memref_slice %arg3[%multiple_of3A_117] : memref<320000xi32, #tpu.memory_space<hbm>> -> memref<80xi32, #tpu.memory_space<hbm>>
    %dma_start3A_121 = tpu.memref_slice %arg3[%multiple_of3A_117] : memref<320000xi32, #tpu.memory_space<hbm>> -> memref<80xi32, #tpu.memory_space<hbm>>
    tpu.enqueue_dma source(%dma_start3A_121 : memref<80xi32, #tpu.memory_space<hbm>>) target(%arg13 : memref<80xi32, #tpu.memory_space<vmem>>) target_semaphore(%arg25 : memref<!tpu.dma_semaphore, #tpu.memory_space<semaphore_mem>>)
    %scan3A_122 = arith.constant 0 : i32
    %scan3A_123 = arith.constant 0 : i32
    %scan3A_124 = arith.constant 62 : i32
    %scan3A_125 = arith.addi %scan3A_123, %scan3A_124 : i32
    %scan3A_126 = arith.constant 1 : i32
    scf.for %scan3A_595 = %scan3A_123 to %scan3A_125 step %scan3A_126  : i32 {
      %mul3A_596 = arith.constant 2 : i32
      %mul3A_597 = arith.muli %mul3A_596, %scan3A_595 : i32
      %add3A_598 = arith.constant 1 : i32
      %add3A_599 = arith.addi %mul3A_597, %add3A_598 : i32
      %min3A_600 = arith.constant 124 : i32
      %min3A_601 = arith.minsi %add3A_599, %min3A_600 : i32
      %mul3A_602 = arith.constant 80 : i32
      %mul3A_603 = arith.muli %min3A_601, %mul3A_602 : i32
      %add3A_604 = arith.addi %mul3A_40, %mul3A_603 : i32
      %multiple_of3A_605 = tpu.assume_multiple %add3A_604, 8 : i32
      %dma_wait3A_606 = tpu.memref_slice %arg2[%multiple_of3A_605] : memref<320000xi32, #tpu.memory_space<hbm>> -> memref<80xi32, #tpu.memory_space<hbm>>
      %dma_wait3A_607 = tpu.memref_slice %arg2[%multiple_of3A_605] : memref<320000xi32, #tpu.memory_space<hbm>> -> memref<80xi32, #tpu.memory_space<hbm>>
      tpu.wait_dma2 semaphore(%arg24 : memref<!tpu.dma_semaphore, #tpu.memory_space<semaphore_mem>>) src(%dma_wait3A_607 : memref<80xi32, #tpu.memory_space<hbm>>) dst(%arg12 : memref<80xi32, #tpu.memory_space<vmem>>)
      %dma_wait3A_608 = tpu.memref_slice %arg3[%multiple_of3A_605] : memref<320000xi32, #tpu.memory_space<hbm>> -> memref<80xi32, #tpu.memory_space<hbm>>
      %dma_wait3A_609 = tpu.memref_slice %arg3[%multiple_of3A_605] : memref<320000xi32, #tpu.memory_space<hbm>> -> memref<80xi32, #tpu.memory_space<hbm>>
      tpu.wait_dma2 semaphore(%arg25 : memref<!tpu.dma_semaphore, #tpu.memory_space<semaphore_mem>>) src(%dma_wait3A_609 : memref<80xi32, #tpu.memory_space<hbm>>) dst(%arg13 : memref<80xi32, #tpu.memory_space<vmem>>)
      %dma_start3A_610 = arith.constant 0 : i32
      %dma_start3A_611 = arith.constant 0 : i32
      %dma_start3A_612 = tpu.memref_slice %arg4[%dma_start3A_610, %dma_start3A_611] : memref<10000x8xf32, #tpu.memory_space<hbm>> -> memref<10000x8xf32, #tpu.memory_space<hbm>>
      tpu.enqueue_indirect_dma source(%dma_start3A_612 : memref<10000x8xf32, #tpu.memory_space<hbm>>) target(%arg14 : memref<80x8xf32, #tpu.memory_space<vmem>>) offsets(%arg12 : memref<80xi32, #tpu.memory_space<vmem>>) semaphore(%arg26 : memref<!tpu.dma_semaphore, #tpu.memory_space<semaphore_mem>>)
      %dma_start3A_613 = arith.constant 0 : i32
      %dma_start3A_614 = arith.constant 0 : i32
      %dma_start3A_615 = tpu.memref_slice %arg4[%dma_start3A_613, %dma_start3A_614] : memref<10000x8xf32, #tpu.memory_space<hbm>> -> memref<10000x8xf32, #tpu.memory_space<hbm>>
      tpu.enqueue_indirect_dma source(%dma_start3A_615 : memref<10000x8xf32, #tpu.memory_space<hbm>>) target(%arg15 : memref<80x8xf32, #tpu.memory_space<vmem>>) offsets(%arg13 : memref<80xi32, #tpu.memory_space<vmem>>) semaphore(%arg27 : memref<!tpu.dma_semaphore, #tpu.memory_space<semaphore_mem>>)
      %dma_start3A_616 = arith.constant 0 : i32
      %dma_start3A_617 = arith.constant 0 : i32
      %dma_start3A_618 = tpu.memref_slice %arg5[%dma_start3A_616, %dma_start3A_617] : memref<10000x144xf32, #tpu.memory_space<hbm>> -> memref<10000x144xf32, #tpu.memory_space<hbm>>
      tpu.enqueue_indirect_dma source(%dma_start3A_618 : memref<10000x144xf32, #tpu.memory_space<hbm>>) target(%arg16 : memref<80x144xf32, #tpu.memory_space<vmem>>) offsets(%arg12 : memref<80xi32, #tpu.memory_space<vmem>>) semaphore(%arg28 : memref<!tpu.dma_semaphore, #tpu.memory_space<semaphore_mem>>)
      %dma_wait3A_619 = arith.constant 0 : i32
      %dma_wait3A_620 = arith.constant 0 : i32
      %dma_wait3A_621 = tpu.memref_slice %arg4[%dma_wait3A_619, %dma_wait3A_620] : memref<10000x8xf32, #tpu.memory_space<hbm>> -> memref<10000x8xf32, #tpu.memory_space<hbm>>
      tpu.wait_indirect_dma semaphore(%arg21 : memref<!tpu.dma_semaphore, #tpu.memory_space<semaphore_mem>>) src(%dma_wait3A_621 : memref<10000x8xf32, #tpu.memory_space<hbm>>) dst(%arg9 : memref<80x8xf32, #tpu.memory_space<vmem>>)
      %dma_wait3A_622 = arith.constant 0 : i32
      %dma_wait3A_623 = arith.constant 0 : i32
      %dma_wait3A_624 = tpu.memref_slice %arg4[%dma_wait3A_622, %dma_wait3A_623] : memref<10000x8xf32, #tpu.memory_space<hbm>> -> memref<10000x8xf32, #tpu.memory_space<hbm>>
      tpu.wait_indirect_dma semaphore(%arg22 : memref<!tpu.dma_semaphore, #tpu.memory_space<semaphore_mem>>) src(%dma_wait3A_624 : memref<10000x8xf32, #tpu.memory_space<hbm>>) dst(%arg10 : memref<80x8xf32, #tpu.memory_space<vmem>>)
      %add3A_625 = arith.constant 0 : i32
      %add3A_626 = vector.broadcast %add3A_625 : i32 to vector<16xi32>
      %add3A_627 = arith.addi %add3A_626, %select_n3A : vector<16xi32>
      %gather3A_628 = tpu.vector_load_idx %arg9[%add3A_627, %select_n3A_83] : memref<80x8xf32, #tpu.memory_space<vmem>>[vector<16xi32>, vector<16xi32>], vector<16xf32>,
      %add3A_629 = arith.constant 0 : i32
      %add3A_630 = vector.broadcast %add3A_629 : i32 to vector<16xi32>
      %add3A_631 = arith.addi %add3A_630, %select_n3A : vector<16xi32>
      %add3A_632 = arith.constant 4 : i32
      %add3A_633 = vector.broadcast %add3A_632 : i32 to vector<16xi32>
      %add3A_634 = arith.addi %add3A_633, %select_n3A_83 : vector<16xi32>
      %gather3A_635 = tpu.vector_load_idx %arg10[%add3A_631, %add3A_634] : memref<80x8xf32, #tpu.memory_space<vmem>>[vector<16xi32>, vector<16xi32>], vector<16xf32>,
      %add3A_636 = arith.addf %gather3A_628, %gather3A_635 : vector<16xf32>
      %ge3A_637 = arith.constant 0.000000e+00 : f32
      %ge3A_638 = vector.broadcast %ge3A_637 : f32 to vector<16xf32>
      %ge3A_639 = arith.cmpf oge, %add3A_636, %ge3A_638 : vector<16xf32>
      %mul3A_640 = arith.constant 2.000000e-01 : f32
      %mul3A_641 = vector.broadcast %mul3A_640 : f32 to vector<16xf32>
      %mul3A_642 = arith.mulf %mul3A_641, %add3A_636 : vector<16xf32>
      %select_n3A_643 = arith.select %ge3A_639, %add3A_636, %mul3A_642 : vector<16xi1>, vector<16xf32>
      %exp3A_644 = math.exp %select_n3A_643 : vector<16xf32>
      %swap3A_645 = arith.constant 0 : index
      %swap3A_646 = tpu.vector_load %arg17[%swap3A_645] {strides = array<i32>} : memref<320xf32, #tpu.memory_space<vmem>>, vector<16xf32>,
      tpu.vector_store %arg17[%swap3A_645], %exp3A_644 {strides = array<i32>} : memref<320xf32, #tpu.memory_space<vmem>>, vector<16xf32>,
      %add3A_647 = arith.constant 4 : i32
      %add3A_648 = vector.broadcast %add3A_647 : i32 to vector<16xi32>
      %add3A_649 = arith.addi %add3A_648, %select_n3A : vector<16xi32>
      %gather3A_650 = tpu.vector_load_idx %arg9[%add3A_649, %select_n3A_83] : memref<80x8xf32, #tpu.memory_space<vmem>>[vector<16xi32>, vector<16xi32>], vector<16xf32>,
      %add3A_651 = arith.constant 4 : i32
      %add3A_652 = vector.broadcast %add3A_651 : i32 to vector<16xi32>
      %add3A_653 = arith.addi %add3A_652, %select_n3A : vector<16xi32>
      %add3A_654 = arith.constant 4 : i32
      %add3A_655 = vector.broadcast %add3A_654 : i32 to vector<16xi32>
      %add3A_656 = arith.addi %add3A_655, %select_n3A_83 : vector<16xi32>
      %gather3A_657 = tpu.vector_load_idx %arg10[%add3A_653, %add3A_656] : memref<80x8xf32, #tpu.memory_space<vmem>>[vector<16xi32>, vector<16xi32>], vector<16xf32>,
      %add3A_658 = arith.addf %gather3A_650, %gather3A_657 : vector<16xf32>
      %ge3A_659 = arith.constant 0.000000e+00 : f32
      %ge3A_660 = vector.broadcast %ge3A_659 : f32 to vector<16xf32>
      %ge3A_661 = arith.cmpf oge, %add3A_658, %ge3A_660 : vector<16xf32>
      %mul3A_662 = arith.constant 2.000000e-01 : f32
      %mul3A_663 = vector.broadcast %mul3A_662 : f32 to vector<16xf32>
      %mul3A_664 = arith.mulf %mul3A_663, %add3A_658 : vector<16xf32>
      %select_n3A_665 = arith.select %ge3A_661, %add3A_658, %mul3A_664 : vector<16xi1>, vector<16xf32>
      %exp3A_666 = math.exp %select_n3A_665 : vector<16xf32>
      %swap3A_667 = arith.constant 16 : index
      %swap3A_668 = tpu.vector_load %arg17[%swap3A_667] {strides = array<i32>} : memref<320xf32, #tpu.memory_space<vmem>>, vector<16xf32>,
      tpu.vector_store %arg17[%swap3A_667], %exp3A_666 {strides = array<i32>} : memref<320xf32, #tpu.memory_space<vmem>>, vector<16xf32>,
      %add3A_669 = arith.constant 8 : i32
      %add3A_670 = vector.broadcast %add3A_669 : i32 to vector<16xi32>
      %add3A_671 = arith.addi %add3A_670, %select_n3A : vector<16xi32>
      %gather3A_672 = tpu.vector_load_idx %arg9[%add3A_671, %select_n3A_83] : memref<80x8xf32, #tpu.memory_space<vmem>>[vector<16xi32>, vector<16xi32>], vector<16xf32>,
      %add3A_673 = arith.constant 8 : i32
      %add3A_674 = vector.broadcast %add3A_673 : i32 to vector<16xi32>
      %add3A_675 = arith.addi %add3A_674, %select_n3A : vector<16xi32>
      %add3A_676 = arith.constant 4 : i32
      %add3A_677 = vector.broadcast %add3A_676 : i32 to vector<16xi32>
      %add3A_678 = arith.addi %add3A_677, %select_n3A_83 : vector<16xi32>
      %gather3A_679 = tpu.vector_load_idx %arg10[%add3A_675, %add3A_678] : memref<80x8xf32, #tpu.memory_space<vmem>>[vector<16xi32>, vector<16xi32>], vector<16xf32>,
      %add3A_680 = arith.addf %gather3A_672, %gather3A_679 : vector<16xf32>
      %ge3A_681 = arith.constant 0.000000e+00 : f32
      %ge3A_682 = vector.broadcast %ge3A_681 : f32 to vector<16xf32>
      %ge3A_683 = arith.cmpf oge, %add3A_680, %ge3A_682 : vector<16xf32>
      %mul3A_684 = arith.constant 2.000000e-01 : f32
      %mul3A_685 = vector.broadcast %mul3A_684 : f32 to vector<16xf32>
      %mul3A_686 = arith.mulf %mul3A_685, %add3A_680 : vector<16xf32>
      %select_n3A_687 = arith.select %ge3A_683, %add3A_680, %mul3A_686 : vector<16xi1>, vector<16xf32>
      %exp3A_688 = math.exp %select_n3A_687 : vector<16xf32>
      %swap3A_689 = arith.constant 32 : index
      %swap3A_690 = tpu.vector_load %arg17[%swap3A_689] {strides = array<i32>} : memref<320xf32, #tpu.memory_space<vmem>>, vector<16xf32>,
      tpu.vector_store %arg17[%swap3A_689], %exp3A_688 {strides = array<i32>} : memref<320xf32, #tpu.memory_space<vmem>>, vector<16xf32>,
      %add3A_691 = arith.constant 12 : i32
      %add3A_692 = vector.broadcast %add3A_691 : i32 to vector<16xi32>
      %add3A_693 = arith.addi %add3A_692, %select_n3A : vector<16xi32>
      %gather3A_694 = tpu.vector_load_idx %arg9[%add3A_693, %select_n3A_83] : memref<80x8xf32, #tpu.memory_space<vmem>>[vector<16xi32>, vector<16xi32>], vector<16xf32>,
      %add3A_695 = arith.constant 12 : i32
      %add3A_696 = vector.broadcast %add3A_695 : i32 to vector<16xi32>
      %add3A_697 = arith.addi %add3A_696, %select_n3A : vector<16xi32>
      %add3A_698 = arith.constant 4 : i32
      %add3A_699 = vector.broadcast %add3A_698 : i32 to vector<16xi32>
      %add3A_700 = arith.addi %add3A_699, %select_n3A_83 : vector<16xi32>
      %gather3A_701 = tpu.vector_load_idx %arg10[%add3A_697, %add3A_700] : memref<80x8xf32, #tpu.memory_space<vmem>>[vector<16xi32>, vector<16xi32>], vector<16xf32>,
      %add3A_702 = arith.addf %gather3A_694, %gather3A_701 : vector<16xf32>
      %ge3A_703 = arith.constant 0.000000e+00 : f32
      %ge3A_704 = vector.broadcast %ge3A_703 : f32 to vector<16xf32>
      %ge3A_705 = arith.cmpf oge, %add3A_702, %ge3A_704 : vector<16xf32>
      %mul3A_706 = arith.constant 2.000000e-01 : f32
      %mul3A_707 = vector.broadcast %mul3A_706 : f32 to vector<16xf32>
      %mul3A_708 = arith.mulf %mul3A_707, %add3A_702 : vector<16xf32>
      %select_n3A_709 = arith.select %ge3A_705, %add3A_702, %mul3A_708 : vector<16xi1>, vector<16xf32>
      %exp3A_710 = math.exp %select_n3A_709 : vector<16xf32>
      %swap3A_711 = arith.constant 48 : index
      %swap3A_712 = tpu.vector_load %arg17[%swap3A_711] {strides = array<i32>} : memref<320xf32, #tpu.memory_space<vmem>>, vector<16xf32>,
      tpu.vector_store %arg17[%swap3A_711], %exp3A_710 {strides = array<i32>} : memref<320xf32, #tpu.memory_space<vmem>>, vector<16xf32>,
      %add3A_713 = arith.constant 16 : i32
      %add3A_714 = vector.broadcast %add3A_713 : i32 to vector<16xi32>
      %add3A_715 = arith.addi %add3A_714, %select_n3A : vector<16xi32>
      %gather3A_716 = tpu.vector_load_idx %arg9[%add3A_715, %select_n3A_83] : memref<80x8xf32, #tpu.memory_space<vmem>>[vector<16xi32>, vector<16xi32>], vector<16xf32>,
      %add3A_717 = arith.constant 16 : i32
      %add3A_718 = vector.broadcast %add3A_717 : i32 to vector<16xi32>
      %add3A_719 = arith.addi %add3A_718, %select_n3A : vector<16xi32>
      %add3A_720 = arith.constant 4 : i32
      %add3A_721 = vector.broadcast %add3A_720 : i32 to vector<16xi32>
      %add3A_722 = arith.addi %add3A_721, %select_n3A_83 : vector<16xi32>
      %gather3A_723 = tpu.vector_load_idx %arg10[%add3A_719, %add3A_722] : memref<80x8xf32, #tpu.memory_space<vmem>>[vector<16xi32>, vector<16xi32>], vector<16xf32>,
      %add3A_724 = arith.addf %gather3A_716, %gather3A_723 : vector<16xf32>
      %ge3A_725 = arith.constant 0.000000e+00 : f32
      %ge3A_726 = vector.broadcast %ge3A_725 : f32 to vector<16xf32>
      %ge3A_727 = arith.cmpf oge, %add3A_724, %ge3A_726 : vector<16xf32>
      %mul3A_728 = arith.constant 2.000000e-01 : f32
      %mul3A_729 = vector.broadcast %mul3A_728 : f32 to vector<16xf32>
      %mul3A_730 = arith.mulf %mul3A_729, %add3A_724 : vector<16xf32>
      %select_n3A_731 = arith.select %ge3A_727, %add3A_724, %mul3A_730 : vector<16xi1>, vector<16xf32>
      %exp3A_732 = math.exp %select_n3A_731 : vector<16xf32>
      %swap3A_733 = arith.constant 64 : index
      %swap3A_734 = tpu.vector_load %arg17[%swap3A_733] {strides = array<i32>} : memref<320xf32, #tpu.memory_space<vmem>>, vector<16xf32>,
      tpu.vector_store %arg17[%swap3A_733], %exp3A_732 {strides = array<i32>} : memref<320xf32, #tpu.memory_space<vmem>>, vector<16xf32>,
      %add3A_735 = arith.constant 20 : i32
      %add3A_736 = vector.broadcast %add3A_735 : i32 to vector<16xi32>
      %add3A_737 = arith.addi %add3A_736, %select_n3A : vector<16xi32>
      %gather3A_738 = tpu.vector_load_idx %arg9[%add3A_737, %select_n3A_83] : memref<80x8xf32, #tpu.memory_space<vmem>>[vector<16xi32>, vector<16xi32>], vector<16xf32>,
      %add3A_739 = arith.constant 20 : i32
      %add3A_740 = vector.broadcast %add3A_739 : i32 to vector<16xi32>
      %add3A_741 = arith.addi %add3A_740, %select_n3A : vector<16xi32>
      %add3A_742 = arith.constant 4 : i32
      %add3A_743 = vector.broadcast %add3A_742 : i32 to vector<16xi32>
      %add3A_744 = arith.addi %add3A_743, %select_n3A_83 : vector<16xi32>
      %gather3A_745 = tpu.vector_load_idx %arg10[%add3A_741, %add3A_744] : memref<80x8xf32, #tpu.memory_space<vmem>>[vector<16xi32>, vector<16xi32>], vector<16xf32>,
      %add3A_746 = arith.addf %gather3A_738, %gather3A_745 : vector<16xf32>
      %ge3A_747 = arith.constant 0.000000e+00 : f32
      %ge3A_748 = vector.broadcast %ge3A_747 : f32 to vector<16xf32>
      %ge3A_749 = arith.cmpf oge, %add3A_746, %ge3A_748 : vector<16xf32>
      %mul3A_750 = arith.constant 2.000000e-01 : f32
      %mul3A_751 = vector.broadcast %mul3A_750 : f32 to vector<16xf32>
      %mul3A_752 = arith.mulf %mul3A_751, %add3A_746 : vector<16xf32>
      %select_n3A_753 = arith.select %ge3A_749, %add3A_746, %mul3A_752 : vector<16xi1>, vector<16xf32>
      %exp3A_754 = math.exp %select_n3A_753 : vector<16xf32>
      %swap3A_755 = arith.constant 80 : index
      %swap3A_756 = tpu.vector_load %arg17[%swap3A_755] {strides = array<i32>} : memref<320xf32, #tpu.memory_space<vmem>>, vector<16xf32>,
      tpu.vector_store %arg17[%swap3A_755], %exp3A_754 {strides = array<i32>} : memref<320xf32, #tpu.memory_space<vmem>>, vector<16xf32>,
      %add3A_757 = arith.constant 24 : i32
      %add3A_758 = vector.broadcast %add3A_757 : i32 to vector<16xi32>
      %add3A_759 = arith.addi %add3A_758, %select_n3A : vector<16xi32>
      %gather3A_760 = tpu.vector_load_idx %arg9[%add3A_759, %select_n3A_83] : memref<80x8xf32, #tpu.memory_space<vmem>>[vector<16xi32>, vector<16xi32>], vector<16xf32>,
      %add3A_761 = arith.constant 24 : i32
      %add3A_762 = vector.broadcast %add3A_761 : i32 to vector<16xi32>
      %add3A_763 = arith.addi %add3A_762, %select_n3A : vector<16xi32>
      %add3A_764 = arith.constant 4 : i32
      %add3A_765 = vector.broadcast %add3A_764 : i32 to vector<16xi32>
      %add3A_766 = arith.addi %add3A_765, %select_n3A_83 : vector<16xi32>
      %gather3A_767 = tpu.vector_load_idx %arg10[%add3A_763, %add3A_766] : memref<80x8xf32, #tpu.memory_space<vmem>>[vector<16xi32>, vector<16xi32>], vector<16xf32>,
      %add3A_768 = arith.addf %gather3A_760, %gather3A_767 : vector<16xf32>
      %ge3A_769 = arith.constant 0.000000e+00 : f32
      %ge3A_770 = vector.broadcast %ge3A_769 : f32 to vector<16xf32>
      %ge3A_771 = arith.cmpf oge, %add3A_768, %ge3A_770 : vector<16xf32>
      %mul3A_772 = arith.constant 2.000000e-01 : f32
      %mul3A_773 = vector.broadcast %mul3A_772 : f32 to vector<16xf32>
      %mul3A_774 = arith.mulf %mul3A_773, %add3A_768 : vector<16xf32>
      %select_n3A_775 = arith.select %ge3A_771, %add3A_768, %mul3A_774 : vector<16xi1>, vector<16xf32>
      %exp3A_776 = math.exp %select_n3A_775 : vector<16xf32>
      %swap3A_777 = arith.constant 96 : index
      %swap3A_778 = tpu.vector_load %arg17[%swap3A_777] {strides = array<i32>} : memref<320xf32, #tpu.memory_space<vmem>>, vector<16xf32>,
      tpu.vector_store %arg17[%swap3A_777], %exp3A_776 {strides = array<i32>} : memref<320xf32, #tpu.memory_space<vmem>>, vector<16xf32>,
      %add3A_779 = arith.constant 28 : i32
      %add3A_780 = vector.broadcast %add3A_779 : i32 to vector<16xi32>
      %add3A_781 = arith.addi %add3A_780, %select_n3A : vector<16xi32>
      %gather3A_782 = tpu.vector_load_idx %arg9[%add3A_781, %select_n3A_83] : memref<80x8xf32, #tpu.memory_space<vmem>>[vector<16xi32>, vector<16xi32>], vector<16xf32>,
      %add3A_783 = arith.constant 28 : i32
      %add3A_784 = vector.broadcast %add3A_783 : i32 to vector<16xi32>
      %add3A_785 = arith.addi %add3A_784, %select_n3A : vector<16xi32>
      %add3A_786 = arith.constant 4 : i32
      %add3A_787 = vector.broadcast %add3A_786 : i32 to vector<16xi32>
      %add3A_788 = arith.addi %add3A_787, %select_n3A_83 : vector<16xi32>
      %gather3A_789 = tpu.vector_load_idx %arg10[%add3A_785, %add3A_788] : memref<80x8xf32, #tpu.memory_space<vmem>>[vector<16xi32>, vector<16xi32>], vector<16xf32>,
      %add3A_790 = arith.addf %gather3A_782, %gather3A_789 : vector<16xf32>
      %ge3A_791 = arith.constant 0.000000e+00 : f32
      %ge3A_792 = vector.broadcast %ge3A_791 : f32 to vector<16xf32>
      %ge3A_793 = arith.cmpf oge, %add3A_790, %ge3A_792 : vector<16xf32>
      %mul3A_794 = arith.constant 2.000000e-01 : f32
      %mul3A_795 = vector.broadcast %mul3A_794 : f32 to vector<16xf32>
      %mul3A_796 = arith.mulf %mul3A_795, %add3A_790 : vector<16xf32>
      %select_n3A_797 = arith.select %ge3A_793, %add3A_790, %mul3A_796 : vector<16xi1>, vector<16xf32>
      %exp3A_798 = math.exp %select_n3A_797 : vector<16xf32>
      %swap3A_799 = arith.constant 112 : index
      %swap3A_800 = tpu.vector_load %arg17[%swap3A_799] {strides = array<i32>} : memref<320xf32, #tpu.memory_space<vmem>>, vector<16xf32>,
      tpu.vector_store %arg17[%swap3A_799], %exp3A_798 {strides = array<i32>} : memref<320xf32, #tpu.memory_space<vmem>>, vector<16xf32>,
      %add3A_801 = arith.constant 32 : i32
      %add3A_802 = vector.broadcast %add3A_801 : i32 to vector<16xi32>
      %add3A_803 = arith.addi %add3A_802, %select_n3A : vector<16xi32>
      %gather3A_804 = tpu.vector_load_idx %arg9[%add3A_803, %select_n3A_83] : memref<80x8xf32, #tpu.memory_space<vmem>>[vector<16xi32>, vector<16xi32>], vector<16xf32>,
      %add3A_805 = arith.constant 32 : i32
      %add3A_806 = vector.broadcast %add3A_805 : i32 to vector<16xi32>
      %add3A_807 = arith.addi %add3A_806, %select_n3A : vector<16xi32>
      %add3A_808 = arith.constant 4 : i32
      %add3A_809 = vector.broadcast %add3A_808 : i32 to vector<16xi32>
      %add3A_810 = arith.addi %add3A_809, %select_n3A_83 : vector<16xi32>
      %gather3A_811 = tpu.vector_load_idx %arg10[%add3A_807, %add3A_810] : memref<80x8xf32, #tpu.memory_space<vmem>>[vector<16xi32>, vector<16xi32>], vector<16xf32>,
      %add3A_812 = arith.addf %gather3A_804, %gather3A_811 : vector<16xf32>
      %ge3A_813 = arith.constant 0.000000e+00 : f32
      %ge3A_814 = vector.broadcast %ge3A_813 : f32 to vector<16xf32>
      %ge3A_815 = arith.cmpf oge, %add3A_812, %ge3A_814 : vector<16xf32>
      %mul3A_816 = arith.constant 2.000000e-01 : f32
      %mul3A_817 = vector.broadcast %mul3A_816 : f32 to vector<16xf32>
      %mul3A_818 = arith.mulf %mul3A_817, %add3A_812 : vector<16xf32>
      %select_n3A_819 = arith.select %ge3A_815, %add3A_812, %mul3A_818 : vector<16xi1>, vector<16xf32>
      %exp3A_820 = math.exp %select_n3A_819 : vector<16xf32>
      %swap3A_821 = arith.constant 128 : index
      %swap3A_822 = tpu.vector_load %arg17[%swap3A_821] {strides = array<i32>} : memref<320xf32, #tpu.memory_space<vmem>>, vector<16xf32>,
      tpu.vector_store %arg17[%swap3A_821], %exp3A_820 {strides = array<i32>} : memref<320xf32, #tpu.memory_space<vmem>>, vector<16xf32>,
      %add3A_823 = arith.constant 36 : i32
      %add3A_824 = vector.broadcast %add3A_823 : i32 to vector<16xi32>
      %add3A_825 = arith.addi %add3A_824, %select_n3A : vector<16xi32>
      %gather3A_826 = tpu.vector_load_idx %arg9[%add3A_825, %select_n3A_83] : memref<80x8xf32, #tpu.memory_space<vmem>>[vector<16xi32>, vector<16xi32>], vector<16xf32>,
      %add3A_827 = arith.constant 36 : i32
      %add3A_828 = vector.broadcast %add3A_827 : i32 to vector<16xi32>
      %add3A_829 = arith.addi %add3A_828, %select_n3A : vector<16xi32>
      %add3A_830 = arith.constant 4 : i32
      %add3A_831 = vector.broadcast %add3A_830 : i32 to vector<16xi32>
      %add3A_832 = arith.addi %add3A_831, %select_n3A_83 : vector<16xi32>
      %gather3A_833 = tpu.vector_load_idx %arg10[%add3A_829, %add3A_832] : memref<80x8xf32, #tpu.memory_space<vmem>>[vector<16xi32>, vector<16xi32>], vector<16xf32>,
      %add3A_834 = arith.addf %gather3A_826, %gather3A_833 : vector<16xf32>
      %ge3A_835 = arith.constant 0.000000e+00 : f32
      %ge3A_836 = vector.broadcast %ge3A_835 : f32 to vector<16xf32>
      %ge3A_837 = arith.cmpf oge, %add3A_834, %ge3A_836 : vector<16xf32>
      %mul3A_838 = arith.constant 2.000000e-01 : f32
      %mul3A_839 = vector.broadcast %mul3A_838 : f32 to vector<16xf32>
      %mul3A_840 = arith.mulf %mul3A_839, %add3A_834 : vector<16xf32>
      %select_n3A_841 = arith.select %ge3A_837, %add3A_834, %mul3A_840 : vector<16xi1>, vector<16xf32>
      %exp3A_842 = math.exp %select_n3A_841 : vector<16xf32>
      %swap3A_843 = arith.constant 144 : index
      %swap3A_844 = tpu.vector_load %arg17[%swap3A_843] {strides = array<i32>} : memref<320xf32, #tpu.memory_space<vmem>>, vector<16xf32>,
      tpu.vector_store %arg17[%swap3A_843], %exp3A_842 {strides = array<i32>} : memref<320xf32, #tpu.memory_space<vmem>>, vector<16xf32>,
      %add3A_845 = arith.constant 40 : i32
      %add3A_846 = vector.broadcast %add3A_845 : i32 to vector<16xi32>
      %add3A_847 = arith.addi %add3A_846, %select_n3A : vector<16xi32>
      %gather3A_848 = tpu.vector_load_idx %arg9[%add3A_847, %select_n3A_83] : memref<80x8xf32, #tpu.memory_space<vmem>>[vector<16xi32>, vector<16xi32>], vector<16xf32>,
      %add3A_849 = arith.constant 40 : i32
      %add3A_850 = vector.broadcast %add3A_849 : i32 to vector<16xi32>
      %add3A_851 = arith.addi %add3A_850, %select_n3A : vector<16xi32>
      %add3A_852 = arith.constant 4 : i32
      %add3A_853 = vector.broadcast %add3A_852 : i32 to vector<16xi32>
      %add3A_854 = arith.addi %add3A_853, %select_n3A_83 : vector<16xi32>
      %gather3A_855 = tpu.vector_load_idx %arg10[%add3A_851, %add3A_854] : memref<80x8xf32, #tpu.memory_space<vmem>>[vector<16xi32>, vector<16xi32>], vector<16xf32>,
      %add3A_856 = arith.addf %gather3A_848, %gather3A_855 : vector<16xf32>
      %ge3A_857 = arith.constant 0.000000e+00 : f32
      %ge3A_858 = vector.broadcast %ge3A_857 : f32 to vector<16xf32>
      %ge3A_859 = arith.cmpf oge, %add3A_856, %ge3A_858 : vector<16xf32>
      %mul3A_860 = arith.constant 2.000000e-01 : f32
      %mul3A_861 = vector.broadcast %mul3A_860 : f32 to vector<16xf32>
      %mul3A_862 = arith.mulf %mul3A_861, %add3A_856 : vector<16xf32>
      %select_n3A_863 = arith.select %ge3A_859, %add3A_856, %mul3A_862 : vector<16xi1>, vector<16xf32>
      %exp3A_864 = math.exp %select_n3A_863 : vector<16xf32>
      %swap3A_865 = arith.constant 160 : index
      %swap3A_866 = tpu.vector_load %arg17[%swap3A_865] {strides = array<i32>} : memref<320xf32, #tpu.memory_space<vmem>>, vector<16xf32>,
      tpu.vector_store %arg17[%swap3A_865], %exp3A_864 {strides = array<i32>} : memref<320xf32, #tpu.memory_space<vmem>>, vector<16xf32>,
      %add3A_867 = arith.constant 44 : i32
      %add3A_868 = vector.broadcast %add3A_867 : i32 to vector<16xi32>
      %add3A_869 = arith.addi %add3A_868, %select_n3A : vector<16xi32>
      %gather3A_870 = tpu.vector_load_idx %arg9[%add3A_869, %select_n3A_83] : memref<80x8xf32, #tpu.memory_space<vmem>>[vector<16xi32>, vector<16xi32>], vector<16xf32>,
      %add3A_871 = arith.constant 44 : i32
      %add3A_872 = vector.broadcast %add3A_871 : i32 to vector<16xi32>
      %add3A_873 = arith.addi %add3A_872, %select_n3A : vector<16xi32>
      %add3A_874 = arith.constant 4 : i32
      %add3A_875 = vector.broadcast %add3A_874 : i32 to vector<16xi32>
      %add3A_876 = arith.addi %add3A_875, %select_n3A_83 : vector<16xi32>
      %gather3A_877 = tpu.vector_load_idx %arg10[%add3A_873, %add3A_876] : memref<80x8xf32, #tpu.memory_space<vmem>>[vector<16xi32>, vector<16xi32>], vector<16xf32>,
      %add3A_878 = arith.addf %gather3A_870, %gather3A_877 : vector<16xf32>
      %ge3A_879 = arith.constant 0.000000e+00 : f32
      %ge3A_880 = vector.broadcast %ge3A_879 : f32 to vector<16xf32>
      %ge3A_881 = arith.cmpf oge, %add3A_878, %ge3A_880 : vector<16xf32>
      %mul3A_882 = arith.constant 2.000000e-01 : f32
      %mul3A_883 = vector.broadcast %mul3A_882 : f32 to vector<16xf32>
      %mul3A_884 = arith.mulf %mul3A_883, %add3A_878 : vector<16xf32>
      %select_n3A_885 = arith.select %ge3A_881, %add3A_878, %mul3A_884 : vector<16xi1>, vector<16xf32>
      %exp3A_886 = math.exp %select_n3A_885 : vector<16xf32>
      %swap3A_887 = arith.constant 176 : index
      %swap3A_888 = tpu.vector_load %arg17[%swap3A_887] {strides = array<i32>} : memref<320xf32, #tpu.memory_space<vmem>>, vector<16xf32>,
      tpu.vector_store %arg17[%swap3A_887], %exp3A_886 {strides = array<i32>} : memref<320xf32, #tpu.memory_space<vmem>>, vector<16xf32>,
      %add3A_889 = arith.constant 48 : i32
      %add3A_890 = vector.broadcast %add3A_889 : i32 to vector<16xi32>
      %add3A_891 = arith.addi %add3A_890, %select_n3A : vector<16xi32>
      %gather3A_892 = tpu.vector_load_idx %arg9[%add3A_891, %select_n3A_83] : memref<80x8xf32, #tpu.memory_space<vmem>>[vector<16xi32>, vector<16xi32>], vector<16xf32>,
      %add3A_893 = arith.constant 48 : i32
      %add3A_894 = vector.broadcast %add3A_893 : i32 to vector<16xi32>
      %add3A_895 = arith.addi %add3A_894, %select_n3A : vector<16xi32>
      %add3A_896 = arith.constant 4 : i32
      %add3A_897 = vector.broadcast %add3A_896 : i32 to vector<16xi32>
      %add3A_898 = arith.addi %add3A_897, %select_n3A_83 : vector<16xi32>
      %gather3A_899 = tpu.vector_load_idx %arg10[%add3A_895, %add3A_898] : memref<80x8xf32, #tpu.memory_space<vmem>>[vector<16xi32>, vector<16xi32>], vector<16xf32>,
      %add3A_900 = arith.addf %gather3A_892, %gather3A_899 : vector<16xf32>
      %ge3A_901 = arith.constant 0.000000e+00 : f32
      %ge3A_902 = vector.broadcast %ge3A_901 : f32 to vector<16xf32>
      %ge3A_903 = arith.cmpf oge, %add3A_900, %ge3A_902 : vector<16xf32>
      %mul3A_904 = arith.constant 2.000000e-01 : f32
      %mul3A_905 = vector.broadcast %mul3A_904 : f32 to vector<16xf32>
      %mul3A_906 = arith.mulf %mul3A_905, %add3A_900 : vector<16xf32>
      %select_n3A_907 = arith.select %ge3A_903, %add3A_900, %mul3A_906 : vector<16xi1>, vector<16xf32>
      %exp3A_908 = math.exp %select_n3A_907 : vector<16xf32>
      %swap3A_909 = arith.constant 192 : index
      %swap3A_910 = tpu.vector_load %arg17[%swap3A_909] {strides = array<i32>} : memref<320xf32, #tpu.memory_space<vmem>>, vector<16xf32>,
      tpu.vector_store %arg17[%swap3A_909], %exp3A_908 {strides = array<i32>} : memref<320xf32, #tpu.memory_space<vmem>>, vector<16xf32>,
      %add3A_911 = arith.constant 52 : i32
      %add3A_912 = vector.broadcast %add3A_911 : i32 to vector<16xi32>
      %add3A_913 = arith.addi %add3A_912, %select_n3A : vector<16xi32>
      %gather3A_914 = tpu.vector_load_idx %arg9[%add3A_913, %select_n3A_83] : memref<80x8xf32, #tpu.memory_space<vmem>>[vector<16xi32>, vector<16xi32>], vector<16xf32>,
      %add3A_915 = arith.constant 52 : i32
      %add3A_916 = vector.broadcast %add3A_915 : i32 to vector<16xi32>
      %add3A_917 = arith.addi %add3A_916, %select_n3A : vector<16xi32>
      %add3A_918 = arith.constant 4 : i32
      %add3A_919 = vector.broadcast %add3A_918 : i32 to vector<16xi32>
      %add3A_920 = arith.addi %add3A_919, %select_n3A_83 : vector<16xi32>
      %gather3A_921 = tpu.vector_load_idx %arg10[%add3A_917, %add3A_920] : memref<80x8xf32, #tpu.memory_space<vmem>>[vector<16xi32>, vector<16xi32>], vector<16xf32>,
      %add3A_922 = arith.addf %gather3A_914, %gather3A_921 : vector<16xf32>
      %ge3A_923 = arith.constant 0.000000e+00 : f32
      %ge3A_924 = vector.broadcast %ge3A_923 : f32 to vector<16xf32>
      %ge3A_925 = arith.cmpf oge, %add3A_922, %ge3A_924 : vector<16xf32>
      %mul3A_926 = arith.constant 2.000000e-01 : f32
      %mul3A_927 = vector.broadcast %mul3A_926 : f32 to vector<16xf32>
      %mul3A_928 = arith.mulf %mul3A_927, %add3A_922 : vector<16xf32>
      %select_n3A_929 = arith.select %ge3A_925, %add3A_922, %mul3A_928 : vector<16xi1>, vector<16xf32>
      %exp3A_930 = math.exp %select_n3A_929 : vector<16xf32>
      %swap3A_931 = arith.constant 208 : index
      %swap3A_932 = tpu.vector_load %arg17[%swap3A_931] {strides = array<i32>} : memref<320xf32, #tpu.memory_space<vmem>>, vector<16xf32>,
      tpu.vector_store %arg17[%swap3A_931], %exp3A_930 {strides = array<i32>} : memref<320xf32, #tpu.memory_space<vmem>>, vector<16xf32>,
      %add3A_933 = arith.constant 56 : i32
      %add3A_934 = vector.broadcast %add3A_933 : i32 to vector<16xi32>
      %add3A_935 = arith.addi %add3A_934, %select_n3A : vector<16xi32>
      %gather3A_936 = tpu.vector_load_idx %arg9[%add3A_935, %select_n3A_83] : memref<80x8xf32, #tpu.memory_space<vmem>>[vector<16xi32>, vector<16xi32>], vector<16xf32>,
      %add3A_937 = arith.constant 56 : i32
      %add3A_938 = vector.broadcast %add3A_937 : i32 to vector<16xi32>
      %add3A_939 = arith.addi %add3A_938, %select_n3A : vector<16xi32>
      %add3A_940 = arith.constant 4 : i32
      %add3A_941 = vector.broadcast %add3A_940 : i32 to vector<16xi32>
      %add3A_942 = arith.addi %add3A_941, %select_n3A_83 : vector<16xi32>
      %gather3A_943 = tpu.vector_load_idx %arg10[%add3A_939, %add3A_942] : memref<80x8xf32, #tpu.memory_space<vmem>>[vector<16xi32>, vector<16xi32>], vector<16xf32>,
      %add3A_944 = arith.addf %gather3A_936, %gather3A_943 : vector<16xf32>
      %ge3A_945 = arith.constant 0.000000e+00 : f32
      %ge3A_946 = vector.broadcast %ge3A_945 : f32 to vector<16xf32>
      %ge3A_947 = arith.cmpf oge, %add3A_944, %ge3A_946 : vector<16xf32>
      %mul3A_948 = arith.constant 2.000000e-01 : f32
      %mul3A_949 = vector.broadcast %mul3A_948 : f32 to vector<16xf32>
      %mul3A_950 = arith.mulf %mul3A_949, %add3A_944 : vector<16xf32>
      %select_n3A_951 = arith.select %ge3A_947, %add3A_944, %mul3A_950 : vector<16xi1>, vector<16xf32>
      %exp3A_952 = math.exp %select_n3A_951 : vector<16xf32>
      %swap3A_953 = arith.constant 224 : index
      %swap3A_954 = tpu.vector_load %arg17[%swap3A_953] {strides = array<i32>} : memref<320xf32, #tpu.memory_space<vmem>>, vector<16xf32>,
      tpu.vector_store %arg17[%swap3A_953], %exp3A_952 {strides = array<i32>} : memref<320xf32, #tpu.memory_space<vmem>>, vector<16xf32>,
      %add3A_955 = arith.constant 60 : i32
      %add3A_956 = vector.broadcast %add3A_955 : i32 to vector<16xi32>
      %add3A_957 = arith.addi %add3A_956, %select_n3A : vector<16xi32>
      %gather3A_958 = tpu.vector_load_idx %arg9[%add3A_957, %select_n3A_83] : memref<80x8xf32, #tpu.memory_space<vmem>>[vector<16xi32>, vector<16xi32>], vector<16xf32>,
      %add3A_959 = arith.constant 60 : i32
      %add3A_960 = vector.broadcast %add3A_959 : i32 to vector<16xi32>
      %add3A_961 = arith.addi %add3A_960, %select_n3A : vector<16xi32>
      %add3A_962 = arith.constant 4 : i32
      %add3A_963 = vector.broadcast %add3A_962 : i32 to vector<16xi32>
      %add3A_964 = arith.addi %add3A_963, %select_n3A_83 : vector<16xi32>
      %gather3A_965 = tpu.vector_load_idx %arg10[%add3A_961, %add3A_964] : memref<80x8xf32, #tpu.memory_space<vmem>>[vector<16xi32>, vector<16xi32>], vector<16xf32>,
      %add3A_966 = arith.addf %gather3A_958, %gather3A_965 : vector<16xf32>
      %ge3A_967 = arith.constant 0.000000e+00 : f32
      %ge3A_968 = vector.broadcast %ge3A_967 : f32 to vector<16xf32>
      %ge3A_969 = arith.cmpf oge, %add3A_966, %ge3A_968 : vector<16xf32>
      %mul3A_970 = arith.constant 2.000000e-01 : f32
      %mul3A_971 = vector.broadcast %mul3A_970 : f32 to vector<16xf32>
      %mul3A_972 = arith.mulf %mul3A_971, %add3A_966 : vector<16xf32>
      %select_n3A_973 = arith.select %ge3A_969, %add3A_966, %mul3A_972 : vector<16xi1>, vector<16xf32>
      %exp3A_974 = math.exp %select_n3A_973 : vector<16xf32>
      %swap3A_975 = arith.constant 240 : index
      %swap3A_976 = tpu.vector_load %arg17[%swap3A_975] {strides = array<i32>} : memref<320xf32, #tpu.memory_space<vmem>>, vector<16xf32>,
      tpu.vector_store %arg17[%swap3A_975], %exp3A_974 {strides = array<i32>} : memref<320xf32, #tpu.memory_space<vmem>>, vector<16xf32>,
      %add3A_977 = arith.constant 64 : i32
      %add3A_978 = vector.broadcast %add3A_977 : i32 to vector<16xi32>
      %add3A_979 = arith.addi %add3A_978, %select_n3A : vector<16xi32>
      %gather3A_980 = tpu.vector_load_idx %arg9[%add3A_979, %select_n3A_83] : memref<80x8xf32, #tpu.memory_space<vmem>>[vector<16xi32>, vector<16xi32>], vector<16xf32>,
      %add3A_981 = arith.constant 64 : i32
      %add3A_982 = vector.broadcast %add3A_981 : i32 to vector<16xi32>
      %add3A_983 = arith.addi %add3A_982, %select_n3A : vector<16xi32>
      %add3A_984 = arith.constant 4 : i32
      %add3A_985 = vector.broadcast %add3A_984 : i32 to vector<16xi32>
      %add3A_986 = arith.addi %add3A_985, %select_n3A_83 : vector<16xi32>
      %gather3A_987 = tpu.vector_load_idx %arg10[%add3A_983, %add3A_986] : memref<80x8xf32, #tpu.memory_space<vmem>>[vector<16xi32>, vector<16xi32>], vector<16xf32>,
      %add3A_988 = arith.addf %gather3A_980, %gather3A_987 : vector<16xf32>
      %ge3A_989 = arith.constant 0.000000e+00 : f32
      %ge3A_990 = vector.broadcast %ge3A_989 : f32 to vector<16xf32>
      %ge3A_991 = arith.cmpf oge, %add3A_988, %ge3A_990 : vector<16xf32>
      %mul3A_992 = arith.constant 2.000000e-01 : f32
      %mul3A_993 = vector.broadcast %mul3A_992 : f32 to vector<16xf32>
      %mul3A_994 = arith.mulf %mul3A_993, %add3A_988 : vector<16xf32>
      %select_n3A_995 = arith.select %ge3A_991, %add3A_988, %mul3A_994 : vector<16xi1>, vector<16xf32>
      %exp3A_996 = math.exp %select_n3A_995 : vector<16xf32>
      %swap3A_997 = arith.constant 256 : index
      %swap3A_998 = tpu.vector_load %arg17[%swap3A_997] {strides = array<i32>} : memref<320xf32, #tpu.memory_space<vmem>>, vector<16xf32>,
      tpu.vector_store %arg17[%swap3A_997], %exp3A_996 {strides = array<i32>} : memref<320xf32, #tpu.memory_space<vmem>>, vector<16xf32>,
      %add3A_999 = arith.constant 68 : i32
      %add3A_1000 = vector.broadcast %add3A_999 : i32 to vector<16xi32>
      %add3A_1001 = arith.addi %add3A_1000, %select_n3A : vector<16xi32>
      %gather3A_1002 = tpu.vector_load_idx %arg9[%add3A_1001, %select_n3A_83] : memref<80x8xf32, #tpu.memory_space<vmem>>[vector<16xi32>, vector<16xi32>], vector<16xf32>,
      %add3A_1003 = arith.constant 68 : i32
      %add3A_1004 = vector.broadcast %add3A_1003 : i32 to vector<16xi32>
      %add3A_1005 = arith.addi %add3A_1004, %select_n3A : vector<16xi32>
      %add3A_1006 = arith.constant 4 : i32
      %add3A_1007 = vector.broadcast %add3A_1006 : i32 to vector<16xi32>
      %add3A_1008 = arith.addi %add3A_1007, %select_n3A_83 : vector<16xi32>
      %gather3A_1009 = tpu.vector_load_idx %arg10[%add3A_1005, %add3A_1008] : memref<80x8xf32, #tpu.memory_space<vmem>>[vector<16xi32>, vector<16xi32>], vector<16xf32>,
      %add3A_1010 = arith.addf %gather3A_1002, %gather3A_1009 : vector<16xf32>
      %ge3A_1011 = arith.constant 0.000000e+00 : f32
      %ge3A_1012 = vector.broadcast %ge3A_1011 : f32 to vector<16xf32>
      %ge3A_1013 = arith.cmpf oge, %add3A_1010, %ge3A_1012 : vector<16xf32>
      %mul3A_1014 = arith.constant 2.000000e-01 : f32
      %mul3A_1015 = vector.broadcast %mul3A_1014 : f32 to vector<16xf32>
      %mul3A_1016 = arith.mulf %mul3A_1015, %add3A_1010 : vector<16xf32>
      %select_n3A_1017 = arith.select %ge3A_1013, %add3A_1010, %mul3A_1016 : vector<16xi1>, vector<16xf32>
      %exp3A_1018 = math.exp %select_n3A_1017 : vector<16xf32>
      %swap3A_1019 = arith.constant 272 : index
      %swap3A_1020 = tpu.vector_load %arg17[%swap3A_1019] {strides = array<i32>} : memref<320xf32, #tpu.memory_space<vmem>>, vector<16xf32>,
      tpu.vector_store %arg17[%swap3A_1019], %exp3A_1018 {strides = array<i32>} : memref<320xf32, #tpu.memory_space<vmem>>, vector<16xf32>,
      %add3A_1021 = arith.constant 72 : i32
      %add3A_1022 = vector.broadcast %add3A_1021 : i32 to vector<16xi32>
      %add3A_1023 = arith.addi %add3A_1022, %select_n3A : vector<16xi32>
      %gather3A_1024 = tpu.vector_load_idx %arg9[%add3A_1023, %select_n3A_83] : memref<80x8xf32, #tpu.memory_space<vmem>>[vector<16xi32>, vector<16xi32>], vector<16xf32>,
      %add3A_1025 = arith.constant 72 : i32
      %add3A_1026 = vector.broadcast %add3A_1025 : i32 to vector<16xi32>
      %add3A_1027 = arith.addi %add3A_1026, %select_n3A : vector<16xi32>
      %add3A_1028 = arith.constant 4 : i32
      %add3A_1029 = vector.broadcast %add3A_1028 : i32 to vector<16xi32>
      %add3A_1030 = arith.addi %add3A_1029, %select_n3A_83 : vector<16xi32>
      %gather3A_1031 = tpu.vector_load_idx %arg10[%add3A_1027, %add3A_1030] : memref<80x8xf32, #tpu.memory_space<vmem>>[vector<16xi32>, vector<16xi32>], vector<16xf32>,
      %add3A_1032 = arith.addf %gather3A_1024, %gather3A_1031 : vector<16xf32>
      %ge3A_1033 = arith.constant 0.000000e+00 : f32
      %ge3A_1034 = vector.broadcast %ge3A_1033 : f32 to vector<16xf32>
      %ge3A_1035 = arith.cmpf oge, %add3A_1032, %ge3A_1034 : vector<16xf32>
      %mul3A_1036 = arith.constant 2.000000e-01 : f32
      %mul3A_1037 = vector.broadcast %mul3A_1036 : f32 to vector<16xf32>
      %mul3A_1038 = arith.mulf %mul3A_1037, %add3A_1032 : vector<16xf32>
      %select_n3A_1039 = arith.select %ge3A_1035, %add3A_1032, %mul3A_1038 : vector<16xi1>, vector<16xf32>
      %exp3A_1040 = math.exp %select_n3A_1039 : vector<16xf32>
      %swap3A_1041 = arith.constant 288 : index
      %swap3A_1042 = tpu.vector_load %arg17[%swap3A_1041] {strides = array<i32>} : memref<320xf32, #tpu.memory_space<vmem>>, vector<16xf32>,
      tpu.vector_store %arg17[%swap3A_1041], %exp3A_1040 {strides = array<i32>} : memref<320xf32, #tpu.memory_space<vmem>>, vector<16xf32>,
      %add3A_1043 = arith.constant 76 : i32
      %add3A_1044 = vector.broadcast %add3A_1043 : i32 to vector<16xi32>
      %add3A_1045 = arith.addi %add3A_1044, %select_n3A : vector<16xi32>
      %gather3A_1046 = tpu.vector_load_idx %arg9[%add3A_1045, %select_n3A_83] : memref<80x8xf32, #tpu.memory_space<vmem>>[vector<16xi32>, vector<16xi32>], vector<16xf32>,
      %add3A_1047 = arith.constant 76 : i32
      %add3A_1048 = vector.broadcast %add3A_1047 : i32 to vector<16xi32>
      %add3A_1049 = arith.addi %add3A_1048, %select_n3A : vector<16xi32>
      %add3A_1050 = arith.constant 4 : i32
      %add3A_1051 = vector.broadcast %add3A_1050 : i32 to vector<16xi32>
      %add3A_1052 = arith.addi %add3A_1051, %select_n3A_83 : vector<16xi32>
      %gather3A_1053 = tpu.vector_load_idx %arg10[%add3A_1049, %add3A_1052] : memref<80x8xf32, #tpu.memory_space<vmem>>[vector<16xi32>, vector<16xi32>], vector<16xf32>,
      %add3A_1054 = arith.addf %gather3A_1046, %gather3A_1053 : vector<16xf32>
      %ge3A_1055 = arith.constant 0.000000e+00 : f32
      %ge3A_1056 = vector.broadcast %ge3A_1055 : f32 to vector<16xf32>
      %ge3A_1057 = arith.cmpf oge, %add3A_1054, %ge3A_1056 : vector<16xf32>
      %mul3A_1058 = arith.constant 2.000000e-01 : f32
      %mul3A_1059 = vector.broadcast %mul3A_1058 : f32 to vector<16xf32>
      %mul3A_1060 = arith.mulf %mul3A_1059, %add3A_1054 : vector<16xf32>
      %select_n3A_1061 = arith.select %ge3A_1057, %add3A_1054, %mul3A_1060 : vector<16xi1>, vector<16xf32>
      %exp3A_1062 = math.exp %select_n3A_1061 : vector<16xf32>
      %swap3A_1063 = arith.constant 304 : index
      %swap3A_1064 = tpu.vector_load %arg17[%swap3A_1063] {strides = array<i32>} : memref<320xf32, #tpu.memory_space<vmem>>, vector<16xf32>,
      tpu.vector_store %arg17[%swap3A_1063], %exp3A_1062 {strides = array<i32>} : memref<320xf32, #tpu.memory_space<vmem>>, vector<16xf32>,
      %dma_wait3A_1065 = arith.constant 0 : i32
      %dma_wait3A_1066 = arith.constant 0 : i32
      %dma_wait3A_1067 = tpu.memref_slice %arg5[%dma_wait3A_1065, %dma_wait3A_1066] : memref<10000x144xf32, #tpu.memory_space<hbm>> -> memref<10000x144xf32, #tpu.memory_space<hbm>>
      tpu.wait_indirect_dma semaphore(%arg23 : memref<!tpu.dma_semaphore, #tpu.memory_space<semaphore_mem>>) src(%dma_wait3A_1067 : memref<10000x144xf32, #tpu.memory_space<hbm>>) dst(%arg11 : memref<80x144xf32, #tpu.memory_space<vmem>>)
      %add3A_1068 = arith.constant 2 : i32
      %add3A_1069 = arith.addi %mul3A_597, %add3A_1068 : i32
      %min3A_1070 = arith.constant 124 : i32
      %min3A_1071 = arith.minsi %add3A_1069, %min3A_1070 : i32
      %mul3A_1072 = arith.constant 80 : i32
      %mul3A_1073 = arith.muli %min3A_1071, %mul3A_1072 : i32
      %add3A_1074 = arith.addi %mul3A_40, %mul3A_1073 : i32
      %multiple_of3A_1075 = tpu.assume_multiple %add3A_1074, 8 : i32
      %dma_start3A_1076 = tpu.memref_slice %arg2[%multiple_of3A_1075] : memref<320000xi32, #tpu.memory_space<hbm>> -> memref<80xi32, #tpu.memory_space<hbm>>
      %dma_start3A_1077 = tpu.memref_slice %arg2[%multiple_of3A_1075] : memref<320000xi32, #tpu.memory_space<hbm>> -> memref<80xi32, #tpu.memory_space<hbm>>
      tpu.enqueue_dma source(%dma_start3A_1077 : memref<80xi32, #tpu.memory_space<hbm>>) target(%arg7 : memref<80xi32, #tpu.memory_space<vmem>>) target_semaphore(%arg19 : memref<!tpu.dma_semaphore, #tpu.memory_space<semaphore_mem>>)
      %scan3A_1078 = arith.constant 0 : i32
      %scan3A_1079 = arith.constant 0 : i32
      %scan3A_1080 = arith.constant 20 : i32
      %scan3A_1081 = arith.addi %scan3A_1079, %scan3A_1080 : i32
      %scan3A_1082 = arith.constant 1 : i32
      scf.for %scan3A_1578 = %scan3A_1079 to %scan3A_1081 step %scan3A_1082  : i32 {
        %mul3A_1579 = arith.constant 4 : i32
        %mul3A_1580 = arith.muli %scan3A_1578, %mul3A_1579 : i32
        %add3A_1581 = arith.constant 0 : i32
        %add3A_1582 = arith.addi %mul3A_1580, %add3A_1581 : i32
        %mul3A_1583 = arith.constant 4 : i32
        %mul3A_1584 = arith.muli %add3A_1582, %mul3A_1583 : i32
        %and3A_1585 = arith.constant 3 : i32
        %and3A_1586 = vector.broadcast %and3A_1585 : i32 to vector<16xi32>
        %and3A_1587 = arith.andi %iota3A, %and3A_1586 : vector<16xi32>
        %add3A_1588 = vector.broadcast %mul3A_1584 : i32 to vector<16xi32>
        %add3A_1589 = arith.addi %add3A_1588, %and3A_1587 : vector<16xi32>
        %gather3A_1590 = tpu.vector_load_idx %arg17[%add3A_1589] : memref<320xf32, #tpu.memory_space<vmem>>[vector<16xi32>], vector<16xf32>,
        %get3A = arith.index_cast %add3A_1582 : i32 to index
        %get3A_1591 = arith.constant 0 : index
        %get3A_1592 = tpu.vector_load %arg11[%get3A, %get3A_1591] {strides = array<i32>} : memref<80x144xf32, #tpu.memory_space<vmem>>, vector<16xf32>,
        %mul3A_1593 = arith.mulf %get3A_1592, %gather3A_1590 : vector<16xf32>
        %swap3A_1594 = arith.index_cast %add3A_1582 : i32 to index
        %swap3A_1595 = arith.constant 0 : index
        %swap3A_1596 = tpu.vector_load %arg11[%swap3A_1594, %swap3A_1595] {strides = array<i32>} : memref<80x144xf32, #tpu.memory_space<vmem>>, vector<16xf32>,
        tpu.vector_store %arg11[%swap3A_1594, %swap3A_1595], %mul3A_1593 {strides = array<i32>} : memref<80x144xf32, #tpu.memory_space<vmem>>, vector<16xf32>,
        %get3A_1597 = arith.index_cast %add3A_1582 : i32 to index
        %get3A_1598 = arith.constant 16 : index
        %get3A_1599 = tpu.vector_load %arg11[%get3A_1597, %get3A_1598] {strides = array<i32>} : memref<80x144xf32, #tpu.memory_space<vmem>>, vector<16xf32>,
        %mul3A_1600 = arith.mulf %get3A_1599, %gather3A_1590 : vector<16xf32>
        %swap3A_1601 = arith.index_cast %add3A_1582 : i32 to index
        %swap3A_1602 = arith.constant 16 : index
        %swap3A_1603 = tpu.vector_load %arg11[%swap3A_1601, %swap3A_1602] {strides = array<i32>} : memref<80x144xf32, #tpu.memory_space<vmem>>, vector<16xf32>,
        tpu.vector_store %arg11[%swap3A_1601, %swap3A_1602], %mul3A_1600 {strides = array<i32>} : memref<80x144xf32, #tpu.memory_space<vmem>>, vector<16xf32>,
        %get3A_1604 = arith.index_cast %add3A_1582 : i32 to index
        %get3A_1605 = arith.constant 32 : index
        %get3A_1606 = tpu.vector_load %arg11[%get3A_1604, %get3A_1605] {strides = array<i32>} : memref<80x144xf32, #tpu.memory_space<vmem>>, vector<16xf32>,
        %mul3A_1607 = arith.mulf %get3A_1606, %gather3A_1590 : vector<16xf32>
        %swap3A_1608 = arith.index_cast %add3A_1582 : i32 to index
        %swap3A_1609 = arith.constant 32 : index
        %swap3A_1610 = tpu.vector_load %arg11[%swap3A_1608, %swap3A_1609] {strides = array<i32>} : memref<80x144xf32, #tpu.memory_space<vmem>>, vector<16xf32>,
        tpu.vector_store %arg11[%swap3A_1608, %swap3A_1609], %mul3A_1607 {strides = array<i32>} : memref<80x144xf32, #tpu.memory_space<vmem>>, vector<16xf32>,
        %get3A_1611 = arith.index_cast %add3A_1582 : i32 to index
        %get3A_1612 = arith.constant 48 : index
        %get3A_1613 = tpu.vector_load %arg11[%get3A_1611, %get3A_1612] {strides = array<i32>} : memref<80x144xf32, #tpu.memory_space<vmem>>, vector<16xf32>,
        %mul3A_1614 = arith.mulf %get3A_1613, %gather3A_1590 : vector<16xf32>
        %swap3A_1615 = arith.index_cast %add3A_1582 : i32 to index
        %swap3A_1616 = arith.constant 48 : index
        %swap3A_1617 = tpu.vector_load %arg11[%swap3A_1615, %swap3A_1616] {strides = array<i32>} : memref<80x144xf32, #tpu.memory_space<vmem>>, vector<16xf32>,
        tpu.vector_store %arg11[%swap3A_1615, %swap3A_1616], %mul3A_1614 {strides = array<i32>} : memref<80x144xf32, #tpu.memory_space<vmem>>, vector<16xf32>,
        %get3A_1618 = arith.index_cast %add3A_1582 : i32 to index
        %get3A_1619 = arith.constant 64 : index
        %get3A_1620 = tpu.vector_load %arg11[%get3A_1618, %get3A_1619] {strides = array<i32>} : memref<80x144xf32, #tpu.memory_space<vmem>>, vector<16xf32>,
        %mul3A_1621 = arith.mulf %get3A_1620, %gather3A_1590 : vector<16xf32>
        %swap3A_1622 = arith.index_cast %add3A_1582 : i32 to index
        %swap3A_1623 = arith.constant 64 : index
        %swap3A_1624 = tpu.vector_load %arg11[%swap3A_1622, %swap3A_1623] {strides = array<i32>} : memref<80x144xf32, #tpu.memory_space<vmem>>, vector<16xf32>,
        tpu.vector_store %arg11[%swap3A_1622, %swap3A_1623], %mul3A_1621 {strides = array<i32>} : memref<80x144xf32, #tpu.memory_space<vmem>>, vector<16xf32>,
        %get3A_1625 = arith.index_cast %add3A_1582 : i32 to index
        %get3A_1626 = arith.constant 80 : index
        %get3A_1627 = tpu.vector_load %arg11[%get3A_1625, %get3A_1626] {strides = array<i32>} : memref<80x144xf32, #tpu.memory_space<vmem>>, vector<16xf32>,
        %mul3A_1628 = arith.mulf %get3A_1627, %gather3A_1590 : vector<16xf32>
        %swap3A_1629 = arith.index_cast %add3A_1582 : i32 to index
        %swap3A_1630 = arith.constant 80 : index
        %swap3A_1631 = tpu.vector_load %arg11[%swap3A_1629, %swap3A_1630] {strides = array<i32>} : memref<80x144xf32, #tpu.memory_space<vmem>>, vector<16xf32>,
        tpu.vector_store %arg11[%swap3A_1629, %swap3A_1630], %mul3A_1628 {strides = array<i32>} : memref<80x144xf32, #tpu.memory_space<vmem>>, vector<16xf32>,
        %get3A_1632 = arith.index_cast %add3A_1582 : i32 to index
        %get3A_1633 = arith.constant 96 : index
        %get3A_1634 = tpu.vector_load %arg11[%get3A_1632, %get3A_1633] {strides = array<i32>} : memref<80x144xf32, #tpu.memory_space<vmem>>, vector<16xf32>,
        %mul3A_1635 = arith.mulf %get3A_1634, %gather3A_1590 : vector<16xf32>
        %swap3A_1636 = arith.index_cast %add3A_1582 : i32 to index
        %swap3A_1637 = arith.constant 96 : index
        %swap3A_1638 = tpu.vector_load %arg11[%swap3A_1636, %swap3A_1637] {strides = array<i32>} : memref<80x144xf32, #tpu.memory_space<vmem>>, vector<16xf32>,
        tpu.vector_store %arg11[%swap3A_1636, %swap3A_1637], %mul3A_1635 {strides = array<i32>} : memref<80x144xf32, #tpu.memory_space<vmem>>, vector<16xf32>,
        %get3A_1639 = arith.index_cast %add3A_1582 : i32 to index
        %get3A_1640 = arith.constant 112 : index
        %get3A_1641 = tpu.vector_load %arg11[%get3A_1639, %get3A_1640] {strides = array<i32>} : memref<80x144xf32, #tpu.memory_space<vmem>>, vector<16xf32>,
        %mul3A_1642 = arith.mulf %get3A_1641, %gather3A_1590 : vector<16xf32>
        %swap3A_1643 = arith.index_cast %add3A_1582 : i32 to index
        %swap3A_1644 = arith.constant 112 : index
        %swap3A_1645 = tpu.vector_load %arg11[%swap3A_1643, %swap3A_1644] {strides = array<i32>} : memref<80x144xf32, #tpu.memory_space<vmem>>, vector<16xf32>,
        tpu.vector_store %arg11[%swap3A_1643, %swap3A_1644], %mul3A_1642 {strides = array<i32>} : memref<80x144xf32, #tpu.memory_space<vmem>>, vector<16xf32>,
        %swap3A_1646 = arith.index_cast %add3A_1582 : i32 to index
        %swap3A_1647 = arith.constant 128 : index
        %swap3A_1648 = tpu.vector_load %arg11[%swap3A_1646, %swap3A_1647] {strides = array<i32>} : memref<80x144xf32, #tpu.memory_space<vmem>>, vector<16xf32>,
        tpu.vector_store %arg11[%swap3A_1646, %swap3A_1647], %gather3A_1590 {strides = array<i32>} : memref<80x144xf32, #tpu.memory_space<vmem>>, vector<16xf32>,
        %mul3A_1649 = arith.constant 4 : i32
        %mul3A_1650 = arith.muli %scan3A_1578, %mul3A_1649 : i32
        %add3A_1651 = arith.constant 1 : i32
        %add3A_1652 = arith.addi %mul3A_1650, %add3A_1651 : i32
        %mul3A_1653 = arith.constant 4 : i32
        %mul3A_1654 = arith.muli %add3A_1652, %mul3A_1653 : i32
        %and3A_1655 = arith.constant 3 : i32
        %and3A_1656 = vector.broadcast %and3A_1655 : i32 to vector<16xi32>
        %and3A_1657 = arith.andi %iota3A, %and3A_1656 : vector<16xi32>
        %add3A_1658 = vector.broadcast %mul3A_1654 : i32 to vector<16xi32>
        %add3A_1659 = arith.addi %add3A_1658, %and3A_1657 : vector<16xi32>
        %gather3A_1660 = tpu.vector_load_idx %arg17[%add3A_1659] : memref<320xf32, #tpu.memory_space<vmem>>[vector<16xi32>], vector<16xf32>,
        %get3A_1661 = arith.index_cast %add3A_1652 : i32 to index
        %get3A_1662 = arith.constant 0 : index
        %get3A_1663 = tpu.vector_load %arg11[%get3A_1661, %get3A_1662] {strides = array<i32>} : memref<80x144xf32, #tpu.memory_space<vmem>>, vector<16xf32>,
        %mul3A_1664 = arith.mulf %get3A_1663, %gather3A_1660 : vector<16xf32>
        %swap3A_1665 = arith.index_cast %add3A_1652 : i32 to index
        %swap3A_1666 = arith.constant 0 : index
        %swap3A_1667 = tpu.vector_load %arg11[%swap3A_1665, %swap3A_1666] {strides = array<i32>} : memref<80x144xf32, #tpu.memory_space<vmem>>, vector<16xf32>,
        tpu.vector_store %arg11[%swap3A_1665, %swap3A_1666], %mul3A_1664 {strides = array<i32>} : memref<80x144xf32, #tpu.memory_space<vmem>>, vector<16xf32>,
        %get3A_1668 = arith.index_cast %add3A_1652 : i32 to index
        %get3A_1669 = arith.constant 16 : index
        %get3A_1670 = tpu.vector_load %arg11[%get3A_1668, %get3A_1669] {strides = array<i32>} : memref<80x144xf32, #tpu.memory_space<vmem>>, vector<16xf32>,
        %mul3A_1671 = arith.mulf %get3A_1670, %gather3A_1660 : vector<16xf32>
        %swap3A_1672 = arith.index_cast %add3A_1652 : i32 to index
        %swap3A_1673 = arith.constant 16 : index
        %swap3A_1674 = tpu.vector_load %arg11[%swap3A_1672, %swap3A_1673] {strides = array<i32>} : memref<80x144xf32, #tpu.memory_space<vmem>>, vector<16xf32>,
        tpu.vector_store %arg11[%swap3A_1672, %swap3A_1673], %mul3A_1671 {strides = array<i32>} : memref<80x144xf32, #tpu.memory_space<vmem>>, vector<16xf32>,
        %get3A_1675 = arith.index_cast %add3A_1652 : i32 to index
        %get3A_1676 = arith.constant 32 : index
        %get3A_1677 = tpu.vector_load %arg11[%get3A_1675, %get3A_1676] {strides = array<i32>} : memref<80x144xf32, #tpu.memory_space<vmem>>, vector<16xf32>,
        %mul3A_1678 = arith.mulf %get3A_1677, %gather3A_1660 : vector<16xf32>
        %swap3A_1679 = arith.index_cast %add3A_1652 : i32 to index
        %swap3A_1680 = arith.constant 32 : index
        %swap3A_1681 = tpu.vector_load %arg11[%swap3A_1679, %swap3A_1680] {strides = array<i32>} : memref<80x144xf32, #tpu.memory_space<vmem>>, vector<16xf32>,
        tpu.vector_store %arg11[%swap3A_1679, %swap3A_1680], %mul3A_1678 {strides = array<i32>} : memref<80x144xf32, #tpu.memory_space<vmem>>, vector<16xf32>,
        %get3A_1682 = arith.index_cast %add3A_1652 : i32 to index
        %get3A_1683 = arith.constant 48 : index
        %get3A_1684 = tpu.vector_load %arg11[%get3A_1682, %get3A_1683] {strides = array<i32>} : memref<80x144xf32, #tpu.memory_space<vmem>>, vector<16xf32>,
        %mul3A_1685 = arith.mulf %get3A_1684, %gather3A_1660 : vector<16xf32>
        %swap3A_1686 = arith.index_cast %add3A_1652 : i32 to index
        %swap3A_1687 = arith.constant 48 : index
        %swap3A_1688 = tpu.vector_load %arg11[%swap3A_1686, %swap3A_1687] {strides = array<i32>} : memref<80x144xf32, #tpu.memory_space<vmem>>, vector<16xf32>,
        tpu.vector_store %arg11[%swap3A_1686, %swap3A_1687], %mul3A_1685 {strides = array<i32>} : memref<80x144xf32, #tpu.memory_space<vmem>>, vector<16xf32>,
        %get3A_1689 = arith.index_cast %add3A_1652 : i32 to index
        %get3A_1690 = arith.constant 64 : index
        %get3A_1691 = tpu.vector_load %arg11[%get3A_1689, %get3A_1690] {strides = array<i32>} : memref<80x144xf32, #tpu.memory_space<vmem>>, vector<16xf32>,
        %mul3A_1692 = arith.mulf %get3A_1691, %gather3A_1660 : vector<16xf32>
        %swap3A_1693 = arith.index_cast %add3A_1652 : i32 to index
        %swap3A_1694 = arith.constant 64 : index
        %swap3A_1695 = tpu.vector_load %arg11[%swap3A_1693, %swap3A_1694] {strides = array<i32>} : memref<80x144xf32, #tpu.memory_space<vmem>>, vector<16xf32>,
        tpu.vector_store %arg11[%swap3A_1693, %swap3A_1694], %mul3A_1692 {strides = array<i32>} : memref<80x144xf32, #tpu.memory_space<vmem>>, vector<16xf32>,
        %get3A_1696 = arith.index_cast %add3A_1652 : i32 to index
        %get3A_1697 = arith.constant 80 : index
        %get3A_1698 = tpu.vector_load %arg11[%get3A_1696, %get3A_1697] {strides = array<i32>} : memref<80x144xf32, #tpu.memory_space<vmem>>, vector<16xf32>,
        %mul3A_1699 = arith.mulf %get3A_1698, %gather3A_1660 : vector<16xf32>
        %swap3A_1700 = arith.index_cast %add3A_1652 : i32 to index
        %swap3A_1701 = arith.constant 80 : index
        %swap3A_1702 = tpu.vector_load %arg11[%swap3A_1700, %swap3A_1701] {strides = array<i32>} : memref<80x144xf32, #tpu.memory_space<vmem>>, vector<16xf32>,
        tpu.vector_store %arg11[%swap3A_1700, %swap3A_1701], %mul3A_1699 {strides = array<i32>} : memref<80x144xf32, #tpu.memory_space<vmem>>, vector<16xf32>,
        %get3A_1703 = arith.index_cast %add3A_1652 : i32 to index
        %get3A_1704 = arith.constant 96 : index
        %get3A_1705 = tpu.vector_load %arg11[%get3A_1703, %get3A_1704] {strides = array<i32>} : memref<80x144xf32, #tpu.memory_space<vmem>>, vector<16xf32>,
        %mul3A_1706 = arith.mulf %get3A_1705, %gather3A_1660 : vector<16xf32>
        %swap3A_1707 = arith.index_cast %add3A_1652 : i32 to index
        %swap3A_1708 = arith.constant 96 : index
        %swap3A_1709 = tpu.vector_load %arg11[%swap3A_1707, %swap3A_1708] {strides = array<i32>} : memref<80x144xf32, #tpu.memory_space<vmem>>, vector<16xf32>,
        tpu.vector_store %arg11[%swap3A_1707, %swap3A_1708], %mul3A_1706 {strides = array<i32>} : memref<80x144xf32, #tpu.memory_space<vmem>>, vector<16xf32>,
        %get3A_1710 = arith.index_cast %add3A_1652 : i32 to index
        %get3A_1711 = arith.constant 112 : index
        %get3A_1712 = tpu.vector_load %arg11[%get3A_1710, %get3A_1711] {strides = array<i32>} : memref<80x144xf32, #tpu.memory_space<vmem>>, vector<16xf32>,
        %mul3A_1713 = arith.mulf %get3A_1712, %gather3A_1660 : vector<16xf32>
        %swap3A_1714 = arith.index_cast %add3A_1652 : i32 to index
        %swap3A_1715 = arith.constant 112 : index
        %swap3A_1716 = tpu.vector_load %arg11[%swap3A_1714, %swap3A_1715] {strides = array<i32>} : memref<80x144xf32, #tpu.memory_space<vmem>>, vector<16xf32>,
        tpu.vector_store %arg11[%swap3A_1714, %swap3A_1715], %mul3A_1713 {strides = array<i32>} : memref<80x144xf32, #tpu.memory_space<vmem>>, vector<16xf32>,
        %swap3A_1717 = arith.index_cast %add3A_1652 : i32 to index
        %swap3A_1718 = arith.constant 128 : index
        %swap3A_1719 = tpu.vector_load %arg11[%swap3A_1717, %swap3A_1718] {strides = array<i32>} : memref<80x144xf32, #tpu.memory_space<vmem>>, vector<16xf32>,
        tpu.vector_store %arg11[%swap3A_1717, %swap3A_1718], %gather3A_1660 {strides = array<i32>} : memref<80x144xf32, #tpu.memory_space<vmem>>, vector<16xf32>,
        %mul3A_1720 = arith.constant 4 : i32
        %mul3A_1721 = arith.muli %scan3A_1578, %mul3A_1720 : i32
        %add3A_1722 = arith.constant 2 : i32
        %add3A_1723 = arith.addi %mul3A_1721, %add3A_1722 : i32
        %mul3A_1724 = arith.constant 4 : i32
        %mul3A_1725 = arith.muli %add3A_1723, %mul3A_1724 : i32
        %and3A_1726 = arith.constant 3 : i32
        %and3A_1727 = vector.broadcast %and3A_1726 : i32 to vector<16xi32>
        %and3A_1728 = arith.andi %iota3A, %and3A_1727 : vector<16xi32>
        %add3A_1729 = vector.broadcast %mul3A_1725 : i32 to vector<16xi32>
        %add3A_1730 = arith.addi %add3A_1729, %and3A_1728 : vector<16xi32>
        %gather3A_1731 = tpu.vector_load_idx %arg17[%add3A_1730] : memref<320xf32, #tpu.memory_space<vmem>>[vector<16xi32>], vector<16xf32>,
        %get3A_1732 = arith.index_cast %add3A_1723 : i32 to index
        %get3A_1733 = arith.constant 0 : index
        %get3A_1734 = tpu.vector_load %arg11[%get3A_1732, %get3A_1733] {strides = array<i32>} : memref<80x144xf32, #tpu.memory_space<vmem>>, vector<16xf32>,
        %mul3A_1735 = arith.mulf %get3A_1734, %gather3A_1731 : vector<16xf32>
        %swap3A_1736 = arith.index_cast %add3A_1723 : i32 to index
        %swap3A_1737 = arith.constant 0 : index
        %swap3A_1738 = tpu.vector_load %arg11[%swap3A_1736, %swap3A_1737] {strides = array<i32>} : memref<80x144xf32, #tpu.memory_space<vmem>>, vector<16xf32>,
        tpu.vector_store %arg11[%swap3A_1736, %swap3A_1737], %mul3A_1735 {strides = array<i32>} : memref<80x144xf32, #tpu.memory_space<vmem>>, vector<16xf32>,
        %get3A_1739 = arith.index_cast %add3A_1723 : i32 to index
        %get3A_1740 = arith.constant 16 : index
        %get3A_1741 = tpu.vector_load %arg11[%get3A_1739, %get3A_1740] {strides = array<i32>} : memref<80x144xf32, #tpu.memory_space<vmem>>, vector<16xf32>,
        %mul3A_1742 = arith.mulf %get3A_1741, %gather3A_1731 : vector<16xf32>
        %swap3A_1743 = arith.index_cast %add3A_1723 : i32 to index
        %swap3A_1744 = arith.constant 16 : index
        %swap3A_1745 = tpu.vector_load %arg11[%swap3A_1743, %swap3A_1744] {strides = array<i32>} : memref<80x144xf32, #tpu.memory_space<vmem>>, vector<16xf32>,
        tpu.vector_store %arg11[%swap3A_1743, %swap3A_1744], %mul3A_1742 {strides = array<i32>} : memref<80x144xf32, #tpu.memory_space<vmem>>, vector<16xf32>,
        %get3A_1746 = arith.index_cast %add3A_1723 : i32 to index
        %get3A_1747 = arith.constant 32 : index
        %get3A_1748 = tpu.vector_load %arg11[%get3A_1746, %get3A_1747] {strides = array<i32>} : memref<80x144xf32, #tpu.memory_space<vmem>>, vector<16xf32>,
        %mul3A_1749 = arith.mulf %get3A_1748, %gather3A_1731 : vector<16xf32>
        %swap3A_1750 = arith.index_cast %add3A_1723 : i32 to index
        %swap3A_1751 = arith.constant 32 : index
        %swap3A_1752 = tpu.vector_load %arg11[%swap3A_1750, %swap3A_1751] {strides = array<i32>} : memref<80x144xf32, #tpu.memory_space<vmem>>, vector<16xf32>,
        tpu.vector_store %arg11[%swap3A_1750, %swap3A_1751], %mul3A_1749 {strides = array<i32>} : memref<80x144xf32, #tpu.memory_space<vmem>>, vector<16xf32>,
        %get3A_1753 = arith.index_cast %add3A_1723 : i32 to index
        %get3A_1754 = arith.constant 48 : index
        %get3A_1755 = tpu.vector_load %arg11[%get3A_1753, %get3A_1754] {strides = array<i32>} : memref<80x144xf32, #tpu.memory_space<vmem>>, vector<16xf32>,
        %mul3A_1756 = arith.mulf %get3A_1755, %gather3A_1731 : vector<16xf32>
        %swap3A_1757 = arith.index_cast %add3A_1723 : i32 to index
        %swap3A_1758 = arith.constant 48 : index
        %swap3A_1759 = tpu.vector_load %arg11[%swap3A_1757, %swap3A_1758] {strides = array<i32>} : memref<80x144xf32, #tpu.memory_space<vmem>>, vector<16xf32>,
        tpu.vector_store %arg11[%swap3A_1757, %swap3A_1758], %mul3A_1756 {strides = array<i32>} : memref<80x144xf32, #tpu.memory_space<vmem>>, vector<16xf32>,
        %get3A_1760 = arith.index_cast %add3A_1723 : i32 to index
        %get3A_1761 = arith.constant 64 : index
        %get3A_1762 = tpu.vector_load %arg11[%get3A_1760, %get3A_1761] {strides = array<i32>} : memref<80x144xf32, #tpu.memory_space<vmem>>, vector<16xf32>,
        %mul3A_1763 = arith.mulf %get3A_1762, %gather3A_1731 : vector<16xf32>
        %swap3A_1764 = arith.index_cast %add3A_1723 : i32 to index
        %swap3A_1765 = arith.constant 64 : index
        %swap3A_1766 = tpu.vector_load %arg11[%swap3A_1764, %swap3A_1765] {strides = array<i32>} : memref<80x144xf32, #tpu.memory_space<vmem>>, vector<16xf32>,
        tpu.vector_store %arg11[%swap3A_1764, %swap3A_1765], %mul3A_1763 {strides = array<i32>} : memref<80x144xf32, #tpu.memory_space<vmem>>, vector<16xf32>,
        %get3A_1767 = arith.index_cast %add3A_1723 : i32 to index
        %get3A_1768 = arith.constant 80 : index
        %get3A_1769 = tpu.vector_load %arg11[%get3A_1767, %get3A_1768] {strides = array<i32>} : memref<80x144xf32, #tpu.memory_space<vmem>>, vector<16xf32>,
        %mul3A_1770 = arith.mulf %get3A_1769, %gather3A_1731 : vector<16xf32>
        %swap3A_1771 = arith.index_cast %add3A_1723 : i32 to index
        %swap3A_1772 = arith.constant 80 : index
        %swap3A_1773 = tpu.vector_load %arg11[%swap3A_1771, %swap3A_1772] {strides = array<i32>} : memref<80x144xf32, #tpu.memory_space<vmem>>, vector<16xf32>,
        tpu.vector_store %arg11[%swap3A_1771, %swap3A_1772], %mul3A_1770 {strides = array<i32>} : memref<80x144xf32, #tpu.memory_space<vmem>>, vector<16xf32>,
        %get3A_1774 = arith.index_cast %add3A_1723 : i32 to index
        %get3A_1775 = arith.constant 96 : index
        %get3A_1776 = tpu.vector_load %arg11[%get3A_1774, %get3A_1775] {strides = array<i32>} : memref<80x144xf32, #tpu.memory_space<vmem>>, vector<16xf32>,
        %mul3A_1777 = arith.mulf %get3A_1776, %gather3A_1731 : vector<16xf32>
        %swap3A_1778 = arith.index_cast %add3A_1723 : i32 to index
        %swap3A_1779 = arith.constant 96 : index
        %swap3A_1780 = tpu.vector_load %arg11[%swap3A_1778, %swap3A_1779] {strides = array<i32>} : memref<80x144xf32, #tpu.memory_space<vmem>>, vector<16xf32>,
        tpu.vector_store %arg11[%swap3A_1778, %swap3A_1779], %mul3A_1777 {strides = array<i32>} : memref<80x144xf32, #tpu.memory_space<vmem>>, vector<16xf32>,
        %get3A_1781 = arith.index_cast %add3A_1723 : i32 to index
        %get3A_1782 = arith.constant 112 : index
        %get3A_1783 = tpu.vector_load %arg11[%get3A_1781, %get3A_1782] {strides = array<i32>} : memref<80x144xf32, #tpu.memory_space<vmem>>, vector<16xf32>,
        %mul3A_1784 = arith.mulf %get3A_1783, %gather3A_1731 : vector<16xf32>
        %swap3A_1785 = arith.index_cast %add3A_1723 : i32 to index
        %swap3A_1786 = arith.constant 112 : index
        %swap3A_1787 = tpu.vector_load %arg11[%swap3A_1785, %swap3A_1786] {strides = array<i32>} : memref<80x144xf32, #tpu.memory_space<vmem>>, vector<16xf32>,
        tpu.vector_store %arg11[%swap3A_1785, %swap3A_1786], %mul3A_1784 {strides = array<i32>} : memref<80x144xf32, #tpu.memory_space<vmem>>, vector<16xf32>,
        %swap3A_1788 = arith.index_cast %add3A_1723 : i32 to index
        %swap3A_1789 = arith.constant 128 : index
        %swap3A_1790 = tpu.vector_load %arg11[%swap3A_1788, %swap3A_1789] {strides = array<i32>} : memref<80x144xf32, #tpu.memory_space<vmem>>, vector<16xf32>,
        tpu.vector_store %arg11[%swap3A_1788, %swap3A_1789], %gather3A_1731 {strides = array<i32>} : memref<80x144xf32, #tpu.memory_space<vmem>>, vector<16xf32>,
        %mul3A_1791 = arith.constant 4 : i32
        %mul3A_1792 = arith.muli %scan3A_1578, %mul3A_1791 : i32
        %add3A_1793 = arith.constant 3 : i32
        %add3A_1794 = arith.addi %mul3A_1792, %add3A_1793 : i32
        %mul3A_1795 = arith.constant 4 : i32
        %mul3A_1796 = arith.muli %add3A_1794, %mul3A_1795 : i32
        %and3A_1797 = arith.constant 3 : i32
        %and3A_1798 = vector.broadcast %and3A_1797 : i32 to vector<16xi32>
        %and3A_1799 = arith.andi %iota3A, %and3A_1798 : vector<16xi32>
        %add3A_1800 = vector.broadcast %mul3A_1796 : i32 to vector<16xi32>
        %add3A_1801 = arith.addi %add3A_1800, %and3A_1799 : vector<16xi32>
        %gather3A_1802 = tpu.vector_load_idx %arg17[%add3A_1801] : memref<320xf32, #tpu.memory_space<vmem>>[vector<16xi32>], vector<16xf32>,
        %get3A_1803 = arith.index_cast %add3A_1794 : i32 to index
        %get3A_1804 = arith.constant 0 : index
        %get3A_1805 = tpu.vector_load %arg11[%get3A_1803, %get3A_1804] {strides = array<i32>} : memref<80x144xf32, #tpu.memory_space<vmem>>, vector<16xf32>,
        %mul3A_1806 = arith.mulf %get3A_1805, %gather3A_1802 : vector<16xf32>
        %swap3A_1807 = arith.index_cast %add3A_1794 : i32 to index
        %swap3A_1808 = arith.constant 0 : index
        %swap3A_1809 = tpu.vector_load %arg11[%swap3A_1807, %swap3A_1808] {strides = array<i32>} : memref<80x144xf32, #tpu.memory_space<vmem>>, vector<16xf32>,
        tpu.vector_store %arg11[%swap3A_1807, %swap3A_1808], %mul3A_1806 {strides = array<i32>} : memref<80x144xf32, #tpu.memory_space<vmem>>, vector<16xf32>,
        %get3A_1810 = arith.index_cast %add3A_1794 : i32 to index
        %get3A_1811 = arith.constant 16 : index
        %get3A_1812 = tpu.vector_load %arg11[%get3A_1810, %get3A_1811] {strides = array<i32>} : memref<80x144xf32, #tpu.memory_space<vmem>>, vector<16xf32>,
        %mul3A_1813 = arith.mulf %get3A_1812, %gather3A_1802 : vector<16xf32>
        %swap3A_1814 = arith.index_cast %add3A_1794 : i32 to index
        %swap3A_1815 = arith.constant 16 : index
        %swap3A_1816 = tpu.vector_load %arg11[%swap3A_1814, %swap3A_1815] {strides = array<i32>} : memref<80x144xf32, #tpu.memory_space<vmem>>, vector<16xf32>,
        tpu.vector_store %arg11[%swap3A_1814, %swap3A_1815], %mul3A_1813 {strides = array<i32>} : memref<80x144xf32, #tpu.memory_space<vmem>>, vector<16xf32>,
        %get3A_1817 = arith.index_cast %add3A_1794 : i32 to index
        %get3A_1818 = arith.constant 32 : index
        %get3A_1819 = tpu.vector_load %arg11[%get3A_1817, %get3A_1818] {strides = array<i32>} : memref<80x144xf32, #tpu.memory_space<vmem>>, vector<16xf32>,
        %mul3A_1820 = arith.mulf %get3A_1819, %gather3A_1802 : vector<16xf32>
        %swap3A_1821 = arith.index_cast %add3A_1794 : i32 to index
        %swap3A_1822 = arith.constant 32 : index
        %swap3A_1823 = tpu.vector_load %arg11[%swap3A_1821, %swap3A_1822] {strides = array<i32>} : memref<80x144xf32, #tpu.memory_space<vmem>>, vector<16xf32>,
        tpu.vector_store %arg11[%swap3A_1821, %swap3A_1822], %mul3A_1820 {strides = array<i32>} : memref<80x144xf32, #tpu.memory_space<vmem>>, vector<16xf32>,
        %get3A_1824 = arith.index_cast %add3A_1794 : i32 to index
        %get3A_1825 = arith.constant 48 : index
        %get3A_1826 = tpu.vector_load %arg11[%get3A_1824, %get3A_1825] {strides = array<i32>} : memref<80x144xf32, #tpu.memory_space<vmem>>, vector<16xf32>,
        %mul3A_1827 = arith.mulf %get3A_1826, %gather3A_1802 : vector<16xf32>
        %swap3A_1828 = arith.index_cast %add3A_1794 : i32 to index
        %swap3A_1829 = arith.constant 48 : index
        %swap3A_1830 = tpu.vector_load %arg11[%swap3A_1828, %swap3A_1829] {strides = array<i32>} : memref<80x144xf32, #tpu.memory_space<vmem>>, vector<16xf32>,
        tpu.vector_store %arg11[%swap3A_1828, %swap3A_1829], %mul3A_1827 {strides = array<i32>} : memref<80x144xf32, #tpu.memory_space<vmem>>, vector<16xf32>,
        %get3A_1831 = arith.index_cast %add3A_1794 : i32 to index
        %get3A_1832 = arith.constant 64 : index
        %get3A_1833 = tpu.vector_load %arg11[%get3A_1831, %get3A_1832] {strides = array<i32>} : memref<80x144xf32, #tpu.memory_space<vmem>>, vector<16xf32>,
        %mul3A_1834 = arith.mulf %get3A_1833, %gather3A_1802 : vector<16xf32>
        %swap3A_1835 = arith.index_cast %add3A_1794 : i32 to index
        %swap3A_1836 = arith.constant 64 : index
        %swap3A_1837 = tpu.vector_load %arg11[%swap3A_1835, %swap3A_1836] {strides = array<i32>} : memref<80x144xf32, #tpu.memory_space<vmem>>, vector<16xf32>,
        tpu.vector_store %arg11[%swap3A_1835, %swap3A_1836], %mul3A_1834 {strides = array<i32>} : memref<80x144xf32, #tpu.memory_space<vmem>>, vector<16xf32>,
        %get3A_1838 = arith.index_cast %add3A_1794 : i32 to index
        %get3A_1839 = arith.constant 80 : index
        %get3A_1840 = tpu.vector_load %arg11[%get3A_1838, %get3A_1839] {strides = array<i32>} : memref<80x144xf32, #tpu.memory_space<vmem>>, vector<16xf32>,
        %mul3A_1841 = arith.mulf %get3A_1840, %gather3A_1802 : vector<16xf32>
        %swap3A_1842 = arith.index_cast %add3A_1794 : i32 to index
        %swap3A_1843 = arith.constant 80 : index
        %swap3A_1844 = tpu.vector_load %arg11[%swap3A_1842, %swap3A_1843] {strides = array<i32>} : memref<80x144xf32, #tpu.memory_space<vmem>>, vector<16xf32>,
        tpu.vector_store %arg11[%swap3A_1842, %swap3A_1843], %mul3A_1841 {strides = array<i32>} : memref<80x144xf32, #tpu.memory_space<vmem>>, vector<16xf32>,
        %get3A_1845 = arith.index_cast %add3A_1794 : i32 to index
        %get3A_1846 = arith.constant 96 : index
        %get3A_1847 = tpu.vector_load %arg11[%get3A_1845, %get3A_1846] {strides = array<i32>} : memref<80x144xf32, #tpu.memory_space<vmem>>, vector<16xf32>,
        %mul3A_1848 = arith.mulf %get3A_1847, %gather3A_1802 : vector<16xf32>
        %swap3A_1849 = arith.index_cast %add3A_1794 : i32 to index
        %swap3A_1850 = arith.constant 96 : index
        %swap3A_1851 = tpu.vector_load %arg11[%swap3A_1849, %swap3A_1850] {strides = array<i32>} : memref<80x144xf32, #tpu.memory_space<vmem>>, vector<16xf32>,
        tpu.vector_store %arg11[%swap3A_1849, %swap3A_1850], %mul3A_1848 {strides = array<i32>} : memref<80x144xf32, #tpu.memory_space<vmem>>, vector<16xf32>,
        %get3A_1852 = arith.index_cast %add3A_1794 : i32 to index
        %get3A_1853 = arith.constant 112 : index
        %get3A_1854 = tpu.vector_load %arg11[%get3A_1852, %get3A_1853] {strides = array<i32>} : memref<80x144xf32, #tpu.memory_space<vmem>>, vector<16xf32>,
        %mul3A_1855 = arith.mulf %get3A_1854, %gather3A_1802 : vector<16xf32>
        %swap3A_1856 = arith.index_cast %add3A_1794 : i32 to index
        %swap3A_1857 = arith.constant 112 : index
        %swap3A_1858 = tpu.vector_load %arg11[%swap3A_1856, %swap3A_1857] {strides = array<i32>} : memref<80x144xf32, #tpu.memory_space<vmem>>, vector<16xf32>,
        tpu.vector_store %arg11[%swap3A_1856, %swap3A_1857], %mul3A_1855 {strides = array<i32>} : memref<80x144xf32, #tpu.memory_space<vmem>>, vector<16xf32>,
        %swap3A_1859 = arith.index_cast %add3A_1794 : i32 to index
        %swap3A_1860 = arith.constant 128 : index
        %swap3A_1861 = tpu.vector_load %arg11[%swap3A_1859, %swap3A_1860] {strides = array<i32>} : memref<80x144xf32, #tpu.memory_space<vmem>>, vector<16xf32>,
        tpu.vector_store %arg11[%swap3A_1859, %swap3A_1860], %gather3A_1802 {strides = array<i32>} : memref<80x144xf32, #tpu.memory_space<vmem>>, vector<16xf32>,
      }
      %scan3A_1083 = arith.constant 20 : i32
      "tpu.region"() ({
        %run_scoped3A = tpu.sem_alloc : memref<!tpu.dma_semaphore, #tpu.memory_space<semaphore_mem>>
        %dma_start3A_1578 = arith.constant 0 : i32
        %dma_start3A_1579 = arith.constant 0 : i32
        %dma_start3A_1580 = tpu.memref_slice %arg18[%dma_start3A_1578, %dma_start3A_1579] : memref<10240x144xf32, #tpu.memory_space<vmem_shared>> -> memref<10240x144xf32, #tpu.memory_space<vmem_shared>>
        tpu.enqueue_indirect_dma source(%arg11 : memref<80x144xf32, #tpu.memory_space<vmem>>) target(%dma_start3A_1580 : memref<10240x144xf32, #tpu.memory_space<vmem_shared>>) offsets(%arg8 : memref<80xi32, #tpu.memory_space<vmem>>) semaphore(%run_scoped3A : memref<!tpu.dma_semaphore, #tpu.memory_space<semaphore_mem>>) {add = true}
        %dma_wait3A_1581 = arith.constant 0 : i32
        %dma_wait3A_1582 = arith.constant 0 : i32
        %dma_wait3A_1583 = tpu.memref_slice %arg18[%dma_wait3A_1581, %dma_wait3A_1582] : memref<10240x144xf32, #tpu.memory_space<vmem_shared>> -> memref<10240x144xf32, #tpu.memory_space<vmem_shared>>
        tpu.wait_indirect_dma semaphore(%run_scoped3A : memref<!tpu.dma_semaphore, #tpu.memory_space<semaphore_mem>>) src(%arg11 : memref<80x144xf32, #tpu.memory_space<vmem>>) dst(%dma_wait3A_1583 : memref<10240x144xf32, #tpu.memory_space<vmem_shared>>)
        tpu.yield
      }) : () -> ()
      %dma_start3A_1084 = tpu.memref_slice %arg3[%multiple_of3A_1075] : memref<320000xi32, #tpu.memory_space<hbm>> -> memref<80xi32, #tpu.memory_space<hbm>>
      %dma_start3A_1085 = tpu.memref_slice %arg3[%multiple_of3A_1075] : memref<320000xi32, #tpu.memory_space<hbm>> -> memref<80xi32, #tpu.memory_space<hbm>>
      tpu.enqueue_dma source(%dma_start3A_1085 : memref<80xi32, #tpu.memory_space<hbm>>) target(%arg8 : memref<80xi32, #tpu.memory_space<vmem>>) target_semaphore(%arg20 : memref<!tpu.dma_semaphore, #tpu.memory_space<semaphore_mem>>)
      %mul3A_1086 = arith.constant 2 : i32
      %mul3A_1087 = arith.muli %mul3A_1086, %scan3A_595 : i32
      %add3A_1088 = arith.constant 1 : i32
      %add3A_1089 = arith.addi %mul3A_1087, %add3A_1088 : i32
      %add3A_1090 = arith.constant 1 : i32
      %add3A_1091 = arith.addi %add3A_1089, %add3A_1090 : i32
      %min3A_1092 = arith.constant 124 : i32
      %min3A_1093 = arith.minsi %add3A_1091, %min3A_1092 : i32
      %mul3A_1094 = arith.constant 80 : i32
      %mul3A_1095 = arith.muli %min3A_1093, %mul3A_1094 : i32
      %add3A_1096 = arith.addi %mul3A_40, %mul3A_1095 : i32
      %multiple_of3A_1097 = tpu.assume_multiple %add3A_1096, 8 : i32
      %dma_wait3A_1098 = tpu.memref_slice %arg2[%multiple_of3A_1097] : memref<320000xi32, #tpu.memory_space<hbm>> -> memref<80xi32, #tpu.memory_space<hbm>>
      %dma_wait3A_1099 = tpu.memref_slice %arg2[%multiple_of3A_1097] : memref<320000xi32, #tpu.memory_space<hbm>> -> memref<80xi32, #tpu.memory_space<hbm>>
      tpu.wait_dma2 semaphore(%arg19 : memref<!tpu.dma_semaphore, #tpu.memory_space<semaphore_mem>>) src(%dma_wait3A_1099 : memref<80xi32, #tpu.memory_space<hbm>>) dst(%arg7 : memref<80xi32, #tpu.memory_space<vmem>>)
      %dma_wait3A_1100 = tpu.memref_slice %arg3[%multiple_of3A_1097] : memref<320000xi32, #tpu.memory_space<hbm>> -> memref<80xi32, #tpu.memory_space<hbm>>
      %dma_wait3A_1101 = tpu.memref_slice %arg3[%multiple_of3A_1097] : memref<320000xi32, #tpu.memory_space<hbm>> -> memref<80xi32, #tpu.memory_space<hbm>>
      tpu.wait_dma2 semaphore(%arg20 : memref<!tpu.dma_semaphore, #tpu.memory_space<semaphore_mem>>) src(%dma_wait3A_1101 : memref<80xi32, #tpu.memory_space<hbm>>) dst(%arg8 : memref<80xi32, #tpu.memory_space<vmem>>)
      %dma_start3A_1102 = arith.constant 0 : i32
      %dma_start3A_1103 = arith.constant 0 : i32
      %dma_start3A_1104 = tpu.memref_slice %arg4[%dma_start3A_1102, %dma_start3A_1103] : memref<10000x8xf32, #tpu.memory_space<hbm>> -> memref<10000x8xf32, #tpu.memory_space<hbm>>
      tpu.enqueue_indirect_dma source(%dma_start3A_1104 : memref<10000x8xf32, #tpu.memory_space<hbm>>) target(%arg9 : memref<80x8xf32, #tpu.memory_space<vmem>>) offsets(%arg7 : memref<80xi32, #tpu.memory_space<vmem>>) semaphore(%arg21 : memref<!tpu.dma_semaphore, #tpu.memory_space<semaphore_mem>>)
      %dma_start3A_1105 = arith.constant 0 : i32
      %dma_start3A_1106 = arith.constant 0 : i32
      %dma_start3A_1107 = tpu.memref_slice %arg4[%dma_start3A_1105, %dma_start3A_1106] : memref<10000x8xf32, #tpu.memory_space<hbm>> -> memref<10000x8xf32, #tpu.memory_space<hbm>>
      tpu.enqueue_indirect_dma source(%dma_start3A_1107 : memref<10000x8xf32, #tpu.memory_space<hbm>>) target(%arg10 : memref<80x8xf32, #tpu.memory_space<vmem>>) offsets(%arg8 : memref<80xi32, #tpu.memory_space<vmem>>) semaphore(%arg22 : memref<!tpu.dma_semaphore, #tpu.memory_space<semaphore_mem>>)
      %dma_start3A_1108 = arith.constant 0 : i32
      %dma_start3A_1109 = arith.constant 0 : i32
      %dma_start3A_1110 = tpu.memref_slice %arg5[%dma_start3A_1108, %dma_start3A_1109] : memref<10000x144xf32, #tpu.memory_space<hbm>> -> memref<10000x144xf32, #tpu.memory_space<hbm>>
      tpu.enqueue_indirect_dma source(%dma_start3A_1110 : memref<10000x144xf32, #tpu.memory_space<hbm>>) target(%arg11 : memref<80x144xf32, #tpu.memory_space<vmem>>) offsets(%arg7 : memref<80xi32, #tpu.memory_space<vmem>>) semaphore(%arg23 : memref<!tpu.dma_semaphore, #tpu.memory_space<semaphore_mem>>)
      %dma_wait3A_1111 = arith.constant 0 : i32
      %dma_wait3A_1112 = arith.constant 0 : i32
      %dma_wait3A_1113 = tpu.memref_slice %arg4[%dma_wait3A_1111, %dma_wait3A_1112] : memref<10000x8xf32, #tpu.memory_space<hbm>> -> memref<10000x8xf32, #tpu.memory_space<hbm>>
      tpu.wait_indirect_dma semaphore(%arg26 : memref<!tpu.dma_semaphore, #tpu.memory_space<semaphore_mem>>) src(%dma_wait3A_1113 : memref<10000x8xf32, #tpu.memory_space<hbm>>) dst(%arg14 : memref<80x8xf32, #tpu.memory_space<vmem>>)
      %dma_wait3A_1114 = arith.constant 0 : i32
      %dma_wait3A_1115 = arith.constant 0 : i32
      %dma_wait3A_1116 = tpu.memref_slice %arg4[%dma_wait3A_1114, %dma_wait3A_1115] : memref<10000x8xf32, #tpu.memory_space<hbm>> -> memref<10000x8xf32, #tpu.memory_space<hbm>>
      tpu.wait_indirect_dma semaphore(%arg27 : memref<!tpu.dma_semaphore, #tpu.memory_space<semaphore_mem>>) src(%dma_wait3A_1116 : memref<10000x8xf32, #tpu.memory_space<hbm>>) dst(%arg15 : memref<80x8xf32, #tpu.memory_space<vmem>>)
      %add3A_1117 = arith.constant 0 : i32
      %add3A_1118 = vector.broadcast %add3A_1117 : i32 to vector<16xi32>
      %add3A_1119 = arith.addi %add3A_1118, %select_n3A : vector<16xi32>
      %gather3A_1120 = tpu.vector_load_idx %arg14[%add3A_1119, %select_n3A_83] : memref<80x8xf32, #tpu.memory_space<vmem>>[vector<16xi32>, vector<16xi32>], vector<16xf32>,
      %add3A_1121 = arith.constant 0 : i32
      %add3A_1122 = vector.broadcast %add3A_1121 : i32 to vector<16xi32>
      %add3A_1123 = arith.addi %add3A_1122, %select_n3A : vector<16xi32>
      %add3A_1124 = arith.constant 4 : i32
      %add3A_1125 = vector.broadcast %add3A_1124 : i32 to vector<16xi32>
      %add3A_1126 = arith.addi %add3A_1125, %select_n3A_83 : vector<16xi32>
      %gather3A_1127 = tpu.vector_load_idx %arg15[%add3A_1123, %add3A_1126] : memref<80x8xf32, #tpu.memory_space<vmem>>[vector<16xi32>, vector<16xi32>], vector<16xf32>,
      %add3A_1128 = arith.addf %gather3A_1120, %gather3A_1127 : vector<16xf32>
      %ge3A_1129 = arith.constant 0.000000e+00 : f32
      %ge3A_1130 = vector.broadcast %ge3A_1129 : f32 to vector<16xf32>
      %ge3A_1131 = arith.cmpf oge, %add3A_1128, %ge3A_1130 : vector<16xf32>
      %mul3A_1132 = arith.constant 2.000000e-01 : f32
      %mul3A_1133 = vector.broadcast %mul3A_1132 : f32 to vector<16xf32>
      %mul3A_1134 = arith.mulf %mul3A_1133, %add3A_1128 : vector<16xf32>
      %select_n3A_1135 = arith.select %ge3A_1131, %add3A_1128, %mul3A_1134 : vector<16xi1>, vector<16xf32>
      %exp3A_1136 = math.exp %select_n3A_1135 : vector<16xf32>
      %swap3A_1137 = arith.constant 0 : index
      %swap3A_1138 = tpu.vector_load %arg17[%swap3A_1137] {strides = array<i32>} : memref<320xf32, #tpu.memory_space<vmem>>, vector<16xf32>,
      tpu.vector_store %arg17[%swap3A_1137], %exp3A_1136 {strides = array<i32>} : memref<320xf32, #tpu.memory_space<vmem>>, vector<16xf32>,
      %add3A_1139 = arith.constant 4 : i32
      %add3A_1140 = vector.broadcast %add3A_1139 : i32 to vector<16xi32>
      %add3A_1141 = arith.addi %add3A_1140, %select_n3A : vector<16xi32>
      %gather3A_1142 = tpu.vector_load_idx %arg14[%add3A_1141, %select_n3A_83] : memref<80x8xf32, #tpu.memory_space<vmem>>[vector<16xi32>, vector<16xi32>], vector<16xf32>,
      %add3A_1143 = arith.constant 4 : i32
      %add3A_1144 = vector.broadcast %add3A_1143 : i32 to vector<16xi32>
      %add3A_1145 = arith.addi %add3A_1144, %select_n3A : vector<16xi32>
      %add3A_1146 = arith.constant 4 : i32
      %add3A_1147 = vector.broadcast %add3A_1146 : i32 to vector<16xi32>
      %add3A_1148 = arith.addi %add3A_1147, %select_n3A_83 : vector<16xi32>
      %gather3A_1149 = tpu.vector_load_idx %arg15[%add3A_1145, %add3A_1148] : memref<80x8xf32, #tpu.memory_space<vmem>>[vector<16xi32>, vector<16xi32>], vector<16xf32>,
      %add3A_1150 = arith.addf %gather3A_1142, %gather3A_1149 : vector<16xf32>
      %ge3A_1151 = arith.constant 0.000000e+00 : f32
      %ge3A_1152 = vector.broadcast %ge3A_1151 : f32 to vector<16xf32>
      %ge3A_1153 = arith.cmpf oge, %add3A_1150, %ge3A_1152 : vector<16xf32>
      %mul3A_1154 = arith.constant 2.000000e-01 : f32
      %mul3A_1155 = vector.broadcast %mul3A_1154 : f32 to vector<16xf32>
      %mul3A_1156 = arith.mulf %mul3A_1155, %add3A_1150 : vector<16xf32>
      %select_n3A_1157 = arith.select %ge3A_1153, %add3A_1150, %mul3A_1156 : vector<16xi1>, vector<16xf32>
      %exp3A_1158 = math.exp %select_n3A_1157 : vector<16xf32>
      %swap3A_1159 = arith.constant 16 : index
      %swap3A_1160 = tpu.vector_load %arg17[%swap3A_1159] {strides = array<i32>} : memref<320xf32, #tpu.memory_space<vmem>>, vector<16xf32>,
      tpu.vector_store %arg17[%swap3A_1159], %exp3A_1158 {strides = array<i32>} : memref<320xf32, #tpu.memory_space<vmem>>, vector<16xf32>,
      %add3A_1161 = arith.constant 8 : i32
      %add3A_1162 = vector.broadcast %add3A_1161 : i32 to vector<16xi32>
      %add3A_1163 = arith.addi %add3A_1162, %select_n3A : vector<16xi32>
      %gather3A_1164 = tpu.vector_load_idx %arg14[%add3A_1163, %select_n3A_83] : memref<80x8xf32, #tpu.memory_space<vmem>>[vector<16xi32>, vector<16xi32>], vector<16xf32>,
      %add3A_1165 = arith.constant 8 : i32
      %add3A_1166 = vector.broadcast %add3A_1165 : i32 to vector<16xi32>
      %add3A_1167 = arith.addi %add3A_1166, %select_n3A : vector<16xi32>
      %add3A_1168 = arith.constant 4 : i32
      %add3A_1169 = vector.broadcast %add3A_1168 : i32 to vector<16xi32>
      %add3A_1170 = arith.addi %add3A_1169, %select_n3A_83 : vector<16xi32>
      %gather3A_1171 = tpu.vector_load_idx %arg15[%add3A_1167, %add3A_1170] : memref<80x8xf32, #tpu.memory_space<vmem>>[vector<16xi32>, vector<16xi32>], vector<16xf32>,
      %add3A_1172 = arith.addf %gather3A_1164, %gather3A_1171 : vector<16xf32>
      %ge3A_1173 = arith.constant 0.000000e+00 : f32
      %ge3A_1174 = vector.broadcast %ge3A_1173 : f32 to vector<16xf32>
      %ge3A_1175 = arith.cmpf oge, %add3A_1172, %ge3A_1174 : vector<16xf32>
      %mul3A_1176 = arith.constant 2.000000e-01 : f32
      %mul3A_1177 = vector.broadcast %mul3A_1176 : f32 to vector<16xf32>
      %mul3A_1178 = arith.mulf %mul3A_1177, %add3A_1172 : vector<16xf32>
      %select_n3A_1179 = arith.select %ge3A_1175, %add3A_1172, %mul3A_1178 : vector<16xi1>, vector<16xf32>
      %exp3A_1180 = math.exp %select_n3A_1179 : vector<16xf32>
      %swap3A_1181 = arith.constant 32 : index
      %swap3A_1182 = tpu.vector_load %arg17[%swap3A_1181] {strides = array<i32>} : memref<320xf32, #tpu.memory_space<vmem>>, vector<16xf32>,
      tpu.vector_store %arg17[%swap3A_1181], %exp3A_1180 {strides = array<i32>} : memref<320xf32, #tpu.memory_space<vmem>>, vector<16xf32>,
      %add3A_1183 = arith.constant 12 : i32
      %add3A_1184 = vector.broadcast %add3A_1183 : i32 to vector<16xi32>
      %add3A_1185 = arith.addi %add3A_1184, %select_n3A : vector<16xi32>
      %gather3A_1186 = tpu.vector_load_idx %arg14[%add3A_1185, %select_n3A_83] : memref<80x8xf32, #tpu.memory_space<vmem>>[vector<16xi32>, vector<16xi32>], vector<16xf32>,
      %add3A_1187 = arith.constant 12 : i32
      %add3A_1188 = vector.broadcast %add3A_1187 : i32 to vector<16xi32>
      %add3A_1189 = arith.addi %add3A_1188, %select_n3A : vector<16xi32>
      %add3A_1190 = arith.constant 4 : i32
      %add3A_1191 = vector.broadcast %add3A_1190 : i32 to vector<16xi32>
      %add3A_1192 = arith.addi %add3A_1191, %select_n3A_83 : vector<16xi32>
      %gather3A_1193 = tpu.vector_load_idx %arg15[%add3A_1189, %add3A_1192] : memref<80x8xf32, #tpu.memory_space<vmem>>[vector<16xi32>, vector<16xi32>], vector<16xf32>,
      %add3A_1194 = arith.addf %gather3A_1186, %gather3A_1193 : vector<16xf32>
      %ge3A_1195 = arith.constant 0.000000e+00 : f32
      %ge3A_1196 = vector.broadcast %ge3A_1195 : f32 to vector<16xf32>
      %ge3A_1197 = arith.cmpf oge, %add3A_1194, %ge3A_1196 : vector<16xf32>
      %mul3A_1198 = arith.constant 2.000000e-01 : f32
      %mul3A_1199 = vector.broadcast %mul3A_1198 : f32 to vector<16xf32>
      %mul3A_1200 = arith.mulf %mul3A_1199, %add3A_1194 : vector<16xf32>
      %select_n3A_1201 = arith.select %ge3A_1197, %add3A_1194, %mul3A_1200 : vector<16xi1>, vector<16xf32>
      %exp3A_1202 = math.exp %select_n3A_1201 : vector<16xf32>
      %swap3A_1203 = arith.constant 48 : index
      %swap3A_1204 = tpu.vector_load %arg17[%swap3A_1203] {strides = array<i32>} : memref<320xf32, #tpu.memory_space<vmem>>, vector<16xf32>,
      tpu.vector_store %arg17[%swap3A_1203], %exp3A_1202 {strides = array<i32>} : memref<320xf32, #tpu.memory_space<vmem>>, vector<16xf32>,
      %add3A_1205 = arith.constant 16 : i32
      %add3A_1206 = vector.broadcast %add3A_1205 : i32 to vector<16xi32>
      %add3A_1207 = arith.addi %add3A_1206, %select_n3A : vector<16xi32>
      %gather3A_1208 = tpu.vector_load_idx %arg14[%add3A_1207, %select_n3A_83] : memref<80x8xf32, #tpu.memory_space<vmem>>[vector<16xi32>, vector<16xi32>], vector<16xf32>,
      %add3A_1209 = arith.constant 16 : i32
      %add3A_1210 = vector.broadcast %add3A_1209 : i32 to vector<16xi32>
      %add3A_1211 = arith.addi %add3A_1210, %select_n3A : vector<16xi32>
      %add3A_1212 = arith.constant 4 : i32
      %add3A_1213 = vector.broadcast %add3A_1212 : i32 to vector<16xi32>
      %add3A_1214 = arith.addi %add3A_1213, %select_n3A_83 : vector<16xi32>
      %gather3A_1215 = tpu.vector_load_idx %arg15[%add3A_1211, %add3A_1214] : memref<80x8xf32, #tpu.memory_space<vmem>>[vector<16xi32>, vector<16xi32>], vector<16xf32>,
      %add3A_1216 = arith.addf %gather3A_1208, %gather3A_1215 : vector<16xf32>
      %ge3A_1217 = arith.constant 0.000000e+00 : f32
      %ge3A_1218 = vector.broadcast %ge3A_1217 : f32 to vector<16xf32>
      %ge3A_1219 = arith.cmpf oge, %add3A_1216, %ge3A_1218 : vector<16xf32>
      %mul3A_1220 = arith.constant 2.000000e-01 : f32
      %mul3A_1221 = vector.broadcast %mul3A_1220 : f32 to vector<16xf32>
      %mul3A_1222 = arith.mulf %mul3A_1221, %add3A_1216 : vector<16xf32>
      %select_n3A_1223 = arith.select %ge3A_1219, %add3A_1216, %mul3A_1222 : vector<16xi1>, vector<16xf32>
      %exp3A_1224 = math.exp %select_n3A_1223 : vector<16xf32>
      %swap3A_1225 = arith.constant 64 : index
      %swap3A_1226 = tpu.vector_load %arg17[%swap3A_1225] {strides = array<i32>} : memref<320xf32, #tpu.memory_space<vmem>>, vector<16xf32>,
      tpu.vector_store %arg17[%swap3A_1225], %exp3A_1224 {strides = array<i32>} : memref<320xf32, #tpu.memory_space<vmem>>, vector<16xf32>,
      %add3A_1227 = arith.constant 20 : i32
      %add3A_1228 = vector.broadcast %add3A_1227 : i32 to vector<16xi32>
      %add3A_1229 = arith.addi %add3A_1228, %select_n3A : vector<16xi32>
      %gather3A_1230 = tpu.vector_load_idx %arg14[%add3A_1229, %select_n3A_83] : memref<80x8xf32, #tpu.memory_space<vmem>>[vector<16xi32>, vector<16xi32>], vector<16xf32>,
      %add3A_1231 = arith.constant 20 : i32
      %add3A_1232 = vector.broadcast %add3A_1231 : i32 to vector<16xi32>
      %add3A_1233 = arith.addi %add3A_1232, %select_n3A : vector<16xi32>
      %add3A_1234 = arith.constant 4 : i32
      %add3A_1235 = vector.broadcast %add3A_1234 : i32 to vector<16xi32>
      %add3A_1236 = arith.addi %add3A_1235, %select_n3A_83 : vector<16xi32>
      %gather3A_1237 = tpu.vector_load_idx %arg15[%add3A_1233, %add3A_1236] : memref<80x8xf32, #tpu.memory_space<vmem>>[vector<16xi32>, vector<16xi32>], vector<16xf32>,
      %add3A_1238 = arith.addf %gather3A_1230, %gather3A_1237 : vector<16xf32>
      %ge3A_1239 = arith.constant 0.000000e+00 : f32
      %ge3A_1240 = vector.broadcast %ge3A_1239 : f32 to vector<16xf32>
      %ge3A_1241 = arith.cmpf oge, %add3A_1238, %ge3A_1240 : vector<16xf32>
      %mul3A_1242 = arith.constant 2.000000e-01 : f32
      %mul3A_1243 = vector.broadcast %mul3A_1242 : f32 to vector<16xf32>
      %mul3A_1244 = arith.mulf %mul3A_1243, %add3A_1238 : vector<16xf32>
      %select_n3A_1245 = arith.select %ge3A_1241, %add3A_1238, %mul3A_1244 : vector<16xi1>, vector<16xf32>
      %exp3A_1246 = math.exp %select_n3A_1245 : vector<16xf32>
      %swap3A_1247 = arith.constant 80 : index
      %swap3A_1248 = tpu.vector_load %arg17[%swap3A_1247] {strides = array<i32>} : memref<320xf32, #tpu.memory_space<vmem>>, vector<16xf32>,
      tpu.vector_store %arg17[%swap3A_1247], %exp3A_1246 {strides = array<i32>} : memref<320xf32, #tpu.memory_space<vmem>>, vector<16xf32>,
      %add3A_1249 = arith.constant 24 : i32
      %add3A_1250 = vector.broadcast %add3A_1249 : i32 to vector<16xi32>
      %add3A_1251 = arith.addi %add3A_1250, %select_n3A : vector<16xi32>
      %gather3A_1252 = tpu.vector_load_idx %arg14[%add3A_1251, %select_n3A_83] : memref<80x8xf32, #tpu.memory_space<vmem>>[vector<16xi32>, vector<16xi32>], vector<16xf32>,
      %add3A_1253 = arith.constant 24 : i32
      %add3A_1254 = vector.broadcast %add3A_1253 : i32 to vector<16xi32>
      %add3A_1255 = arith.addi %add3A_1254, %select_n3A : vector<16xi32>
      %add3A_1256 = arith.constant 4 : i32
      %add3A_1257 = vector.broadcast %add3A_1256 : i32 to vector<16xi32>
      %add3A_1258 = arith.addi %add3A_1257, %select_n3A_83 : vector<16xi32>
      %gather3A_1259 = tpu.vector_load_idx %arg15[%add3A_1255, %add3A_1258] : memref<80x8xf32, #tpu.memory_space<vmem>>[vector<16xi32>, vector<16xi32>], vector<16xf32>,
      %add3A_1260 = arith.addf %gather3A_1252, %gather3A_1259 : vector<16xf32>
      %ge3A_1261 = arith.constant 0.000000e+00 : f32
      %ge3A_1262 = vector.broadcast %ge3A_1261 : f32 to vector<16xf32>
      %ge3A_1263 = arith.cmpf oge, %add3A_1260, %ge3A_1262 : vector<16xf32>
      %mul3A_1264 = arith.constant 2.000000e-01 : f32
      %mul3A_1265 = vector.broadcast %mul3A_1264 : f32 to vector<16xf32>
      %mul3A_1266 = arith.mulf %mul3A_1265, %add3A_1260 : vector<16xf32>
      %select_n3A_1267 = arith.select %ge3A_1263, %add3A_1260, %mul3A_1266 : vector<16xi1>, vector<16xf32>
      %exp3A_1268 = math.exp %select_n3A_1267 : vector<16xf32>
      %swap3A_1269 = arith.constant 96 : index
      %swap3A_1270 = tpu.vector_load %arg17[%swap3A_1269] {strides = array<i32>} : memref<320xf32, #tpu.memory_space<vmem>>, vector<16xf32>,
      tpu.vector_store %arg17[%swap3A_1269], %exp3A_1268 {strides = array<i32>} : memref<320xf32, #tpu.memory_space<vmem>>, vector<16xf32>,
      %add3A_1271 = arith.constant 28 : i32
      %add3A_1272 = vector.broadcast %add3A_1271 : i32 to vector<16xi32>
      %add3A_1273 = arith.addi %add3A_1272, %select_n3A : vector<16xi32>
      %gather3A_1274 = tpu.vector_load_idx %arg14[%add3A_1273, %select_n3A_83] : memref<80x8xf32, #tpu.memory_space<vmem>>[vector<16xi32>, vector<16xi32>], vector<16xf32>,
      %add3A_1275 = arith.constant 28 : i32
      %add3A_1276 = vector.broadcast %add3A_1275 : i32 to vector<16xi32>
      %add3A_1277 = arith.addi %add3A_1276, %select_n3A : vector<16xi32>
      %add3A_1278 = arith.constant 4 : i32
      %add3A_1279 = vector.broadcast %add3A_1278 : i32 to vector<16xi32>
      %add3A_1280 = arith.addi %add3A_1279, %select_n3A_83 : vector<16xi32>
      %gather3A_1281 = tpu.vector_load_idx %arg15[%add3A_1277, %add3A_1280] : memref<80x8xf32, #tpu.memory_space<vmem>>[vector<16xi32>, vector<16xi32>], vector<16xf32>,
      %add3A_1282 = arith.addf %gather3A_1274, %gather3A_1281 : vector<16xf32>
      %ge3A_1283 = arith.constant 0.000000e+00 : f32
      %ge3A_1284 = vector.broadcast %ge3A_1283 : f32 to vector<16xf32>
      %ge3A_1285 = arith.cmpf oge, %add3A_1282, %ge3A_1284 : vector<16xf32>
      %mul3A_1286 = arith.constant 2.000000e-01 : f32
      %mul3A_1287 = vector.broadcast %mul3A_1286 : f32 to vector<16xf32>
      %mul3A_1288 = arith.mulf %mul3A_1287, %add3A_1282 : vector<16xf32>
      %select_n3A_1289 = arith.select %ge3A_1285, %add3A_1282, %mul3A_1288 : vector<16xi1>, vector<16xf32>
      %exp3A_1290 = math.exp %select_n3A_1289 : vector<16xf32>
      %swap3A_1291 = arith.constant 112 : index
      %swap3A_1292 = tpu.vector_load %arg17[%swap3A_1291] {strides = array<i32>} : memref<320xf32, #tpu.memory_space<vmem>>, vector<16xf32>,
      tpu.vector_store %arg17[%swap3A_1291], %exp3A_1290 {strides = array<i32>} : memref<320xf32, #tpu.memory_space<vmem>>, vector<16xf32>,
      %add3A_1293 = arith.constant 32 : i32
      %add3A_1294 = vector.broadcast %add3A_1293 : i32 to vector<16xi32>
      %add3A_1295 = arith.addi %add3A_1294, %select_n3A : vector<16xi32>
      %gather3A_1296 = tpu.vector_load_idx %arg14[%add3A_1295, %select_n3A_83] : memref<80x8xf32, #tpu.memory_space<vmem>>[vector<16xi32>, vector<16xi32>], vector<16xf32>,
      %add3A_1297 = arith.constant 32 : i32
      %add3A_1298 = vector.broadcast %add3A_1297 : i32 to vector<16xi32>
      %add3A_1299 = arith.addi %add3A_1298, %select_n3A : vector<16xi32>
      %add3A_1300 = arith.constant 4 : i32
      %add3A_1301 = vector.broadcast %add3A_1300 : i32 to vector<16xi32>
      %add3A_1302 = arith.addi %add3A_1301, %select_n3A_83 : vector<16xi32>
      %gather3A_1303 = tpu.vector_load_idx %arg15[%add3A_1299, %add3A_1302] : memref<80x8xf32, #tpu.memory_space<vmem>>[vector<16xi32>, vector<16xi32>], vector<16xf32>,
      %add3A_1304 = arith.addf %gather3A_1296, %gather3A_1303 : vector<16xf32>
      %ge3A_1305 = arith.constant 0.000000e+00 : f32
      %ge3A_1306 = vector.broadcast %ge3A_1305 : f32 to vector<16xf32>
      %ge3A_1307 = arith.cmpf oge, %add3A_1304, %ge3A_1306 : vector<16xf32>
      %mul3A_1308 = arith.constant 2.000000e-01 : f32
      %mul3A_1309 = vector.broadcast %mul3A_1308 : f32 to vector<16xf32>
      %mul3A_1310 = arith.mulf %mul3A_1309, %add3A_1304 : vector<16xf32>
      %select_n3A_1311 = arith.select %ge3A_1307, %add3A_1304, %mul3A_1310 : vector<16xi1>, vector<16xf32>
      %exp3A_1312 = math.exp %select_n3A_1311 : vector<16xf32>
      %swap3A_1313 = arith.constant 128 : index
      %swap3A_1314 = tpu.vector_load %arg17[%swap3A_1313] {strides = array<i32>} : memref<320xf32, #tpu.memory_space<vmem>>, vector<16xf32>,
      tpu.vector_store %arg17[%swap3A_1313], %exp3A_1312 {strides = array<i32>} : memref<320xf32, #tpu.memory_space<vmem>>, vector<16xf32>,
      %add3A_1315 = arith.constant 36 : i32
      %add3A_1316 = vector.broadcast %add3A_1315 : i32 to vector<16xi32>
      %add3A_1317 = arith.addi %add3A_1316, %select_n3A : vector<16xi32>
      %gather3A_1318 = tpu.vector_load_idx %arg14[%add3A_1317, %select_n3A_83] : memref<80x8xf32, #tpu.memory_space<vmem>>[vector<16xi32>, vector<16xi32>], vector<16xf32>,
      %add3A_1319 = arith.constant 36 : i32
      %add3A_1320 = vector.broadcast %add3A_1319 : i32 to vector<16xi32>
      %add3A_1321 = arith.addi %add3A_1320, %select_n3A : vector<16xi32>
      %add3A_1322 = arith.constant 4 : i32
      %add3A_1323 = vector.broadcast %add3A_1322 : i32 to vector<16xi32>
      %add3A_1324 = arith.addi %add3A_1323, %select_n3A_83 : vector<16xi32>
      %gather3A_1325 = tpu.vector_load_idx %arg15[%add3A_1321, %add3A_1324] : memref<80x8xf32, #tpu.memory_space<vmem>>[vector<16xi32>, vector<16xi32>], vector<16xf32>,
      %add3A_1326 = arith.addf %gather3A_1318, %gather3A_1325 : vector<16xf32>
      %ge3A_1327 = arith.constant 0.000000e+00 : f32
      %ge3A_1328 = vector.broadcast %ge3A_1327 : f32 to vector<16xf32>
      %ge3A_1329 = arith.cmpf oge, %add3A_1326, %ge3A_1328 : vector<16xf32>
      %mul3A_1330 = arith.constant 2.000000e-01 : f32
      %mul3A_1331 = vector.broadcast %mul3A_1330 : f32 to vector<16xf32>
      %mul3A_1332 = arith.mulf %mul3A_1331, %add3A_1326 : vector<16xf32>
      %select_n3A_1333 = arith.select %ge3A_1329, %add3A_1326, %mul3A_1332 : vector<16xi1>, vector<16xf32>
      %exp3A_1334 = math.exp %select_n3A_1333 : vector<16xf32>
      %swap3A_1335 = arith.constant 144 : index
      %swap3A_1336 = tpu.vector_load %arg17[%swap3A_1335] {strides = array<i32>} : memref<320xf32, #tpu.memory_space<vmem>>, vector<16xf32>,
      tpu.vector_store %arg17[%swap3A_1335], %exp3A_1334 {strides = array<i32>} : memref<320xf32, #tpu.memory_space<vmem>>, vector<16xf32>,
      %add3A_1337 = arith.constant 40 : i32
      %add3A_1338 = vector.broadcast %add3A_1337 : i32 to vector<16xi32>
      %add3A_1339 = arith.addi %add3A_1338, %select_n3A : vector<16xi32>
      %gather3A_1340 = tpu.vector_load_idx %arg14[%add3A_1339, %select_n3A_83] : memref<80x8xf32, #tpu.memory_space<vmem>>[vector<16xi32>, vector<16xi32>], vector<16xf32>,
      %add3A_1341 = arith.constant 40 : i32
      %add3A_1342 = vector.broadcast %add3A_1341 : i32 to vector<16xi32>
      %add3A_1343 = arith.addi %add3A_1342, %select_n3A : vector<16xi32>
      %add3A_1344 = arith.constant 4 : i32
      %add3A_1345 = vector.broadcast %add3A_1344 : i32 to vector<16xi32>
      %add3A_1346 = arith.addi %add3A_1345, %select_n3A_83 : vector<16xi32>
      %gather3A_1347 = tpu.vector_load_idx %arg15[%add3A_1343, %add3A_1346] : memref<80x8xf32, #tpu.memory_space<vmem>>[vector<16xi32>, vector<16xi32>], vector<16xf32>,
      %add3A_1348 = arith.addf %gather3A_1340, %gather3A_1347 : vector<16xf32>
      %ge3A_1349 = arith.constant 0.000000e+00 : f32
      %ge3A_1350 = vector.broadcast %ge3A_1349 : f32 to vector<16xf32>
      %ge3A_1351 = arith.cmpf oge, %add3A_1348, %ge3A_1350 : vector<16xf32>
      %mul3A_1352 = arith.constant 2.000000e-01 : f32
      %mul3A_1353 = vector.broadcast %mul3A_1352 : f32 to vector<16xf32>
      %mul3A_1354 = arith.mulf %mul3A_1353, %add3A_1348 : vector<16xf32>
      %select_n3A_1355 = arith.select %ge3A_1351, %add3A_1348, %mul3A_1354 : vector<16xi1>, vector<16xf32>
      %exp3A_1356 = math.exp %select_n3A_1355 : vector<16xf32>
      %swap3A_1357 = arith.constant 160 : index
      %swap3A_1358 = tpu.vector_load %arg17[%swap3A_1357] {strides = array<i32>} : memref<320xf32, #tpu.memory_space<vmem>>, vector<16xf32>,
      tpu.vector_store %arg17[%swap3A_1357], %exp3A_1356 {strides = array<i32>} : memref<320xf32, #tpu.memory_space<vmem>>, vector<16xf32>,
      %add3A_1359 = arith.constant 44 : i32
      %add3A_1360 = vector.broadcast %add3A_1359 : i32 to vector<16xi32>
      %add3A_1361 = arith.addi %add3A_1360, %select_n3A : vector<16xi32>
      %gather3A_1362 = tpu.vector_load_idx %arg14[%add3A_1361, %select_n3A_83] : memref<80x8xf32, #tpu.memory_space<vmem>>[vector<16xi32>, vector<16xi32>], vector<16xf32>,
      %add3A_1363 = arith.constant 44 : i32
      %add3A_1364 = vector.broadcast %add3A_1363 : i32 to vector<16xi32>
      %add3A_1365 = arith.addi %add3A_1364, %select_n3A : vector<16xi32>
      %add3A_1366 = arith.constant 4 : i32
      %add3A_1367 = vector.broadcast %add3A_1366 : i32 to vector<16xi32>
      %add3A_1368 = arith.addi %add3A_1367, %select_n3A_83 : vector<16xi32>
      %gather3A_1369 = tpu.vector_load_idx %arg15[%add3A_1365, %add3A_1368] : memref<80x8xf32, #tpu.memory_space<vmem>>[vector<16xi32>, vector<16xi32>], vector<16xf32>,
      %add3A_1370 = arith.addf %gather3A_1362, %gather3A_1369 : vector<16xf32>
      %ge3A_1371 = arith.constant 0.000000e+00 : f32
      %ge3A_1372 = vector.broadcast %ge3A_1371 : f32 to vector<16xf32>
      %ge3A_1373 = arith.cmpf oge, %add3A_1370, %ge3A_1372 : vector<16xf32>
      %mul3A_1374 = arith.constant 2.000000e-01 : f32
      %mul3A_1375 = vector.broadcast %mul3A_1374 : f32 to vector<16xf32>
      %mul3A_1376 = arith.mulf %mul3A_1375, %add3A_1370 : vector<16xf32>
      %select_n3A_1377 = arith.select %ge3A_1373, %add3A_1370, %mul3A_1376 : vector<16xi1>, vector<16xf32>
      %exp3A_1378 = math.exp %select_n3A_1377 : vector<16xf32>
      %swap3A_1379 = arith.constant 176 : index
      %swap3A_1380 = tpu.vector_load %arg17[%swap3A_1379] {strides = array<i32>} : memref<320xf32, #tpu.memory_space<vmem>>, vector<16xf32>,
      tpu.vector_store %arg17[%swap3A_1379], %exp3A_1378 {strides = array<i32>} : memref<320xf32, #tpu.memory_space<vmem>>, vector<16xf32>,
      %add3A_1381 = arith.constant 48 : i32
      %add3A_1382 = vector.broadcast %add3A_1381 : i32 to vector<16xi32>
      %add3A_1383 = arith.addi %add3A_1382, %select_n3A : vector<16xi32>
      %gather3A_1384 = tpu.vector_load_idx %arg14[%add3A_1383, %select_n3A_83] : memref<80x8xf32, #tpu.memory_space<vmem>>[vector<16xi32>, vector<16xi32>], vector<16xf32>,
      %add3A_1385 = arith.constant 48 : i32
      %add3A_1386 = vector.broadcast %add3A_1385 : i32 to vector<16xi32>
      %add3A_1387 = arith.addi %add3A_1386, %select_n3A : vector<16xi32>
      %add3A_1388 = arith.constant 4 : i32
      %add3A_1389 = vector.broadcast %add3A_1388 : i32 to vector<16xi32>
      %add3A_1390 = arith.addi %add3A_1389, %select_n3A_83 : vector<16xi32>
      %gather3A_1391 = tpu.vector_load_idx %arg15[%add3A_1387, %add3A_1390] : memref<80x8xf32, #tpu.memory_space<vmem>>[vector<16xi32>, vector<16xi32>], vector<16xf32>,
      %add3A_1392 = arith.addf %gather3A_1384, %gather3A_1391 : vector<16xf32>
      %ge3A_1393 = arith.constant 0.000000e+00 : f32
      %ge3A_1394 = vector.broadcast %ge3A_1393 : f32 to vector<16xf32>
      %ge3A_1395 = arith.cmpf oge, %add3A_1392, %ge3A_1394 : vector<16xf32>
      %mul3A_1396 = arith.constant 2.000000e-01 : f32
      %mul3A_1397 = vector.broadcast %mul3A_1396 : f32 to vector<16xf32>
      %mul3A_1398 = arith.mulf %mul3A_1397, %add3A_1392 : vector<16xf32>
      %select_n3A_1399 = arith.select %ge3A_1395, %add3A_1392, %mul3A_1398 : vector<16xi1>, vector<16xf32>
      %exp3A_1400 = math.exp %select_n3A_1399 : vector<16xf32>
      %swap3A_1401 = arith.constant 192 : index
      %swap3A_1402 = tpu.vector_load %arg17[%swap3A_1401] {strides = array<i32>} : memref<320xf32, #tpu.memory_space<vmem>>, vector<16xf32>,
      tpu.vector_store %arg17[%swap3A_1401], %exp3A_1400 {strides = array<i32>} : memref<320xf32, #tpu.memory_space<vmem>>, vector<16xf32>,
      %add3A_1403 = arith.constant 52 : i32
      %add3A_1404 = vector.broadcast %add3A_1403 : i32 to vector<16xi32>
      %add3A_1405 = arith.addi %add3A_1404, %select_n3A : vector<16xi32>
      %gather3A_1406 = tpu.vector_load_idx %arg14[%add3A_1405, %select_n3A_83] : memref<80x8xf32, #tpu.memory_space<vmem>>[vector<16xi32>, vector<16xi32>], vector<16xf32>,
      %add3A_1407 = arith.constant 52 : i32
      %add3A_1408 = vector.broadcast %add3A_1407 : i32 to vector<16xi32>
      %add3A_1409 = arith.addi %add3A_1408, %select_n3A : vector<16xi32>
      %add3A_1410 = arith.constant 4 : i32
      %add3A_1411 = vector.broadcast %add3A_1410 : i32 to vector<16xi32>
      %add3A_1412 = arith.addi %add3A_1411, %select_n3A_83 : vector<16xi32>
      %gather3A_1413 = tpu.vector_load_idx %arg15[%add3A_1409, %add3A_1412] : memref<80x8xf32, #tpu.memory_space<vmem>>[vector<16xi32>, vector<16xi32>], vector<16xf32>,
      %add3A_1414 = arith.addf %gather3A_1406, %gather3A_1413 : vector<16xf32>
      %ge3A_1415 = arith.constant 0.000000e+00 : f32
      %ge3A_1416 = vector.broadcast %ge3A_1415 : f32 to vector<16xf32>
      %ge3A_1417 = arith.cmpf oge, %add3A_1414, %ge3A_1416 : vector<16xf32>
      %mul3A_1418 = arith.constant 2.000000e-01 : f32
      %mul3A_1419 = vector.broadcast %mul3A_1418 : f32 to vector<16xf32>
      %mul3A_1420 = arith.mulf %mul3A_1419, %add3A_1414 : vector<16xf32>
      %select_n3A_1421 = arith.select %ge3A_1417, %add3A_1414, %mul3A_1420 : vector<16xi1>, vector<16xf32>
      %exp3A_1422 = math.exp %select_n3A_1421 : vector<16xf32>
      %swap3A_1423 = arith.constant 208 : index
      %swap3A_1424 = tpu.vector_load %arg17[%swap3A_1423] {strides = array<i32>} : memref<320xf32, #tpu.memory_space<vmem>>, vector<16xf32>,
      tpu.vector_store %arg17[%swap3A_1423], %exp3A_1422 {strides = array<i32>} : memref<320xf32, #tpu.memory_space<vmem>>, vector<16xf32>,
      %add3A_1425 = arith.constant 56 : i32
      %add3A_1426 = vector.broadcast %add3A_1425 : i32 to vector<16xi32>
      %add3A_1427 = arith.addi %add3A_1426, %select_n3A : vector<16xi32>
      %gather3A_1428 = tpu.vector_load_idx %arg14[%add3A_1427, %select_n3A_83] : memref<80x8xf32, #tpu.memory_space<vmem>>[vector<16xi32>, vector<16xi32>], vector<16xf32>,
      %add3A_1429 = arith.constant 56 : i32
      %add3A_1430 = vector.broadcast %add3A_1429 : i32 to vector<16xi32>
      %add3A_1431 = arith.addi %add3A_1430, %select_n3A : vector<16xi32>
      %add3A_1432 = arith.constant 4 : i32
      %add3A_1433 = vector.broadcast %add3A_1432 : i32 to vector<16xi32>
      %add3A_1434 = arith.addi %add3A_1433, %select_n3A_83 : vector<16xi32>
      %gather3A_1435 = tpu.vector_load_idx %arg15[%add3A_1431, %add3A_1434] : memref<80x8xf32, #tpu.memory_space<vmem>>[vector<16xi32>, vector<16xi32>], vector<16xf32>,
      %add3A_1436 = arith.addf %gather3A_1428, %gather3A_1435 : vector<16xf32>
      %ge3A_1437 = arith.constant 0.000000e+00 : f32
      %ge3A_1438 = vector.broadcast %ge3A_1437 : f32 to vector<16xf32>
      %ge3A_1439 = arith.cmpf oge, %add3A_1436, %ge3A_1438 : vector<16xf32>
      %mul3A_1440 = arith.constant 2.000000e-01 : f32
      %mul3A_1441 = vector.broadcast %mul3A_1440 : f32 to vector<16xf32>
      %mul3A_1442 = arith.mulf %mul3A_1441, %add3A_1436 : vector<16xf32>
      %select_n3A_1443 = arith.select %ge3A_1439, %add3A_1436, %mul3A_1442 : vector<16xi1>, vector<16xf32>
      %exp3A_1444 = math.exp %select_n3A_1443 : vector<16xf32>
      %swap3A_1445 = arith.constant 224 : index
      %swap3A_1446 = tpu.vector_load %arg17[%swap3A_1445] {strides = array<i32>} : memref<320xf32, #tpu.memory_space<vmem>>, vector<16xf32>,
      tpu.vector_store %arg17[%swap3A_1445], %exp3A_1444 {strides = array<i32>} : memref<320xf32, #tpu.memory_space<vmem>>, vector<16xf32>,
      %add3A_1447 = arith.constant 60 : i32
      %add3A_1448 = vector.broadcast %add3A_1447 : i32 to vector<16xi32>
      %add3A_1449 = arith.addi %add3A_1448, %select_n3A : vector<16xi32>
      %gather3A_1450 = tpu.vector_load_idx %arg14[%add3A_1449, %select_n3A_83] : memref<80x8xf32, #tpu.memory_space<vmem>>[vector<16xi32>, vector<16xi32>], vector<16xf32>,
      %add3A_1451 = arith.constant 60 : i32
      %add3A_1452 = vector.broadcast %add3A_1451 : i32 to vector<16xi32>
      %add3A_1453 = arith.addi %add3A_1452, %select_n3A : vector<16xi32>
      %add3A_1454 = arith.constant 4 : i32
      %add3A_1455 = vector.broadcast %add3A_1454 : i32 to vector<16xi32>
      %add3A_1456 = arith.addi %add3A_1455, %select_n3A_83 : vector<16xi32>
      %gather3A_1457 = tpu.vector_load_idx %arg15[%add3A_1453, %add3A_1456] : memref<80x8xf32, #tpu.memory_space<vmem>>[vector<16xi32>, vector<16xi32>], vector<16xf32>,
      %add3A_1458 = arith.addf %gather3A_1450, %gather3A_1457 : vector<16xf32>
      %ge3A_1459 = arith.constant 0.000000e+00 : f32
      %ge3A_1460 = vector.broadcast %ge3A_1459 : f32 to vector<16xf32>
      %ge3A_1461 = arith.cmpf oge, %add3A_1458, %ge3A_1460 : vector<16xf32>
      %mul3A_1462 = arith.constant 2.000000e-01 : f32
      %mul3A_1463 = vector.broadcast %mul3A_1462 : f32 to vector<16xf32>
      %mul3A_1464 = arith.mulf %mul3A_1463, %add3A_1458 : vector<16xf32>
      %select_n3A_1465 = arith.select %ge3A_1461, %add3A_1458, %mul3A_1464 : vector<16xi1>, vector<16xf32>
      %exp3A_1466 = math.exp %select_n3A_1465 : vector<16xf32>
      %swap3A_1467 = arith.constant 240 : index
      %swap3A_1468 = tpu.vector_load %arg17[%swap3A_1467] {strides = array<i32>} : memref<320xf32, #tpu.memory_space<vmem>>, vector<16xf32>,
      tpu.vector_store %arg17[%swap3A_1467], %exp3A_1466 {strides = array<i32>} : memref<320xf32, #tpu.memory_space<vmem>>, vector<16xf32>,
      %add3A_1469 = arith.constant 64 : i32
      %add3A_1470 = vector.broadcast %add3A_1469 : i32 to vector<16xi32>
      %add3A_1471 = arith.addi %add3A_1470, %select_n3A : vector<16xi32>
      %gather3A_1472 = tpu.vector_load_idx %arg14[%add3A_1471, %select_n3A_83] : memref<80x8xf32, #tpu.memory_space<vmem>>[vector<16xi32>, vector<16xi32>], vector<16xf32>,
      %add3A_1473 = arith.constant 64 : i32
      %add3A_1474 = vector.broadcast %add3A_1473 : i32 to vector<16xi32>
      %add3A_1475 = arith.addi %add3A_1474, %select_n3A : vector<16xi32>
      %add3A_1476 = arith.constant 4 : i32
      %add3A_1477 = vector.broadcast %add3A_1476 : i32 to vector<16xi32>
      %add3A_1478 = arith.addi %add3A_1477, %select_n3A_83 : vector<16xi32>
      %gather3A_1479 = tpu.vector_load_idx %arg15[%add3A_1475, %add3A_1478] : memref<80x8xf32, #tpu.memory_space<vmem>>[vector<16xi32>, vector<16xi32>], vector<16xf32>,
      %add3A_1480 = arith.addf %gather3A_1472, %gather3A_1479 : vector<16xf32>
      %ge3A_1481 = arith.constant 0.000000e+00 : f32
      %ge3A_1482 = vector.broadcast %ge3A_1481 : f32 to vector<16xf32>
      %ge3A_1483 = arith.cmpf oge, %add3A_1480, %ge3A_1482 : vector<16xf32>
      %mul3A_1484 = arith.constant 2.000000e-01 : f32
      %mul3A_1485 = vector.broadcast %mul3A_1484 : f32 to vector<16xf32>
      %mul3A_1486 = arith.mulf %mul3A_1485, %add3A_1480 : vector<16xf32>
      %select_n3A_1487 = arith.select %ge3A_1483, %add3A_1480, %mul3A_1486 : vector<16xi1>, vector<16xf32>
      %exp3A_1488 = math.exp %select_n3A_1487 : vector<16xf32>
      %swap3A_1489 = arith.constant 256 : index
      %swap3A_1490 = tpu.vector_load %arg17[%swap3A_1489] {strides = array<i32>} : memref<320xf32, #tpu.memory_space<vmem>>, vector<16xf32>,
      tpu.vector_store %arg17[%swap3A_1489], %exp3A_1488 {strides = array<i32>} : memref<320xf32, #tpu.memory_space<vmem>>, vector<16xf32>,
      %add3A_1491 = arith.constant 68 : i32
      %add3A_1492 = vector.broadcast %add3A_1491 : i32 to vector<16xi32>
      %add3A_1493 = arith.addi %add3A_1492, %select_n3A : vector<16xi32>
      %gather3A_1494 = tpu.vector_load_idx %arg14[%add3A_1493, %select_n3A_83] : memref<80x8xf32, #tpu.memory_space<vmem>>[vector<16xi32>, vector<16xi32>], vector<16xf32>,
      %add3A_1495 = arith.constant 68 : i32
      %add3A_1496 = vector.broadcast %add3A_1495 : i32 to vector<16xi32>
      %add3A_1497 = arith.addi %add3A_1496, %select_n3A : vector<16xi32>
      %add3A_1498 = arith.constant 4 : i32
      %add3A_1499 = vector.broadcast %add3A_1498 : i32 to vector<16xi32>
      %add3A_1500 = arith.addi %add3A_1499, %select_n3A_83 : vector<16xi32>
      %gather3A_1501 = tpu.vector_load_idx %arg15[%add3A_1497, %add3A_1500] : memref<80x8xf32, #tpu.memory_space<vmem>>[vector<16xi32>, vector<16xi32>], vector<16xf32>,
      %add3A_1502 = arith.addf %gather3A_1494, %gather3A_1501 : vector<16xf32>
      %ge3A_1503 = arith.constant 0.000000e+00 : f32
      %ge3A_1504 = vector.broadcast %ge3A_1503 : f32 to vector<16xf32>
      %ge3A_1505 = arith.cmpf oge, %add3A_1502, %ge3A_1504 : vector<16xf32>
      %mul3A_1506 = arith.constant 2.000000e-01 : f32
      %mul3A_1507 = vector.broadcast %mul3A_1506 : f32 to vector<16xf32>
      %mul3A_1508 = arith.mulf %mul3A_1507, %add3A_1502 : vector<16xf32>
      %select_n3A_1509 = arith.select %ge3A_1505, %add3A_1502, %mul3A_1508 : vector<16xi1>, vector<16xf32>
      %exp3A_1510 = math.exp %select_n3A_1509 : vector<16xf32>
      %swap3A_1511 = arith.constant 272 : index
      %swap3A_1512 = tpu.vector_load %arg17[%swap3A_1511] {strides = array<i32>} : memref<320xf32, #tpu.memory_space<vmem>>, vector<16xf32>,
      tpu.vector_store %arg17[%swap3A_1511], %exp3A_1510 {strides = array<i32>} : memref<320xf32, #tpu.memory_space<vmem>>, vector<16xf32>,
      %add3A_1513 = arith.constant 72 : i32
      %add3A_1514 = vector.broadcast %add3A_1513 : i32 to vector<16xi32>
      %add3A_1515 = arith.addi %add3A_1514, %select_n3A : vector<16xi32>
      %gather3A_1516 = tpu.vector_load_idx %arg14[%add3A_1515, %select_n3A_83] : memref<80x8xf32, #tpu.memory_space<vmem>>[vector<16xi32>, vector<16xi32>], vector<16xf32>,
      %add3A_1517 = arith.constant 72 : i32
      %add3A_1518 = vector.broadcast %add3A_1517 : i32 to vector<16xi32>
      %add3A_1519 = arith.addi %add3A_1518, %select_n3A : vector<16xi32>
      %add3A_1520 = arith.constant 4 : i32
      %add3A_1521 = vector.broadcast %add3A_1520 : i32 to vector<16xi32>
      %add3A_1522 = arith.addi %add3A_1521, %select_n3A_83 : vector<16xi32>
      %gather3A_1523 = tpu.vector_load_idx %arg15[%add3A_1519, %add3A_1522] : memref<80x8xf32, #tpu.memory_space<vmem>>[vector<16xi32>, vector<16xi32>], vector<16xf32>,
      %add3A_1524 = arith.addf %gather3A_1516, %gather3A_1523 : vector<16xf32>
      %ge3A_1525 = arith.constant 0.000000e+00 : f32
      %ge3A_1526 = vector.broadcast %ge3A_1525 : f32 to vector<16xf32>
      %ge3A_1527 = arith.cmpf oge, %add3A_1524, %ge3A_1526 : vector<16xf32>
      %mul3A_1528 = arith.constant 2.000000e-01 : f32
      %mul3A_1529 = vector.broadcast %mul3A_1528 : f32 to vector<16xf32>
      %mul3A_1530 = arith.mulf %mul3A_1529, %add3A_1524 : vector<16xf32>
      %select_n3A_1531 = arith.select %ge3A_1527, %add3A_1524, %mul3A_1530 : vector<16xi1>, vector<16xf32>
      %exp3A_1532 = math.exp %select_n3A_1531 : vector<16xf32>
      %swap3A_1533 = arith.constant 288 : index
      %swap3A_1534 = tpu.vector_load %arg17[%swap3A_1533] {strides = array<i32>} : memref<320xf32, #tpu.memory_space<vmem>>, vector<16xf32>,
      tpu.vector_store %arg17[%swap3A_1533], %exp3A_1532 {strides = array<i32>} : memref<320xf32, #tpu.memory_space<vmem>>, vector<16xf32>,
      %add3A_1535 = arith.constant 76 : i32
      %add3A_1536 = vector.broadcast %add3A_1535 : i32 to vector<16xi32>
      %add3A_1537 = arith.addi %add3A_1536, %select_n3A : vector<16xi32>
      %gather3A_1538 = tpu.vector_load_idx %arg14[%add3A_1537, %select_n3A_83] : memref<80x8xf32, #tpu.memory_space<vmem>>[vector<16xi32>, vector<16xi32>], vector<16xf32>,
      %add3A_1539 = arith.constant 76 : i32
      %add3A_1540 = vector.broadcast %add3A_1539 : i32 to vector<16xi32>
      %add3A_1541 = arith.addi %add3A_1540, %select_n3A : vector<16xi32>
      %add3A_1542 = arith.constant 4 : i32
      %add3A_1543 = vector.broadcast %add3A_1542 : i32 to vector<16xi32>
      %add3A_1544 = arith.addi %add3A_1543, %select_n3A_83 : vector<16xi32>
      %gather3A_1545 = tpu.vector_load_idx %arg15[%add3A_1541, %add3A_1544] : memref<80x8xf32, #tpu.memory_space<vmem>>[vector<16xi32>, vector<16xi32>], vector<16xf32>,
      %add3A_1546 = arith.addf %gather3A_1538, %gather3A_1545 : vector<16xf32>
      %ge3A_1547 = arith.constant 0.000000e+00 : f32
      %ge3A_1548 = vector.broadcast %ge3A_1547 : f32 to vector<16xf32>
      %ge3A_1549 = arith.cmpf oge, %add3A_1546, %ge3A_1548 : vector<16xf32>
      %mul3A_1550 = arith.constant 2.000000e-01 : f32
      %mul3A_1551 = vector.broadcast %mul3A_1550 : f32 to vector<16xf32>
      %mul3A_1552 = arith.mulf %mul3A_1551, %add3A_1546 : vector<16xf32>
      %select_n3A_1553 = arith.select %ge3A_1549, %add3A_1546, %mul3A_1552 : vector<16xi1>, vector<16xf32>
      %exp3A_1554 = math.exp %select_n3A_1553 : vector<16xf32>
      %swap3A_1555 = arith.constant 304 : index
      %swap3A_1556 = tpu.vector_load %arg17[%swap3A_1555] {strides = array<i32>} : memref<320xf32, #tpu.memory_space<vmem>>, vector<16xf32>,
      tpu.vector_store %arg17[%swap3A_1555], %exp3A_1554 {strides = array<i32>} : memref<320xf32, #tpu.memory_space<vmem>>, vector<16xf32>,
      %dma_wait3A_1557 = arith.constant 0 : i32
      %dma_wait3A_1558 = arith.constant 0 : i32
      %dma_wait3A_1559 = tpu.memref_slice %arg5[%dma_wait3A_1557, %dma_wait3A_1558] : memref<10000x144xf32, #tpu.memory_space<hbm>> -> memref<10000x144xf32, #tpu.memory_space<hbm>>
      tpu.wait_indirect_dma semaphore(%arg28 : memref<!tpu.dma_semaphore, #tpu.memory_space<semaphore_mem>>) src(%dma_wait3A_1559 : memref<10000x144xf32, #tpu.memory_space<hbm>>) dst(%arg16 : memref<80x144xf32, #tpu.memory_space<vmem>>)
      %add3A_1560 = arith.constant 2 : i32
      %add3A_1561 = arith.addi %add3A_1089, %add3A_1560 : i32
      %min3A_1562 = arith.constant 124 : i32
      %min3A_1563 = arith.minsi %add3A_1561, %min3A_1562 : i32
      %mul3A_1564 = arith.constant 80 : i32
      %mul3A_1565 = arith.muli %min3A_1563, %mul3A_1564 : i32
      %add3A_1566 = arith.addi %mul3A_40, %mul3A_1565 : i32
      %multiple_of3A_1567 = tpu.assume_multiple %add3A_1566, 8 : i32
      %dma_start3A_1568 = tpu.memref_slice %arg2[%multiple_of3A_1567] : memref<320000xi32, #tpu.memory_space<hbm>> -> memref<80xi32, #tpu.memory_space<hbm>>
      %dma_start3A_1569 = tpu.memref_slice %arg2[%multiple_of3A_1567] : memref<320000xi32, #tpu.memory_space<hbm>> -> memref<80xi32, #tpu.memory_space<hbm>>
      tpu.enqueue_dma source(%dma_start3A_1569 : memref<80xi32, #tpu.memory_space<hbm>>) target(%arg12 : memref<80xi32, #tpu.memory_space<vmem>>) target_semaphore(%arg24 : memref<!tpu.dma_semaphore, #tpu.memory_space<semaphore_mem>>)
      %scan3A_1570 = arith.constant 0 : i32
      %scan3A_1571 = arith.constant 0 : i32
      %scan3A_1572 = arith.constant 20 : i32
      %scan3A_1573 = arith.addi %scan3A_1571, %scan3A_1572 : i32
      %scan3A_1574 = arith.constant 1 : i32
      scf.for %scan3A_1578 = %scan3A_1571 to %scan3A_1573 step %scan3A_1574  : i32 {
        %mul3A_1579 = arith.constant 4 : i32
        %mul3A_1580 = arith.muli %scan3A_1578, %mul3A_1579 : i32
        %add3A_1581 = arith.constant 0 : i32
        %add3A_1582 = arith.addi %mul3A_1580, %add3A_1581 : i32
        %mul3A_1583 = arith.constant 4 : i32
        %mul3A_1584 = arith.muli %add3A_1582, %mul3A_1583 : i32
        %and3A_1585 = arith.constant 3 : i32
        %and3A_1586 = vector.broadcast %and3A_1585 : i32 to vector<16xi32>
        %and3A_1587 = arith.andi %iota3A, %and3A_1586 : vector<16xi32>
        %add3A_1588 = vector.broadcast %mul3A_1584 : i32 to vector<16xi32>
        %add3A_1589 = arith.addi %add3A_1588, %and3A_1587 : vector<16xi32>
        %gather3A_1590 = tpu.vector_load_idx %arg17[%add3A_1589] : memref<320xf32, #tpu.memory_space<vmem>>[vector<16xi32>], vector<16xf32>,
        %get3A = arith.index_cast %add3A_1582 : i32 to index
        %get3A_1591 = arith.constant 0 : index
        %get3A_1592 = tpu.vector_load %arg16[%get3A, %get3A_1591] {strides = array<i32>} : memref<80x144xf32, #tpu.memory_space<vmem>>, vector<16xf32>,
        %mul3A_1593 = arith.mulf %get3A_1592, %gather3A_1590 : vector<16xf32>
        %swap3A_1594 = arith.index_cast %add3A_1582 : i32 to index
        %swap3A_1595 = arith.constant 0 : index
        %swap3A_1596 = tpu.vector_load %arg16[%swap3A_1594, %swap3A_1595] {strides = array<i32>} : memref<80x144xf32, #tpu.memory_space<vmem>>, vector<16xf32>,
        tpu.vector_store %arg16[%swap3A_1594, %swap3A_1595], %mul3A_1593 {strides = array<i32>} : memref<80x144xf32, #tpu.memory_space<vmem>>, vector<16xf32>,
        %get3A_1597 = arith.index_cast %add3A_1582 : i32 to index
        %get3A_1598 = arith.constant 16 : index
        %get3A_1599 = tpu.vector_load %arg16[%get3A_1597, %get3A_1598] {strides = array<i32>} : memref<80x144xf32, #tpu.memory_space<vmem>>, vector<16xf32>,
        %mul3A_1600 = arith.mulf %get3A_1599, %gather3A_1590 : vector<16xf32>
        %swap3A_1601 = arith.index_cast %add3A_1582 : i32 to index
        %swap3A_1602 = arith.constant 16 : index
        %swap3A_1603 = tpu.vector_load %arg16[%swap3A_1601, %swap3A_1602] {strides = array<i32>} : memref<80x144xf32, #tpu.memory_space<vmem>>, vector<16xf32>,
        tpu.vector_store %arg16[%swap3A_1601, %swap3A_1602], %mul3A_1600 {strides = array<i32>} : memref<80x144xf32, #tpu.memory_space<vmem>>, vector<16xf32>,
        %get3A_1604 = arith.index_cast %add3A_1582 : i32 to index
        %get3A_1605 = arith.constant 32 : index
        %get3A_1606 = tpu.vector_load %arg16[%get3A_1604, %get3A_1605] {strides = array<i32>} : memref<80x144xf32, #tpu.memory_space<vmem>>, vector<16xf32>,
        %mul3A_1607 = arith.mulf %get3A_1606, %gather3A_1590 : vector<16xf32>
        %swap3A_1608 = arith.index_cast %add3A_1582 : i32 to index
        %swap3A_1609 = arith.constant 32 : index
        %swap3A_1610 = tpu.vector_load %arg16[%swap3A_1608, %swap3A_1609] {strides = array<i32>} : memref<80x144xf32, #tpu.memory_space<vmem>>, vector<16xf32>,
        tpu.vector_store %arg16[%swap3A_1608, %swap3A_1609], %mul3A_1607 {strides = array<i32>} : memref<80x144xf32, #tpu.memory_space<vmem>>, vector<16xf32>,
        %get3A_1611 = arith.index_cast %add3A_1582 : i32 to index
        %get3A_1612 = arith.constant 48 : index
        %get3A_1613 = tpu.vector_load %arg16[%get3A_1611, %get3A_1612] {strides = array<i32>} : memref<80x144xf32, #tpu.memory_space<vmem>>, vector<16xf32>,
        %mul3A_1614 = arith.mulf %get3A_1613, %gather3A_1590 : vector<16xf32>
        %swap3A_1615 = arith.index_cast %add3A_1582 : i32 to index
        %swap3A_1616 = arith.constant 48 : index
        %swap3A_1617 = tpu.vector_load %arg16[%swap3A_1615, %swap3A_1616] {strides = array<i32>} : memref<80x144xf32, #tpu.memory_space<vmem>>, vector<16xf32>,
        tpu.vector_store %arg16[%swap3A_1615, %swap3A_1616], %mul3A_1614 {strides = array<i32>} : memref<80x144xf32, #tpu.memory_space<vmem>>, vector<16xf32>,
        %get3A_1618 = arith.index_cast %add3A_1582 : i32 to index
        %get3A_1619 = arith.constant 64 : index
        %get3A_1620 = tpu.vector_load %arg16[%get3A_1618, %get3A_1619] {strides = array<i32>} : memref<80x144xf32, #tpu.memory_space<vmem>>, vector<16xf32>,
        %mul3A_1621 = arith.mulf %get3A_1620, %gather3A_1590 : vector<16xf32>
        %swap3A_1622 = arith.index_cast %add3A_1582 : i32 to index
        %swap3A_1623 = arith.constant 64 : index
        %swap3A_1624 = tpu.vector_load %arg16[%swap3A_1622, %swap3A_1623] {strides = array<i32>} : memref<80x144xf32, #tpu.memory_space<vmem>>, vector<16xf32>,
        tpu.vector_store %arg16[%swap3A_1622, %swap3A_1623], %mul3A_1621 {strides = array<i32>} : memref<80x144xf32, #tpu.memory_space<vmem>>, vector<16xf32>,
        %get3A_1625 = arith.index_cast %add3A_1582 : i32 to index
        %get3A_1626 = arith.constant 80 : index
        %get3A_1627 = tpu.vector_load %arg16[%get3A_1625, %get3A_1626] {strides = array<i32>} : memref<80x144xf32, #tpu.memory_space<vmem>>, vector<16xf32>,
        %mul3A_1628 = arith.mulf %get3A_1627, %gather3A_1590 : vector<16xf32>
        %swap3A_1629 = arith.index_cast %add3A_1582 : i32 to index
        %swap3A_1630 = arith.constant 80 : index
        %swap3A_1631 = tpu.vector_load %arg16[%swap3A_1629, %swap3A_1630] {strides = array<i32>} : memref<80x144xf32, #tpu.memory_space<vmem>>, vector<16xf32>,
        tpu.vector_store %arg16[%swap3A_1629, %swap3A_1630], %mul3A_1628 {strides = array<i32>} : memref<80x144xf32, #tpu.memory_space<vmem>>, vector<16xf32>,
        %get3A_1632 = arith.index_cast %add3A_1582 : i32 to index
        %get3A_1633 = arith.constant 96 : index
        %get3A_1634 = tpu.vector_load %arg16[%get3A_1632, %get3A_1633] {strides = array<i32>} : memref<80x144xf32, #tpu.memory_space<vmem>>, vector<16xf32>,
        %mul3A_1635 = arith.mulf %get3A_1634, %gather3A_1590 : vector<16xf32>
        %swap3A_1636 = arith.index_cast %add3A_1582 : i32 to index
        %swap3A_1637 = arith.constant 96 : index
        %swap3A_1638 = tpu.vector_load %arg16[%swap3A_1636, %swap3A_1637] {strides = array<i32>} : memref<80x144xf32, #tpu.memory_space<vmem>>, vector<16xf32>,
        tpu.vector_store %arg16[%swap3A_1636, %swap3A_1637], %mul3A_1635 {strides = array<i32>} : memref<80x144xf32, #tpu.memory_space<vmem>>, vector<16xf32>,
        %get3A_1639 = arith.index_cast %add3A_1582 : i32 to index
        %get3A_1640 = arith.constant 112 : index
        %get3A_1641 = tpu.vector_load %arg16[%get3A_1639, %get3A_1640] {strides = array<i32>} : memref<80x144xf32, #tpu.memory_space<vmem>>, vector<16xf32>,
        %mul3A_1642 = arith.mulf %get3A_1641, %gather3A_1590 : vector<16xf32>
        %swap3A_1643 = arith.index_cast %add3A_1582 : i32 to index
        %swap3A_1644 = arith.constant 112 : index
        %swap3A_1645 = tpu.vector_load %arg16[%swap3A_1643, %swap3A_1644] {strides = array<i32>} : memref<80x144xf32, #tpu.memory_space<vmem>>, vector<16xf32>,
        tpu.vector_store %arg16[%swap3A_1643, %swap3A_1644], %mul3A_1642 {strides = array<i32>} : memref<80x144xf32, #tpu.memory_space<vmem>>, vector<16xf32>,
        %swap3A_1646 = arith.index_cast %add3A_1582 : i32 to index
        %swap3A_1647 = arith.constant 128 : index
        %swap3A_1648 = tpu.vector_load %arg16[%swap3A_1646, %swap3A_1647] {strides = array<i32>} : memref<80x144xf32, #tpu.memory_space<vmem>>, vector<16xf32>,
        tpu.vector_store %arg16[%swap3A_1646, %swap3A_1647], %gather3A_1590 {strides = array<i32>} : memref<80x144xf32, #tpu.memory_space<vmem>>, vector<16xf32>,
        %mul3A_1649 = arith.constant 4 : i32
        %mul3A_1650 = arith.muli %scan3A_1578, %mul3A_1649 : i32
        %add3A_1651 = arith.constant 1 : i32
        %add3A_1652 = arith.addi %mul3A_1650, %add3A_1651 : i32
        %mul3A_1653 = arith.constant 4 : i32
        %mul3A_1654 = arith.muli %add3A_1652, %mul3A_1653 : i32
        %and3A_1655 = arith.constant 3 : i32
        %and3A_1656 = vector.broadcast %and3A_1655 : i32 to vector<16xi32>
        %and3A_1657 = arith.andi %iota3A, %and3A_1656 : vector<16xi32>
        %add3A_1658 = vector.broadcast %mul3A_1654 : i32 to vector<16xi32>
        %add3A_1659 = arith.addi %add3A_1658, %and3A_1657 : vector<16xi32>
        %gather3A_1660 = tpu.vector_load_idx %arg17[%add3A_1659] : memref<320xf32, #tpu.memory_space<vmem>>[vector<16xi32>], vector<16xf32>,
        %get3A_1661 = arith.index_cast %add3A_1652 : i32 to index
        %get3A_1662 = arith.constant 0 : index
        %get3A_1663 = tpu.vector_load %arg16[%get3A_1661, %get3A_1662] {strides = array<i32>} : memref<80x144xf32, #tpu.memory_space<vmem>>, vector<16xf32>,
        %mul3A_1664 = arith.mulf %get3A_1663, %gather3A_1660 : vector<16xf32>
        %swap3A_1665 = arith.index_cast %add3A_1652 : i32 to index
        %swap3A_1666 = arith.constant 0 : index
        %swap3A_1667 = tpu.vector_load %arg16[%swap3A_1665, %swap3A_1666] {strides = array<i32>} : memref<80x144xf32, #tpu.memory_space<vmem>>, vector<16xf32>,
        tpu.vector_store %arg16[%swap3A_1665, %swap3A_1666], %mul3A_1664 {strides = array<i32>} : memref<80x144xf32, #tpu.memory_space<vmem>>, vector<16xf32>,
        %get3A_1668 = arith.index_cast %add3A_1652 : i32 to index
        %get3A_1669 = arith.constant 16 : index
        %get3A_1670 = tpu.vector_load %arg16[%get3A_1668, %get3A_1669] {strides = array<i32>} : memref<80x144xf32, #tpu.memory_space<vmem>>, vector<16xf32>,
        %mul3A_1671 = arith.mulf %get3A_1670, %gather3A_1660 : vector<16xf32>
        %swap3A_1672 = arith.index_cast %add3A_1652 : i32 to index
        %swap3A_1673 = arith.constant 16 : index
        %swap3A_1674 = tpu.vector_load %arg16[%swap3A_1672, %swap3A_1673] {strides = array<i32>} : memref<80x144xf32, #tpu.memory_space<vmem>>, vector<16xf32>,
        tpu.vector_store %arg16[%swap3A_1672, %swap3A_1673], %mul3A_1671 {strides = array<i32>} : memref<80x144xf32, #tpu.memory_space<vmem>>, vector<16xf32>,
        %get3A_1675 = arith.index_cast %add3A_1652 : i32 to index
        %get3A_1676 = arith.constant 32 : index
        %get3A_1677 = tpu.vector_load %arg16[%get3A_1675, %get3A_1676] {strides = array<i32>} : memref<80x144xf32, #tpu.memory_space<vmem>>, vector<16xf32>,
        %mul3A_1678 = arith.mulf %get3A_1677, %gather3A_1660 : vector<16xf32>
        %swap3A_1679 = arith.index_cast %add3A_1652 : i32 to index
        %swap3A_1680 = arith.constant 32 : index
        %swap3A_1681 = tpu.vector_load %arg16[%swap3A_1679, %swap3A_1680] {strides = array<i32>} : memref<80x144xf32, #tpu.memory_space<vmem>>, vector<16xf32>,
        tpu.vector_store %arg16[%swap3A_1679, %swap3A_1680], %mul3A_1678 {strides = array<i32>} : memref<80x144xf32, #tpu.memory_space<vmem>>, vector<16xf32>,
        %get3A_1682 = arith.index_cast %add3A_1652 : i32 to index
        %get3A_1683 = arith.constant 48 : index
        %get3A_1684 = tpu.vector_load %arg16[%get3A_1682, %get3A_1683] {strides = array<i32>} : memref<80x144xf32, #tpu.memory_space<vmem>>, vector<16xf32>,
        %mul3A_1685 = arith.mulf %get3A_1684, %gather3A_1660 : vector<16xf32>
        %swap3A_1686 = arith.index_cast %add3A_1652 : i32 to index
        %swap3A_1687 = arith.constant 48 : index
        %swap3A_1688 = tpu.vector_load %arg16[%swap3A_1686, %swap3A_1687] {strides = array<i32>} : memref<80x144xf32, #tpu.memory_space<vmem>>, vector<16xf32>,
        tpu.vector_store %arg16[%swap3A_1686, %swap3A_1687], %mul3A_1685 {strides = array<i32>} : memref<80x144xf32, #tpu.memory_space<vmem>>, vector<16xf32>,
        %get3A_1689 = arith.index_cast %add3A_1652 : i32 to index
        %get3A_1690 = arith.constant 64 : index
        %get3A_1691 = tpu.vector_load %arg16[%get3A_1689, %get3A_1690] {strides = array<i32>} : memref<80x144xf32, #tpu.memory_space<vmem>>, vector<16xf32>,
        %mul3A_1692 = arith.mulf %get3A_1691, %gather3A_1660 : vector<16xf32>
        %swap3A_1693 = arith.index_cast %add3A_1652 : i32 to index
        %swap3A_1694 = arith.constant 64 : index
        %swap3A_1695 = tpu.vector_load %arg16[%swap3A_1693, %swap3A_1694] {strides = array<i32>} : memref<80x144xf32, #tpu.memory_space<vmem>>, vector<16xf32>,
        tpu.vector_store %arg16[%swap3A_1693, %swap3A_1694], %mul3A_1692 {strides = array<i32>} : memref<80x144xf32, #tpu.memory_space<vmem>>, vector<16xf32>,
        %get3A_1696 = arith.index_cast %add3A_1652 : i32 to index
        %get3A_1697 = arith.constant 80 : index
        %get3A_1698 = tpu.vector_load %arg16[%get3A_1696, %get3A_1697] {strides = array<i32>} : memref<80x144xf32, #tpu.memory_space<vmem>>, vector<16xf32>,
        %mul3A_1699 = arith.mulf %get3A_1698, %gather3A_1660 : vector<16xf32>
        %swap3A_1700 = arith.index_cast %add3A_1652 : i32 to index
        %swap3A_1701 = arith.constant 80 : index
        %swap3A_1702 = tpu.vector_load %arg16[%swap3A_1700, %swap3A_1701] {strides = array<i32>} : memref<80x144xf32, #tpu.memory_space<vmem>>, vector<16xf32>,
        tpu.vector_store %arg16[%swap3A_1700, %swap3A_1701], %mul3A_1699 {strides = array<i32>} : memref<80x144xf32, #tpu.memory_space<vmem>>, vector<16xf32>,
        %get3A_1703 = arith.index_cast %add3A_1652 : i32 to index
        %get3A_1704 = arith.constant 96 : index
        %get3A_1705 = tpu.vector_load %arg16[%get3A_1703, %get3A_1704] {strides = array<i32>} : memref<80x144xf32, #tpu.memory_space<vmem>>, vector<16xf32>,
        %mul3A_1706 = arith.mulf %get3A_1705, %gather3A_1660 : vector<16xf32>
        %swap3A_1707 = arith.index_cast %add3A_1652 : i32 to index
        %swap3A_1708 = arith.constant 96 : index
        %swap3A_1709 = tpu.vector_load %arg16[%swap3A_1707, %swap3A_1708] {strides = array<i32>} : memref<80x144xf32, #tpu.memory_space<vmem>>, vector<16xf32>,
        tpu.vector_store %arg16[%swap3A_1707, %swap3A_1708], %mul3A_1706 {strides = array<i32>} : memref<80x144xf32, #tpu.memory_space<vmem>>, vector<16xf32>,
        %get3A_1710 = arith.index_cast %add3A_1652 : i32 to index
        %get3A_1711 = arith.constant 112 : index
        %get3A_1712 = tpu.vector_load %arg16[%get3A_1710, %get3A_1711] {strides = array<i32>} : memref<80x144xf32, #tpu.memory_space<vmem>>, vector<16xf32>,
        %mul3A_1713 = arith.mulf %get3A_1712, %gather3A_1660 : vector<16xf32>
        %swap3A_1714 = arith.index_cast %add3A_1652 : i32 to index
        %swap3A_1715 = arith.constant 112 : index
        %swap3A_1716 = tpu.vector_load %arg16[%swap3A_1714, %swap3A_1715] {strides = array<i32>} : memref<80x144xf32, #tpu.memory_space<vmem>>, vector<16xf32>,
        tpu.vector_store %arg16[%swap3A_1714, %swap3A_1715], %mul3A_1713 {strides = array<i32>} : memref<80x144xf32, #tpu.memory_space<vmem>>, vector<16xf32>,
        %swap3A_1717 = arith.index_cast %add3A_1652 : i32 to index
        %swap3A_1718 = arith.constant 128 : index
        %swap3A_1719 = tpu.vector_load %arg16[%swap3A_1717, %swap3A_1718] {strides = array<i32>} : memref<80x144xf32, #tpu.memory_space<vmem>>, vector<16xf32>,
        tpu.vector_store %arg16[%swap3A_1717, %swap3A_1718], %gather3A_1660 {strides = array<i32>} : memref<80x144xf32, #tpu.memory_space<vmem>>, vector<16xf32>,
        %mul3A_1720 = arith.constant 4 : i32
        %mul3A_1721 = arith.muli %scan3A_1578, %mul3A_1720 : i32
        %add3A_1722 = arith.constant 2 : i32
        %add3A_1723 = arith.addi %mul3A_1721, %add3A_1722 : i32
        %mul3A_1724 = arith.constant 4 : i32
        %mul3A_1725 = arith.muli %add3A_1723, %mul3A_1724 : i32
        %and3A_1726 = arith.constant 3 : i32
        %and3A_1727 = vector.broadcast %and3A_1726 : i32 to vector<16xi32>
        %and3A_1728 = arith.andi %iota3A, %and3A_1727 : vector<16xi32>
        %add3A_1729 = vector.broadcast %mul3A_1725 : i32 to vector<16xi32>
        %add3A_1730 = arith.addi %add3A_1729, %and3A_1728 : vector<16xi32>
        %gather3A_1731 = tpu.vector_load_idx %arg17[%add3A_1730] : memref<320xf32, #tpu.memory_space<vmem>>[vector<16xi32>], vector<16xf32>,
        %get3A_1732 = arith.index_cast %add3A_1723 : i32 to index
        %get3A_1733 = arith.constant 0 : index
        %get3A_1734 = tpu.vector_load %arg16[%get3A_1732, %get3A_1733] {strides = array<i32>} : memref<80x144xf32, #tpu.memory_space<vmem>>, vector<16xf32>,
        %mul3A_1735 = arith.mulf %get3A_1734, %gather3A_1731 : vector<16xf32>
        %swap3A_1736 = arith.index_cast %add3A_1723 : i32 to index
        %swap3A_1737 = arith.constant 0 : index
        %swap3A_1738 = tpu.vector_load %arg16[%swap3A_1736, %swap3A_1737] {strides = array<i32>} : memref<80x144xf32, #tpu.memory_space<vmem>>, vector<16xf32>,
        tpu.vector_store %arg16[%swap3A_1736, %swap3A_1737], %mul3A_1735 {strides = array<i32>} : memref<80x144xf32, #tpu.memory_space<vmem>>, vector<16xf32>,
        %get3A_1739 = arith.index_cast %add3A_1723 : i32 to index
        %get3A_1740 = arith.constant 16 : index
        %get3A_1741 = tpu.vector_load %arg16[%get3A_1739, %get3A_1740] {strides = array<i32>} : memref<80x144xf32, #tpu.memory_space<vmem>>, vector<16xf32>,
        %mul3A_1742 = arith.mulf %get3A_1741, %gather3A_1731 : vector<16xf32>
        %swap3A_1743 = arith.index_cast %add3A_1723 : i32 to index
        %swap3A_1744 = arith.constant 16 : index
        %swap3A_1745 = tpu.vector_load %arg16[%swap3A_1743, %swap3A_1744] {strides = array<i32>} : memref<80x144xf32, #tpu.memory_space<vmem>>, vector<16xf32>,
        tpu.vector_store %arg16[%swap3A_1743, %swap3A_1744], %mul3A_1742 {strides = array<i32>} : memref<80x144xf32, #tpu.memory_space<vmem>>, vector<16xf32>,
        %get3A_1746 = arith.index_cast %add3A_1723 : i32 to index
        %get3A_1747 = arith.constant 32 : index
        %get3A_1748 = tpu.vector_load %arg16[%get3A_1746, %get3A_1747] {strides = array<i32>} : memref<80x144xf32, #tpu.memory_space<vmem>>, vector<16xf32>,
        %mul3A_1749 = arith.mulf %get3A_1748, %gather3A_1731 : vector<16xf32>
        %swap3A_1750 = arith.index_cast %add3A_1723 : i32 to index
        %swap3A_1751 = arith.constant 32 : index
        %swap3A_1752 = tpu.vector_load %arg16[%swap3A_1750, %swap3A_1751] {strides = array<i32>} : memref<80x144xf32, #tpu.memory_space<vmem>>, vector<16xf32>,
        tpu.vector_store %arg16[%swap3A_1750, %swap3A_1751], %mul3A_1749 {strides = array<i32>} : memref<80x144xf32, #tpu.memory_space<vmem>>, vector<16xf32>,
        %get3A_1753 = arith.index_cast %add3A_1723 : i32 to index
        %get3A_1754 = arith.constant 48 : index
        %get3A_1755 = tpu.vector_load %arg16[%get3A_1753, %get3A_1754] {strides = array<i32>} : memref<80x144xf32, #tpu.memory_space<vmem>>, vector<16xf32>,
        %mul3A_1756 = arith.mulf %get3A_1755, %gather3A_1731 : vector<16xf32>
        %swap3A_1757 = arith.index_cast %add3A_1723 : i32 to index
        %swap3A_1758 = arith.constant 48 : index
        %swap3A_1759 = tpu.vector_load %arg16[%swap3A_1757, %swap3A_1758] {strides = array<i32>} : memref<80x144xf32, #tpu.memory_space<vmem>>, vector<16xf32>,
        tpu.vector_store %arg16[%swap3A_1757, %swap3A_1758], %mul3A_1756 {strides = array<i32>} : memref<80x144xf32, #tpu.memory_space<vmem>>, vector<16xf32>,
        %get3A_1760 = arith.index_cast %add3A_1723 : i32 to index
        %get3A_1761 = arith.constant 64 : index
        %get3A_1762 = tpu.vector_load %arg16[%get3A_1760, %get3A_1761] {strides = array<i32>} : memref<80x144xf32, #tpu.memory_space<vmem>>, vector<16xf32>,
        %mul3A_1763 = arith.mulf %get3A_1762, %gather3A_1731 : vector<16xf32>
        %swap3A_1764 = arith.index_cast %add3A_1723 : i32 to index
        %swap3A_1765 = arith.constant 64 : index
        %swap3A_1766 = tpu.vector_load %arg16[%swap3A_1764, %swap3A_1765] {strides = array<i32>} : memref<80x144xf32, #tpu.memory_space<vmem>>, vector<16xf32>,
        tpu.vector_store %arg16[%swap3A_1764, %swap3A_1765], %mul3A_1763 {strides = array<i32>} : memref<80x144xf32, #tpu.memory_space<vmem>>, vector<16xf32>,
        %get3A_1767 = arith.index_cast %add3A_1723 : i32 to index
        %get3A_1768 = arith.constant 80 : index
        %get3A_1769 = tpu.vector_load %arg16[%get3A_1767, %get3A_1768] {strides = array<i32>} : memref<80x144xf32, #tpu.memory_space<vmem>>, vector<16xf32>,
        %mul3A_1770 = arith.mulf %get3A_1769, %gather3A_1731 : vector<16xf32>
        %swap3A_1771 = arith.index_cast %add3A_1723 : i32 to index
        %swap3A_1772 = arith.constant 80 : index
        %swap3A_1773 = tpu.vector_load %arg16[%swap3A_1771, %swap3A_1772] {strides = array<i32>} : memref<80x144xf32, #tpu.memory_space<vmem>>, vector<16xf32>,
        tpu.vector_store %arg16[%swap3A_1771, %swap3A_1772], %mul3A_1770 {strides = array<i32>} : memref<80x144xf32, #tpu.memory_space<vmem>>, vector<16xf32>,
        %get3A_1774 = arith.index_cast %add3A_1723 : i32 to index
        %get3A_1775 = arith.constant 96 : index
        %get3A_1776 = tpu.vector_load %arg16[%get3A_1774, %get3A_1775] {strides = array<i32>} : memref<80x144xf32, #tpu.memory_space<vmem>>, vector<16xf32>,
        %mul3A_1777 = arith.mulf %get3A_1776, %gather3A_1731 : vector<16xf32>
        %swap3A_1778 = arith.index_cast %add3A_1723 : i32 to index
        %swap3A_1779 = arith.constant 96 : index
        %swap3A_1780 = tpu.vector_load %arg16[%swap3A_1778, %swap3A_1779] {strides = array<i32>} : memref<80x144xf32, #tpu.memory_space<vmem>>, vector<16xf32>,
        tpu.vector_store %arg16[%swap3A_1778, %swap3A_1779], %mul3A_1777 {strides = array<i32>} : memref<80x144xf32, #tpu.memory_space<vmem>>, vector<16xf32>,
        %get3A_1781 = arith.index_cast %add3A_1723 : i32 to index
        %get3A_1782 = arith.constant 112 : index
        %get3A_1783 = tpu.vector_load %arg16[%get3A_1781, %get3A_1782] {strides = array<i32>} : memref<80x144xf32, #tpu.memory_space<vmem>>, vector<16xf32>,
        %mul3A_1784 = arith.mulf %get3A_1783, %gather3A_1731 : vector<16xf32>
        %swap3A_1785 = arith.index_cast %add3A_1723 : i32 to index
        %swap3A_1786 = arith.constant 112 : index
        %swap3A_1787 = tpu.vector_load %arg16[%swap3A_1785, %swap3A_1786] {strides = array<i32>} : memref<80x144xf32, #tpu.memory_space<vmem>>, vector<16xf32>,
        tpu.vector_store %arg16[%swap3A_1785, %swap3A_1786], %mul3A_1784 {strides = array<i32>} : memref<80x144xf32, #tpu.memory_space<vmem>>, vector<16xf32>,
        %swap3A_1788 = arith.index_cast %add3A_1723 : i32 to index
        %swap3A_1789 = arith.constant 128 : index
        %swap3A_1790 = tpu.vector_load %arg16[%swap3A_1788, %swap3A_1789] {strides = array<i32>} : memref<80x144xf32, #tpu.memory_space<vmem>>, vector<16xf32>,
        tpu.vector_store %arg16[%swap3A_1788, %swap3A_1789], %gather3A_1731 {strides = array<i32>} : memref<80x144xf32, #tpu.memory_space<vmem>>, vector<16xf32>,
        %mul3A_1791 = arith.constant 4 : i32
        %mul3A_1792 = arith.muli %scan3A_1578, %mul3A_1791 : i32
        %add3A_1793 = arith.constant 3 : i32
        %add3A_1794 = arith.addi %mul3A_1792, %add3A_1793 : i32
        %mul3A_1795 = arith.constant 4 : i32
        %mul3A_1796 = arith.muli %add3A_1794, %mul3A_1795 : i32
        %and3A_1797 = arith.constant 3 : i32
        %and3A_1798 = vector.broadcast %and3A_1797 : i32 to vector<16xi32>
        %and3A_1799 = arith.andi %iota3A, %and3A_1798 : vector<16xi32>
        %add3A_1800 = vector.broadcast %mul3A_1796 : i32 to vector<16xi32>
        %add3A_1801 = arith.addi %add3A_1800, %and3A_1799 : vector<16xi32>
        %gather3A_1802 = tpu.vector_load_idx %arg17[%add3A_1801] : memref<320xf32, #tpu.memory_space<vmem>>[vector<16xi32>], vector<16xf32>,
        %get3A_1803 = arith.index_cast %add3A_1794 : i32 to index
        %get3A_1804 = arith.constant 0 : index
        %get3A_1805 = tpu.vector_load %arg16[%get3A_1803, %get3A_1804] {strides = array<i32>} : memref<80x144xf32, #tpu.memory_space<vmem>>, vector<16xf32>,
        %mul3A_1806 = arith.mulf %get3A_1805, %gather3A_1802 : vector<16xf32>
        %swap3A_1807 = arith.index_cast %add3A_1794 : i32 to index
        %swap3A_1808 = arith.constant 0 : index
        %swap3A_1809 = tpu.vector_load %arg16[%swap3A_1807, %swap3A_1808] {strides = array<i32>} : memref<80x144xf32, #tpu.memory_space<vmem>>, vector<16xf32>,
        tpu.vector_store %arg16[%swap3A_1807, %swap3A_1808], %mul3A_1806 {strides = array<i32>} : memref<80x144xf32, #tpu.memory_space<vmem>>, vector<16xf32>,
        %get3A_1810 = arith.index_cast %add3A_1794 : i32 to index
        %get3A_1811 = arith.constant 16 : index
        %get3A_1812 = tpu.vector_load %arg16[%get3A_1810, %get3A_1811] {strides = array<i32>} : memref<80x144xf32, #tpu.memory_space<vmem>>, vector<16xf32>,
        %mul3A_1813 = arith.mulf %get3A_1812, %gather3A_1802 : vector<16xf32>
        %swap3A_1814 = arith.index_cast %add3A_1794 : i32 to index
        %swap3A_1815 = arith.constant 16 : index
        %swap3A_1816 = tpu.vector_load %arg16[%swap3A_1814, %swap3A_1815] {strides = array<i32>} : memref<80x144xf32, #tpu.memory_space<vmem>>, vector<16xf32>,
        tpu.vector_store %arg16[%swap3A_1814, %swap3A_1815], %mul3A_1813 {strides = array<i32>} : memref<80x144xf32, #tpu.memory_space<vmem>>, vector<16xf32>,
        %get3A_1817 = arith.index_cast %add3A_1794 : i32 to index
        %get3A_1818 = arith.constant 32 : index
        %get3A_1819 = tpu.vector_load %arg16[%get3A_1817, %get3A_1818] {strides = array<i32>} : memref<80x144xf32, #tpu.memory_space<vmem>>, vector<16xf32>,
        %mul3A_1820 = arith.mulf %get3A_1819, %gather3A_1802 : vector<16xf32>
        %swap3A_1821 = arith.index_cast %add3A_1794 : i32 to index
        %swap3A_1822 = arith.constant 32 : index
        %swap3A_1823 = tpu.vector_load %arg16[%swap3A_1821, %swap3A_1822] {strides = array<i32>} : memref<80x144xf32, #tpu.memory_space<vmem>>, vector<16xf32>,
        tpu.vector_store %arg16[%swap3A_1821, %swap3A_1822], %mul3A_1820 {strides = array<i32>} : memref<80x144xf32, #tpu.memory_space<vmem>>, vector<16xf32>,
        %get3A_1824 = arith.index_cast %add3A_1794 : i32 to index
        %get3A_1825 = arith.constant 48 : index
        %get3A_1826 = tpu.vector_load %arg16[%get3A_1824, %get3A_1825] {strides = array<i32>} : memref<80x144xf32, #tpu.memory_space<vmem>>, vector<16xf32>,
        %mul3A_1827 = arith.mulf %get3A_1826, %gather3A_1802 : vector<16xf32>
        %swap3A_1828 = arith.index_cast %add3A_1794 : i32 to index
        %swap3A_1829 = arith.constant 48 : index
        %swap3A_1830 = tpu.vector_load %arg16[%swap3A_1828, %swap3A_1829] {strides = array<i32>} : memref<80x144xf32, #tpu.memory_space<vmem>>, vector<16xf32>,
        tpu.vector_store %arg16[%swap3A_1828, %swap3A_1829], %mul3A_1827 {strides = array<i32>} : memref<80x144xf32, #tpu.memory_space<vmem>>, vector<16xf32>,
        %get3A_1831 = arith.index_cast %add3A_1794 : i32 to index
        %get3A_1832 = arith.constant 64 : index
        %get3A_1833 = tpu.vector_load %arg16[%get3A_1831, %get3A_1832] {strides = array<i32>} : memref<80x144xf32, #tpu.memory_space<vmem>>, vector<16xf32>,
        %mul3A_1834 = arith.mulf %get3A_1833, %gather3A_1802 : vector<16xf32>
        %swap3A_1835 = arith.index_cast %add3A_1794 : i32 to index
        %swap3A_1836 = arith.constant 64 : index
        %swap3A_1837 = tpu.vector_load %arg16[%swap3A_1835, %swap3A_1836] {strides = array<i32>} : memref<80x144xf32, #tpu.memory_space<vmem>>, vector<16xf32>,
        tpu.vector_store %arg16[%swap3A_1835, %swap3A_1836], %mul3A_1834 {strides = array<i32>} : memref<80x144xf32, #tpu.memory_space<vmem>>, vector<16xf32>,
        %get3A_1838 = arith.index_cast %add3A_1794 : i32 to index
        %get3A_1839 = arith.constant 80 : index
        %get3A_1840 = tpu.vector_load %arg16[%get3A_1838, %get3A_1839] {strides = array<i32>} : memref<80x144xf32, #tpu.memory_space<vmem>>, vector<16xf32>,
        %mul3A_1841 = arith.mulf %get3A_1840, %gather3A_1802 : vector<16xf32>
        %swap3A_1842 = arith.index_cast %add3A_1794 : i32 to index
        %swap3A_1843 = arith.constant 80 : index
        %swap3A_1844 = tpu.vector_load %arg16[%swap3A_1842, %swap3A_1843] {strides = array<i32>} : memref<80x144xf32, #tpu.memory_space<vmem>>, vector<16xf32>,
        tpu.vector_store %arg16[%swap3A_1842, %swap3A_1843], %mul3A_1841 {strides = array<i32>} : memref<80x144xf32, #tpu.memory_space<vmem>>, vector<16xf32>,
        %get3A_1845 = arith.index_cast %add3A_1794 : i32 to index
        %get3A_1846 = arith.constant 96 : index
        %get3A_1847 = tpu.vector_load %arg16[%get3A_1845, %get3A_1846] {strides = array<i32>} : memref<80x144xf32, #tpu.memory_space<vmem>>, vector<16xf32>,
        %mul3A_1848 = arith.mulf %get3A_1847, %gather3A_1802 : vector<16xf32>
        %swap3A_1849 = arith.index_cast %add3A_1794 : i32 to index
        %swap3A_1850 = arith.constant 96 : index
        %swap3A_1851 = tpu.vector_load %arg16[%swap3A_1849, %swap3A_1850] {strides = array<i32>} : memref<80x144xf32, #tpu.memory_space<vmem>>, vector<16xf32>,
        tpu.vector_store %arg16[%swap3A_1849, %swap3A_1850], %mul3A_1848 {strides = array<i32>} : memref<80x144xf32, #tpu.memory_space<vmem>>, vector<16xf32>,
        %get3A_1852 = arith.index_cast %add3A_1794 : i32 to index
        %get3A_1853 = arith.constant 112 : index
        %get3A_1854 = tpu.vector_load %arg16[%get3A_1852, %get3A_1853] {strides = array<i32>} : memref<80x144xf32, #tpu.memory_space<vmem>>, vector<16xf32>,
        %mul3A_1855 = arith.mulf %get3A_1854, %gather3A_1802 : vector<16xf32>
        %swap3A_1856 = arith.index_cast %add3A_1794 : i32 to index
        %swap3A_1857 = arith.constant 112 : index
        %swap3A_1858 = tpu.vector_load %arg16[%swap3A_1856, %swap3A_1857] {strides = array<i32>} : memref<80x144xf32, #tpu.memory_space<vmem>>, vector<16xf32>,
        tpu.vector_store %arg16[%swap3A_1856, %swap3A_1857], %mul3A_1855 {strides = array<i32>} : memref<80x144xf32, #tpu.memory_space<vmem>>, vector<16xf32>,
        %swap3A_1859 = arith.index_cast %add3A_1794 : i32 to index
        %swap3A_1860 = arith.constant 128 : index
        %swap3A_1861 = tpu.vector_load %arg16[%swap3A_1859, %swap3A_1860] {strides = array<i32>} : memref<80x144xf32, #tpu.memory_space<vmem>>, vector<16xf32>,
        tpu.vector_store %arg16[%swap3A_1859, %swap3A_1860], %gather3A_1802 {strides = array<i32>} : memref<80x144xf32, #tpu.memory_space<vmem>>, vector<16xf32>,
      }
      %scan3A_1575 = arith.constant 20 : i32
      "tpu.region"() ({
        %run_scoped3A = tpu.sem_alloc : memref<!tpu.dma_semaphore, #tpu.memory_space<semaphore_mem>>
        %dma_start3A_1578 = arith.constant 0 : i32
        %dma_start3A_1579 = arith.constant 0 : i32
        %dma_start3A_1580 = tpu.memref_slice %arg18[%dma_start3A_1578, %dma_start3A_1579] : memref<10240x144xf32, #tpu.memory_space<vmem_shared>> -> memref<10240x144xf32, #tpu.memory_space<vmem_shared>>
        tpu.enqueue_indirect_dma source(%arg16 : memref<80x144xf32, #tpu.memory_space<vmem>>) target(%dma_start3A_1580 : memref<10240x144xf32, #tpu.memory_space<vmem_shared>>) offsets(%arg13 : memref<80xi32, #tpu.memory_space<vmem>>) semaphore(%run_scoped3A : memref<!tpu.dma_semaphore, #tpu.memory_space<semaphore_mem>>) {add = true}
        %dma_wait3A_1581 = arith.constant 0 : i32
        %dma_wait3A_1582 = arith.constant 0 : i32
        %dma_wait3A_1583 = tpu.memref_slice %arg18[%dma_wait3A_1581, %dma_wait3A_1582] : memref<10240x144xf32, #tpu.memory_space<vmem_shared>> -> memref<10240x144xf32, #tpu.memory_space<vmem_shared>>
        tpu.wait_indirect_dma semaphore(%run_scoped3A : memref<!tpu.dma_semaphore, #tpu.memory_space<semaphore_mem>>) src(%arg16 : memref<80x144xf32, #tpu.memory_space<vmem>>) dst(%dma_wait3A_1583 : memref<10240x144xf32, #tpu.memory_space<vmem_shared>>)
        tpu.yield
      }) : () -> ()
      %dma_start3A_1576 = tpu.memref_slice %arg3[%multiple_of3A_1567] : memref<320000xi32, #tpu.memory_space<hbm>> -> memref<80xi32, #tpu.memory_space<hbm>>
      %dma_start3A_1577 = tpu.memref_slice %arg3[%multiple_of3A_1567] : memref<320000xi32, #tpu.memory_space<hbm>> -> memref<80xi32, #tpu.memory_space<hbm>>
      tpu.enqueue_dma source(%dma_start3A_1577 : memref<80xi32, #tpu.memory_space<hbm>>) target(%arg13 : memref<80xi32, #tpu.memory_space<vmem>>) target_semaphore(%arg25 : memref<!tpu.dma_semaphore, #tpu.memory_space<semaphore_mem>>)
    }
    %scan3A_127 = arith.constant 62 : i32
    %min3A_128 = arith.constant 125 : i32
    %min3A_129 = arith.constant 124 : i32
    %min3A_130 = arith.minsi %min3A_128, %min3A_129 : i32
    %mul3A_131 = arith.constant 80 : i32
    %mul3A_132 = arith.muli %min3A_130, %mul3A_131 : i32
    %add3A_133 = arith.addi %mul3A_40, %mul3A_132 : i32
    %multiple_of3A_134 = tpu.assume_multiple %add3A_133, 8 : i32
    %dma_wait3A_135 = tpu.memref_slice %arg2[%multiple_of3A_134] : memref<320000xi32, #tpu.memory_space<hbm>> -> memref<80xi32, #tpu.memory_space<hbm>>
    %dma_wait3A_136 = tpu.memref_slice %arg2[%multiple_of3A_134] : memref<320000xi32, #tpu.memory_space<hbm>> -> memref<80xi32, #tpu.memory_space<hbm>>
    tpu.wait_dma2 semaphore(%arg24 : memref<!tpu.dma_semaphore, #tpu.memory_space<semaphore_mem>>) src(%dma_wait3A_136 : memref<80xi32, #tpu.memory_space<hbm>>) dst(%arg12 : memref<80xi32, #tpu.memory_space<vmem>>)
    %dma_wait3A_137 = tpu.memref_slice %arg3[%multiple_of3A_134] : memref<320000xi32, #tpu.memory_space<hbm>> -> memref<80xi32, #tpu.memory_space<hbm>>
    %dma_wait3A_138 = tpu.memref_slice %arg3[%multiple_of3A_134] : memref<320000xi32, #tpu.memory_space<hbm>> -> memref<80xi32, #tpu.memory_space<hbm>>
    tpu.wait_dma2 semaphore(%arg25 : memref<!tpu.dma_semaphore, #tpu.memory_space<semaphore_mem>>) src(%dma_wait3A_138 : memref<80xi32, #tpu.memory_space<hbm>>) dst(%arg13 : memref<80xi32, #tpu.memory_space<vmem>>)
    %dma_wait3A_139 = arith.constant 0 : i32
    %dma_wait3A_140 = arith.constant 0 : i32
    %dma_wait3A_141 = tpu.memref_slice %arg4[%dma_wait3A_139, %dma_wait3A_140] : memref<10000x8xf32, #tpu.memory_space<hbm>> -> memref<10000x8xf32, #tpu.memory_space<hbm>>
    tpu.wait_indirect_dma semaphore(%arg21 : memref<!tpu.dma_semaphore, #tpu.memory_space<semaphore_mem>>) src(%dma_wait3A_141 : memref<10000x8xf32, #tpu.memory_space<hbm>>) dst(%arg9 : memref<80x8xf32, #tpu.memory_space<vmem>>)
    %dma_wait3A_142 = arith.constant 0 : i32
    %dma_wait3A_143 = arith.constant 0 : i32
    %dma_wait3A_144 = tpu.memref_slice %arg4[%dma_wait3A_142, %dma_wait3A_143] : memref<10000x8xf32, #tpu.memory_space<hbm>> -> memref<10000x8xf32, #tpu.memory_space<hbm>>
    tpu.wait_indirect_dma semaphore(%arg22 : memref<!tpu.dma_semaphore, #tpu.memory_space<semaphore_mem>>) src(%dma_wait3A_144 : memref<10000x8xf32, #tpu.memory_space<hbm>>) dst(%arg10 : memref<80x8xf32, #tpu.memory_space<vmem>>)
    %add3A_145 = arith.constant 0 : i32
    %add3A_146 = vector.broadcast %add3A_145 : i32 to vector<16xi32>
    %add3A_147 = arith.addi %add3A_146, %select_n3A : vector<16xi32>
    %gather3A = tpu.vector_load_idx %arg9[%add3A_147, %select_n3A_83] : memref<80x8xf32, #tpu.memory_space<vmem>>[vector<16xi32>, vector<16xi32>], vector<16xf32>,
    %add3A_148 = arith.constant 0 : i32
    %add3A_149 = vector.broadcast %add3A_148 : i32 to vector<16xi32>
    %add3A_150 = arith.addi %add3A_149, %select_n3A : vector<16xi32>
    %add3A_151 = arith.constant 4 : i32
    %add3A_152 = vector.broadcast %add3A_151 : i32 to vector<16xi32>
    %add3A_153 = arith.addi %add3A_152, %select_n3A_83 : vector<16xi32>
    %gather3A_154 = tpu.vector_load_idx %arg10[%add3A_150, %add3A_153] : memref<80x8xf32, #tpu.memory_space<vmem>>[vector<16xi32>, vector<16xi32>], vector<16xf32>,
    %add3A_155 = arith.addf %gather3A, %gather3A_154 : vector<16xf32>
    %ge3A = arith.constant 0.000000e+00 : f32
    %ge3A_156 = vector.broadcast %ge3A : f32 to vector<16xf32>
    %ge3A_157 = arith.cmpf oge, %add3A_155, %ge3A_156 : vector<16xf32>
    %mul3A_158 = arith.constant 2.000000e-01 : f32
    %mul3A_159 = vector.broadcast %mul3A_158 : f32 to vector<16xf32>
    %mul3A_160 = arith.mulf %mul3A_159, %add3A_155 : vector<16xf32>
    %select_n3A_161 = arith.select %ge3A_157, %add3A_155, %mul3A_160 : vector<16xi1>, vector<16xf32>
    %exp3A = math.exp %select_n3A_161 : vector<16xf32>
    %swap3A = arith.constant 0 : index
    %swap3A_162 = tpu.vector_load %arg17[%swap3A] {strides = array<i32>} : memref<320xf32, #tpu.memory_space<vmem>>, vector<16xf32>,
    tpu.vector_store %arg17[%swap3A], %exp3A {strides = array<i32>} : memref<320xf32, #tpu.memory_space<vmem>>, vector<16xf32>,
    %add3A_163 = arith.constant 4 : i32
    %add3A_164 = vector.broadcast %add3A_163 : i32 to vector<16xi32>
    %add3A_165 = arith.addi %add3A_164, %select_n3A : vector<16xi32>
    %gather3A_166 = tpu.vector_load_idx %arg9[%add3A_165, %select_n3A_83] : memref<80x8xf32, #tpu.memory_space<vmem>>[vector<16xi32>, vector<16xi32>], vector<16xf32>,
    %add3A_167 = arith.constant 4 : i32
    %add3A_168 = vector.broadcast %add3A_167 : i32 to vector<16xi32>
    %add3A_169 = arith.addi %add3A_168, %select_n3A : vector<16xi32>
    %add3A_170 = arith.constant 4 : i32
    %add3A_171 = vector.broadcast %add3A_170 : i32 to vector<16xi32>
    %add3A_172 = arith.addi %add3A_171, %select_n3A_83 : vector<16xi32>
    %gather3A_173 = tpu.vector_load_idx %arg10[%add3A_169, %add3A_172] : memref<80x8xf32, #tpu.memory_space<vmem>>[vector<16xi32>, vector<16xi32>], vector<16xf32>,
    %add3A_174 = arith.addf %gather3A_166, %gather3A_173 : vector<16xf32>
    %ge3A_175 = arith.constant 0.000000e+00 : f32
    %ge3A_176 = vector.broadcast %ge3A_175 : f32 to vector<16xf32>
    %ge3A_177 = arith.cmpf oge, %add3A_174, %ge3A_176 : vector<16xf32>
    %mul3A_178 = arith.constant 2.000000e-01 : f32
    %mul3A_179 = vector.broadcast %mul3A_178 : f32 to vector<16xf32>
    %mul3A_180 = arith.mulf %mul3A_179, %add3A_174 : vector<16xf32>
    %select_n3A_181 = arith.select %ge3A_177, %add3A_174, %mul3A_180 : vector<16xi1>, vector<16xf32>
    %exp3A_182 = math.exp %select_n3A_181 : vector<16xf32>
    %swap3A_183 = arith.constant 16 : index
    %swap3A_184 = tpu.vector_load %arg17[%swap3A_183] {strides = array<i32>} : memref<320xf32, #tpu.memory_space<vmem>>, vector<16xf32>,
    tpu.vector_store %arg17[%swap3A_183], %exp3A_182 {strides = array<i32>} : memref<320xf32, #tpu.memory_space<vmem>>, vector<16xf32>,
    %add3A_185 = arith.constant 8 : i32
    %add3A_186 = vector.broadcast %add3A_185 : i32 to vector<16xi32>
    %add3A_187 = arith.addi %add3A_186, %select_n3A : vector<16xi32>
    %gather3A_188 = tpu.vector_load_idx %arg9[%add3A_187, %select_n3A_83] : memref<80x8xf32, #tpu.memory_space<vmem>>[vector<16xi32>, vector<16xi32>], vector<16xf32>,
    %add3A_189 = arith.constant 8 : i32
    %add3A_190 = vector.broadcast %add3A_189 : i32 to vector<16xi32>
    %add3A_191 = arith.addi %add3A_190, %select_n3A : vector<16xi32>
    %add3A_192 = arith.constant 4 : i32
    %add3A_193 = vector.broadcast %add3A_192 : i32 to vector<16xi32>
    %add3A_194 = arith.addi %add3A_193, %select_n3A_83 : vector<16xi32>
    %gather3A_195 = tpu.vector_load_idx %arg10[%add3A_191, %add3A_194] : memref<80x8xf32, #tpu.memory_space<vmem>>[vector<16xi32>, vector<16xi32>], vector<16xf32>,
    %add3A_196 = arith.addf %gather3A_188, %gather3A_195 : vector<16xf32>
    %ge3A_197 = arith.constant 0.000000e+00 : f32
    %ge3A_198 = vector.broadcast %ge3A_197 : f32 to vector<16xf32>
    %ge3A_199 = arith.cmpf oge, %add3A_196, %ge3A_198 : vector<16xf32>
    %mul3A_200 = arith.constant 2.000000e-01 : f32
    %mul3A_201 = vector.broadcast %mul3A_200 : f32 to vector<16xf32>
    %mul3A_202 = arith.mulf %mul3A_201, %add3A_196 : vector<16xf32>
    %select_n3A_203 = arith.select %ge3A_199, %add3A_196, %mul3A_202 : vector<16xi1>, vector<16xf32>
    %exp3A_204 = math.exp %select_n3A_203 : vector<16xf32>
    %swap3A_205 = arith.constant 32 : index
    %swap3A_206 = tpu.vector_load %arg17[%swap3A_205] {strides = array<i32>} : memref<320xf32, #tpu.memory_space<vmem>>, vector<16xf32>,
    tpu.vector_store %arg17[%swap3A_205], %exp3A_204 {strides = array<i32>} : memref<320xf32, #tpu.memory_space<vmem>>, vector<16xf32>,
    %add3A_207 = arith.constant 12 : i32
    %add3A_208 = vector.broadcast %add3A_207 : i32 to vector<16xi32>
    %add3A_209 = arith.addi %add3A_208, %select_n3A : vector<16xi32>
    %gather3A_210 = tpu.vector_load_idx %arg9[%add3A_209, %select_n3A_83] : memref<80x8xf32, #tpu.memory_space<vmem>>[vector<16xi32>, vector<16xi32>], vector<16xf32>,
    %add3A_211 = arith.constant 12 : i32
    %add3A_212 = vector.broadcast %add3A_211 : i32 to vector<16xi32>
    %add3A_213 = arith.addi %add3A_212, %select_n3A : vector<16xi32>
    %add3A_214 = arith.constant 4 : i32
    %add3A_215 = vector.broadcast %add3A_214 : i32 to vector<16xi32>
    %add3A_216 = arith.addi %add3A_215, %select_n3A_83 : vector<16xi32>
    %gather3A_217 = tpu.vector_load_idx %arg10[%add3A_213, %add3A_216] : memref<80x8xf32, #tpu.memory_space<vmem>>[vector<16xi32>, vector<16xi32>], vector<16xf32>,
    %add3A_218 = arith.addf %gather3A_210, %gather3A_217 : vector<16xf32>
    %ge3A_219 = arith.constant 0.000000e+00 : f32
    %ge3A_220 = vector.broadcast %ge3A_219 : f32 to vector<16xf32>
    %ge3A_221 = arith.cmpf oge, %add3A_218, %ge3A_220 : vector<16xf32>
    %mul3A_222 = arith.constant 2.000000e-01 : f32
    %mul3A_223 = vector.broadcast %mul3A_222 : f32 to vector<16xf32>
    %mul3A_224 = arith.mulf %mul3A_223, %add3A_218 : vector<16xf32>
    %select_n3A_225 = arith.select %ge3A_221, %add3A_218, %mul3A_224 : vector<16xi1>, vector<16xf32>
    %exp3A_226 = math.exp %select_n3A_225 : vector<16xf32>
    %swap3A_227 = arith.constant 48 : index
    %swap3A_228 = tpu.vector_load %arg17[%swap3A_227] {strides = array<i32>} : memref<320xf32, #tpu.memory_space<vmem>>, vector<16xf32>,
    tpu.vector_store %arg17[%swap3A_227], %exp3A_226 {strides = array<i32>} : memref<320xf32, #tpu.memory_space<vmem>>, vector<16xf32>,
    %add3A_229 = arith.constant 16 : i32
    %add3A_230 = vector.broadcast %add3A_229 : i32 to vector<16xi32>
    %add3A_231 = arith.addi %add3A_230, %select_n3A : vector<16xi32>
    %gather3A_232 = tpu.vector_load_idx %arg9[%add3A_231, %select_n3A_83] : memref<80x8xf32, #tpu.memory_space<vmem>>[vector<16xi32>, vector<16xi32>], vector<16xf32>,
    %add3A_233 = arith.constant 16 : i32
    %add3A_234 = vector.broadcast %add3A_233 : i32 to vector<16xi32>
    %add3A_235 = arith.addi %add3A_234, %select_n3A : vector<16xi32>
    %add3A_236 = arith.constant 4 : i32
    %add3A_237 = vector.broadcast %add3A_236 : i32 to vector<16xi32>
    %add3A_238 = arith.addi %add3A_237, %select_n3A_83 : vector<16xi32>
    %gather3A_239 = tpu.vector_load_idx %arg10[%add3A_235, %add3A_238] : memref<80x8xf32, #tpu.memory_space<vmem>>[vector<16xi32>, vector<16xi32>], vector<16xf32>,
    %add3A_240 = arith.addf %gather3A_232, %gather3A_239 : vector<16xf32>
    %ge3A_241 = arith.constant 0.000000e+00 : f32
    %ge3A_242 = vector.broadcast %ge3A_241 : f32 to vector<16xf32>
    %ge3A_243 = arith.cmpf oge, %add3A_240, %ge3A_242 : vector<16xf32>
    %mul3A_244 = arith.constant 2.000000e-01 : f32
    %mul3A_245 = vector.broadcast %mul3A_244 : f32 to vector<16xf32>
    %mul3A_246 = arith.mulf %mul3A_245, %add3A_240 : vector<16xf32>
    %select_n3A_247 = arith.select %ge3A_243, %add3A_240, %mul3A_246 : vector<16xi1>, vector<16xf32>
    %exp3A_248 = math.exp %select_n3A_247 : vector<16xf32>
    %swap3A_249 = arith.constant 64 : index
    %swap3A_250 = tpu.vector_load %arg17[%swap3A_249] {strides = array<i32>} : memref<320xf32, #tpu.memory_space<vmem>>, vector<16xf32>,
    tpu.vector_store %arg17[%swap3A_249], %exp3A_248 {strides = array<i32>} : memref<320xf32, #tpu.memory_space<vmem>>, vector<16xf32>,
    %add3A_251 = arith.constant 20 : i32
    %add3A_252 = vector.broadcast %add3A_251 : i32 to vector<16xi32>
    %add3A_253 = arith.addi %add3A_252, %select_n3A : vector<16xi32>
    %gather3A_254 = tpu.vector_load_idx %arg9[%add3A_253, %select_n3A_83] : memref<80x8xf32, #tpu.memory_space<vmem>>[vector<16xi32>, vector<16xi32>], vector<16xf32>,
    %add3A_255 = arith.constant 20 : i32
    %add3A_256 = vector.broadcast %add3A_255 : i32 to vector<16xi32>
    %add3A_257 = arith.addi %add3A_256, %select_n3A : vector<16xi32>
    %add3A_258 = arith.constant 4 : i32
    %add3A_259 = vector.broadcast %add3A_258 : i32 to vector<16xi32>
    %add3A_260 = arith.addi %add3A_259, %select_n3A_83 : vector<16xi32>
    %gather3A_261 = tpu.vector_load_idx %arg10[%add3A_257, %add3A_260] : memref<80x8xf32, #tpu.memory_space<vmem>>[vector<16xi32>, vector<16xi32>], vector<16xf32>,
    %add3A_262 = arith.addf %gather3A_254, %gather3A_261 : vector<16xf32>
    %ge3A_263 = arith.constant 0.000000e+00 : f32
    %ge3A_264 = vector.broadcast %ge3A_263 : f32 to vector<16xf32>
    %ge3A_265 = arith.cmpf oge, %add3A_262, %ge3A_264 : vector<16xf32>
    %mul3A_266 = arith.constant 2.000000e-01 : f32
    %mul3A_267 = vector.broadcast %mul3A_266 : f32 to vector<16xf32>
    %mul3A_268 = arith.mulf %mul3A_267, %add3A_262 : vector<16xf32>
    %select_n3A_269 = arith.select %ge3A_265, %add3A_262, %mul3A_268 : vector<16xi1>, vector<16xf32>
    %exp3A_270 = math.exp %select_n3A_269 : vector<16xf32>
    %swap3A_271 = arith.constant 80 : index
    %swap3A_272 = tpu.vector_load %arg17[%swap3A_271] {strides = array<i32>} : memref<320xf32, #tpu.memory_space<vmem>>, vector<16xf32>,
    tpu.vector_store %arg17[%swap3A_271], %exp3A_270 {strides = array<i32>} : memref<320xf32, #tpu.memory_space<vmem>>, vector<16xf32>,
    %add3A_273 = arith.constant 24 : i32
    %add3A_274 = vector.broadcast %add3A_273 : i32 to vector<16xi32>
    %add3A_275 = arith.addi %add3A_274, %select_n3A : vector<16xi32>
    %gather3A_276 = tpu.vector_load_idx %arg9[%add3A_275, %select_n3A_83] : memref<80x8xf32, #tpu.memory_space<vmem>>[vector<16xi32>, vector<16xi32>], vector<16xf32>,
    %add3A_277 = arith.constant 24 : i32
    %add3A_278 = vector.broadcast %add3A_277 : i32 to vector<16xi32>
    %add3A_279 = arith.addi %add3A_278, %select_n3A : vector<16xi32>
    %add3A_280 = arith.constant 4 : i32
    %add3A_281 = vector.broadcast %add3A_280 : i32 to vector<16xi32>
    %add3A_282 = arith.addi %add3A_281, %select_n3A_83 : vector<16xi32>
    %gather3A_283 = tpu.vector_load_idx %arg10[%add3A_279, %add3A_282] : memref<80x8xf32, #tpu.memory_space<vmem>>[vector<16xi32>, vector<16xi32>], vector<16xf32>,
    %add3A_284 = arith.addf %gather3A_276, %gather3A_283 : vector<16xf32>
    %ge3A_285 = arith.constant 0.000000e+00 : f32
    %ge3A_286 = vector.broadcast %ge3A_285 : f32 to vector<16xf32>
    %ge3A_287 = arith.cmpf oge, %add3A_284, %ge3A_286 : vector<16xf32>
    %mul3A_288 = arith.constant 2.000000e-01 : f32
    %mul3A_289 = vector.broadcast %mul3A_288 : f32 to vector<16xf32>
    %mul3A_290 = arith.mulf %mul3A_289, %add3A_284 : vector<16xf32>
    %select_n3A_291 = arith.select %ge3A_287, %add3A_284, %mul3A_290 : vector<16xi1>, vector<16xf32>
    %exp3A_292 = math.exp %select_n3A_291 : vector<16xf32>
    %swap3A_293 = arith.constant 96 : index
    %swap3A_294 = tpu.vector_load %arg17[%swap3A_293] {strides = array<i32>} : memref<320xf32, #tpu.memory_space<vmem>>, vector<16xf32>,
    tpu.vector_store %arg17[%swap3A_293], %exp3A_292 {strides = array<i32>} : memref<320xf32, #tpu.memory_space<vmem>>, vector<16xf32>,
    %add3A_295 = arith.constant 28 : i32
    %add3A_296 = vector.broadcast %add3A_295 : i32 to vector<16xi32>
    %add3A_297 = arith.addi %add3A_296, %select_n3A : vector<16xi32>
    %gather3A_298 = tpu.vector_load_idx %arg9[%add3A_297, %select_n3A_83] : memref<80x8xf32, #tpu.memory_space<vmem>>[vector<16xi32>, vector<16xi32>], vector<16xf32>,
    %add3A_299 = arith.constant 28 : i32
    %add3A_300 = vector.broadcast %add3A_299 : i32 to vector<16xi32>
    %add3A_301 = arith.addi %add3A_300, %select_n3A : vector<16xi32>
    %add3A_302 = arith.constant 4 : i32
    %add3A_303 = vector.broadcast %add3A_302 : i32 to vector<16xi32>
    %add3A_304 = arith.addi %add3A_303, %select_n3A_83 : vector<16xi32>
    %gather3A_305 = tpu.vector_load_idx %arg10[%add3A_301, %add3A_304] : memref<80x8xf32, #tpu.memory_space<vmem>>[vector<16xi32>, vector<16xi32>], vector<16xf32>,
    %add3A_306 = arith.addf %gather3A_298, %gather3A_305 : vector<16xf32>
    %ge3A_307 = arith.constant 0.000000e+00 : f32
    %ge3A_308 = vector.broadcast %ge3A_307 : f32 to vector<16xf32>
    %ge3A_309 = arith.cmpf oge, %add3A_306, %ge3A_308 : vector<16xf32>
    %mul3A_310 = arith.constant 2.000000e-01 : f32
    %mul3A_311 = vector.broadcast %mul3A_310 : f32 to vector<16xf32>
    %mul3A_312 = arith.mulf %mul3A_311, %add3A_306 : vector<16xf32>
    %select_n3A_313 = arith.select %ge3A_309, %add3A_306, %mul3A_312 : vector<16xi1>, vector<16xf32>
    %exp3A_314 = math.exp %select_n3A_313 : vector<16xf32>
    %swap3A_315 = arith.constant 112 : index
    %swap3A_316 = tpu.vector_load %arg17[%swap3A_315] {strides = array<i32>} : memref<320xf32, #tpu.memory_space<vmem>>, vector<16xf32>,
    tpu.vector_store %arg17[%swap3A_315], %exp3A_314 {strides = array<i32>} : memref<320xf32, #tpu.memory_space<vmem>>, vector<16xf32>,
    %add3A_317 = arith.constant 32 : i32
    %add3A_318 = vector.broadcast %add3A_317 : i32 to vector<16xi32>
    %add3A_319 = arith.addi %add3A_318, %select_n3A : vector<16xi32>
    %gather3A_320 = tpu.vector_load_idx %arg9[%add3A_319, %select_n3A_83] : memref<80x8xf32, #tpu.memory_space<vmem>>[vector<16xi32>, vector<16xi32>], vector<16xf32>,
    %add3A_321 = arith.constant 32 : i32
    %add3A_322 = vector.broadcast %add3A_321 : i32 to vector<16xi32>
    %add3A_323 = arith.addi %add3A_322, %select_n3A : vector<16xi32>
    %add3A_324 = arith.constant 4 : i32
    %add3A_325 = vector.broadcast %add3A_324 : i32 to vector<16xi32>
    %add3A_326 = arith.addi %add3A_325, %select_n3A_83 : vector<16xi32>
    %gather3A_327 = tpu.vector_load_idx %arg10[%add3A_323, %add3A_326] : memref<80x8xf32, #tpu.memory_space<vmem>>[vector<16xi32>, vector<16xi32>], vector<16xf32>,
    %add3A_328 = arith.addf %gather3A_320, %gather3A_327 : vector<16xf32>
    %ge3A_329 = arith.constant 0.000000e+00 : f32
    %ge3A_330 = vector.broadcast %ge3A_329 : f32 to vector<16xf32>
    %ge3A_331 = arith.cmpf oge, %add3A_328, %ge3A_330 : vector<16xf32>
    %mul3A_332 = arith.constant 2.000000e-01 : f32
    %mul3A_333 = vector.broadcast %mul3A_332 : f32 to vector<16xf32>
    %mul3A_334 = arith.mulf %mul3A_333, %add3A_328 : vector<16xf32>
    %select_n3A_335 = arith.select %ge3A_331, %add3A_328, %mul3A_334 : vector<16xi1>, vector<16xf32>
    %exp3A_336 = math.exp %select_n3A_335 : vector<16xf32>
    %swap3A_337 = arith.constant 128 : index
    %swap3A_338 = tpu.vector_load %arg17[%swap3A_337] {strides = array<i32>} : memref<320xf32, #tpu.memory_space<vmem>>, vector<16xf32>,
    tpu.vector_store %arg17[%swap3A_337], %exp3A_336 {strides = array<i32>} : memref<320xf32, #tpu.memory_space<vmem>>, vector<16xf32>,
    %add3A_339 = arith.constant 36 : i32
    %add3A_340 = vector.broadcast %add3A_339 : i32 to vector<16xi32>
    %add3A_341 = arith.addi %add3A_340, %select_n3A : vector<16xi32>
    %gather3A_342 = tpu.vector_load_idx %arg9[%add3A_341, %select_n3A_83] : memref<80x8xf32, #tpu.memory_space<vmem>>[vector<16xi32>, vector<16xi32>], vector<16xf32>,
    %add3A_343 = arith.constant 36 : i32
    %add3A_344 = vector.broadcast %add3A_343 : i32 to vector<16xi32>
    %add3A_345 = arith.addi %add3A_344, %select_n3A : vector<16xi32>
    %add3A_346 = arith.constant 4 : i32
    %add3A_347 = vector.broadcast %add3A_346 : i32 to vector<16xi32>
    %add3A_348 = arith.addi %add3A_347, %select_n3A_83 : vector<16xi32>
    %gather3A_349 = tpu.vector_load_idx %arg10[%add3A_345, %add3A_348] : memref<80x8xf32, #tpu.memory_space<vmem>>[vector<16xi32>, vector<16xi32>], vector<16xf32>,
    %add3A_350 = arith.addf %gather3A_342, %gather3A_349 : vector<16xf32>
    %ge3A_351 = arith.constant 0.000000e+00 : f32
    %ge3A_352 = vector.broadcast %ge3A_351 : f32 to vector<16xf32>
    %ge3A_353 = arith.cmpf oge, %add3A_350, %ge3A_352 : vector<16xf32>
    %mul3A_354 = arith.constant 2.000000e-01 : f32
    %mul3A_355 = vector.broadcast %mul3A_354 : f32 to vector<16xf32>
    %mul3A_356 = arith.mulf %mul3A_355, %add3A_350 : vector<16xf32>
    %select_n3A_357 = arith.select %ge3A_353, %add3A_350, %mul3A_356 : vector<16xi1>, vector<16xf32>
    %exp3A_358 = math.exp %select_n3A_357 : vector<16xf32>
    %swap3A_359 = arith.constant 144 : index
    %swap3A_360 = tpu.vector_load %arg17[%swap3A_359] {strides = array<i32>} : memref<320xf32, #tpu.memory_space<vmem>>, vector<16xf32>,
    tpu.vector_store %arg17[%swap3A_359], %exp3A_358 {strides = array<i32>} : memref<320xf32, #tpu.memory_space<vmem>>, vector<16xf32>,
    %add3A_361 = arith.constant 40 : i32
    %add3A_362 = vector.broadcast %add3A_361 : i32 to vector<16xi32>
    %add3A_363 = arith.addi %add3A_362, %select_n3A : vector<16xi32>
    %gather3A_364 = tpu.vector_load_idx %arg9[%add3A_363, %select_n3A_83] : memref<80x8xf32, #tpu.memory_space<vmem>>[vector<16xi32>, vector<16xi32>], vector<16xf32>,
    %add3A_365 = arith.constant 40 : i32
    %add3A_366 = vector.broadcast %add3A_365 : i32 to vector<16xi32>
    %add3A_367 = arith.addi %add3A_366, %select_n3A : vector<16xi32>
    %add3A_368 = arith.constant 4 : i32
    %add3A_369 = vector.broadcast %add3A_368 : i32 to vector<16xi32>
    %add3A_370 = arith.addi %add3A_369, %select_n3A_83 : vector<16xi32>
    %gather3A_371 = tpu.vector_load_idx %arg10[%add3A_367, %add3A_370] : memref<80x8xf32, #tpu.memory_space<vmem>>[vector<16xi32>, vector<16xi32>], vector<16xf32>,
    %add3A_372 = arith.addf %gather3A_364, %gather3A_371 : vector<16xf32>
    %ge3A_373 = arith.constant 0.000000e+00 : f32
    %ge3A_374 = vector.broadcast %ge3A_373 : f32 to vector<16xf32>
    %ge3A_375 = arith.cmpf oge, %add3A_372, %ge3A_374 : vector<16xf32>
    %mul3A_376 = arith.constant 2.000000e-01 : f32
    %mul3A_377 = vector.broadcast %mul3A_376 : f32 to vector<16xf32>
    %mul3A_378 = arith.mulf %mul3A_377, %add3A_372 : vector<16xf32>
    %select_n3A_379 = arith.select %ge3A_375, %add3A_372, %mul3A_378 : vector<16xi1>, vector<16xf32>
    %exp3A_380 = math.exp %select_n3A_379 : vector<16xf32>
    %swap3A_381 = arith.constant 160 : index
    %swap3A_382 = tpu.vector_load %arg17[%swap3A_381] {strides = array<i32>} : memref<320xf32, #tpu.memory_space<vmem>>, vector<16xf32>,
    tpu.vector_store %arg17[%swap3A_381], %exp3A_380 {strides = array<i32>} : memref<320xf32, #tpu.memory_space<vmem>>, vector<16xf32>,
    %add3A_383 = arith.constant 44 : i32
    %add3A_384 = vector.broadcast %add3A_383 : i32 to vector<16xi32>
    %add3A_385 = arith.addi %add3A_384, %select_n3A : vector<16xi32>
    %gather3A_386 = tpu.vector_load_idx %arg9[%add3A_385, %select_n3A_83] : memref<80x8xf32, #tpu.memory_space<vmem>>[vector<16xi32>, vector<16xi32>], vector<16xf32>,
    %add3A_387 = arith.constant 44 : i32
    %add3A_388 = vector.broadcast %add3A_387 : i32 to vector<16xi32>
    %add3A_389 = arith.addi %add3A_388, %select_n3A : vector<16xi32>
    %add3A_390 = arith.constant 4 : i32
    %add3A_391 = vector.broadcast %add3A_390 : i32 to vector<16xi32>
    %add3A_392 = arith.addi %add3A_391, %select_n3A_83 : vector<16xi32>
    %gather3A_393 = tpu.vector_load_idx %arg10[%add3A_389, %add3A_392] : memref<80x8xf32, #tpu.memory_space<vmem>>[vector<16xi32>, vector<16xi32>], vector<16xf32>,
    %add3A_394 = arith.addf %gather3A_386, %gather3A_393 : vector<16xf32>
    %ge3A_395 = arith.constant 0.000000e+00 : f32
    %ge3A_396 = vector.broadcast %ge3A_395 : f32 to vector<16xf32>
    %ge3A_397 = arith.cmpf oge, %add3A_394, %ge3A_396 : vector<16xf32>
    %mul3A_398 = arith.constant 2.000000e-01 : f32
    %mul3A_399 = vector.broadcast %mul3A_398 : f32 to vector<16xf32>
    %mul3A_400 = arith.mulf %mul3A_399, %add3A_394 : vector<16xf32>
    %select_n3A_401 = arith.select %ge3A_397, %add3A_394, %mul3A_400 : vector<16xi1>, vector<16xf32>
    %exp3A_402 = math.exp %select_n3A_401 : vector<16xf32>
    %swap3A_403 = arith.constant 176 : index
    %swap3A_404 = tpu.vector_load %arg17[%swap3A_403] {strides = array<i32>} : memref<320xf32, #tpu.memory_space<vmem>>, vector<16xf32>,
    tpu.vector_store %arg17[%swap3A_403], %exp3A_402 {strides = array<i32>} : memref<320xf32, #tpu.memory_space<vmem>>, vector<16xf32>,
    %add3A_405 = arith.constant 48 : i32
    %add3A_406 = vector.broadcast %add3A_405 : i32 to vector<16xi32>
    %add3A_407 = arith.addi %add3A_406, %select_n3A : vector<16xi32>
    %gather3A_408 = tpu.vector_load_idx %arg9[%add3A_407, %select_n3A_83] : memref<80x8xf32, #tpu.memory_space<vmem>>[vector<16xi32>, vector<16xi32>], vector<16xf32>,
    %add3A_409 = arith.constant 48 : i32
    %add3A_410 = vector.broadcast %add3A_409 : i32 to vector<16xi32>
    %add3A_411 = arith.addi %add3A_410, %select_n3A : vector<16xi32>
    %add3A_412 = arith.constant 4 : i32
    %add3A_413 = vector.broadcast %add3A_412 : i32 to vector<16xi32>
    %add3A_414 = arith.addi %add3A_413, %select_n3A_83 : vector<16xi32>
    %gather3A_415 = tpu.vector_load_idx %arg10[%add3A_411, %add3A_414] : memref<80x8xf32, #tpu.memory_space<vmem>>[vector<16xi32>, vector<16xi32>], vector<16xf32>,
    %add3A_416 = arith.addf %gather3A_408, %gather3A_415 : vector<16xf32>
    %ge3A_417 = arith.constant 0.000000e+00 : f32
    %ge3A_418 = vector.broadcast %ge3A_417 : f32 to vector<16xf32>
    %ge3A_419 = arith.cmpf oge, %add3A_416, %ge3A_418 : vector<16xf32>
    %mul3A_420 = arith.constant 2.000000e-01 : f32
    %mul3A_421 = vector.broadcast %mul3A_420 : f32 to vector<16xf32>
    %mul3A_422 = arith.mulf %mul3A_421, %add3A_416 : vector<16xf32>
    %select_n3A_423 = arith.select %ge3A_419, %add3A_416, %mul3A_422 : vector<16xi1>, vector<16xf32>
    %exp3A_424 = math.exp %select_n3A_423 : vector<16xf32>
    %swap3A_425 = arith.constant 192 : index
    %swap3A_426 = tpu.vector_load %arg17[%swap3A_425] {strides = array<i32>} : memref<320xf32, #tpu.memory_space<vmem>>, vector<16xf32>,
    tpu.vector_store %arg17[%swap3A_425], %exp3A_424 {strides = array<i32>} : memref<320xf32, #tpu.memory_space<vmem>>, vector<16xf32>,
    %add3A_427 = arith.constant 52 : i32
    %add3A_428 = vector.broadcast %add3A_427 : i32 to vector<16xi32>
    %add3A_429 = arith.addi %add3A_428, %select_n3A : vector<16xi32>
    %gather3A_430 = tpu.vector_load_idx %arg9[%add3A_429, %select_n3A_83] : memref<80x8xf32, #tpu.memory_space<vmem>>[vector<16xi32>, vector<16xi32>], vector<16xf32>,
    %add3A_431 = arith.constant 52 : i32
    %add3A_432 = vector.broadcast %add3A_431 : i32 to vector<16xi32>
    %add3A_433 = arith.addi %add3A_432, %select_n3A : vector<16xi32>
    %add3A_434 = arith.constant 4 : i32
    %add3A_435 = vector.broadcast %add3A_434 : i32 to vector<16xi32>
    %add3A_436 = arith.addi %add3A_435, %select_n3A_83 : vector<16xi32>
    %gather3A_437 = tpu.vector_load_idx %arg10[%add3A_433, %add3A_436] : memref<80x8xf32, #tpu.memory_space<vmem>>[vector<16xi32>, vector<16xi32>], vector<16xf32>,
    %add3A_438 = arith.addf %gather3A_430, %gather3A_437 : vector<16xf32>
    %ge3A_439 = arith.constant 0.000000e+00 : f32
    %ge3A_440 = vector.broadcast %ge3A_439 : f32 to vector<16xf32>
    %ge3A_441 = arith.cmpf oge, %add3A_438, %ge3A_440 : vector<16xf32>
    %mul3A_442 = arith.constant 2.000000e-01 : f32
    %mul3A_443 = vector.broadcast %mul3A_442 : f32 to vector<16xf32>
    %mul3A_444 = arith.mulf %mul3A_443, %add3A_438 : vector<16xf32>
    %select_n3A_445 = arith.select %ge3A_441, %add3A_438, %mul3A_444 : vector<16xi1>, vector<16xf32>
    %exp3A_446 = math.exp %select_n3A_445 : vector<16xf32>
    %swap3A_447 = arith.constant 208 : index
    %swap3A_448 = tpu.vector_load %arg17[%swap3A_447] {strides = array<i32>} : memref<320xf32, #tpu.memory_space<vmem>>, vector<16xf32>,
    tpu.vector_store %arg17[%swap3A_447], %exp3A_446 {strides = array<i32>} : memref<320xf32, #tpu.memory_space<vmem>>, vector<16xf32>,
    %add3A_449 = arith.constant 56 : i32
    %add3A_450 = vector.broadcast %add3A_449 : i32 to vector<16xi32>
    %add3A_451 = arith.addi %add3A_450, %select_n3A : vector<16xi32>
    %gather3A_452 = tpu.vector_load_idx %arg9[%add3A_451, %select_n3A_83] : memref<80x8xf32, #tpu.memory_space<vmem>>[vector<16xi32>, vector<16xi32>], vector<16xf32>,
    %add3A_453 = arith.constant 56 : i32
    %add3A_454 = vector.broadcast %add3A_453 : i32 to vector<16xi32>
    %add3A_455 = arith.addi %add3A_454, %select_n3A : vector<16xi32>
    %add3A_456 = arith.constant 4 : i32
    %add3A_457 = vector.broadcast %add3A_456 : i32 to vector<16xi32>
    %add3A_458 = arith.addi %add3A_457, %select_n3A_83 : vector<16xi32>
    %gather3A_459 = tpu.vector_load_idx %arg10[%add3A_455, %add3A_458] : memref<80x8xf32, #tpu.memory_space<vmem>>[vector<16xi32>, vector<16xi32>], vector<16xf32>,
    %add3A_460 = arith.addf %gather3A_452, %gather3A_459 : vector<16xf32>
    %ge3A_461 = arith.constant 0.000000e+00 : f32
    %ge3A_462 = vector.broadcast %ge3A_461 : f32 to vector<16xf32>
    %ge3A_463 = arith.cmpf oge, %add3A_460, %ge3A_462 : vector<16xf32>
    %mul3A_464 = arith.constant 2.000000e-01 : f32
    %mul3A_465 = vector.broadcast %mul3A_464 : f32 to vector<16xf32>
    %mul3A_466 = arith.mulf %mul3A_465, %add3A_460 : vector<16xf32>
    %select_n3A_467 = arith.select %ge3A_463, %add3A_460, %mul3A_466 : vector<16xi1>, vector<16xf32>
    %exp3A_468 = math.exp %select_n3A_467 : vector<16xf32>
    %swap3A_469 = arith.constant 224 : index
    %swap3A_470 = tpu.vector_load %arg17[%swap3A_469] {strides = array<i32>} : memref<320xf32, #tpu.memory_space<vmem>>, vector<16xf32>,
    tpu.vector_store %arg17[%swap3A_469], %exp3A_468 {strides = array<i32>} : memref<320xf32, #tpu.memory_space<vmem>>, vector<16xf32>,
    %add3A_471 = arith.constant 60 : i32
    %add3A_472 = vector.broadcast %add3A_471 : i32 to vector<16xi32>
    %add3A_473 = arith.addi %add3A_472, %select_n3A : vector<16xi32>
    %gather3A_474 = tpu.vector_load_idx %arg9[%add3A_473, %select_n3A_83] : memref<80x8xf32, #tpu.memory_space<vmem>>[vector<16xi32>, vector<16xi32>], vector<16xf32>,
    %add3A_475 = arith.constant 60 : i32
    %add3A_476 = vector.broadcast %add3A_475 : i32 to vector<16xi32>
    %add3A_477 = arith.addi %add3A_476, %select_n3A : vector<16xi32>
    %add3A_478 = arith.constant 4 : i32
    %add3A_479 = vector.broadcast %add3A_478 : i32 to vector<16xi32>
    %add3A_480 = arith.addi %add3A_479, %select_n3A_83 : vector<16xi32>
    %gather3A_481 = tpu.vector_load_idx %arg10[%add3A_477, %add3A_480] : memref<80x8xf32, #tpu.memory_space<vmem>>[vector<16xi32>, vector<16xi32>], vector<16xf32>,
    %add3A_482 = arith.addf %gather3A_474, %gather3A_481 : vector<16xf32>
    %ge3A_483 = arith.constant 0.000000e+00 : f32
    %ge3A_484 = vector.broadcast %ge3A_483 : f32 to vector<16xf32>
    %ge3A_485 = arith.cmpf oge, %add3A_482, %ge3A_484 : vector<16xf32>
    %mul3A_486 = arith.constant 2.000000e-01 : f32
    %mul3A_487 = vector.broadcast %mul3A_486 : f32 to vector<16xf32>
    %mul3A_488 = arith.mulf %mul3A_487, %add3A_482 : vector<16xf32>
    %select_n3A_489 = arith.select %ge3A_485, %add3A_482, %mul3A_488 : vector<16xi1>, vector<16xf32>
    %exp3A_490 = math.exp %select_n3A_489 : vector<16xf32>
    %swap3A_491 = arith.constant 240 : index
    %swap3A_492 = tpu.vector_load %arg17[%swap3A_491] {strides = array<i32>} : memref<320xf32, #tpu.memory_space<vmem>>, vector<16xf32>,
    tpu.vector_store %arg17[%swap3A_491], %exp3A_490 {strides = array<i32>} : memref<320xf32, #tpu.memory_space<vmem>>, vector<16xf32>,
    %add3A_493 = arith.constant 64 : i32
    %add3A_494 = vector.broadcast %add3A_493 : i32 to vector<16xi32>
    %add3A_495 = arith.addi %add3A_494, %select_n3A : vector<16xi32>
    %gather3A_496 = tpu.vector_load_idx %arg9[%add3A_495, %select_n3A_83] : memref<80x8xf32, #tpu.memory_space<vmem>>[vector<16xi32>, vector<16xi32>], vector<16xf32>,
    %add3A_497 = arith.constant 64 : i32
    %add3A_498 = vector.broadcast %add3A_497 : i32 to vector<16xi32>
    %add3A_499 = arith.addi %add3A_498, %select_n3A : vector<16xi32>
    %add3A_500 = arith.constant 4 : i32
    %add3A_501 = vector.broadcast %add3A_500 : i32 to vector<16xi32>
    %add3A_502 = arith.addi %add3A_501, %select_n3A_83 : vector<16xi32>
    %gather3A_503 = tpu.vector_load_idx %arg10[%add3A_499, %add3A_502] : memref<80x8xf32, #tpu.memory_space<vmem>>[vector<16xi32>, vector<16xi32>], vector<16xf32>,
    %add3A_504 = arith.addf %gather3A_496, %gather3A_503 : vector<16xf32>
    %ge3A_505 = arith.constant 0.000000e+00 : f32
    %ge3A_506 = vector.broadcast %ge3A_505 : f32 to vector<16xf32>
    %ge3A_507 = arith.cmpf oge, %add3A_504, %ge3A_506 : vector<16xf32>
    %mul3A_508 = arith.constant 2.000000e-01 : f32
    %mul3A_509 = vector.broadcast %mul3A_508 : f32 to vector<16xf32>
    %mul3A_510 = arith.mulf %mul3A_509, %add3A_504 : vector<16xf32>
    %select_n3A_511 = arith.select %ge3A_507, %add3A_504, %mul3A_510 : vector<16xi1>, vector<16xf32>
    %exp3A_512 = math.exp %select_n3A_511 : vector<16xf32>
    %swap3A_513 = arith.constant 256 : index
    %swap3A_514 = tpu.vector_load %arg17[%swap3A_513] {strides = array<i32>} : memref<320xf32, #tpu.memory_space<vmem>>, vector<16xf32>,
    tpu.vector_store %arg17[%swap3A_513], %exp3A_512 {strides = array<i32>} : memref<320xf32, #tpu.memory_space<vmem>>, vector<16xf32>,
    %add3A_515 = arith.constant 68 : i32
    %add3A_516 = vector.broadcast %add3A_515 : i32 to vector<16xi32>
    %add3A_517 = arith.addi %add3A_516, %select_n3A : vector<16xi32>
    %gather3A_518 = tpu.vector_load_idx %arg9[%add3A_517, %select_n3A_83] : memref<80x8xf32, #tpu.memory_space<vmem>>[vector<16xi32>, vector<16xi32>], vector<16xf32>,
    %add3A_519 = arith.constant 68 : i32
    %add3A_520 = vector.broadcast %add3A_519 : i32 to vector<16xi32>
    %add3A_521 = arith.addi %add3A_520, %select_n3A : vector<16xi32>
    %add3A_522 = arith.constant 4 : i32
    %add3A_523 = vector.broadcast %add3A_522 : i32 to vector<16xi32>
    %add3A_524 = arith.addi %add3A_523, %select_n3A_83 : vector<16xi32>
    %gather3A_525 = tpu.vector_load_idx %arg10[%add3A_521, %add3A_524] : memref<80x8xf32, #tpu.memory_space<vmem>>[vector<16xi32>, vector<16xi32>], vector<16xf32>,
    %add3A_526 = arith.addf %gather3A_518, %gather3A_525 : vector<16xf32>
    %ge3A_527 = arith.constant 0.000000e+00 : f32
    %ge3A_528 = vector.broadcast %ge3A_527 : f32 to vector<16xf32>
    %ge3A_529 = arith.cmpf oge, %add3A_526, %ge3A_528 : vector<16xf32>
    %mul3A_530 = arith.constant 2.000000e-01 : f32
    %mul3A_531 = vector.broadcast %mul3A_530 : f32 to vector<16xf32>
    %mul3A_532 = arith.mulf %mul3A_531, %add3A_526 : vector<16xf32>
    %select_n3A_533 = arith.select %ge3A_529, %add3A_526, %mul3A_532 : vector<16xi1>, vector<16xf32>
    %exp3A_534 = math.exp %select_n3A_533 : vector<16xf32>
    %swap3A_535 = arith.constant 272 : index
    %swap3A_536 = tpu.vector_load %arg17[%swap3A_535] {strides = array<i32>} : memref<320xf32, #tpu.memory_space<vmem>>, vector<16xf32>,
    tpu.vector_store %arg17[%swap3A_535], %exp3A_534 {strides = array<i32>} : memref<320xf32, #tpu.memory_space<vmem>>, vector<16xf32>,
    %add3A_537 = arith.constant 72 : i32
    %add3A_538 = vector.broadcast %add3A_537 : i32 to vector<16xi32>
    %add3A_539 = arith.addi %add3A_538, %select_n3A : vector<16xi32>
    %gather3A_540 = tpu.vector_load_idx %arg9[%add3A_539, %select_n3A_83] : memref<80x8xf32, #tpu.memory_space<vmem>>[vector<16xi32>, vector<16xi32>], vector<16xf32>,
    %add3A_541 = arith.constant 72 : i32
    %add3A_542 = vector.broadcast %add3A_541 : i32 to vector<16xi32>
    %add3A_543 = arith.addi %add3A_542, %select_n3A : vector<16xi32>
    %add3A_544 = arith.constant 4 : i32
    %add3A_545 = vector.broadcast %add3A_544 : i32 to vector<16xi32>
    %add3A_546 = arith.addi %add3A_545, %select_n3A_83 : vector<16xi32>
    %gather3A_547 = tpu.vector_load_idx %arg10[%add3A_543, %add3A_546] : memref<80x8xf32, #tpu.memory_space<vmem>>[vector<16xi32>, vector<16xi32>], vector<16xf32>,
    %add3A_548 = arith.addf %gather3A_540, %gather3A_547 : vector<16xf32>
    %ge3A_549 = arith.constant 0.000000e+00 : f32
    %ge3A_550 = vector.broadcast %ge3A_549 : f32 to vector<16xf32>
    %ge3A_551 = arith.cmpf oge, %add3A_548, %ge3A_550 : vector<16xf32>
    %mul3A_552 = arith.constant 2.000000e-01 : f32
    %mul3A_553 = vector.broadcast %mul3A_552 : f32 to vector<16xf32>
    %mul3A_554 = arith.mulf %mul3A_553, %add3A_548 : vector<16xf32>
    %select_n3A_555 = arith.select %ge3A_551, %add3A_548, %mul3A_554 : vector<16xi1>, vector<16xf32>
    %exp3A_556 = math.exp %select_n3A_555 : vector<16xf32>
    %swap3A_557 = arith.constant 288 : index
    %swap3A_558 = tpu.vector_load %arg17[%swap3A_557] {strides = array<i32>} : memref<320xf32, #tpu.memory_space<vmem>>, vector<16xf32>,
    tpu.vector_store %arg17[%swap3A_557], %exp3A_556 {strides = array<i32>} : memref<320xf32, #tpu.memory_space<vmem>>, vector<16xf32>,
    %add3A_559 = arith.constant 76 : i32
    %add3A_560 = vector.broadcast %add3A_559 : i32 to vector<16xi32>
    %add3A_561 = arith.addi %add3A_560, %select_n3A : vector<16xi32>
    %gather3A_562 = tpu.vector_load_idx %arg9[%add3A_561, %select_n3A_83] : memref<80x8xf32, #tpu.memory_space<vmem>>[vector<16xi32>, vector<16xi32>], vector<16xf32>,
    %add3A_563 = arith.constant 76 : i32
    %add3A_564 = vector.broadcast %add3A_563 : i32 to vector<16xi32>
    %add3A_565 = arith.addi %add3A_564, %select_n3A : vector<16xi32>
    %add3A_566 = arith.constant 4 : i32
    %add3A_567 = vector.broadcast %add3A_566 : i32 to vector<16xi32>
    %add3A_568 = arith.addi %add3A_567, %select_n3A_83 : vector<16xi32>
    %gather3A_569 = tpu.vector_load_idx %arg10[%add3A_565, %add3A_568] : memref<80x8xf32, #tpu.memory_space<vmem>>[vector<16xi32>, vector<16xi32>], vector<16xf32>,
    %add3A_570 = arith.addf %gather3A_562, %gather3A_569 : vector<16xf32>
    %ge3A_571 = arith.constant 0.000000e+00 : f32
    %ge3A_572 = vector.broadcast %ge3A_571 : f32 to vector<16xf32>
    %ge3A_573 = arith.cmpf oge, %add3A_570, %ge3A_572 : vector<16xf32>
    %mul3A_574 = arith.constant 2.000000e-01 : f32
    %mul3A_575 = vector.broadcast %mul3A_574 : f32 to vector<16xf32>
    %mul3A_576 = arith.mulf %mul3A_575, %add3A_570 : vector<16xf32>
    %select_n3A_577 = arith.select %ge3A_573, %add3A_570, %mul3A_576 : vector<16xi1>, vector<16xf32>
    %exp3A_578 = math.exp %select_n3A_577 : vector<16xf32>
    %swap3A_579 = arith.constant 304 : index
    %swap3A_580 = tpu.vector_load %arg17[%swap3A_579] {strides = array<i32>} : memref<320xf32, #tpu.memory_space<vmem>>, vector<16xf32>,
    tpu.vector_store %arg17[%swap3A_579], %exp3A_578 {strides = array<i32>} : memref<320xf32, #tpu.memory_space<vmem>>, vector<16xf32>,
    %dma_wait3A_581 = arith.constant 0 : i32
    %dma_wait3A_582 = arith.constant 0 : i32
    %dma_wait3A_583 = tpu.memref_slice %arg5[%dma_wait3A_581, %dma_wait3A_582] : memref<10000x144xf32, #tpu.memory_space<hbm>> -> memref<10000x144xf32, #tpu.memory_space<hbm>>
    tpu.wait_indirect_dma semaphore(%arg23 : memref<!tpu.dma_semaphore, #tpu.memory_space<semaphore_mem>>) src(%dma_wait3A_583 : memref<10000x144xf32, #tpu.memory_space<hbm>>) dst(%arg11 : memref<80x144xf32, #tpu.memory_space<vmem>>)
    %scan3A_584 = arith.constant 0 : i32
    %scan3A_585 = arith.constant 0 : i32
    %scan3A_586 = arith.constant 20 : i32
    %scan3A_587 = arith.addi %scan3A_585, %scan3A_586 : i32
    %scan3A_588 = arith.constant 1 : i32
    scf.for %scan3A_595 = %scan3A_585 to %scan3A_587 step %scan3A_588  : i32 {
      %mul3A_596 = arith.constant 4 : i32
      %mul3A_597 = arith.muli %scan3A_595, %mul3A_596 : i32
      %add3A_598 = arith.constant 0 : i32
      %add3A_599 = arith.addi %mul3A_597, %add3A_598 : i32
      %mul3A_600 = arith.constant 4 : i32
      %mul3A_601 = arith.muli %add3A_599, %mul3A_600 : i32
      %and3A_602 = arith.constant 3 : i32
      %and3A_603 = vector.broadcast %and3A_602 : i32 to vector<16xi32>
      %and3A_604 = arith.andi %iota3A, %and3A_603 : vector<16xi32>
      %add3A_605 = vector.broadcast %mul3A_601 : i32 to vector<16xi32>
      %add3A_606 = arith.addi %add3A_605, %and3A_604 : vector<16xi32>
      %gather3A_607 = tpu.vector_load_idx %arg17[%add3A_606] : memref<320xf32, #tpu.memory_space<vmem>>[vector<16xi32>], vector<16xf32>,
      %get3A = arith.index_cast %add3A_599 : i32 to index
      %get3A_608 = arith.constant 0 : index
      %get3A_609 = tpu.vector_load %arg11[%get3A, %get3A_608] {strides = array<i32>} : memref<80x144xf32, #tpu.memory_space<vmem>>, vector<16xf32>,
      %mul3A_610 = arith.mulf %get3A_609, %gather3A_607 : vector<16xf32>
      %swap3A_611 = arith.index_cast %add3A_599 : i32 to index
      %swap3A_612 = arith.constant 0 : index
      %swap3A_613 = tpu.vector_load %arg11[%swap3A_611, %swap3A_612] {strides = array<i32>} : memref<80x144xf32, #tpu.memory_space<vmem>>, vector<16xf32>,
      tpu.vector_store %arg11[%swap3A_611, %swap3A_612], %mul3A_610 {strides = array<i32>} : memref<80x144xf32, #tpu.memory_space<vmem>>, vector<16xf32>,
      %get3A_614 = arith.index_cast %add3A_599 : i32 to index
      %get3A_615 = arith.constant 16 : index
      %get3A_616 = tpu.vector_load %arg11[%get3A_614, %get3A_615] {strides = array<i32>} : memref<80x144xf32, #tpu.memory_space<vmem>>, vector<16xf32>,
      %mul3A_617 = arith.mulf %get3A_616, %gather3A_607 : vector<16xf32>
      %swap3A_618 = arith.index_cast %add3A_599 : i32 to index
      %swap3A_619 = arith.constant 16 : index
      %swap3A_620 = tpu.vector_load %arg11[%swap3A_618, %swap3A_619] {strides = array<i32>} : memref<80x144xf32, #tpu.memory_space<vmem>>, vector<16xf32>,
      tpu.vector_store %arg11[%swap3A_618, %swap3A_619], %mul3A_617 {strides = array<i32>} : memref<80x144xf32, #tpu.memory_space<vmem>>, vector<16xf32>,
      %get3A_621 = arith.index_cast %add3A_599 : i32 to index
      %get3A_622 = arith.constant 32 : index
      %get3A_623 = tpu.vector_load %arg11[%get3A_621, %get3A_622] {strides = array<i32>} : memref<80x144xf32, #tpu.memory_space<vmem>>, vector<16xf32>,
      %mul3A_624 = arith.mulf %get3A_623, %gather3A_607 : vector<16xf32>
      %swap3A_625 = arith.index_cast %add3A_599 : i32 to index
      %swap3A_626 = arith.constant 32 : index
      %swap3A_627 = tpu.vector_load %arg11[%swap3A_625, %swap3A_626] {strides = array<i32>} : memref<80x144xf32, #tpu.memory_space<vmem>>, vector<16xf32>,
      tpu.vector_store %arg11[%swap3A_625, %swap3A_626], %mul3A_624 {strides = array<i32>} : memref<80x144xf32, #tpu.memory_space<vmem>>, vector<16xf32>,
      %get3A_628 = arith.index_cast %add3A_599 : i32 to index
      %get3A_629 = arith.constant 48 : index
      %get3A_630 = tpu.vector_load %arg11[%get3A_628, %get3A_629] {strides = array<i32>} : memref<80x144xf32, #tpu.memory_space<vmem>>, vector<16xf32>,
      %mul3A_631 = arith.mulf %get3A_630, %gather3A_607 : vector<16xf32>
      %swap3A_632 = arith.index_cast %add3A_599 : i32 to index
      %swap3A_633 = arith.constant 48 : index
      %swap3A_634 = tpu.vector_load %arg11[%swap3A_632, %swap3A_633] {strides = array<i32>} : memref<80x144xf32, #tpu.memory_space<vmem>>, vector<16xf32>,
      tpu.vector_store %arg11[%swap3A_632, %swap3A_633], %mul3A_631 {strides = array<i32>} : memref<80x144xf32, #tpu.memory_space<vmem>>, vector<16xf32>,
      %get3A_635 = arith.index_cast %add3A_599 : i32 to index
      %get3A_636 = arith.constant 64 : index
      %get3A_637 = tpu.vector_load %arg11[%get3A_635, %get3A_636] {strides = array<i32>} : memref<80x144xf32, #tpu.memory_space<vmem>>, vector<16xf32>,
      %mul3A_638 = arith.mulf %get3A_637, %gather3A_607 : vector<16xf32>
      %swap3A_639 = arith.index_cast %add3A_599 : i32 to index
      %swap3A_640 = arith.constant 64 : index
      %swap3A_641 = tpu.vector_load %arg11[%swap3A_639, %swap3A_640] {strides = array<i32>} : memref<80x144xf32, #tpu.memory_space<vmem>>, vector<16xf32>,
      tpu.vector_store %arg11[%swap3A_639, %swap3A_640], %mul3A_638 {strides = array<i32>} : memref<80x144xf32, #tpu.memory_space<vmem>>, vector<16xf32>,
      %get3A_642 = arith.index_cast %add3A_599 : i32 to index
      %get3A_643 = arith.constant 80 : index
      %get3A_644 = tpu.vector_load %arg11[%get3A_642, %get3A_643] {strides = array<i32>} : memref<80x144xf32, #tpu.memory_space<vmem>>, vector<16xf32>,
      %mul3A_645 = arith.mulf %get3A_644, %gather3A_607 : vector<16xf32>
      %swap3A_646 = arith.index_cast %add3A_599 : i32 to index
      %swap3A_647 = arith.constant 80 : index
      %swap3A_648 = tpu.vector_load %arg11[%swap3A_646, %swap3A_647] {strides = array<i32>} : memref<80x144xf32, #tpu.memory_space<vmem>>, vector<16xf32>,
      tpu.vector_store %arg11[%swap3A_646, %swap3A_647], %mul3A_645 {strides = array<i32>} : memref<80x144xf32, #tpu.memory_space<vmem>>, vector<16xf32>,
      %get3A_649 = arith.index_cast %add3A_599 : i32 to index
      %get3A_650 = arith.constant 96 : index
      %get3A_651 = tpu.vector_load %arg11[%get3A_649, %get3A_650] {strides = array<i32>} : memref<80x144xf32, #tpu.memory_space<vmem>>, vector<16xf32>,
      %mul3A_652 = arith.mulf %get3A_651, %gather3A_607 : vector<16xf32>
      %swap3A_653 = arith.index_cast %add3A_599 : i32 to index
      %swap3A_654 = arith.constant 96 : index
      %swap3A_655 = tpu.vector_load %arg11[%swap3A_653, %swap3A_654] {strides = array<i32>} : memref<80x144xf32, #tpu.memory_space<vmem>>, vector<16xf32>,
      tpu.vector_store %arg11[%swap3A_653, %swap3A_654], %mul3A_652 {strides = array<i32>} : memref<80x144xf32, #tpu.memory_space<vmem>>, vector<16xf32>,
      %get3A_656 = arith.index_cast %add3A_599 : i32 to index
      %get3A_657 = arith.constant 112 : index
      %get3A_658 = tpu.vector_load %arg11[%get3A_656, %get3A_657] {strides = array<i32>} : memref<80x144xf32, #tpu.memory_space<vmem>>, vector<16xf32>,
      %mul3A_659 = arith.mulf %get3A_658, %gather3A_607 : vector<16xf32>
      %swap3A_660 = arith.index_cast %add3A_599 : i32 to index
      %swap3A_661 = arith.constant 112 : index
      %swap3A_662 = tpu.vector_load %arg11[%swap3A_660, %swap3A_661] {strides = array<i32>} : memref<80x144xf32, #tpu.memory_space<vmem>>, vector<16xf32>,
      tpu.vector_store %arg11[%swap3A_660, %swap3A_661], %mul3A_659 {strides = array<i32>} : memref<80x144xf32, #tpu.memory_space<vmem>>, vector<16xf32>,
      %swap3A_663 = arith.index_cast %add3A_599 : i32 to index
      %swap3A_664 = arith.constant 128 : index
      %swap3A_665 = tpu.vector_load %arg11[%swap3A_663, %swap3A_664] {strides = array<i32>} : memref<80x144xf32, #tpu.memory_space<vmem>>, vector<16xf32>,
      tpu.vector_store %arg11[%swap3A_663, %swap3A_664], %gather3A_607 {strides = array<i32>} : memref<80x144xf32, #tpu.memory_space<vmem>>, vector<16xf32>,
      %mul3A_666 = arith.constant 4 : i32
      %mul3A_667 = arith.muli %scan3A_595, %mul3A_666 : i32
      %add3A_668 = arith.constant 1 : i32
      %add3A_669 = arith.addi %mul3A_667, %add3A_668 : i32
      %mul3A_670 = arith.constant 4 : i32
      %mul3A_671 = arith.muli %add3A_669, %mul3A_670 : i32
      %and3A_672 = arith.constant 3 : i32
      %and3A_673 = vector.broadcast %and3A_672 : i32 to vector<16xi32>
      %and3A_674 = arith.andi %iota3A, %and3A_673 : vector<16xi32>
      %add3A_675 = vector.broadcast %mul3A_671 : i32 to vector<16xi32>
      %add3A_676 = arith.addi %add3A_675, %and3A_674 : vector<16xi32>
      %gather3A_677 = tpu.vector_load_idx %arg17[%add3A_676] : memref<320xf32, #tpu.memory_space<vmem>>[vector<16xi32>], vector<16xf32>,
      %get3A_678 = arith.index_cast %add3A_669 : i32 to index
      %get3A_679 = arith.constant 0 : index
      %get3A_680 = tpu.vector_load %arg11[%get3A_678, %get3A_679] {strides = array<i32>} : memref<80x144xf32, #tpu.memory_space<vmem>>, vector<16xf32>,
      %mul3A_681 = arith.mulf %get3A_680, %gather3A_677 : vector<16xf32>
      %swap3A_682 = arith.index_cast %add3A_669 : i32 to index
      %swap3A_683 = arith.constant 0 : index
      %swap3A_684 = tpu.vector_load %arg11[%swap3A_682, %swap3A_683] {strides = array<i32>} : memref<80x144xf32, #tpu.memory_space<vmem>>, vector<16xf32>,
      tpu.vector_store %arg11[%swap3A_682, %swap3A_683], %mul3A_681 {strides = array<i32>} : memref<80x144xf32, #tpu.memory_space<vmem>>, vector<16xf32>,
      %get3A_685 = arith.index_cast %add3A_669 : i32 to index
      %get3A_686 = arith.constant 16 : index
      %get3A_687 = tpu.vector_load %arg11[%get3A_685, %get3A_686] {strides = array<i32>} : memref<80x144xf32, #tpu.memory_space<vmem>>, vector<16xf32>,
      %mul3A_688 = arith.mulf %get3A_687, %gather3A_677 : vector<16xf32>
      %swap3A_689 = arith.index_cast %add3A_669 : i32 to index
      %swap3A_690 = arith.constant 16 : index
      %swap3A_691 = tpu.vector_load %arg11[%swap3A_689, %swap3A_690] {strides = array<i32>} : memref<80x144xf32, #tpu.memory_space<vmem>>, vector<16xf32>,
      tpu.vector_store %arg11[%swap3A_689, %swap3A_690], %mul3A_688 {strides = array<i32>} : memref<80x144xf32, #tpu.memory_space<vmem>>, vector<16xf32>,
      %get3A_692 = arith.index_cast %add3A_669 : i32 to index
      %get3A_693 = arith.constant 32 : index
      %get3A_694 = tpu.vector_load %arg11[%get3A_692, %get3A_693] {strides = array<i32>} : memref<80x144xf32, #tpu.memory_space<vmem>>, vector<16xf32>,
      %mul3A_695 = arith.mulf %get3A_694, %gather3A_677 : vector<16xf32>
      %swap3A_696 = arith.index_cast %add3A_669 : i32 to index
      %swap3A_697 = arith.constant 32 : index
      %swap3A_698 = tpu.vector_load %arg11[%swap3A_696, %swap3A_697] {strides = array<i32>} : memref<80x144xf32, #tpu.memory_space<vmem>>, vector<16xf32>,
      tpu.vector_store %arg11[%swap3A_696, %swap3A_697], %mul3A_695 {strides = array<i32>} : memref<80x144xf32, #tpu.memory_space<vmem>>, vector<16xf32>,
      %get3A_699 = arith.index_cast %add3A_669 : i32 to index
      %get3A_700 = arith.constant 48 : index
      %get3A_701 = tpu.vector_load %arg11[%get3A_699, %get3A_700] {strides = array<i32>} : memref<80x144xf32, #tpu.memory_space<vmem>>, vector<16xf32>,
      %mul3A_702 = arith.mulf %get3A_701, %gather3A_677 : vector<16xf32>
      %swap3A_703 = arith.index_cast %add3A_669 : i32 to index
      %swap3A_704 = arith.constant 48 : index
      %swap3A_705 = tpu.vector_load %arg11[%swap3A_703, %swap3A_704] {strides = array<i32>} : memref<80x144xf32, #tpu.memory_space<vmem>>, vector<16xf32>,
      tpu.vector_store %arg11[%swap3A_703, %swap3A_704], %mul3A_702 {strides = array<i32>} : memref<80x144xf32, #tpu.memory_space<vmem>>, vector<16xf32>,
      %get3A_706 = arith.index_cast %add3A_669 : i32 to index
      %get3A_707 = arith.constant 64 : index
      %get3A_708 = tpu.vector_load %arg11[%get3A_706, %get3A_707] {strides = array<i32>} : memref<80x144xf32, #tpu.memory_space<vmem>>, vector<16xf32>,
      %mul3A_709 = arith.mulf %get3A_708, %gather3A_677 : vector<16xf32>
      %swap3A_710 = arith.index_cast %add3A_669 : i32 to index
      %swap3A_711 = arith.constant 64 : index
      %swap3A_712 = tpu.vector_load %arg11[%swap3A_710, %swap3A_711] {strides = array<i32>} : memref<80x144xf32, #tpu.memory_space<vmem>>, vector<16xf32>,
      tpu.vector_store %arg11[%swap3A_710, %swap3A_711], %mul3A_709 {strides = array<i32>} : memref<80x144xf32, #tpu.memory_space<vmem>>, vector<16xf32>,
      %get3A_713 = arith.index_cast %add3A_669 : i32 to index
      %get3A_714 = arith.constant 80 : index
      %get3A_715 = tpu.vector_load %arg11[%get3A_713, %get3A_714] {strides = array<i32>} : memref<80x144xf32, #tpu.memory_space<vmem>>, vector<16xf32>,
      %mul3A_716 = arith.mulf %get3A_715, %gather3A_677 : vector<16xf32>
      %swap3A_717 = arith.index_cast %add3A_669 : i32 to index
      %swap3A_718 = arith.constant 80 : index
      %swap3A_719 = tpu.vector_load %arg11[%swap3A_717, %swap3A_718] {strides = array<i32>} : memref<80x144xf32, #tpu.memory_space<vmem>>, vector<16xf32>,
      tpu.vector_store %arg11[%swap3A_717, %swap3A_718], %mul3A_716 {strides = array<i32>} : memref<80x144xf32, #tpu.memory_space<vmem>>, vector<16xf32>,
      %get3A_720 = arith.index_cast %add3A_669 : i32 to index
      %get3A_721 = arith.constant 96 : index
      %get3A_722 = tpu.vector_load %arg11[%get3A_720, %get3A_721] {strides = array<i32>} : memref<80x144xf32, #tpu.memory_space<vmem>>, vector<16xf32>,
      %mul3A_723 = arith.mulf %get3A_722, %gather3A_677 : vector<16xf32>
      %swap3A_724 = arith.index_cast %add3A_669 : i32 to index
      %swap3A_725 = arith.constant 96 : index
      %swap3A_726 = tpu.vector_load %arg11[%swap3A_724, %swap3A_725] {strides = array<i32>} : memref<80x144xf32, #tpu.memory_space<vmem>>, vector<16xf32>,
      tpu.vector_store %arg11[%swap3A_724, %swap3A_725], %mul3A_723 {strides = array<i32>} : memref<80x144xf32, #tpu.memory_space<vmem>>, vector<16xf32>,
      %get3A_727 = arith.index_cast %add3A_669 : i32 to index
      %get3A_728 = arith.constant 112 : index
      %get3A_729 = tpu.vector_load %arg11[%get3A_727, %get3A_728] {strides = array<i32>} : memref<80x144xf32, #tpu.memory_space<vmem>>, vector<16xf32>,
      %mul3A_730 = arith.mulf %get3A_729, %gather3A_677 : vector<16xf32>
      %swap3A_731 = arith.index_cast %add3A_669 : i32 to index
      %swap3A_732 = arith.constant 112 : index
      %swap3A_733 = tpu.vector_load %arg11[%swap3A_731, %swap3A_732] {strides = array<i32>} : memref<80x144xf32, #tpu.memory_space<vmem>>, vector<16xf32>,
      tpu.vector_store %arg11[%swap3A_731, %swap3A_732], %mul3A_730 {strides = array<i32>} : memref<80x144xf32, #tpu.memory_space<vmem>>, vector<16xf32>,
      %swap3A_734 = arith.index_cast %add3A_669 : i32 to index
      %swap3A_735 = arith.constant 128 : index
      %swap3A_736 = tpu.vector_load %arg11[%swap3A_734, %swap3A_735] {strides = array<i32>} : memref<80x144xf32, #tpu.memory_space<vmem>>, vector<16xf32>,
      tpu.vector_store %arg11[%swap3A_734, %swap3A_735], %gather3A_677 {strides = array<i32>} : memref<80x144xf32, #tpu.memory_space<vmem>>, vector<16xf32>,
      %mul3A_737 = arith.constant 4 : i32
      %mul3A_738 = arith.muli %scan3A_595, %mul3A_737 : i32
      %add3A_739 = arith.constant 2 : i32
      %add3A_740 = arith.addi %mul3A_738, %add3A_739 : i32
      %mul3A_741 = arith.constant 4 : i32
      %mul3A_742 = arith.muli %add3A_740, %mul3A_741 : i32
      %and3A_743 = arith.constant 3 : i32
      %and3A_744 = vector.broadcast %and3A_743 : i32 to vector<16xi32>
      %and3A_745 = arith.andi %iota3A, %and3A_744 : vector<16xi32>
      %add3A_746 = vector.broadcast %mul3A_742 : i32 to vector<16xi32>
      %add3A_747 = arith.addi %add3A_746, %and3A_745 : vector<16xi32>
      %gather3A_748 = tpu.vector_load_idx %arg17[%add3A_747] : memref<320xf32, #tpu.memory_space<vmem>>[vector<16xi32>], vector<16xf32>,
      %get3A_749 = arith.index_cast %add3A_740 : i32 to index
      %get3A_750 = arith.constant 0 : index
      %get3A_751 = tpu.vector_load %arg11[%get3A_749, %get3A_750] {strides = array<i32>} : memref<80x144xf32, #tpu.memory_space<vmem>>, vector<16xf32>,
      %mul3A_752 = arith.mulf %get3A_751, %gather3A_748 : vector<16xf32>
      %swap3A_753 = arith.index_cast %add3A_740 : i32 to index
      %swap3A_754 = arith.constant 0 : index
      %swap3A_755 = tpu.vector_load %arg11[%swap3A_753, %swap3A_754] {strides = array<i32>} : memref<80x144xf32, #tpu.memory_space<vmem>>, vector<16xf32>,
      tpu.vector_store %arg11[%swap3A_753, %swap3A_754], %mul3A_752 {strides = array<i32>} : memref<80x144xf32, #tpu.memory_space<vmem>>, vector<16xf32>,
      %get3A_756 = arith.index_cast %add3A_740 : i32 to index
      %get3A_757 = arith.constant 16 : index
      %get3A_758 = tpu.vector_load %arg11[%get3A_756, %get3A_757] {strides = array<i32>} : memref<80x144xf32, #tpu.memory_space<vmem>>, vector<16xf32>,
      %mul3A_759 = arith.mulf %get3A_758, %gather3A_748 : vector<16xf32>
      %swap3A_760 = arith.index_cast %add3A_740 : i32 to index
      %swap3A_761 = arith.constant 16 : index
      %swap3A_762 = tpu.vector_load %arg11[%swap3A_760, %swap3A_761] {strides = array<i32>} : memref<80x144xf32, #tpu.memory_space<vmem>>, vector<16xf32>,
      tpu.vector_store %arg11[%swap3A_760, %swap3A_761], %mul3A_759 {strides = array<i32>} : memref<80x144xf32, #tpu.memory_space<vmem>>, vector<16xf32>,
      %get3A_763 = arith.index_cast %add3A_740 : i32 to index
      %get3A_764 = arith.constant 32 : index
      %get3A_765 = tpu.vector_load %arg11[%get3A_763, %get3A_764] {strides = array<i32>} : memref<80x144xf32, #tpu.memory_space<vmem>>, vector<16xf32>,
      %mul3A_766 = arith.mulf %get3A_765, %gather3A_748 : vector<16xf32>
      %swap3A_767 = arith.index_cast %add3A_740 : i32 to index
      %swap3A_768 = arith.constant 32 : index
      %swap3A_769 = tpu.vector_load %arg11[%swap3A_767, %swap3A_768] {strides = array<i32>} : memref<80x144xf32, #tpu.memory_space<vmem>>, vector<16xf32>,
      tpu.vector_store %arg11[%swap3A_767, %swap3A_768], %mul3A_766 {strides = array<i32>} : memref<80x144xf32, #tpu.memory_space<vmem>>, vector<16xf32>,
      %get3A_770 = arith.index_cast %add3A_740 : i32 to index
      %get3A_771 = arith.constant 48 : index
      %get3A_772 = tpu.vector_load %arg11[%get3A_770, %get3A_771] {strides = array<i32>} : memref<80x144xf32, #tpu.memory_space<vmem>>, vector<16xf32>,
      %mul3A_773 = arith.mulf %get3A_772, %gather3A_748 : vector<16xf32>
      %swap3A_774 = arith.index_cast %add3A_740 : i32 to index
      %swap3A_775 = arith.constant 48 : index
      %swap3A_776 = tpu.vector_load %arg11[%swap3A_774, %swap3A_775] {strides = array<i32>} : memref<80x144xf32, #tpu.memory_space<vmem>>, vector<16xf32>,
      tpu.vector_store %arg11[%swap3A_774, %swap3A_775], %mul3A_773 {strides = array<i32>} : memref<80x144xf32, #tpu.memory_space<vmem>>, vector<16xf32>,
      %get3A_777 = arith.index_cast %add3A_740 : i32 to index
      %get3A_778 = arith.constant 64 : index
      %get3A_779 = tpu.vector_load %arg11[%get3A_777, %get3A_778] {strides = array<i32>} : memref<80x144xf32, #tpu.memory_space<vmem>>, vector<16xf32>,
      %mul3A_780 = arith.mulf %get3A_779, %gather3A_748 : vector<16xf32>
      %swap3A_781 = arith.index_cast %add3A_740 : i32 to index
      %swap3A_782 = arith.constant 64 : index
      %swap3A_783 = tpu.vector_load %arg11[%swap3A_781, %swap3A_782] {strides = array<i32>} : memref<80x144xf32, #tpu.memory_space<vmem>>, vector<16xf32>,
      tpu.vector_store %arg11[%swap3A_781, %swap3A_782], %mul3A_780 {strides = array<i32>} : memref<80x144xf32, #tpu.memory_space<vmem>>, vector<16xf32>,
      %get3A_784 = arith.index_cast %add3A_740 : i32 to index
      %get3A_785 = arith.constant 80 : index
      %get3A_786 = tpu.vector_load %arg11[%get3A_784, %get3A_785] {strides = array<i32>} : memref<80x144xf32, #tpu.memory_space<vmem>>, vector<16xf32>,
      %mul3A_787 = arith.mulf %get3A_786, %gather3A_748 : vector<16xf32>
      %swap3A_788 = arith.index_cast %add3A_740 : i32 to index
      %swap3A_789 = arith.constant 80 : index
      %swap3A_790 = tpu.vector_load %arg11[%swap3A_788, %swap3A_789] {strides = array<i32>} : memref<80x144xf32, #tpu.memory_space<vmem>>, vector<16xf32>,
      tpu.vector_store %arg11[%swap3A_788, %swap3A_789], %mul3A_787 {strides = array<i32>} : memref<80x144xf32, #tpu.memory_space<vmem>>, vector<16xf32>,
      %get3A_791 = arith.index_cast %add3A_740 : i32 to index
      %get3A_792 = arith.constant 96 : index
      %get3A_793 = tpu.vector_load %arg11[%get3A_791, %get3A_792] {strides = array<i32>} : memref<80x144xf32, #tpu.memory_space<vmem>>, vector<16xf32>,
      %mul3A_794 = arith.mulf %get3A_793, %gather3A_748 : vector<16xf32>
      %swap3A_795 = arith.index_cast %add3A_740 : i32 to index
      %swap3A_796 = arith.constant 96 : index
      %swap3A_797 = tpu.vector_load %arg11[%swap3A_795, %swap3A_796] {strides = array<i32>} : memref<80x144xf32, #tpu.memory_space<vmem>>, vector<16xf32>,
      tpu.vector_store %arg11[%swap3A_795, %swap3A_796], %mul3A_794 {strides = array<i32>} : memref<80x144xf32, #tpu.memory_space<vmem>>, vector<16xf32>,
      %get3A_798 = arith.index_cast %add3A_740 : i32 to index
      %get3A_799 = arith.constant 112 : index
      %get3A_800 = tpu.vector_load %arg11[%get3A_798, %get3A_799] {strides = array<i32>} : memref<80x144xf32, #tpu.memory_space<vmem>>, vector<16xf32>,
      %mul3A_801 = arith.mulf %get3A_800, %gather3A_748 : vector<16xf32>
      %swap3A_802 = arith.index_cast %add3A_740 : i32 to index
      %swap3A_803 = arith.constant 112 : index
      %swap3A_804 = tpu.vector_load %arg11[%swap3A_802, %swap3A_803] {strides = array<i32>} : memref<80x144xf32, #tpu.memory_space<vmem>>, vector<16xf32>,
      tpu.vector_store %arg11[%swap3A_802, %swap3A_803], %mul3A_801 {strides = array<i32>} : memref<80x144xf32, #tpu.memory_space<vmem>>, vector<16xf32>,
      %swap3A_805 = arith.index_cast %add3A_740 : i32 to index
      %swap3A_806 = arith.constant 128 : index
      %swap3A_807 = tpu.vector_load %arg11[%swap3A_805, %swap3A_806] {strides = array<i32>} : memref<80x144xf32, #tpu.memory_space<vmem>>, vector<16xf32>,
      tpu.vector_store %arg11[%swap3A_805, %swap3A_806], %gather3A_748 {strides = array<i32>} : memref<80x144xf32, #tpu.memory_space<vmem>>, vector<16xf32>,
      %mul3A_808 = arith.constant 4 : i32
      %mul3A_809 = arith.muli %scan3A_595, %mul3A_808 : i32
      %add3A_810 = arith.constant 3 : i32
      %add3A_811 = arith.addi %mul3A_809, %add3A_810 : i32
      %mul3A_812 = arith.constant 4 : i32
      %mul3A_813 = arith.muli %add3A_811, %mul3A_812 : i32
      %and3A_814 = arith.constant 3 : i32
      %and3A_815 = vector.broadcast %and3A_814 : i32 to vector<16xi32>
      %and3A_816 = arith.andi %iota3A, %and3A_815 : vector<16xi32>
      %add3A_817 = vector.broadcast %mul3A_813 : i32 to vector<16xi32>
      %add3A_818 = arith.addi %add3A_817, %and3A_816 : vector<16xi32>
      %gather3A_819 = tpu.vector_load_idx %arg17[%add3A_818] : memref<320xf32, #tpu.memory_space<vmem>>[vector<16xi32>], vector<16xf32>,
      %get3A_820 = arith.index_cast %add3A_811 : i32 to index
      %get3A_821 = arith.constant 0 : index
      %get3A_822 = tpu.vector_load %arg11[%get3A_820, %get3A_821] {strides = array<i32>} : memref<80x144xf32, #tpu.memory_space<vmem>>, vector<16xf32>,
      %mul3A_823 = arith.mulf %get3A_822, %gather3A_819 : vector<16xf32>
      %swap3A_824 = arith.index_cast %add3A_811 : i32 to index
      %swap3A_825 = arith.constant 0 : index
      %swap3A_826 = tpu.vector_load %arg11[%swap3A_824, %swap3A_825] {strides = array<i32>} : memref<80x144xf32, #tpu.memory_space<vmem>>, vector<16xf32>,
      tpu.vector_store %arg11[%swap3A_824, %swap3A_825], %mul3A_823 {strides = array<i32>} : memref<80x144xf32, #tpu.memory_space<vmem>>, vector<16xf32>,
      %get3A_827 = arith.index_cast %add3A_811 : i32 to index
      %get3A_828 = arith.constant 16 : index
      %get3A_829 = tpu.vector_load %arg11[%get3A_827, %get3A_828] {strides = array<i32>} : memref<80x144xf32, #tpu.memory_space<vmem>>, vector<16xf32>,
      %mul3A_830 = arith.mulf %get3A_829, %gather3A_819 : vector<16xf32>
      %swap3A_831 = arith.index_cast %add3A_811 : i32 to index
      %swap3A_832 = arith.constant 16 : index
      %swap3A_833 = tpu.vector_load %arg11[%swap3A_831, %swap3A_832] {strides = array<i32>} : memref<80x144xf32, #tpu.memory_space<vmem>>, vector<16xf32>,
      tpu.vector_store %arg11[%swap3A_831, %swap3A_832], %mul3A_830 {strides = array<i32>} : memref<80x144xf32, #tpu.memory_space<vmem>>, vector<16xf32>,
      %get3A_834 = arith.index_cast %add3A_811 : i32 to index
      %get3A_835 = arith.constant 32 : index
      %get3A_836 = tpu.vector_load %arg11[%get3A_834, %get3A_835] {strides = array<i32>} : memref<80x144xf32, #tpu.memory_space<vmem>>, vector<16xf32>,
      %mul3A_837 = arith.mulf %get3A_836, %gather3A_819 : vector<16xf32>
      %swap3A_838 = arith.index_cast %add3A_811 : i32 to index
      %swap3A_839 = arith.constant 32 : index
      %swap3A_840 = tpu.vector_load %arg11[%swap3A_838, %swap3A_839] {strides = array<i32>} : memref<80x144xf32, #tpu.memory_space<vmem>>, vector<16xf32>,
      tpu.vector_store %arg11[%swap3A_838, %swap3A_839], %mul3A_837 {strides = array<i32>} : memref<80x144xf32, #tpu.memory_space<vmem>>, vector<16xf32>,
      %get3A_841 = arith.index_cast %add3A_811 : i32 to index
      %get3A_842 = arith.constant 48 : index
      %get3A_843 = tpu.vector_load %arg11[%get3A_841, %get3A_842] {strides = array<i32>} : memref<80x144xf32, #tpu.memory_space<vmem>>, vector<16xf32>,
      %mul3A_844 = arith.mulf %get3A_843, %gather3A_819 : vector<16xf32>
      %swap3A_845 = arith.index_cast %add3A_811 : i32 to index
      %swap3A_846 = arith.constant 48 : index
      %swap3A_847 = tpu.vector_load %arg11[%swap3A_845, %swap3A_846] {strides = array<i32>} : memref<80x144xf32, #tpu.memory_space<vmem>>, vector<16xf32>,
      tpu.vector_store %arg11[%swap3A_845, %swap3A_846], %mul3A_844 {strides = array<i32>} : memref<80x144xf32, #tpu.memory_space<vmem>>, vector<16xf32>,
      %get3A_848 = arith.index_cast %add3A_811 : i32 to index
      %get3A_849 = arith.constant 64 : index
      %get3A_850 = tpu.vector_load %arg11[%get3A_848, %get3A_849] {strides = array<i32>} : memref<80x144xf32, #tpu.memory_space<vmem>>, vector<16xf32>,
      %mul3A_851 = arith.mulf %get3A_850, %gather3A_819 : vector<16xf32>
      %swap3A_852 = arith.index_cast %add3A_811 : i32 to index
      %swap3A_853 = arith.constant 64 : index
      %swap3A_854 = tpu.vector_load %arg11[%swap3A_852, %swap3A_853] {strides = array<i32>} : memref<80x144xf32, #tpu.memory_space<vmem>>, vector<16xf32>,
      tpu.vector_store %arg11[%swap3A_852, %swap3A_853], %mul3A_851 {strides = array<i32>} : memref<80x144xf32, #tpu.memory_space<vmem>>, vector<16xf32>,
      %get3A_855 = arith.index_cast %add3A_811 : i32 to index
      %get3A_856 = arith.constant 80 : index
      %get3A_857 = tpu.vector_load %arg11[%get3A_855, %get3A_856] {strides = array<i32>} : memref<80x144xf32, #tpu.memory_space<vmem>>, vector<16xf32>,
      %mul3A_858 = arith.mulf %get3A_857, %gather3A_819 : vector<16xf32>
      %swap3A_859 = arith.index_cast %add3A_811 : i32 to index
      %swap3A_860 = arith.constant 80 : index
      %swap3A_861 = tpu.vector_load %arg11[%swap3A_859, %swap3A_860] {strides = array<i32>} : memref<80x144xf32, #tpu.memory_space<vmem>>, vector<16xf32>,
      tpu.vector_store %arg11[%swap3A_859, %swap3A_860], %mul3A_858 {strides = array<i32>} : memref<80x144xf32, #tpu.memory_space<vmem>>, vector<16xf32>,
      %get3A_862 = arith.index_cast %add3A_811 : i32 to index
      %get3A_863 = arith.constant 96 : index
      %get3A_864 = tpu.vector_load %arg11[%get3A_862, %get3A_863] {strides = array<i32>} : memref<80x144xf32, #tpu.memory_space<vmem>>, vector<16xf32>,
      %mul3A_865 = arith.mulf %get3A_864, %gather3A_819 : vector<16xf32>
      %swap3A_866 = arith.index_cast %add3A_811 : i32 to index
      %swap3A_867 = arith.constant 96 : index
      %swap3A_868 = tpu.vector_load %arg11[%swap3A_866, %swap3A_867] {strides = array<i32>} : memref<80x144xf32, #tpu.memory_space<vmem>>, vector<16xf32>,
      tpu.vector_store %arg11[%swap3A_866, %swap3A_867], %mul3A_865 {strides = array<i32>} : memref<80x144xf32, #tpu.memory_space<vmem>>, vector<16xf32>,
      %get3A_869 = arith.index_cast %add3A_811 : i32 to index
      %get3A_870 = arith.constant 112 : index
      %get3A_871 = tpu.vector_load %arg11[%get3A_869, %get3A_870] {strides = array<i32>} : memref<80x144xf32, #tpu.memory_space<vmem>>, vector<16xf32>,
      %mul3A_872 = arith.mulf %get3A_871, %gather3A_819 : vector<16xf32>
      %swap3A_873 = arith.index_cast %add3A_811 : i32 to index
      %swap3A_874 = arith.constant 112 : index
      %swap3A_875 = tpu.vector_load %arg11[%swap3A_873, %swap3A_874] {strides = array<i32>} : memref<80x144xf32, #tpu.memory_space<vmem>>, vector<16xf32>,
      tpu.vector_store %arg11[%swap3A_873, %swap3A_874], %mul3A_872 {strides = array<i32>} : memref<80x144xf32, #tpu.memory_space<vmem>>, vector<16xf32>,
      %swap3A_876 = arith.index_cast %add3A_811 : i32 to index
      %swap3A_877 = arith.constant 128 : index
      %swap3A_878 = tpu.vector_load %arg11[%swap3A_876, %swap3A_877] {strides = array<i32>} : memref<80x144xf32, #tpu.memory_space<vmem>>, vector<16xf32>,
      tpu.vector_store %arg11[%swap3A_876, %swap3A_877], %gather3A_819 {strides = array<i32>} : memref<80x144xf32, #tpu.memory_space<vmem>>, vector<16xf32>,
    }
    %scan3A_589 = arith.constant 20 : i32
    "tpu.region"() ({
      %run_scoped3A = tpu.sem_alloc : memref<!tpu.dma_semaphore, #tpu.memory_space<semaphore_mem>>
      %dma_start3A_595 = arith.constant 0 : i32
      %dma_start3A_596 = arith.constant 0 : i32
      %dma_start3A_597 = tpu.memref_slice %arg18[%dma_start3A_595, %dma_start3A_596] : memref<10240x144xf32, #tpu.memory_space<vmem_shared>> -> memref<10240x144xf32, #tpu.memory_space<vmem_shared>>
      tpu.enqueue_indirect_dma source(%arg11 : memref<80x144xf32, #tpu.memory_space<vmem>>) target(%dma_start3A_597 : memref<10240x144xf32, #tpu.memory_space<vmem_shared>>) offsets(%arg8 : memref<80xi32, #tpu.memory_space<vmem>>) semaphore(%run_scoped3A : memref<!tpu.dma_semaphore, #tpu.memory_space<semaphore_mem>>) {add = true}
      %dma_wait3A_598 = arith.constant 0 : i32
      %dma_wait3A_599 = arith.constant 0 : i32
      %dma_wait3A_600 = tpu.memref_slice %arg18[%dma_wait3A_598, %dma_wait3A_599] : memref<10240x144xf32, #tpu.memory_space<vmem_shared>> -> memref<10240x144xf32, #tpu.memory_space<vmem_shared>>
      tpu.wait_indirect_dma semaphore(%run_scoped3A : memref<!tpu.dma_semaphore, #tpu.memory_space<semaphore_mem>>) src(%arg11 : memref<80x144xf32, #tpu.memory_space<vmem>>) dst(%dma_wait3A_600 : memref<10240x144xf32, #tpu.memory_space<vmem_shared>>)
      tpu.yield
    }) : () -> ()
    %barrier3A_590 = arith.constant 0 : index
    tpu.barrier barrier_id(%barrier3A_590)
    %mul3A_591 = arith.constant 640 : i32
    %mul3A_592 = arith.muli %arg1, %mul3A_591 : i32
    %mul3A_593 = arith.constant 640 : i32
    %mul3A_594 = arith.muli %arg1, %mul3A_593 : i32
    "tpu.region"() ({
      %run_scoped3A = tpu.sem_alloc : memref<!tpu.dma_semaphore, #tpu.memory_space<semaphore_mem>>
      %dma_start3A_595 = arith.constant 0 : i32
      %dma_start3A_596 = tpu.memref_slice %arg6[%arg0, %mul3A_594, %dma_start3A_595] : memref<2x10240x144xf32, #tpu.memory_space<hbm>> -> memref<1x640x144xf32, #tpu.memory_space<hbm>>
      %dma_start3A_597 = tpu.memref_squeeze %dma_start3A_596 : memref<1x640x144xf32, #tpu.memory_space<hbm>> -> memref<640x144xf32, #tpu.memory_space<hbm>>
      %dma_start3A_598 = arith.constant 0 : i32
      %dma_start3A_599 = tpu.memref_slice %arg18[%mul3A_592, %dma_start3A_598] : memref<10240x144xf32, #tpu.memory_space<vmem_shared>> -> memref<640x144xf32, #tpu.memory_space<vmem_shared>>
      tpu.enqueue_dma source(%dma_start3A_599 : memref<640x144xf32, #tpu.memory_space<vmem_shared>>) target(%dma_start3A_597 : memref<640x144xf32, #tpu.memory_space<hbm>>) target_semaphore(%run_scoped3A : memref<!tpu.dma_semaphore, #tpu.memory_space<semaphore_mem>>)
      %dma_wait3A_600 = arith.constant 0 : i32
      %dma_wait3A_601 = tpu.memref_slice %arg6[%arg0, %mul3A_594, %dma_wait3A_600] : memref<2x10240x144xf32, #tpu.memory_space<hbm>> -> memref<1x640x144xf32, #tpu.memory_space<hbm>>
      %dma_wait3A_602 = tpu.memref_squeeze %dma_wait3A_601 : memref<1x640x144xf32, #tpu.memory_space<hbm>> -> memref<640x144xf32, #tpu.memory_space<hbm>>
      %dma_wait3A_603 = arith.constant 0 : i32
      %dma_wait3A_604 = tpu.memref_slice %arg18[%mul3A_592, %dma_wait3A_603] : memref<10240x144xf32, #tpu.memory_space<vmem_shared>> -> memref<640x144xf32, #tpu.memory_space<vmem_shared>>
      tpu.wait_dma2 semaphore(%run_scoped3A : memref<!tpu.dma_semaphore, #tpu.memory_space<semaphore_mem>>) src(%dma_wait3A_604 : memref<640x144xf32, #tpu.memory_space<vmem_shared>>) dst(%dma_wait3A_602 : memref<640x144xf32, #tpu.memory_space<hbm>>)
      tpu.yield
    }) : () -> ()
    return
  }
}

module attributes {stable_mosaic.version = 14 : i64} {
  func.func @_pre_body(%arg0: i32, %arg1: memref<1000x128xf32, #tpu.memory_space<vmem>>, %arg2: memref<128x128xf32, #tpu.memory_space<vmem>>, %arg3: memref<128x8xf32, #tpu.memory_space<vmem>>, %arg4: memref<1000x144xf32, #tpu.memory_space<vmem>>, %arg5: memref<1000x8xf32, #tpu.memory_space<vmem>>) attributes {dimension_semantics = [#tpu.dimension_semantics<arbitrary>], iteration_bounds = array<i64: 10>, scalar_prefetch = 0 : i64, scratch_operands = 0 : i64, tpu.core_type = #tpu.core_type<tc>, window_params = [{transform_indices = @transform_0, window_bounds = array<i64: 1000, 128>}, {pipeline_mode = #tpu.pipeline_mode<synchronous>, transform_indices = @transform_1, window_bounds = array<i64: 128, 128>}, {pipeline_mode = #tpu.pipeline_mode<synchronous>, transform_indices = @transform_2, window_bounds = array<i64: 128, 8>}, {transform_indices = @transform_3, window_bounds = array<i64: 1000, 144>}, {transform_indices = @transform_4, window_bounds = array<i64: 1000, 8>}]} {
    %get3A = arith.constant 0 : index
    %get3A_0 = arith.constant 0 : index
    %get3A_1 = vector.load %arg1[%get3A, %get3A_0] : memref<1000x128xf32, #tpu.memory_space<vmem>>, vector<1000x128xf32>
    %get3A_2 = arith.constant 0 : index
    %get3A_3 = arith.constant 0 : index
    %get3A_4 = vector.load %arg2[%get3A_2, %get3A_3] : memref<128x128xf32, #tpu.memory_space<vmem>>, vector<128x128xf32>
    %dot_general3A = arith.constant dense<0.000000e+00> : vector<1000x128xf32>
    %dot_general3A_5 = tpu.matmul %get3A_1, %get3A_4, %dot_general3A {dimension_numbers = #tpu.dot_dimension_numbers<[1], [0], [0], [1], [0, 0, 1, 1], [], []>, transpose_lhs_hint = false} : vector<1000x128xf32>, vector<128x128xf32>, vector<1000x128xf32> -> vector<1000x128xf32>
    %get3A_6 = arith.constant 0 : index
    %get3A_7 = arith.constant 0 : index
    %get3A_8 = vector.load %arg3[%get3A_6, %get3A_7] : memref<128x8xf32, #tpu.memory_space<vmem>>, vector<128x8xf32>
    %dot_general3A_9 = arith.constant dense<0.000000e+00> : vector<1000x8xf32>
    %dot_general3A_10 = tpu.matmul %dot_general3A_5, %get3A_8, %dot_general3A_9 {dimension_numbers = #tpu.dot_dimension_numbers<[1], [0], [0], [1], [0, 0, 1, 1], [], []>, transpose_lhs_hint = false} : vector<1000x128xf32>, vector<128x8xf32>, vector<1000x8xf32> -> vector<1000x8xf32>
    %swap3A = arith.constant 0 : index
    %swap3A_11 = arith.constant 0 : index
    %swap3A_12 = vector.load %arg5[%swap3A, %swap3A_11] : memref<1000x8xf32, #tpu.memory_space<vmem>>, vector<1000x8xf32>
    tpu.vector_store %arg5[%swap3A, %swap3A_11], %dot_general3A_10 {strides = array<i32>} : memref<1000x8xf32, #tpu.memory_space<vmem>>, vector<1000x8xf32>,
    %broadcast_in_dim3A = arith.constant 1.000000e+00 : f32
    %broadcast_in_dim3A_13 = vector.broadcast %broadcast_in_dim3A : f32 to vector<1000x4xf32>
    %broadcast_in_dim3A_14 = arith.constant 0.000000e+00 : f32
    %broadcast_in_dim3A_15 = vector.broadcast %broadcast_in_dim3A_14 : f32 to vector<1000x12xf32>
    %concatenate3A = tpu.concatenate %dot_general3A_5, %broadcast_in_dim3A_13, %broadcast_in_dim3A_15 in 1 : vector<1000x128xf32>, vector<1000x4xf32>, vector<1000x12xf32> -> vector<1000x144xf32>
    %swap3A_16 = arith.constant 0 : index
    %swap3A_17 = arith.constant 0 : index
    %swap3A_18 = vector.load %arg4[%swap3A_16, %swap3A_17] : memref<1000x144xf32, #tpu.memory_space<vmem>>, vector<1000x144xf32>
    tpu.vector_store %arg4[%swap3A_16, %swap3A_17], %concatenate3A {strides = array<i32>} : memref<1000x144xf32, #tpu.memory_space<vmem>>, vector<1000x144xf32>,
    return
  }
  func.func @transform_0(%arg0: i32) -> (i32, i32) {
    %c0_i32 = arith.constant 0 : i32
    %c0_i32_0 = arith.constant 0 : i32
    return %arg0, %c0_i32 : i32, i32
  }
  func.func @transform_1(%arg0: i32) -> (i32, i32) {
    %c0_i32 = arith.constant 0 : i32
    %c0_i32_0 = arith.constant 0 : i32
    %c0_i32_1 = arith.constant 0 : i32
    return %c0_i32, %c0_i32_0 : i32, i32
  }
  func.func @transform_2(%arg0: i32) -> (i32, i32) {
    %c0_i32 = arith.constant 0 : i32
    %c0_i32_0 = arith.constant 0 : i32
    %c0_i32_1 = arith.constant 0 : i32
    return %c0_i32, %c0_i32_0 : i32, i32
  }
  func.func @transform_3(%arg0: i32) -> (i32, i32) {
    %c0_i32 = arith.constant 0 : i32
    %c0_i32_0 = arith.constant 0 : i32
    return %arg0, %c0_i32 : i32, i32
  }
  func.func @transform_4(%arg0: i32) -> (i32, i32) {
    %c0_i32 = arith.constant 0 : i32
    %c0_i32_0 = arith.constant 0 : i32
    return %arg0, %c0_i32 : i32, i32
  }
}

module attributes {stable_mosaic.version = 14 : i64} {
  func.func @_post_body(%arg0: i32, %arg1: memref<1000x144xf32, #tpu.memory_space<vmem>>, %arg2: memref<1000x144xf32, #tpu.memory_space<vmem>>, %arg3: memref<4x128xf32, #tpu.memory_space<vmem>>, %arg4: memref<128x128xf32, #tpu.memory_space<vmem>>, %arg5: memref<1x128xf32, #tpu.memory_space<vmem>>, %arg6: memref<128x128xf32, #tpu.memory_space<vmem>>, %arg7: memref<1x128xf32, #tpu.memory_space<vmem>>, %arg8: memref<128x16xf32, #tpu.memory_space<vmem>>, %arg9: memref<1x16xf32, #tpu.memory_space<vmem>>, %arg10: memref<1000x16xf32, #tpu.memory_space<vmem>>) attributes {dimension_semantics = [#tpu.dimension_semantics<arbitrary>], iteration_bounds = array<i64: 10>, scalar_prefetch = 0 : i64, scratch_operands = 0 : i64, tpu.core_type = #tpu.core_type<tc>, window_params = [{transform_indices = @transform_0, window_bounds = array<i64: 1000, 144>}, {transform_indices = @transform_1, window_bounds = array<i64: 1000, 144>}, {pipeline_mode = #tpu.pipeline_mode<synchronous>, transform_indices = @transform_2, window_bounds = array<i64: 4, 128>}, {pipeline_mode = #tpu.pipeline_mode<synchronous>, transform_indices = @transform_3, window_bounds = array<i64: 128, 128>}, {pipeline_mode = #tpu.pipeline_mode<synchronous>, transform_indices = @transform_4, window_bounds = array<i64: 1, 128>}, {pipeline_mode = #tpu.pipeline_mode<synchronous>, transform_indices = @transform_5, window_bounds = array<i64: 128, 128>}, {pipeline_mode = #tpu.pipeline_mode<synchronous>, transform_indices = @transform_6, window_bounds = array<i64: 1, 128>}, {pipeline_mode = #tpu.pipeline_mode<synchronous>, transform_indices = @transform_7, window_bounds = array<i64: 128, 16>}, {pipeline_mode = #tpu.pipeline_mode<synchronous>, transform_indices = @transform_8, window_bounds = array<i64: 1, 16>}, {transform_indices = @transform_9, window_bounds = array<i64: 1000, 16>}]} {
    %get3A = arith.constant 0 : index
    %get3A_0 = arith.constant 0 : index
    %get3A_1 = vector.load %arg1[%get3A, %get3A_0] : memref<1000x144xf32, #tpu.memory_space<vmem>>, vector<1000x144xf32>
    %get3A_2 = arith.constant 0 : index
    %get3A_3 = arith.constant 0 : index
    %get3A_4 = vector.load %arg2[%get3A_2, %get3A_3] : memref<1000x144xf32, #tpu.memory_space<vmem>>, vector<1000x144xf32>
    %add3A = arith.addf %get3A_1, %get3A_4 : vector<1000x144xf32>
    %slice3A = vector.extract_strided_slice %add3A {offsets = [0, 0], sizes = [1000, 128], strides = [1, 1]} : vector<1000x144xf32> to vector<1000x128xf32>
    %slice3A_5 = vector.extract_strided_slice %add3A {offsets = [0, 128], sizes = [1000, 4], strides = [1, 1]} : vector<1000x144xf32> to vector<1000x4xf32>
    %get3A_6 = arith.constant 0 : index
    %get3A_7 = arith.constant 0 : index
    %get3A_8 = vector.load %arg3[%get3A_6, %get3A_7] : memref<4x128xf32, #tpu.memory_space<vmem>>, vector<4x128xf32>
    %dot_general3A = arith.constant dense<0.000000e+00> : vector<1000x128xf32>
    %dot_general3A_9 = tpu.matmul %slice3A_5, %get3A_8, %dot_general3A {dimension_numbers = #tpu.dot_dimension_numbers<[1], [0], [0], [1], [0, 0, 1, 1], [], []>, transpose_lhs_hint = false} : vector<1000x4xf32>, vector<4x128xf32>, vector<1000x128xf32> -> vector<1000x128xf32>
    %add3A_10 = arith.constant 1.000000e-16 : f32
    %add3A_11 = vector.broadcast %add3A_10 : f32 to vector<1000x128xf32>
    %add3A_12 = arith.addf %dot_general3A_9, %add3A_11 : vector<1000x128xf32>
    %div3A = arith.divf %slice3A, %add3A_12 : vector<1000x128xf32>
    %gt3A = arith.constant 0.000000e+00 : f32
    %gt3A_13 = vector.broadcast %gt3A : f32 to vector<1000x128xf32>
    %gt3A_14 = arith.cmpf ogt, %div3A, %gt3A_13 : vector<1000x128xf32>
    %min3A = arith.constant 0.000000e+00 : f32
    %min3A_15 = vector.broadcast %min3A : f32 to vector<1000x128xf32>
    %min3A_16 = arith.minimumf %div3A, %min3A_15 : vector<1000x128xf32>
    %exp3A = math.exp %min3A_16 : vector<1000x128xf32>
    %sub3A = arith.constant 1.000000e+00 : f32
    %sub3A_17 = vector.broadcast %sub3A : f32 to vector<1000x128xf32>
    %sub3A_18 = arith.subf %exp3A, %sub3A_17 : vector<1000x128xf32>
    %select_n3A = arith.select %gt3A_14, %div3A, %sub3A_18 : vector<1000x128xi1>, vector<1000x128xf32>
    %get3A_19 = arith.constant 0 : index
    %get3A_20 = arith.constant 0 : index
    %get3A_21 = vector.load %arg4[%get3A_19, %get3A_20] : memref<128x128xf32, #tpu.memory_space<vmem>>, vector<128x128xf32>
    %dot_general3A_22 = arith.constant dense<0.000000e+00> : vector<1000x128xf32>
    %dot_general3A_23 = tpu.matmul %select_n3A, %get3A_21, %dot_general3A_22 {dimension_numbers = #tpu.dot_dimension_numbers<[1], [0], [0], [1], [0, 0, 1, 1], [], []>, transpose_lhs_hint = false} : vector<1000x128xf32>, vector<128x128xf32>, vector<1000x128xf32> -> vector<1000x128xf32>
    %get3A_24 = arith.constant 0 : index
    %get3A_25 = arith.constant 0 : index
    %get3A_26 = vector.load %arg5[%get3A_24, %get3A_25] : memref<1x128xf32, #tpu.memory_space<vmem>>, vector<1x128xf32>
    %add3A_27 = vector.broadcast %get3A_26 : vector<1x128xf32> to vector<1000x128xf32>
    %add3A_28 = arith.addf %dot_general3A_23, %add3A_27 : vector<1000x128xf32>
    %max3A = arith.constant 0.000000e+00 : f32
    %max3A_29 = vector.broadcast %max3A : f32 to vector<1000x128xf32>
    %max3A_30 = arith.maximumf %add3A_28, %max3A_29 : vector<1000x128xf32>
    %get3A_31 = arith.constant 0 : index
    %get3A_32 = arith.constant 0 : index
    %get3A_33 = vector.load %arg6[%get3A_31, %get3A_32] : memref<128x128xf32, #tpu.memory_space<vmem>>, vector<128x128xf32>
    %dot_general3A_34 = arith.constant dense<0.000000e+00> : vector<1000x128xf32>
    %dot_general3A_35 = tpu.matmul %max3A_30, %get3A_33, %dot_general3A_34 {dimension_numbers = #tpu.dot_dimension_numbers<[1], [0], [0], [1], [0, 0, 1, 1], [], []>, transpose_lhs_hint = false} : vector<1000x128xf32>, vector<128x128xf32>, vector<1000x128xf32> -> vector<1000x128xf32>
    %get3A_36 = arith.constant 0 : index
    %get3A_37 = arith.constant 0 : index
    %get3A_38 = vector.load %arg7[%get3A_36, %get3A_37] : memref<1x128xf32, #tpu.memory_space<vmem>>, vector<1x128xf32>
    %add3A_39 = vector.broadcast %get3A_38 : vector<1x128xf32> to vector<1000x128xf32>
    %add3A_40 = arith.addf %dot_general3A_35, %add3A_39 : vector<1000x128xf32>
    %get3A_41 = arith.constant 0 : index
    %get3A_42 = arith.constant 0 : index
    %get3A_43 = vector.load %arg8[%get3A_41, %get3A_42] : memref<128x16xf32, #tpu.memory_space<vmem>>, vector<128x16xf32>
    %dot_general3A_44 = arith.constant dense<0.000000e+00> : vector<1000x16xf32>
    %dot_general3A_45 = tpu.matmul %add3A_40, %get3A_43, %dot_general3A_44 {dimension_numbers = #tpu.dot_dimension_numbers<[1], [0], [0], [1], [0, 0, 1, 1], [], []>, transpose_lhs_hint = false} : vector<1000x128xf32>, vector<128x16xf32>, vector<1000x16xf32> -> vector<1000x16xf32>
    %get3A_46 = arith.constant 0 : index
    %get3A_47 = arith.constant 0 : index
    %get3A_48 = vector.load %arg9[%get3A_46, %get3A_47] : memref<1x16xf32, #tpu.memory_space<vmem>>, vector<1x16xf32>
    %add3A_49 = vector.broadcast %get3A_48 : vector<1x16xf32> to vector<1000x16xf32>
    %add3A_50 = arith.addf %dot_general3A_45, %add3A_49 : vector<1000x16xf32>
    %reduce_max3A = arith.constant dense<0xFF800000> : vector<1000xf32>
    %reduce_max3A_51 = vector.multi_reduction <maximumf>, %add3A_50, %reduce_max3A [1] : vector<1000x16xf32> to vector<1000xf32>
    %broadcast_in_dim3A = vector.shape_cast %reduce_max3A_51 : vector<1000xf32> to vector<1000x1xf32>
    %sub3A_52 = vector.broadcast %broadcast_in_dim3A : vector<1000x1xf32> to vector<1000x16xf32>
    %sub3A_53 = arith.subf %add3A_50, %sub3A_52 : vector<1000x16xf32>
    %exp3A_54 = math.exp %sub3A_53 : vector<1000x16xf32>
    %reduce_sum3A = arith.constant dense<0.000000e+00> : vector<1000xf32>
    %reduce_sum3A_55 = vector.multi_reduction <add>, %exp3A_54, %reduce_sum3A [1] : vector<1000x16xf32> to vector<1000xf32>
    %broadcast_in_dim3A_56 = vector.shape_cast %reduce_sum3A_55 : vector<1000xf32> to vector<1000x1xf32>
    %div3A_57 = vector.broadcast %broadcast_in_dim3A_56 : vector<1000x1xf32> to vector<1000x16xf32>
    %div3A_58 = arith.divf %exp3A_54, %div3A_57 : vector<1000x16xf32>
    %swap3A = arith.constant 0 : index
    %swap3A_59 = arith.constant 0 : index
    %swap3A_60 = vector.load %arg10[%swap3A, %swap3A_59] : memref<1000x16xf32, #tpu.memory_space<vmem>>, vector<1000x16xf32>
    tpu.vector_store %arg10[%swap3A, %swap3A_59], %div3A_58 {strides = array<i32>} : memref<1000x16xf32, #tpu.memory_space<vmem>>, vector<1000x16xf32>,
    return
  }
  func.func @transform_0(%arg0: i32) -> (i32, i32) {
    %c0_i32 = arith.constant 0 : i32
    %c0_i32_0 = arith.constant 0 : i32
    return %arg0, %c0_i32 : i32, i32
  }
  func.func @transform_1(%arg0: i32) -> (i32, i32) {
    %c0_i32 = arith.constant 0 : i32
    %c0_i32_0 = arith.constant 0 : i32
    return %arg0, %c0_i32 : i32, i32
  }
  func.func @transform_2(%arg0: i32) -> (i32, i32) {
    %c0_i32 = arith.constant 0 : i32
    %c0_i32_0 = arith.constant 0 : i32
    %c0_i32_1 = arith.constant 0 : i32
    return %c0_i32, %c0_i32_0 : i32, i32
  }
  func.func @transform_3(%arg0: i32) -> (i32, i32) {
    %c0_i32 = arith.constant 0 : i32
    %c0_i32_0 = arith.constant 0 : i32
    %c0_i32_1 = arith.constant 0 : i32
    return %c0_i32, %c0_i32_0 : i32, i32
  }
  func.func @transform_4(%arg0: i32) -> (i32, i32) {
    %c0_i32 = arith.constant 0 : i32
    %c0_i32_0 = arith.constant 0 : i32
    %c0_i32_1 = arith.constant 0 : i32
    return %c0_i32, %c0_i32_0 : i32, i32
  }
  func.func @transform_5(%arg0: i32) -> (i32, i32) {
    %c0_i32 = arith.constant 0 : i32
    %c0_i32_0 = arith.constant 0 : i32
    %c0_i32_1 = arith.constant 0 : i32
    return %c0_i32, %c0_i32_0 : i32, i32
  }
  func.func @transform_6(%arg0: i32) -> (i32, i32) {
    %c0_i32 = arith.constant 0 : i32
    %c0_i32_0 = arith.constant 0 : i32
    %c0_i32_1 = arith.constant 0 : i32
    return %c0_i32, %c0_i32_0 : i32, i32
  }
  func.func @transform_7(%arg0: i32) -> (i32, i32) {
    %c0_i32 = arith.constant 0 : i32
    %c0_i32_0 = arith.constant 0 : i32
    %c0_i32_1 = arith.constant 0 : i32
    return %c0_i32, %c0_i32_0 : i32, i32
  }
  func.func @transform_8(%arg0: i32) -> (i32, i32) {
    %c0_i32 = arith.constant 0 : i32
    %c0_i32_0 = arith.constant 0 : i32
    %c0_i32_1 = arith.constant 0 : i32
    return %c0_i32, %c0_i32_0 : i32, i32
  }
  func.func @transform_9(%arg0: i32) -> (i32, i32) {
    %c0_i32 = arith.constant 0 : i32
    %c0_i32_0 = arith.constant 0 : i32
    return %arg0, %c0_i32 : i32, i32
  }
}

</mosaic_0001>

<sc_bundles>
// kernel: kernel.5.cloned.1.call-start
scs
__scs_entry_jumppad:
0x0: {  	(pc) =	sbr.rel $0x88, $3  }
0x1: {  	(tag) =	ssettag $0x0;
	lr =	simm.s32 $0x1  }
0x2: {  	[smem:$0x3F96] =	sst lr;
	_ =	strace $0xD0000000  }
0x3: {  	_ = 	snop  }
0x4: {  	_ = 	snop  }
0x5: {  	_ = 	snop  }
0x6: {  	_ = 	snop  }
0x7: {  	_ = 	snop  }
__scs_overlays_trampoline_lowered:
0x8: {  	[smem:$0x3FA5] =	sst s0  }
0x9: {  	[smem:$0x3FA6] =	sst s1  }
0xa: {  	[smem:$0x3FA7] =	sst s2  }
0xb: {  	[smem:$0x3FA8] =	sst s3  }
0xc: {  	[smem:$0x3FA9] =	sst s4  }
0xd: {  	[smem:$0x3FAA] =	sst s5  }
0xe: {  	[smem:$0x3FAB] =	sst s6  }
0xf: {  	[smem:$0x3FAC] =	sst s7  }
0x10: {  	[smem:$0x3FAD] =	sst s8  }
0x11: {  	[smem:$0x3FAE] =	sst s9;
	s0 =	simm.s32 @!p0 $0x0  }
0x12: {  	s1 =	sld [smem:$0x3F94];
	s0 =	simm.s32 @p0 $0x1  }
0x13: {  	[smem:$0x3FAF] =	sst s0;
	s0 =	simm.s32 @!p1 $0x0  }
0x14: {  	s2 =	sld [smem:$0x3F93];
	s0 =	simm.s32 @p1 $0x1  }
0x15: {  	[smem:$0x3FB0] =	sst s0;
	s0 =	simm.s32 @!p2 $0x0  }
0x16: {  	s3 =	sld [smem:$0x3FDB];
	s0 =	simm.s32 @p2 $0x1  }
0x17: {  	s4 =	simm.s32 $0x1BF5;
	[smem:$0x3FB2] =	sst s0  }
0x18: {  	s0 =	sld [smem:$0x3F95];
	_ =	swait.ge [sflag:s4], $0x0  }
0x19: {  	s7 =	sld [smem:$0x3F96]  }
0x1a: {  	s8 =	sadd.s32 $0xFFFFE003, lr  }
0x1b: {  	s9 =	sadd.s32 $0xFFFFFEF7, lr;
	s5 =	simm.s32 $0xFFFFFFFF;
	p2 =	slt.u32 s8, $0xFFFFF086  }
0x1c: {  	p1 =	slt.u32 s9, $0xF7A;
	s5 =	simm.s32 @!p2 $0x0  }
0x1d: {  	s5 =	simm.s32 @p1 $0x1;
	p0 =	seq.s32 s7, s2  }
0x1e: {  	s7 =	smul.u32 @!p0 $0xF7A, s2;
	p2 =	seq.s32 @!p0 s5, $0x0  }
0x1f: {  	s9 =	smul.u32 $0xF7A, s1;
	s8 =	simm.s32 @!p0 $0x1BF5;
	p2 =	por !p2, p0  }
0x20: {  	[sflag:s8] =	ssyncset.s32 @!p0 $0xFFFFF086;
	s6 =	sadd.s32 @!p0 s3, s7;
	s7 =	simm.s32 @!p0 $0x108  }
0x21: {  	s3 =	sadd.s32 s3, s9;
	s6 =	sadd.s32 @!p0 $0x88, s6;
	s7 =	simm.s32 @p2 $0x1082  }
0x22: {  	[simem:s7], [sflag:s8] =	dma.local @!p0 [hbm:s6], $0xF7A  }
0x23: {  	s9 =	sor.u32 $0xD0000000, s2;
	s6 =	simm.s32 $0x108;
	_ =	swait.ge @!p0 [sflag:s8], $0x0  }
0x24: {  	s3 =	sadd.s32 $0x88, s3;
	s6 =	simm.s32 @!p1 $0x1082;
	[sflag:s4] =	ssyncset.s32 $0xFFFFF086  }
0x25: {  	[simem:s6], [sflag:s4] =	dma.local [hbm:s3], $0xF7A  }
0x26: {  	[smem:$0x3F96] =	sst s1;
	(tag) =	ssettag s2;
	_ =	strace s9  }
0x27: {  	s1 =	sld [smem:$0x3FA6]  }
0x28: {  	s2 =	sld [smem:$0x3FA7]  }
0x29: {  	s4 =	sld [smem:$0x3FA9]  }
0x2a: {  	p0 =	seq.s32 s5, $0x0;
	s5 =	sld [smem:$0x3FAA]  }
0x2b: {  	s6 =	sld [smem:$0x3FAB]  }
0x2c: {  	s7 =	sld [smem:$0x3FAC]  }
0x2d: {  	s3 =	simm.s32 $0x108;
	s8 =	sld [smem:$0x3FAD]  }
0x2e: {  	s3 =	simm.s32 @!p0 $0x1082;
	s9 =	sld [smem:$0x3FAE]  }
0x2f: {  	lr =	sadd.s32 s0, s3;
	s0 =	sld [smem:$0x3FA5]  }
0x30: {  	s3 =	sld [smem:$0x3FA8]  }
0x31: {  	[smem:$0x3FB1] =	sst s10  }
0x32: {  	s10 =	sld [smem:$0x3FAF];
	_ =	sdelay $0x3  }
0x33: {  	p0 =	seq.s32 s10, $0x1;
	s10 =	sld [smem:$0x3FB1];
	_ =	sdelay $0x3  }
0x34: {  	[smem:$0x3FB1] =	sst s10  }
0x35: {  	s10 =	sld [smem:$0x3FB0];
	_ =	sdelay $0x3  }
0x36: {  	p1 =	seq.s32 s10, $0x1;
	s10 =	sld [smem:$0x3FB1];
	_ =	sdelay $0x3  }
0x37: {  	[smem:$0x3FB1] =	sst s10  }
0x38: {  	s10 =	sld [smem:$0x3FB2]  }
0x39: {  	_ = 	snop;
	(pc) =	sbr.ind lr, $3  }
0x3a: {  	_ = 	snop  }
0x3b: {  	_ = 	snop  }
0x3c: {  	p2 =	seq.s32 s10, $0x1;
	s10 =	sld [smem:$0x3FB1]  }
0x3d: {  	_ =	shalt  }
0x3e: {  	_ =	shalt  }
0x3f: {  	_ =	shalt  }
0x40: {  	_ =	shalt  }
0x41: {  	_ =	shalt  }
0x42: {  	_ =	shalt  }
0x43: {  	_ =	shalt  }
0x44: {  	_ =	shalt  }
0x45: {  	_ =	shalt  }
0x46: {  	_ =	shalt  }
0x47: {  	_ =	shalt  }
0x48: {  	_ =	shalt  }
0x49: {  	_ =	shalt  }
0x4a: {  	_ =	shalt  }
0x4b: {  	_ =	shalt  }
0x4c: {  	_ =	shalt  }
0x4d: {  	_ =	shalt  }
0x4e: {  	_ =	shalt  }
0x4f: {  	_ =	shalt  }
0x50: {  	_ =	shalt  }
0x51: {  	_ =	shalt  }
0x52: {  	_ =	shalt  }
0x53: {  	_ =	shalt  }
0x54: {  	_ =	shalt  }
0x55: {  	_ =	shalt  }
0x56: {  	_ =	shalt  }
0x57: {  	_ =	shalt  }
0x58: {  	_ =	shalt  }
0x59: {  	_ =	shalt  }
0x5a: {  	_ =	shalt  }
0x5b: {  	_ =	shalt  }
0x5c: {  	_ =	shalt  }
0x5d: {  	_ =	shalt  }
0x5e: {  	_ =	shalt  }
0x5f: {  	_ =	shalt  }
0x60: {  	_ =	shalt  }
0x61: {  	_ =	shalt  }
0x62: {  	_ =	shalt  }
0x63: {  	_ =	shalt  }
0x64: {  	_ =	shalt  }
0x65: {  	_ =	shalt  }
0x66: {  	_ =	shalt  }
0x67: {  	_ =	shalt  }
0x68: {  	_ =	shalt  }
0x69: {  	_ =	shalt  }
0x6a: {  	_ =	shalt  }
0x6b: {  	_ =	shalt  }
0x6c: {  	_ =	shalt  }
0x6d: {  	_ =	shalt  }
0x6e: {  	_ =	shalt  }
0x6f: {  	_ =	shalt  }
0x70: {  	_ =	shalt  }
0x71: {  	_ =	shalt  }
0x72: {  	_ =	shalt  }
0x73: {  	_ =	shalt  }
0x74: {  	_ =	shalt  }
0x75: {  	_ =	shalt  }
0x76: {  	_ =	shalt  }
0x77: {  	_ =	shalt  }
0x78: {  	_ =	shalt  }
0x79: {  	_ =	shalt  }
0x7a: {  	_ =	shalt  }
0x7b: {  	_ =	shalt  }
0x7c: {  	_ =	shalt  }
0x7d: {  	_ =	shalt  }
0x7e: {  	_ =	shalt  }
0x7f: {  	_ =	shalt  }
0x80: {  	_ =	shalt  }
0x81: {  	_ =	shalt  }
0x82: {  	_ =	shalt  }
0x83: {  	_ =	shalt  }
0x84: {  	_ =	shalt  }
0x85: {  	_ =	shalt  }
0x86: {  	_ =	shalt  }
0x87: {  	_ =	shalt  }
.Lfunc_end0:
.L_simem_size_0:
called_computation_lowered:
.L_overlay_start_0:
0x88: {  	s2 =	sld [smem:$0x3FD9]  }
0x89: {  	s3 =	sld [smem:$0x3FFE];
	_ =	sdelay $0x1  }
0x8a: {  	s1 =	srdreg.scid  }
0x8b: {  	s0 =	sand.u32 $0x1, s1  }
0x8c: {  	s17 =	sshll.u32 s0, $0xA;
	s2 =	sadd.s32 s3, s2  }
0x8d: {  	s2 =	sadd.s32 s2, s17  }
0x8e: {  	[smem:$0x3FBD] =	sst s2  }
0x8f: {  	_ = 	snop  }
0x90: {  	s2 =	sld [smem:$0x3FD0];
	(tm) =	ssettm $0x1  }
0x91: {  	s18 =	sld [smem:$0x3FFB];
	_ =	sdelay $0x3  }
0x92: {  	_ =	strace s18  }
0x93: {  	s3 =	sld [smem:$0x3FFC];
	_ =	sdelay $0x3  }
0x94: {  	_ =	strace s3  }
0x95: {  	s3 =	sld [smem:$0x3FFD];
	_ =	sdelay $0x3  }
0x96: {  	_ =	strace s3  }
0x97: {  	_ =	strace $0x8FFFFFFF  }
0x98: {  	s19 =	sld [smem:$0x3FDB];
	_ =	sdelay $0x1  }
0x99: {  	s4 =	simm.s32 $_scs_section_size  }
0x9a: {  	s5 =	simm.s32 $_size__tile_overlayer_lowered;
	s6 =	simm.s32 $_tile_overlayer_lowered  }
0x9b: {  	s22 =	simm.s32 $0x1BFF;
	s21 =	sshll.u32 s6, $0x1;
	s3 =	sadd.s32 s4, s19  }
0x9c: {  	s7 =	simm.s32 $0x0;
	s20 =	sshll.u32 s5, $0x1;
	s5 =	sadd.s32 s21, s3  }
0x9d: {  	[timem:s7], [sflag:s22] =	dma.local [hbm:s5], s20  }
0x9e: {  	_ =	swait.ge [sflag:s22], s20  }
0x9f: {  	s4 =	ssub.s32 $0x0, s20;
	[sflag:s22] =	ssyncset.done $0x0  }
0xa0: {  	[sflag:s22] =	ssyncadd.s32 s4;
	_ =	sdelay $0x1  }
0xa1: {  	s23 =	simm.s32 $0x1B8B  }
0xa2: {  	_ =	swait.ge [sflag:s23], $0x1  }
0xa3: {  	[sflag:s23] =	ssyncset.done $0x0  }
0xa4: {  	s25 =	simm.s32 $0x1B8E;
	s24 =	sld [smem:$0x3FFE];
	[sflag:s23] =	ssyncadd.s32 $0xFFFFFFFF  }
0xa5: {  	s26 =	simm.s32 $execute0_lowered;
	[smem:$0x3FD2] =	sst s25  }
0xa6: {  	s5 =	sshll.u32 s26, $0x1;
	_ =	strace $0x80000046;
	[dreg:$0x1] =	wrdreg $0xFFFFFFFF  }
0xa7: {  	s28 =	simm.s32 $_size_execute0_lowered;
	s3 =	sadd.s32 s3, s5;
	[dreg:$0x0] =	wrdreg $0x0  }
0xa8: {  	s5 =	sshll.u32 s28, $0x1;
	[dreg:$0x2] =	wrdreg s3  }
0xa9: {  	[dreg:$0x3] =	wrdreg s5  }
0xaa: {  	[dreg:$0x4] =	wrdreg $0xC0  }
0xab: {  	_ =	task [dreg:s7], $0x5FFFF  }
0xac: {  	[dreg:$0x1] =	wrdreg $0xFFFFFFFF  }
0xad: {  	[dreg:$0x0] =	wrdreg $0x60  }
0xae: {  	[dreg:$0x2] =	wrdreg s24  }
0xaf: {  	[dreg:$0x3] =	wrdreg s2  }
0xb0: {  	[dreg:$0x4] =	wrdreg $0x66800  }
0xb1: {  	[dreg:$0x5] =	wrdreg $0x9  }
0xb2: {  	_ =	task.clear_ibuf [dreg:s7], $0x6FFFF;
	_ =	strace $0x90000046  }
0xb3: {  	s29 =	simm.s32 $0x9;
	_ =	strace $0x80000048  }
0xb4: {  	_ =	swait.ge [sflag:s29], $0x1  }
0xb5: {  	[sflag:s29] =	ssyncadd.s32 $0xFFFFFFFF  }
0xb6: {  	_ =	strace $0x90000048  }
0xb7: {  	_ =	sfence  }
0xb8: {  	s30 =	sld [smem:$0x0];
	_ =	sdelay $0x2  }
0xb9: {  	s31 =	sshll.u32 s1, $0xD;
	s1 =	sshrl.u32 s1, $0x2  }
0xba: {  	s3 =	sand.u32 $0x4000, s31;
	s1 =	sadd.s32 s1, s30  }
0xbb: {  	s0 =	sor.u32 s3, s0;
	s1 =	sshll.u32 s1, $0x11  }
0xbc: {  	s0 =	sor.u32 s1, s0  }
0xbd: {  	s0 =	sadd.s32 $0x8F2B, s0  }
0xbe: {  	[sflag:s0] =	ssyncadd.remote.s32 $0x1  }
0xbf: {  	_ =	sfence.sel $0xFFFF  }
0xc0: {  	[dreg:$0x0] =	wrdreg $0xFFFFFFFF;
	(pc) =	sbr.abs _section_cstart, $3  }
0xc1: {  	[dreg:$0x1] =	wrdreg $0xFFFFFFFF  }
0xc2: {  	_ =	task.clear_ibuf [dreg:s7], $0x2FFFF;
	_ =	strace $0x9FFFFFFF  }
0xc3: {  	(tm) =	ssettm $0x7FFFFFFF  }
tec
execute0_lowered:
.L_overlay_start_1:
0x0: {  	(tag) =	ssettag $0x1  }
0x1: {  	v0 =	vimm.s32 $0xBA983210;
	v1 =	vimm.s32 $0x13121110;
	v3 =	vimm.s32 $0x1B1A1918  }
0x2: {  	v4 =	vimm.s32 $0xFEDC7654;
	v5 =	vimm.s32 $0x17161514;
	v6 =	vimm.s32 $0x1F1E1D1C  }
0x3: {  	vm1 =	vcmask $0x1F10;
	v7 =	vimm.s32 $0x23222120;
	v8 =	vimm.s32 $0x2B2A2928  }
0x4: {  	v9 =	vimm.s32 $0x37363534;
	v10 =	vimm.s32 $0x3F3E3D3C;
	v11 =	vimm.s32 $0x27262524  }
0x5: {  	v12 =	vimm.s32 $0x2F2E2D2C;
	v13 =	vimm.s32 $0x6B6A6968;
	v14 =	vimm.s32 $0x9B9A9998  }
0x6: {  	v15 =	vimm.s32 $0x83828180;
	v16 =	vimm.s32 $0x8B8A8988;
	v17 =	vimm.s32 $0xAFAEADAC  }
0x7: {  	v18 =	vimm.s32 $0xDFDEDDDC;
	v19 =	vimm.s32 $0xC7C6C5C4;
	v20 =	vimm.s32 $0xCFCECDCC  }
0x8: {  	vm0 =	vcmask $0x300;
	vm14 =	vcmask $0x704;
	vm13 =	vcmask $0xB08  }
0x9: {  	vm12 =	vcmask $0xF0C;
	vm11 =	vcmask $0x1310;
	vm10 =	vcmask $0x1714  }
0xa: {  	vm9 =	vcmask $0x1B18;
	vm5 =	vcmask $0x1F1C;
	vm15 =	vcmask $0x2320  }
0xb: {  	vm2 =	vcmask $0x2724;
	vm3 =	vcmask $0x2B28;
	vm4 =	vcmask $0x2F2C  }
0xc: {  	vm6 =	vcmask $0x3330;
	vm7 =	vcmask $0x3734;
	vm8 =	vcmask $0x3B38  }
0xd: {  	v21 =	vimm.s32 $0x15B;
	v22 =	vimm.s32 $0x15F;
	v23 =	vimm.s32 $0x17B  }
0xe: {  	v24 =	vimm.s32 $0x17F;
	v25 =	vimm.s32 $0x19B;
	v26 =	vimm.s32 $0x19F  }
0xf: {  	v27 =	vimm.s32 $0x1BB;
	v28 =	vimm.s32 $0x1BF;
	v29 =	vimm.s32 $0x1DB  }
0x10: {  	v30 =	vimm.s32 $0x1DF;
	v31 =	vimm.s32 $0x1FB;
	v32 =	vimm.s32 $0x1FF  }
0x11: {  	v33 =	vimm.s32 $0x21B;
	v34 =	vimm.s32 $0x21F;
	v35 =	vimm.s32 $0x23B  }
0x12: {  	v36 =	vimm.s32 $0x23F;
	v37 =	vimm.s32 $0x25B;
	v38 =	vimm.s32 $0x25F  }
0x13: {  	v39 =	vimm.s32 $0x27B;
	v40 =	vimm.s32 $0x27F;
	v41 =	vlaneseq.u32  }
0x14: {  	v43 =	vimm.s32 $0x0;
	v2 =	vunpack.c.l.s4.s8 v0;
	v0 =	vimm.f32 $0.0e+00  }
0x15: {  	v1 =	vunpack.c.0.s8.s32 v1;
	v3 =	vunpack.c.0.s8.s32 v3;
	v4 =	vunpack.c.l.s4.s8 v4  }
0x16: {  	v5 =	vunpack.c.0.s8.s32 v5;
	v6 =	vunpack.c.0.s8.s32 v6;
	v7 =	vunpack.c.0.s8.s32 v7  }
0x17: {  	v8 =	vunpack.c.0.s8.s32 v8;
	v9 =	vunpack.c.0.s8.s32 v9;
	v10 =	vunpack.c.0.s8.s32 v10  }
0x18: {  	v11 =	vunpack.c.0.s8.s32 v11;
	v12 =	vunpack.c.0.s8.s32 v12;
	v14 =	vunpack.c.0.s8.s32 v14  }
0x19: {  	v15 =	vunpack.c.0.s8.s32 v15;
	v16 =	vunpack.c.0.s8.s32 v16;
	v18 =	vunpack.c.0.s8.s32 v18  }
0x1a: {  	v19 =	vunpack.c.0.s8.s32 v19;
	v20 =	vunpack.c.0.s8.s32 v20;
	v21 =	vsel vm0, $0x140, v21  }
0x1b: {  	v22 =	vsel vm0, $0x144, v22;
	v23 =	vsel vm0, $0x160, v23;
	v24 =	vsel vm0, $0x164, v24  }
0x1c: {  	v25 =	vsel vm0, $0x180, v25;
	v26 =	vsel vm0, $0x184, v26;
	v27 =	vsel vm0, $0x1A0, v27  }
0x1d: {  	v28 =	vsel vm0, $0x1A4, v28;
	v29 =	vsel vm0, $0x1C0, v29;
	v30 =	vsel vm0, $0x1C4, v30  }
0x1e: {  	v31 =	vsel vm0, $0x1E0, v31;
	v32 =	vsel vm0, $0x1E4, v32;
	v33 =	vsel vm0, $0x200, v33  }
0x1f: {  	v34 =	vsel vm0, $0x204, v34;
	v35 =	vsel vm0, $0x220, v35;
	v36 =	vsel vm0, $0x224, v36  }
0x20: {  	v37 =	vsel vm0, $0x240, v37;
	v38 =	vsel vm0, $0x244, v38;
	v39 =	vsel vm0, $0x260, v39  }
0x21: {  	v40 =	vsel vm0, $0x264, v40;
	v21 =	vsel vm14, $0x141, v21;
	v22 =	vsel vm14, $0x145, v22  }
0x22: {  	v23 =	vsel vm14, $0x161, v23;
	v24 =	vsel vm14, $0x165, v24;
	v25 =	vsel vm14, $0x181, v25  }
0x23: {  	v26 =	vsel vm14, $0x185, v26;
	v27 =	vsel vm14, $0x1A1, v27;
	v28 =	vsel vm14, $0x1A5, v28  }
0x24: {  	v29 =	vsel vm14, $0x1C1, v29;
	v30 =	vsel vm14, $0x1C5, v30;
	v31 =	vsel vm14, $0x1E1, v31  }
0x25: {  	v32 =	vsel vm14, $0x1E5, v32;
	v33 =	vsel vm14, $0x201, v33;
	v34 =	vsel vm14, $0x205, v34  }
0x26: {  	v35 =	vsel vm14, $0x221, v35;
	v36 =	vsel vm14, $0x225, v36;
	v37 =	vsel vm14, $0x241, v37  }
0x27: {  	v38 =	vsel vm14, $0x245, v38;
	v39 =	vsel vm14, $0x261, v39;
	v40 =	vsel vm14, $0x265, v40  }
0x28: {  	v2 =	vunpack.c.0.s8.s32 v2;
	v1 =	vsel vm1, v3, v1;
	v3 =	vunpack.c.0.s8.s32 v4  }
0x29: {  	v4 =	vsel vm1, v6, v5;
	v5 =	vimm.s32 $0x33323130;
	v6 =	vimm.s32 $0x3B3A3938  }
0x2a: {  	v21 =	vsel vm13, $0x142, v21;
	v22 =	vsel vm13, $0x146, v22;
	v23 =	vsel vm13, $0x162, v23  }
0x2b: {  	v24 =	vsel vm13, $0x166, v24;
	v25 =	vsel vm13, $0x182, v25;
	v26 =	vsel vm13, $0x186, v26  }
0x2c: {  	v27 =	vsel vm13, $0x1A2, v27;
	v28 =	vsel vm13, $0x1A6, v28;
	v29 =	vsel vm13, $0x1C2, v29  }
0x2d: {  	v30 =	vsel vm13, $0x1C6, v30;
	v31 =	vsel vm13, $0x1E2, v31;
	v32 =	vsel vm13, $0x1E6, v32  }
0x2e: {  	v33 =	vsel vm13, $0x202, v33;
	v34 =	vsel vm13, $0x206, v34;
	v35 =	vsel vm13, $0x222, v35  }
0x2f: {  	v36 =	vsel vm13, $0x226, v36;
	v37 =	vsel vm13, $0x242, v37;
	v38 =	vsel vm13, $0x246, v38  }
0x30: {  	v39 =	vsel vm13, $0x262, v39;
	v40 =	vsel vm13, $0x266, v40;
	v5 =	vunpack.c.0.s8.s32 v5  }
0x31: {  	v6 =	vunpack.c.0.s8.s32 v6;
	v21 =	vsel vm12, $0x143, v21;
	v22 =	vsel vm12, $0x147, v22  }
0x32: {  	v23 =	vsel vm12, $0x163, v23;
	v24 =	vsel vm12, $0x167, v24;
	v25 =	vsel vm12, $0x183, v25  }
0x33: {  	v26 =	vsel vm12, $0x187, v26;
	v27 =	vsel vm12, $0x1A3, v27;
	v28 =	vsel vm12, $0x1A7, v28  }
0x34: {  	v29 =	vsel vm12, $0x1C3, v29;
	v30 =	vsel vm12, $0x1C7, v30;
	v31 =	vsel vm12, $0x1E3, v31  }
0x35: {  	v32 =	vsel vm12, $0x1E7, v32;
	v33 =	vsel vm12, $0x203, v33;
	v34 =	vsel vm12, $0x207, v34  }
0x36: {  	v35 =	vsel vm12, $0x223, v35;
	v36 =	vsel vm12, $0x227, v36;
	v37 =	vsel vm12, $0x243, v37  }
0x37: {  	v38 =	vsel vm12, $0x247, v38;
	v39 =	vsel vm12, $0x263, v39;
	v40 =	vsel vm12, $0x267, v40  }
0x38: {  	v2 =	vand.u32 $0xF, v2;
	v3 =	vand.u32 $0xF, v3;
	v21 =	vsel vm11, $0x148, v21  }
0x39: {  	v22 =	vsel vm11, $0x14C, v22;
	v23 =	vsel vm11, $0x168, v23;
	v24 =	vsel vm11, $0x16C, v24  }
0x3a: {  	v25 =	vsel vm11, $0x188, v25;
	v26 =	vsel vm11, $0x18C, v26;
	v27 =	vsel vm11, $0x1A8, v27  }
0x3b: {  	v28 =	vsel vm11, $0x1AC, v28;
	v29 =	vsel vm11, $0x1C8, v29;
	v30 =	vsel vm11, $0x1CC, v30  }
0x3c: {  	v31 =	vsel vm11, $0x1E8, v31;
	v32 =	vsel vm11, $0x1EC, v32;
	v33 =	vsel vm11, $0x208, v33  }
0x3d: {  	v34 =	vsel vm11, $0x20C, v34;
	v35 =	vsel vm11, $0x228, v35;
	v36 =	vsel vm11, $0x22C, v36  }
0x3e: {  	v37 =	vsel vm11, $0x248, v37;
	v38 =	vsel vm11, $0x24C, v38;
	v39 =	vsel vm11, $0x268, v39  }
0x3f: {  	v40 =	vsel vm11, $0x26C, v40;
	v1 =	vcombine.low v2, v1;
	v2 =	vcombine.low v3, v4  }
0x40: {  	v3 =	vsel vm1, v6, v5;
	v4 =	vsel vm1, v8, v7;
	v5 =	vsel vm1, v10, v9  }
0x41: {  	v6 =	vsel vm1, v12, v11;
	v7 =	vimm.s32 $0x53525150;
	v8 =	vimm.s32 $0x5B5A5958  }
0x42: {  	v9 =	vimm.s32 $0x43424140;
	v10 =	vimm.s32 $0x4B4A4948;
	v11 =	vimm.s32 $0x57565554  }
0x43: {  	v12 =	vimm.s32 $0x5F5E5D5C;
	v21 =	vsel vm10, $0x149, v21;
	v22 =	vsel vm10, $0x14D, v22  }
0x44: {  	v23 =	vsel vm10, $0x169, v23;
	v24 =	vsel vm10, $0x16D, v24;
	v25 =	vsel vm10, $0x189, v25  }
0x45: {  	v26 =	vsel vm10, $0x18D, v26;
	v27 =	vsel vm10, $0x1A9, v27;
	v28 =	vsel vm10, $0x1AD, v28  }
0x46: {  	v29 =	vsel vm10, $0x1C9, v29;
	v30 =	vsel vm10, $0x1CD, v30;
	v31 =	vsel vm10, $0x1E9, v31  }
0x47: {  	v32 =	vsel vm10, $0x1ED, v32;
	v33 =	vsel vm10, $0x209, v33;
	v34 =	vsel vm10, $0x20D, v34  }
0x48: {  	v35 =	vsel vm10, $0x229, v35;
	v36 =	vsel vm10, $0x22D, v36;
	v37 =	vsel vm10, $0x249, v37  }
0x49: {  	v38 =	vsel vm10, $0x24D, v38;
	v39 =	vsel vm10, $0x269, v39;
	v40 =	vsel vm10, $0x26D, v40  }
0x4a: {  	v7 =	vunpack.c.0.s8.s32 v7;
	v8 =	vunpack.c.0.s8.s32 v8;
	v9 =	vunpack.c.0.s8.s32 v9  }
0x4b: {  	v10 =	vunpack.c.0.s8.s32 v10;
	v11 =	vunpack.c.0.s8.s32 v11;
	v12 =	vunpack.c.0.s8.s32 v12  }
0x4c: {  	v3 =	vcombine.low v4, v3;
	v4 =	vcombine.low v6, v5;
	v21 =	vsel vm9, $0x14A, v21  }
0x4d: {  	v22 =	vsel vm9, $0x14E, v22;
	v23 =	vsel vm9, $0x16A, v23;
	v24 =	vsel vm9, $0x16E, v24  }
0x4e: {  	v25 =	vsel vm9, $0x18A, v25;
	v26 =	vsel vm9, $0x18E, v26;
	v27 =	vsel vm9, $0x1AA, v27  }
0x4f: {  	v28 =	vsel vm9, $0x1AE, v28;
	v29 =	vsel vm9, $0x1CA, v29;
	v30 =	vsel vm9, $0x1CE, v30  }
0x50: {  	v31 =	vsel vm9, $0x1EA, v31;
	v32 =	vsel vm9, $0x1EE, v32;
	v33 =	vsel vm9, $0x20A, v33  }
0x51: {  	v34 =	vsel vm9, $0x20E, v34;
	v35 =	vsel vm9, $0x22A, v35;
	v36 =	vsel vm9, $0x22E, v36  }
0x52: {  	v37 =	vsel vm9, $0x24A, v37;
	v38 =	vsel vm9, $0x24E, v38;
	v39 =	vsel vm9, $0x26A, v39  }
0x53: {  	v40 =	vsel vm9, $0x26E, v40;
	v21 =	vsel vm5, $0x14B, v21;
	v22 =	vsel vm5, $0x14F, v22  }
0x54: {  	v23 =	vsel vm5, $0x16B, v23;
	v24 =	vsel vm5, $0x16F, v24;
	v25 =	vsel vm5, $0x18B, v25  }
0x55: {  	v26 =	vsel vm5, $0x18F, v26;
	v27 =	vsel vm5, $0x1AB, v27;
	v28 =	vsel vm5, $0x1AF, v28  }
0x56: {  	v29 =	vsel vm5, $0x1CB, v29;
	v30 =	vsel vm5, $0x1CF, v30;
	v31 =	vsel vm5, $0x1EB, v31  }
0x57: {  	v32 =	vsel vm5, $0x1EF, v32;
	v33 =	vsel vm5, $0x20B, v33;
	v34 =	vsel vm5, $0x20F, v34  }
0x58: {  	v35 =	vsel vm5, $0x22B, v35;
	v36 =	vsel vm5, $0x22F, v36;
	v37 =	vsel vm5, $0x24B, v37  }
0x59: {  	v38 =	vsel vm5, $0x24F, v38;
	v39 =	vsel vm5, $0x26B, v39;
	v40 =	vsel vm5, $0x26F, v40  }
0x5a: {  	v5 =	vsel vm1, v8, v7;
	v6 =	vsel vm1, v10, v9;
	v7 =	vsel vm1, v12, v11  }
0x5b: {  	v8 =	vimm.s32 $0x47464544;
	v9 =	vimm.s32 $0x4F4E4D4C;
	v10 =	vimm.s32 $0x73727170  }
0x5c: {  	v11 =	vimm.s32 $0x7B7A7978;
	v12 =	vimm.s32 $0x63626160;
	v21 =	vsel vm15, $0x150, v21  }
0x5d: {  	v22 =	vsel vm15, $0x154, v22;
	v23 =	vsel vm15, $0x170, v23;
	v24 =	vsel vm15, $0x174, v24  }
0x5e: {  	v25 =	vsel vm15, $0x190, v25;
	v26 =	vsel vm15, $0x194, v26;
	v27 =	vsel vm15, $0x1B0, v27  }
0x5f: {  	v28 =	vsel vm15, $0x1B4, v28;
	v29 =	vsel vm15, $0x1D0, v29;
	v30 =	vsel vm15, $0x1D4, v30  }
0x60: {  	v31 =	vsel vm15, $0x1F0, v31;
	v32 =	vsel vm15, $0x1F4, v32;
	v33 =	vsel vm15, $0x210, v33  }
0x61: {  	v34 =	vsel vm15, $0x214, v34;
	v35 =	vsel vm15, $0x230, v35;
	v36 =	vsel vm15, $0x234, v36  }
0x62: {  	v37 =	vsel vm15, $0x250, v37;
	v38 =	vsel vm15, $0x254, v38;
	v39 =	vsel vm15, $0x270, v39  }
0x63: {  	v40 =	vsel vm15, $0x274, v40;
	v8 =	vunpack.c.0.s8.s32 v8;
	v9 =	vunpack.c.0.s8.s32 v9  }
0x64: {  	v10 =	vunpack.c.0.s8.s32 v10;
	v11 =	vunpack.c.0.s8.s32 v11;
	v5 =	vcombine.low v6, v5  }
0x65: {  	v21 =	vsel vm2, $0x151, v21;
	v22 =	vsel vm2, $0x155, v22;
	v23 =	vsel vm2, $0x171, v23  }
0x66: {  	v24 =	vsel vm2, $0x175, v24;
	v25 =	vsel vm2, $0x191, v25;
	v26 =	vsel vm2, $0x195, v26  }
0x67: {  	v27 =	vsel vm2, $0x1B1, v27;
	v28 =	vsel vm2, $0x1B5, v28;
	v29 =	vsel vm2, $0x1D1, v29  }
0x68: {  	v30 =	vsel vm2, $0x1D5, v30;
	v31 =	vsel vm2, $0x1F1, v31;
	v32 =	vsel vm2, $0x1F5, v32  }
0x69: {  	v33 =	vsel vm2, $0x211, v33;
	v34 =	vsel vm2, $0x215, v34;
	v35 =	vsel vm2, $0x231, v35  }
0x6a: {  	v36 =	vsel vm2, $0x235, v36;
	v37 =	vsel vm2, $0x251, v37;
	v38 =	vsel vm2, $0x255, v38  }
0x6b: {  	v39 =	vsel vm2, $0x271, v39;
	v40 =	vsel vm2, $0x275, v40;
	v21 =	vsel vm3, $0x152, v21  }
0x6c: {  	v22 =	vsel vm3, $0x156, v22;
	v23 =	vsel vm3, $0x172, v23;
	v24 =	vsel vm3, $0x176, v24  }
0x6d: {  	v25 =	vsel vm3, $0x192, v25;
	v26 =	vsel vm3, $0x196, v26;
	v27 =	vsel vm3, $0x1B2, v27  }
0x6e: {  	v28 =	vsel vm3, $0x1B6, v28;
	v29 =	vsel vm3, $0x1D2, v29;
	v30 =	vsel vm3, $0x1D6, v30  }
0x6f: {  	v31 =	vsel vm3, $0x1F2, v31;
	v32 =	vsel vm3, $0x1F6, v32;
	v33 =	vsel vm3, $0x212, v33  }
0x70: {  	v34 =	vsel vm3, $0x216, v34;
	v35 =	vsel vm3, $0x232, v35;
	v36 =	vsel vm3, $0x236, v36  }
0x71: {  	v37 =	vsel vm3, $0x252, v37;
	v38 =	vsel vm3, $0x256, v38;
	v39 =	vsel vm3, $0x272, v39  }
0x72: {  	v40 =	vsel vm3, $0x276, v40;
	v8 =	vsel vm1, v9, v8;
	v9 =	vunpack.c.0.s8.s32 v12  }
0x73: {  	v12 =	vunpack.c.0.s8.s32 v13;
	v13 =	vimm.s32 $0x6F6E6D6C;
	v21 =	vsel vm4, $0x153, v21  }
0x74: {  	v22 =	vsel vm4, $0x157, v22;
	v23 =	vsel vm4, $0x173, v23;
	v24 =	vsel vm4, $0x177, v24  }
0x75: {  	v25 =	vsel vm4, $0x193, v25;
	v26 =	vsel vm4, $0x197, v26;
	v27 =	vsel vm4, $0x1B3, v27  }
0x76: {  	v28 =	vsel vm4, $0x1B7, v28;
	v29 =	vsel vm4, $0x1D3, v29;
	v30 =	vsel vm4, $0x1D7, v30  }
0x77: {  	v31 =	vsel vm4, $0x1F3, v31;
	v32 =	vsel vm4, $0x1F7, v32;
	v33 =	vsel vm4, $0x213, v33  }
0x78: {  	v34 =	vsel vm4, $0x217, v34;
	v35 =	vsel vm4, $0x233, v35;
	v36 =	vsel vm4, $0x237, v36  }
0x79: {  	v37 =	vsel vm4, $0x253, v37;
	v38 =	vsel vm4, $0x257, v38;
	v39 =	vsel vm4, $0x273, v39  }
0x7a: {  	v40 =	vsel vm4, $0x277, v40;
	v6 =	vcombine.low v8, v7;
	v7 =	vsel vm1, v11, v10  }
0x7b: {  	v10 =	vimm.s32 $0x7F7E7D7C;
	v11 =	vimm.s32 $0x93929190;
	v21 =	vsel vm6, $0x158, v21  }
0x7c: {  	v22 =	vsel vm6, $0x15C, v22;
	v23 =	vsel vm6, $0x178, v23;
	v24 =	vsel vm6, $0x17C, v24  }
0x7d: {  	v25 =	vsel vm6, $0x198, v25;
	v26 =	vsel vm6, $0x19C, v26;
	v27 =	vsel vm6, $0x1B8, v27  }
0x7e: {  	v28 =	vsel vm6, $0x1BC, v28;
	v29 =	vsel vm6, $0x1D8, v29;
	v30 =	vsel vm6, $0x1DC, v30  }
0x7f: {  	v31 =	vsel vm6, $0x1F8, v31;
	v32 =	vsel vm6, $0x1FC, v32;
	v33 =	vsel vm6, $0x218, v33  }
0x80: {  	v34 =	vsel vm6, $0x21C, v34;
	v35 =	vsel vm6, $0x238, v35;
	v36 =	vsel vm6, $0x23C, v36  }
0x81: {  	v37 =	vsel vm6, $0x258, v37;
	v38 =	vsel vm6, $0x25C, v38;
	v39 =	vsel vm6, $0x278, v39  }
0x82: {  	v40 =	vsel vm6, $0x27C, v40;
	v8 =	vsel vm1, v12, v9;
	v9 =	vimm.s32 $0x77767574  }
0x83: {  	v10 =	vunpack.c.0.s8.s32 v10;
	v12 =	vimm.s32 $0x67666564;
	v11 =	vunpack.c.0.s8.s32 v11  }
0x84: {  	v21 =	vsel vm7, $0x159, v21;
	v22 =	vsel vm7, $0x15D, v22;
	v23 =	vsel vm7, $0x179, v23  }
0x85: {  	v24 =	vsel vm7, $0x17D, v24;
	v25 =	vsel vm7, $0x199, v25;
	v26 =	vsel vm7, $0x19D, v26  }
0x86: {  	v27 =	vsel vm7, $0x1B9, v27;
	v28 =	vsel vm7, $0x1BD, v28;
	v29 =	vsel vm7, $0x1D9, v29  }
0x87: {  	v30 =	vsel vm7, $0x1DD, v30;
	v31 =	vsel vm7, $0x1F9, v31;
	v32 =	vsel vm7, $0x1FD, v32  }
0x88: {  	v33 =	vsel vm7, $0x219, v33;
	v34 =	vsel vm7, $0x21D, v34;
	v35 =	vsel vm7, $0x239, v35  }
0x89: {  	v36 =	vsel vm7, $0x23D, v36;
	v37 =	vsel vm7, $0x259, v37;
	v38 =	vsel vm7, $0x25D, v38  }
0x8a: {  	v39 =	vsel vm7, $0x279, v39;
	v42 =	vsel vm7, $0x27D, v40;
	v40 =	vand.u32 $0x3, v41  }
0x8b: {  	v9 =	vunpack.c.0.s8.s32 v9;
	v7 =	vcombine.low v8, v7;
	v8 =	vunpack.c.0.s8.s32 v12  }
0x8c: {  	v12 =	vunpack.c.0.s8.s32 v13;
	v13 =	vimm.s32 $0x87868584;
	v21 =	vsel vm8, $0x15A, v21  }
0x8d: {  	v22 =	vsel vm8, $0x15E, v22;
	v23 =	vsel vm8, $0x17A, v23;
	v24 =	vsel vm8, $0x17E, v24  }
0x8e: {  	v25 =	vsel vm8, $0x19A, v25;
	v26 =	vsel vm8, $0x19E, v26;
	v27 =	vsel vm8, $0x1BA, v27  }
0x8f: {  	v28 =	vsel vm8, $0x1BE, v28;
	v29 =	vsel vm8, $0x1DA, v29;
	v30 =	vsel vm8, $0x1DE, v30  }
0x90: {  	v31 =	vsel vm8, $0x1FA, v31;
	v32 =	vsel vm8, $0x1FE, v32;
	v33 =	vsel vm8, $0x21A, v33  }
0x91: {  	v34 =	vsel vm8, $0x21E, v34;
	v35 =	vsel vm8, $0x23A, v35;
	v36 =	vsel vm8, $0x23E, v36  }
0x92: {  	v37 =	vsel vm8, $0x25A, v37;
	v38 =	vsel vm8, $0x25E, v38;
	v39 =	vsel vm8, $0x27A, v39  }
0x93: {  	v41 =	vsel vm8, $0x27E, v42;
	v42 =	vsel vm0, $0x3, v43;
	v13 =	vunpack.c.0.s8.s32 v13  }
0x94: {  	v9 =	vsel vm1, v10, v9;
	v10 =	vsel vm1, v14, v11;
	v11 =	vsel vm1, v16, v15  }
0x95: {  	v8 =	vsel vm1, v12, v8;
	v12 =	vimm.s32 $0x9F9E9D9C;
	v14 =	vimm.s32 $0x8F8E8D8C  }
0x96: {  	v15 =	vimm.s32 $0xB3B2B1B0;
	v10 =	vcombine.low v11, v10;
	v11 =	vimm.s32 $0x97969594  }
0x97: {  	v16 =	vimm.s32 $0xBBBAB9B8;
	v12 =	vunpack.c.0.s8.s32 v12;
	v11 =	vunpack.c.0.s8.s32 v11  }
0x98: {  	v14 =	vunpack.c.0.s8.s32 v14;
	v8 =	vcombine.low v8, v9;
	v15 =	vunpack.c.0.s8.s32 v15  }
0x99: {  	v16 =	vunpack.c.0.s8.s32 v16;
	v9 =	vand.u32 $0xFF, v10;
	v10 =	vsel vm1, v12, v11  }
0x9a: {  	v11 =	vsel vm1, v14, v13;
	v12 =	vimm.s32 $0xA3A2A1A0;
	v13 =	vimm.s32 $0xABAAA9A8  }
0x9b: {  	v14 =	vimm.s32 $0xB7B6B5B4;
	v10 =	vcombine.low v11, v10;
	v11 =	vsel vm1, v16, v15  }
0x9c: {  	v12 =	vunpack.c.0.s8.s32 v12;
	v13 =	vunpack.c.0.s8.s32 v13;
	v15 =	vimm.s32 $0xBFBEBDBC  }
0x9d: {  	v14 =	vunpack.c.0.s8.s32 v14;
	v16 =	vimm.s32 $0xA7A6A5A4;
	v15 =	vunpack.c.0.s8.s32 v15  }
0x9e: {  	v12 =	vsel vm1, v13, v12;
	v13 =	vunpack.c.0.s8.s32 v16;
	v16 =	vunpack.c.0.s8.s32 v17  }
0x9f: {  	v43 =	vor.u32 $0x4, v40;
	v10 =	vand.u32 $0xFF, v10;
	v11 =	vcombine.low v12, v11  }
0xa0: {  	v12 =	vsel vm1, v15, v14;
	v14 =	vimm.s32 $0xD3D2D1D0;
	v13 =	vsel vm1, v16, v13  }
0xa1: {  	v15 =	vimm.s32 $0xDBDAD9D8;
	v16 =	vimm.s32 $0xCBCAC9C8;
	v12 =	vcombine.low v13, v12  }
0xa2: {  	v13 =	vunpack.c.0.s8.s32 v14;
	v14 =	vunpack.c.0.s8.s32 v15;
	v15 =	vimm.s32 $0xC3C2C1C0  }
0xa3: {  	v17 =	vimm.s32 $0xD7D6D5D4;
	v16 =	vunpack.c.0.s8.s32 v16;
	v15 =	vunpack.c.0.s8.s32 v15  }
0xa4: {  	v17 =	vunpack.c.0.s8.s32 v17;
	v11 =	vand.u32 $0xFF, v11;
	v13 =	vsel vm1, v14, v13  }
0xa5: {  	v12 =	vand.u32 $0xFF, v12;
	v14 =	vsel vm1, v16, v15;
	v15 =	vimm.s32 $0xF3F2F1F0  }
0xa6: {  	v16 =	vsel vm1, v18, v17;
	v17 =	vsel vm1, v20, v19;
	v18 =	vimm.s32 $0xFBFAF9F8  }
0xa7: {  	v19 =	vimm.s32 $0xE3E2E1E0;
	v20 =	vimm.s32 $0xEBEAE9E8;
	v15 =	vunpack.c.0.s8.s32 v15  }
0xa8: {  	s1 =	rddreg [dreg:$0x0];
	v18 =	vunpack.c.0.s8.s32 v18;
	v19 =	vunpack.c.0.s8.s32 v19;
	v20 =	vunpack.c.0.s8.s32 v20  }
0xa9: {  	s0 =	rddreg [dreg:$0x1];
	v13 =	vcombine.low v14, v13;
	v14 =	vcombine.low v17, v16;
	v17 =	vimm.s32 $0xFFFEFDFC  }
0xaa: {  	s11 =	rddreg [dreg:$0x2];
	v17 =	vunpack.c.0.s8.s32 v17;
	v15 =	vsel vm1, v18, v15;
	v16 =	vsel vm1, v20, v19  }
0xab: {  	s2 =	srdreg.scid;
	s12 =	stileid.u32;
	s4 =	simm.s32 $0x0;
	v18 =	vimm.s32 $0xE7E6E5E4;
	v19 =	vimm.s32 $0xEFEEEDEC;
	v15 =	vcombine.low v16, v15  }
0xac: {  	s28 =	simm.s32 $0x1;
	s29 =	simm.s32 $0x2;
	s30 =	simm.s32 $0xA0;
	v16 =	vimm.s32 $0xF7F6F5F4;
	v18 =	vunpack.c.0.s8.s32 v18;
	v19 =	vunpack.c.0.s8.s32 v19  }
0xad: {  	s31 =	simm.s32 $0x320;
	s2 =	sand.u32 $0x1, s2;
	s3 =	smul.u32 $0x16800, s12;
	v13 =	vand.u32 $0xFF, v13;
	v20 =	vimm.s32 $0x11B;
	v16 =	vunpack.c.0.s8.s32 v16  }
0xae: {  	[smem:$0x7FF] =	sst s4;
	s5 =	sadd.s32 $0x37200, s1;
	s10 =	smul.u32 $0x5A000, s12;
	v14 =	vand.u32 $0xFF, v14;
	v20 =	vsel vm0, $0x100, v20;
	v18 =	vsel vm1, v19, v18  }
0xaf: {  	s6 =	sadd.s32 $0x2D400, s1;
	s7 =	sadd.s32 $0x1400, s1;
	s8 =	smul.u32 $0x168000, s2;
	v15 =	vand.u32 $0xFF, v15;
	v19 =	vimm.s32 $0x13B;
	v16 =	vsel vm1, v17, v16  }
0xb0: {  	_ =	strace $0x80000047;
	s9 =	ssub.s32 $0x2, s2;
	s2 =	sshll.u32 s2, $0x4;
	v17 =	vsel vm14, $0x101, v20;
	v19 =	vsel vm0, $0x120, v19;
	v20 =	vimm.s32 $0x13F  }
0xb1: {  	s13 =	sshrl.u32 s9, $0x1;
	s14 =	sshrl.u32 s10, $0x2;
	s2 =	sor.u32 s12, s2;
	v17 =	vsel vm13, $0x102, v17;
	v16 =	vcombine.low v18, v16;
	v18 =	vimm.s32 $0x11F  }
0xb2: {  	s10 =	simm.s32 $0x7;
	s12 =	simm.s32 $0x35C0;
	s8 =	sadd.s32 s3, s8;
	v19 =	vsel vm14, $0x121, v19;
	v20 =	vsel vm0, $0x124, v20;
	v17 =	vsel vm12, $0x103, v17  }
0xb3: {  	s15 =	sadd.s32 s14, s11;
	s2 =	smul.u32 $0x2710, s2;
	s14 =	simm.s32 $0x3;
	v18 =	vsel vm0, $0x104, v18;
	v19 =	vsel vm13, $0x122, v19;
	v20 =	vsel vm14, $0x125, v20  }
0xb4: {  	s8 =	sshrl.u32 s8, $0x3;
	s16 =	sadd.s32 $0x5A00, s15;
	s17 =	sadd.s32 $0x8700, s15;
	v17 =	vsel vm11, $0x108, v17;
	v16 =	vand.u32 $0xFF, v16;
	v18 =	vsel vm14, $0x105, v18  }
0xb5: {  	s18 =	sadd.s32 $0xB400, s15;
	s19 =	sadd.s32 $0xE100, s15;
	[dreg:$0x6] =	wrdreg s16;
	v19 =	vsel vm12, $0x123, v19;
	v20 =	vsel vm13, $0x126, v20;
	v17 =	vsel vm10, $0x109, v17  }
0xb6: {  	s21 =	sadd.s32 $0x10E00, s15;
	s1 =	sadd.s32 s8, s1;
	[dreg:$0x7] =	wrdreg s17;
	v18 =	vsel vm13, $0x106, v18;
	v19 =	vsel vm11, $0x128, v19;
	v20 =	vsel vm12, $0x127, v20  }
0xb7: {  	s8 =	ssub.s32 s9, s13;
	s13 =	sadd.s32 s3, s11;
	[dreg:$0x8] =	wrdreg s18;
	v17 =	vsel vm9, $0x10A, v17;
	v18 =	vsel vm12, $0x107, v18;
	v19 =	vsel vm10, $0x129, v19  }
0xb8: {  	s9 =	sadd.s32 $0x2D00, s15;
	[dreg:$0x9] =	wrdreg s19;
	s20 =	sshrl.u32 s2, $0x3;
	v20 =	vsel vm11, $0x12C, v20;
	v17 =	vsel vm5, $0x10B, v17;
	v18 =	vsel vm11, $0x10C, v18  }
0xb9: {  	[dreg:$0xa] =	wrdreg s21;
	s3 =	sadd.s32 $0x13B00, s15;
	s25 =	sadd.s32 $0xA0, s2;
	v19 =	vsel vm9, $0x12A, v19;
	v20 =	vsel vm10, $0x12D, v20;
	v17 =	vsel vm15, $0x110, v17  }
0xba: {  	s2 =	sadd.s32 $0xF0, s2;
	s11 =	simm.s32 $0x3340;
	[dreg:$0x5] =	wrdreg s9;
	v18 =	vsel vm10, $0x10D, v18;
	v19 =	vsel vm5, $0x12B, v19;
	v20 =	vsel vm9, $0x12E, v20  }
0xbb: {  	s15 =	simm.s32 $0x4;
	s16 =	simm.s32 $0x5;
	[dreg:$0xb] =	wrdreg s3;
	v17 =	vsel vm2, $0x111, v17;
	v18 =	vsel vm9, $0x10E, v18;
	v19 =	vsel vm15, $0x130, v19  }
0xbc: {  	s17 =	simm.s32 $0x6540;
	s18 =	simm.s32 $0x8;
	[dreg:$0x10] =	wrdreg s25;
	v20 =	vsel vm5, $0x12F, v20;
	v17 =	vsel vm3, $0x112, v17;
	v18 =	vsel vm5, $0x10F, v18  }
0xbd: {  	s19 =	simm.s32 $0x9;
	s22 =	sadd.s32 $0xA, s20;
	[dreg:$0x11] =	wrdreg s2;
	v19 =	vsel vm2, $0x131, v19;
	v20 =	vsel vm15, $0x134, v20;
	v17 =	vsel vm4, $0x113, v17  }
0xbe: {  	s23 =	sadd.s32 s5, s20;
	s9 =	sadd.s32 s6, s20;
	[dreg:$0x4] =	wrdreg s13;
	v18 =	vsel vm15, $0x114, v18;
	v19 =	vsel vm3, $0x132, v19;
	v20 =	vsel vm2, $0x135, v20  }
0xbf: {  	s1 =	sadd.s32 $0x41000, s1;
	s26 =	smax.u32 s8, $0x1;
	[dreg:$0xc] =	wrdreg s23;
	v17 =	vsel vm6, $0x118, v17;
	v18 =	vsel vm2, $0x115, v18;
	v19 =	vsel vm4, $0x133, v19  }
0xc0: {  	s25 =	simm.s32 $0xB;
	s8 =	simm.s32 $0x0;
	[dreg:$0xd] =	wrdreg s9;
	v20 =	vsel vm3, $0x136, v20;
	v18 =	vsel vm3, $0x116, v18;
	v17 =	vsel vm7, $0x119, v17  }
0xc1: {  	s24 =	sadd.s32 s5, s22;
	s3 =	sadd.s32 s6, s22;
	[dreg:$0x12] =	wrdreg s1;
	v19 =	vsel vm6, $0x138, v19;
	v20 =	vsel vm4, $0x137, v20;
	v18 =	vsel vm4, $0x117, v18  }
0xc2: {  	[dreg:$0x13] =	wrdreg s26;
	s26 =	simm.s32 $0x50;
	s1 =	simm.s32 $0x32A0;
	v17 =	vsel vm8, $0x11A, v17;
	v20 =	vsel vm6, $0x13C, v20;
	v18 =	vsel vm6, $0x11C, v18  }
0xc3: {  	s9 =	simm.s32 $0x6;
	s22 =	simm.s32 $0xA;
	[dreg:$0xe] =	wrdreg s24;
	v19 =	vsel vm7, $0x139, v19;
	v20 =	vsel vm7, $0x13D, v20;
	v18 =	vsel vm7, $0x11D, v18  }
0xc4: {  	[dreg:$0xf] =	wrdreg s3;
	s3 =	simm.s32 $0x32F0;
	s24 =	simm.s32 $0x3840;
	v19 =	vsel vm8, $0x13A, v19;
	v20 =	vsel vm8, $0x13E, v20;
	v18 =	vsel vm8, $0x11E, v18  }
.LBB2_1:
0xc5: {  	[dreg:$0x14] =	wrdreg s8;
	s2 =	simm.s32 $0x0;
	s8 =	simm.s32 $0x240  }
.LBB2_2:
0xc6: {  	p0 =	sne.s32 s8, $0xB1C0;
	[tilespmem:s2+$0x620] =	vst v0  }
0xc7: {  	[tilespmem:s2+$0x5A0] =	vst v0  }
0xc8: {  	[tilespmem:s2+$0x5B0] =	vst v0  }
0xc9: {  	[tilespmem:s2+$0x5C0] =	vst v0  }
.Ltmp0:
0xca: {  	[tilespmem:s2+$0x5D0] =	vst v0;
	(pc) =	sbr.rel @p0 .LBB2_2-.Ltmp0, $4  }
0xcb: {  	[tilespmem:s2+$0x5E0] =	vst v0  }
0xcc: {  	[tilespmem:s2+$0x5F0] =	vst v0  }
0xcd: {  	[tilespmem:s2+$0x600] =	vst v0  }
0xce: {  	[tilespmem:s2+$0x610] =	vst v0;
	s2 =	sshra.s32 s8, $0x2;
	s8 =	sadd.s32 $0x240, s8  }
0xcf: {  	[tilespmem:s2+$0x620] =	vst v0  }
0xd0: {  	[tilespmem:s2+$0x5A0] =	vst v0  }
0xd1: {  	[tilespmem:s2+$0x5B0] =	vst v0  }
0xd2: {  	[tilespmem:s2+$0x5C0] =	vst v0  }
0xd3: {  	[tilespmem:s2+$0x5D0] =	vst v0  }
0xd4: {  	[tilespmem:s2+$0x5E0] =	vst v0  }
0xd5: {  	[tilespmem:s2+$0x5F0] =	vst v0  }
0xd6: {  	[tilespmem:s2+$0x600] =	vst v0  }
0xd7: {  	[tilespmem:s2+$0x610] =	vst v0;
	s20 =	simm.s32 $0x5A0  }
0xd8: {  	[spmem:s13] =	stream.linear.scatter [tilespmem:s20], [sflag:$0xB], $0x2D00, $0x38;
	[tilespmem:$0x1CE80] =	vst v63  }
0xd9: {  	_ =	swait.ge [sflag:s25], $0x2D00  }
0xda: {  	[sflag:s25] =	ssyncset.done $0x0  }
0xdb: {  	s8 =	rddreg [dreg:$0x5];
	[sflag:s25] =	ssyncadd.s32 $0xFFFFD300  }
0xdc: {  	[spmem:s8] =	stream.linear.scatter [tilespmem:s20], [sflag:$0xB], $0x2D00, $0x38;
	[tilespmem:$0x1CE80] =	vst v63  }
0xdd: {  	_ =	swait.ge [sflag:s25], $0x2D00  }
0xde: {  	[sflag:s25] =	ssyncset.done $0x0  }
0xdf: {  	s13 =	rddreg [dreg:$0x6];
	[sflag:s25] =	ssyncadd.s32 $0xFFFFD300  }
0xe0: {  	[spmem:s13] =	stream.linear.scatter [tilespmem:s20], [sflag:$0xB], $0x2D00, $0x38;
	[tilespmem:$0x1CE80] =	vst v63  }
0xe1: {  	_ =	swait.ge [sflag:s25], $0x2D00  }
0xe2: {  	[sflag:s25] =	ssyncset.done $0x0  }
0xe3: {  	s21 =	rddreg [dreg:$0x7];
	[sflag:s25] =	ssyncadd.s32 $0xFFFFD300  }
0xe4: {  	[spmem:s21] =	stream.linear.scatter [tilespmem:s20], [sflag:$0xB], $0x2D00, $0x38;
	[tilespmem:$0x1CE80] =	vst v63  }
0xe5: {  	_ =	swait.ge [sflag:s25], $0x2D00  }
0xe6: {  	[sflag:s25] =	ssyncset.done $0x0  }
0xe7: {  	s23 =	rddreg [dreg:$0x8];
	[sflag:s25] =	ssyncadd.s32 $0xFFFFD300  }
0xe8: {  	[spmem:s23] =	stream.linear.scatter [tilespmem:s20], [sflag:$0xB], $0x2D00, $0x38;
	[tilespmem:$0x1CE80] =	vst v63  }
0xe9: {  	_ =	swait.ge [sflag:s25], $0x2D00  }
0xea: {  	[sflag:s25] =	ssyncset.done $0x0  }
0xeb: {  	s8 =	rddreg [dreg:$0x9];
	[sflag:s25] =	ssyncadd.s32 $0xFFFFD300  }
0xec: {  	[spmem:s8] =	stream.linear.scatter [tilespmem:s20], [sflag:$0xB], $0x2D00, $0x38;
	[tilespmem:$0x1CE80] =	vst v63  }
0xed: {  	_ =	swait.ge [sflag:s25], $0x2D00  }
0xee: {  	[sflag:s25] =	ssyncset.done $0x0  }
0xef: {  	s13 =	rddreg [dreg:$0xa];
	[sflag:s25] =	ssyncadd.s32 $0xFFFFD300  }
0xf0: {  	[spmem:s13] =	stream.linear.scatter [tilespmem:s20], [sflag:$0xB], $0x2D00, $0x38;
	[tilespmem:$0x1CE80] =	vst v63  }
0xf1: {  	_ =	swait.ge [sflag:s25], $0x2D00  }
0xf2: {  	[sflag:s25] =	ssyncset.done $0x0  }
0xf3: {  	s21 =	rddreg [dreg:$0xb];
	[sflag:s25] =	ssyncadd.s32 $0xFFFFD300  }
0xf4: {  	[spmem:s21] =	stream.linear.scatter [tilespmem:s20], [sflag:$0xB], $0x2D00, $0x38;
	[tilespmem:$0x1CE80] =	vst v63  }
0xf5: {  	_ =	swait.ge [sflag:s25], $0x2D00  }
0xf6: {  	[sflag:s25] =	ssyncset.done $0x0  }
0xf7: {  	[sflag:s25] =	ssyncadd.s32 $0xFFFFD300  }
0xf8: {  	[bflag:$0x0] =	sbarrier.arrive $0xFFFF  }
0xf9: {  	s8 =	simm.s32 $0x0;
	s23 =	rddreg [dreg:$0xc]  }
0xfa: {  	[tilespmem:s8], [sflag:$0x1] =	stream.linear.gather [hbm4b:s23+s8], $0x50, $0x38;
	[tilespmem:$0x1CE80] =	vst v63  }
0xfb: {  	s13 =	rddreg [dreg:$0xd]  }
0xfc: {  	[tilespmem:s26], [sflag:$0x2] =	stream.linear.gather [hbm4b:s13+s8], $0x50, $0x38;
	[tilespmem:$0x1CE80] =	vst v63  }
0xfd: {  	_ =	swait.ge [sflag:s28], $0x50  }
0xfe: {  	[sflag:s28] =	ssyncset.done $0x0  }
0xff: {  	[sflag:s28] =	ssyncadd.s32 $0xFFFFFFB0  }
0x100: {  	_ =	swait.ge [sflag:s29], $0x50  }
0x101: {  	[sflag:s29] =	ssyncset.done $0x0  }
0x102: {  	[sflag:s29] =	ssyncadd.s32 $0xFFFFFFB0  }
0x103: {  	[tilespmem:s30], [sflag:$0x3] =	stream.indirect.gather [hbm4b:s0+s26], $0x8, s8, s26, $0xb8;
	[tilespmem:$0x1CE80] =	vst v63  }
0x104: {  	_ = 	snop  }
0x105: {  	[tilespmem:s31], [sflag:$0x4] =	stream.indirect.gather [hbm4b:s0+s26], $0x8, s26, s26, $0xb8;
	[tilespmem:$0x1CE80] =	vst v63  }
0x106: {  	_ = 	snop  }
0x107: {  	[tilespmem:s20], [sflag:$0x5] =	stream.indirect.gather [hbm4b:s7+s26], $0x90, s8, s26, $0xb8;
	[tilespmem:$0x1CE80] =	vst v63  }
0x108: {  	s21 =	rddreg [dreg:$0xe]  }
0x109: {  	[tilespmem:s1], [sflag:$0x6] =	stream.linear.gather [hbm4b:s21+s8], $0x50, $0x38;
	[tilespmem:$0x1CE80] =	vst v63  }
0x10a: {  	s23 =	rddreg [dreg:$0xf]  }
0x10b: {  	[tilespmem:s3], [sflag:$0x7] =	stream.linear.gather [hbm4b:s23+s8], $0x50, $0x38;
	[tilespmem:$0x1CE80] =	vst v63  }
.LBB2_4:
0x10c: {  	_ =	swait.ge [sflag:s9], $0x50  }
0x10d: {  	[sflag:s9] =	ssyncset.done $0x0  }
0x10e: {  	[sflag:s9] =	ssyncadd.s32 $0xFFFFFFB0  }
0x10f: {  	_ =	swait.ge [sflag:s10], $0x50  }
0x110: {  	[sflag:s10] =	ssyncset.done $0x0  }
0x111: {  	[sflag:s10] =	ssyncadd.s32 $0xFFFFFFB0  }
0x112: {  	[tilespmem:s11], [sflag:$0x8] =	stream.indirect.gather [hbm4b:s0+s26], $0x8, s1, s26, $0xb8;
	[tilespmem:$0x1CE80] =	vst v63  }
0x113: {  	_ = 	snop  }
0x114: {  	[tilespmem:s12], [sflag:$0x9] =	stream.indirect.gather [hbm4b:s0+s26], $0x8, s3, s26, $0xb8;
	[tilespmem:$0x1CE80] =	vst v63  }
0x115: {  	_ = 	snop  }
0x116: {  	[tilespmem:s24], [sflag:$0xA] =	stream.indirect.gather [hbm4b:s7+s26], $0x90, s1, s26, $0xb8;
	[tilespmem:$0x1CE80] =	vst v63  }
0x117: {  	_ =	swait.ge [sflag:s14], $0x280  }
0x118: {  	[sflag:s14] =	ssyncset.done $0x0  }
0x119: {  	[sflag:s14] =	ssyncadd.s32 $0xFFFFFD80  }
0x11a: {  	_ =	swait.ge [sflag:s15], $0x280  }
0x11b: {  	[sflag:s15] =	ssyncset.done $0x0  }
0x11c: {  	[sflag:s15] =	ssyncadd.s32 $0xFFFFFD80  }
0x11d: {  	v44 =	vld.idx.msk [tilespmem:v1+s30+$0x0], $0xffff  }
0x11e: {  	v45 =	vld.idx.msk [tilespmem:v2+s31+$0x0], $0xffff;
	_ =	sdelay $0x4  }
0x11f: {  	v44 =	vadd.f32 v45, v44;
	_ =	sdelay $0x1  }
0x120: {  	v45 =	vmul.f32 $2.000000030e-01, v44  }
0x121: {  	vm0 =	vge.f32 v44, $0.0e+00  }
0x122: {  	v44 =	vsel vm0, v44, v45  }
0x123: {  	v44 =	vmul.f32 $1.442695020e+00, v44;
	_ =	sdelay $0x1  }
0x124: {  	(erf) = vpow2.f32 v44;
	_ =	sdelay $0x8  }
0x125: {  	v44 =	vpop (erf)  }
0x126: {  	[tilespmem:$0x6540] =	vst v44  }
0x127: {  	v44 =	vld.idx.msk [tilespmem:v3+s30+$0x0], $0xffff  }
0x128: {  	v58 =	vld.idx.msk [tilespmem:v4+s31+$0x0], $0xffff;
	_ =	sdelay $0x4  }
0x129: {  	v44 =	vadd.f32 v58, v44;
	_ =	sdelay $0x1  }
0x12a: {  	v45 =	vmul.f32 $2.000000030e-01, v44  }
0x12b: {  	vm9 =	vge.f32 v44, $0.0e+00  }
0x12c: {  	v44 =	vsel vm9, v44, v45  }
0x12d: {  	v44 =	vmul.f32 $1.442695020e+00, v44;
	_ =	sdelay $0x1  }
0x12e: {  	(erf) = vpow2.f32 v44;
	_ =	sdelay $0x8  }
0x12f: {  	v44 =	vpop (erf)  }
0x130: {  	[tilespmem:$0x6550] =	vst v44  }
0x131: {  	v44 =	vld.idx.msk [tilespmem:v5+s30+$0x0], $0xffff  }
0x132: {  	v59 =	vld.idx.msk [tilespmem:v6+s31+$0x0], $0xffff;
	_ =	sdelay $0x4  }
0x133: {  	v44 =	vadd.f32 v59, v44;
	_ =	sdelay $0x1  }
0x134: {  	v45 =	vmul.f32 $2.000000030e-01, v44  }
0x135: {  	vm10 =	vge.f32 v44, $0.0e+00  }
0x136: {  	v44 =	vsel vm10, v44, v45  }
0x137: {  	v44 =	vmul.f32 $1.442695020e+00, v44;
	_ =	sdelay $0x1  }
0x138: {  	(erf) = vpow2.f32 v44;
	_ =	sdelay $0x8  }
0x139: {  	v44 =	vpop (erf)  }
0x13a: {  	[tilespmem:$0x6560] =	vst v44  }
0x13b: {  	v44 =	vld.idx.msk [tilespmem:v7+s30+$0x0], $0xffff  }
0x13c: {  	v60 =	vld.idx.msk [tilespmem:v8+s31+$0x0], $0xffff;
	_ =	sdelay $0x4  }
0x13d: {  	v44 =	vadd.f32 v60, v44;
	_ =	sdelay $0x1  }
0x13e: {  	v45 =	vmul.f32 $2.000000030e-01, v44  }
0x13f: {  	vm11 =	vge.f32 v44, $0.0e+00  }
0x140: {  	v44 =	vsel vm11, v44, v45  }
0x141: {  	v44 =	vmul.f32 $1.442695020e+00, v44;
	_ =	sdelay $0x1  }
0x142: {  	(erf) = vpow2.f32 v44;
	_ =	sdelay $0x8  }
0x143: {  	v44 =	vpop (erf)  }
0x144: {  	[tilespmem:$0x6570] =	vst v44  }
0x145: {  	v44 =	vld.idx.msk [tilespmem:v9+s30+$0x0], $0xffff  }
0x146: {  	v61 =	vld.idx.msk [tilespmem:v10+s31+$0x0], $0xffff;
	_ =	sdelay $0x4  }
0x147: {  	v44 =	vadd.f32 v61, v44;
	_ =	sdelay $0x1  }
0x148: {  	v45 =	vmul.f32 $2.000000030e-01, v44  }
0x149: {  	vm12 =	vge.f32 v44, $0.0e+00  }
0x14a: {  	v44 =	vsel vm12, v44, v45  }
0x14b: {  	v44 =	vmul.f32 $1.442695020e+00, v44;
	_ =	sdelay $0x1  }
0x14c: {  	(erf) = vpow2.f32 v44;
	_ =	sdelay $0x8  }
0x14d: {  	v44 =	vpop (erf)  }
0x14e: {  	[tilespmem:$0x6580] =	vst v44  }
0x14f: {  	v44 =	vld.idx.msk [tilespmem:v11+s30+$0x0], $0xffff  }
0x150: {  	v62 =	vld.idx.msk [tilespmem:v12+s31+$0x0], $0xffff;
	_ =	sdelay $0x4  }
0x151: {  	v44 =	vadd.f32 v62, v44;
	_ =	sdelay $0x1  }
0x152: {  	v45 =	vmul.f32 $2.000000030e-01, v44  }
0x153: {  	vm13 =	vge.f32 v44, $0.0e+00  }
0x154: {  	v44 =	vsel vm13, v44, v45  }
0x155: {  	v44 =	vmul.f32 $1.442695020e+00, v44;
	_ =	sdelay $0x1  }
0x156: {  	(erf) = vpow2.f32 v44;
	_ =	sdelay $0x8  }
0x157: {  	v44 =	vpop (erf)  }
0x158: {  	[tilespmem:$0x6590] =	vst v44  }
0x159: {  	v44 =	vld.idx.msk [tilespmem:v13+s30+$0x0], $0xffff  }
0x15a: {  	v63 =	vld.idx.msk [tilespmem:v14+s31+$0x0], $0xffff;
	_ =	sdelay $0x4  }
0x15b: {  	v44 =	vadd.f32 v63, v44;
	_ =	sdelay $0x1  }
0x15c: {  	v45 =	vmul.f32 $2.000000030e-01, v44  }
0x15d: {  	vm14 =	vge.f32 v44, $0.0e+00  }
0x15e: {  	v44 =	vsel vm14, v44, v45  }
0x15f: {  	v44 =	vmul.f32 $1.442695020e+00, v44;
	_ =	sdelay $0x1  }
0x160: {  	(erf) = vpow2.f32 v44;
	_ =	sdelay $0x8  }
0x161: {  	v44 =	vpop (erf)  }
0x162: {  	[tilespmem:$0x65A0] =	vst v44  }
0x163: {  	v44 =	vld.idx.msk [tilespmem:v15+s30+$0x0], $0xffff  }
0x164: {  	v48 =	vld.idx.msk [tilespmem:v16+s31+$0x0], $0xffff;
	_ =	sdelay $0x4  }
0x165: {  	v44 =	vadd.f32 v48, v44;
	_ =	sdelay $0x1  }
0x166: {  	v45 =	vmul.f32 $2.000000030e-01, v44  }
0x167: {  	vm15 =	vge.f32 v44, $0.0e+00  }
0x168: {  	v44 =	vsel vm15, v44, v45  }
0x169: {  	v44 =	vmul.f32 $1.442695020e+00, v44;
	_ =	sdelay $0x1  }
0x16a: {  	(erf) = vpow2.f32 v44;
	_ =	sdelay $0x8  }
0x16b: {  	v44 =	vpop (erf)  }
0x16c: {  	[tilespmem:$0x65B0] =	vst v44  }
0x16d: {  	v44 =	vld.idx.msk [tilespmem:v17+s30+$0x0], $0xffff  }
0x16e: {  	v49 =	vld.idx.msk [tilespmem:v18+s31+$0x0], $0xffff;
	_ =	sdelay $0x4  }
0x16f: {  	v44 =	vadd.f32 v49, v44;
	_ =	sdelay $0x1  }
0x170: {  	v45 =	vmul.f32 $2.000000030e-01, v44  }
0x171: {  	vm4 =	vge.f32 v44, $0.0e+00  }
0x172: {  	v44 =	vsel vm4, v44, v45  }
0x173: {  	v44 =	vmul.f32 $1.442695020e+00, v44;
	_ =	sdelay $0x1  }
0x174: {  	(erf) = vpow2.f32 v44;
	_ =	sdelay $0x8  }
0x175: {  	v44 =	vpop (erf)  }
0x176: {  	[tilespmem:$0x65C0] =	vst v44  }
0x177: {  	v44 =	vld.idx.msk [tilespmem:v19+s30+$0x0], $0xffff  }
0x178: {  	v50 =	vld.idx.msk [tilespmem:v20+s31+$0x0], $0xffff;
	_ =	sdelay $0x4  }
0x179: {  	v44 =	vadd.f32 v50, v44;
	_ =	sdelay $0x1  }
0x17a: {  	v45 =	vmul.f32 $2.000000030e-01, v44  }
0x17b: {  	vm5 =	vge.f32 v44, $0.0e+00  }
0x17c: {  	v44 =	vsel vm5, v44, v45  }
0x17d: {  	v44 =	vmul.f32 $1.442695020e+00, v44;
	_ =	sdelay $0x1  }
0x17e: {  	(erf) = vpow2.f32 v44;
	_ =	sdelay $0x8  }
0x17f: {  	v44 =	vpop (erf)  }
0x180: {  	[tilespmem:$0x65D0] =	vst v44  }
0x181: {  	v44 =	vld.idx.msk [tilespmem:v21+s30+$0x0], $0xffff  }
0x182: {  	v51 =	vld.idx.msk [tilespmem:v22+s31+$0x0], $0xffff;
	_ =	sdelay $0x4  }
0x183: {  	v44 =	vadd.f32 v51, v44;
	_ =	sdelay $0x1  }
0x184: {  	v45 =	vmul.f32 $2.000000030e-01, v44  }
0x185: {  	vm6 =	vge.f32 v44, $0.0e+00  }
0x186: {  	v44 =	vsel vm6, v44, v45  }
0x187: {  	v44 =	vmul.f32 $1.442695020e+00, v44;
	_ =	sdelay $0x1  }
0x188: {  	(erf) = vpow2.f32 v44;
	_ =	sdelay $0x8  }
0x189: {  	v44 =	vpop (erf)  }
0x18a: {  	[tilespmem:$0x65E0] =	vst v44  }
0x18b: {  	v44 =	vld.idx.msk [tilespmem:v23+s30+$0x0], $0xffff  }
0x18c: {  	v52 =	vld.idx.msk [tilespmem:v24+s31+$0x0], $0xffff;
	_ =	sdelay $0x4  }
0x18d: {  	v44 =	vadd.f32 v52, v44;
	_ =	sdelay $0x1  }
0x18e: {  	v45 =	vmul.f32 $2.000000030e-01, v44  }
0x18f: {  	vm7 =	vge.f32 v44, $0.0e+00  }
0x190: {  	v44 =	vsel vm7, v44, v45  }
0x191: {  	v44 =	vmul.f32 $1.442695020e+00, v44;
	_ =	sdelay $0x1  }
0x192: {  	(erf) = vpow2.f32 v44;
	_ =	sdelay $0x8  }
0x193: {  	v44 =	vpop (erf)  }
0x194: {  	[tilespmem:$0x65F0] =	vst v44  }
0x195: {  	v44 =	vld.idx.msk [tilespmem:v25+s30+$0x0], $0xffff  }
0x196: {  	v53 =	vld.idx.msk [tilespmem:v26+s31+$0x0], $0xffff;
	_ =	sdelay $0x4  }
0x197: {  	v44 =	vadd.f32 v53, v44;
	_ =	sdelay $0x1  }
0x198: {  	v45 =	vmul.f32 $2.000000030e-01, v44  }
0x199: {  	vm8 =	vge.f32 v44, $0.0e+00  }
0x19a: {  	v44 =	vsel vm8, v44, v45  }
0x19b: {  	v44 =	vmul.f32 $1.442695020e+00, v44;
	_ =	sdelay $0x1  }
0x19c: {  	(erf) = vpow2.f32 v44;
	_ =	sdelay $0x8  }
0x19d: {  	v44 =	vpop (erf)  }
0x19e: {  	[tilespmem:$0x6600] =	vst v44  }
0x19f: {  	v44 =	vld.idx.msk [tilespmem:v27+s30+$0x0], $0xffff  }
0x1a0: {  	v54 =	vld.idx.msk [tilespmem:v28+s31+$0x0], $0xffff;
	_ =	sdelay $0x4  }
0x1a1: {  	v44 =	vadd.f32 v54, v44;
	_ =	sdelay $0x1  }
0x1a2: {  	v45 =	vmul.f32 $2.000000030e-01, v44  }
0x1a3: {  	vm9 =	vge.f32 v44, $0.0e+00  }
0x1a4: {  	v44 =	vsel vm9, v44, v45  }
0x1a5: {  	v44 =	vmul.f32 $1.442695020e+00, v44;
	_ =	sdelay $0x1  }
0x1a6: {  	(erf) = vpow2.f32 v44;
	_ =	sdelay $0x8  }
0x1a7: {  	v44 =	vpop (erf)  }
0x1a8: {  	[tilespmem:$0x6610] =	vst v44  }
0x1a9: {  	v44 =	vld.idx.msk [tilespmem:v29+s30+$0x0], $0xffff  }
0x1aa: {  	v55 =	vld.idx.msk [tilespmem:v30+s31+$0x0], $0xffff;
	_ =	sdelay $0x4  }
0x1ab: {  	v44 =	vadd.f32 v55, v44;
	_ =	sdelay $0x1  }
0x1ac: {  	v45 =	vmul.f32 $2.000000030e-01, v44  }
0x1ad: {  	vm10 =	vge.f32 v44, $0.0e+00  }
0x1ae: {  	v44 =	vsel vm10, v44, v45  }
0x1af: {  	v44 =	vmul.f32 $1.442695020e+00, v44;
	_ =	sdelay $0x1  }
0x1b0: {  	(erf) = vpow2.f32 v44;
	_ =	sdelay $0x8  }
0x1b1: {  	v44 =	vpop (erf)  }
0x1b2: {  	[tilespmem:$0x6620] =	vst v44  }
0x1b3: {  	v44 =	vld.idx.msk [tilespmem:v31+s30+$0x0], $0xffff  }
0x1b4: {  	v56 =	vld.idx.msk [tilespmem:v32+s31+$0x0], $0xffff;
	_ =	sdelay $0x4  }
0x1b5: {  	v44 =	vadd.f32 v56, v44;
	_ =	sdelay $0x1  }
0x1b6: {  	v45 =	vmul.f32 $2.000000030e-01, v44  }
0x1b7: {  	vm11 =	vge.f32 v44, $0.0e+00  }
0x1b8: {  	v44 =	vsel vm11, v44, v45  }
0x1b9: {  	v44 =	vmul.f32 $1.442695020e+00, v44;
	_ =	sdelay $0x1  }
0x1ba: {  	(erf) = vpow2.f32 v44;
	_ =	sdelay $0x8  }
0x1bb: {  	v44 =	vpop (erf)  }
0x1bc: {  	[tilespmem:$0x6630] =	vst v44  }
0x1bd: {  	v44 =	vld.idx.msk [tilespmem:v33+s30+$0x0], $0xffff  }
0x1be: {  	v57 =	vld.idx.msk [tilespmem:v34+s31+$0x0], $0xffff;
	_ =	sdelay $0x4  }
0x1bf: {  	v44 =	vadd.f32 v57, v44;
	_ =	sdelay $0x1  }
0x1c0: {  	v45 =	vmul.f32 $2.000000030e-01, v44  }
0x1c1: {  	vm12 =	vge.f32 v44, $0.0e+00  }
0x1c2: {  	v44 =	vsel vm12, v44, v45  }
0x1c3: {  	v44 =	vmul.f32 $1.442695020e+00, v44;
	_ =	sdelay $0x1  }
0x1c4: {  	(erf) = vpow2.f32 v44;
	_ =	sdelay $0x8  }
0x1c5: {  	v44 =	vpop (erf)  }
0x1c6: {  	[tilespmem:$0x6640] =	vst v44  }
0x1c7: {  	v44 =	vld.idx.msk [tilespmem:v35+s30+$0x0], $0xffff  }
0x1c8: {  	v58 =	vld.idx.msk [tilespmem:v36+s31+$0x0], $0xffff;
	_ =	sdelay $0x4  }
0x1c9: {  	v44 =	vadd.f32 v58, v44;
	_ =	sdelay $0x1  }
0x1ca: {  	v45 =	vmul.f32 $2.000000030e-01, v44  }
0x1cb: {  	vm13 =	vge.f32 v44, $0.0e+00  }
0x1cc: {  	v44 =	vsel vm13, v44, v45  }
0x1cd: {  	v44 =	vmul.f32 $1.442695020e+00, v44;
	_ =	sdelay $0x1  }
0x1ce: {  	(erf) = vpow2.f32 v44;
	_ =	sdelay $0x8  }
0x1cf: {  	v44 =	vpop (erf)  }
0x1d0: {  	[tilespmem:$0x6650] =	vst v44  }
0x1d1: {  	v44 =	vld.idx.msk [tilespmem:v37+s30+$0x0], $0xffff  }
0x1d2: {  	v59 =	vld.idx.msk [tilespmem:v38+s31+$0x0], $0xffff;
	_ =	sdelay $0x4  }
0x1d3: {  	v44 =	vadd.f32 v59, v44;
	_ =	sdelay $0x1  }
0x1d4: {  	v45 =	vmul.f32 $2.000000030e-01, v44  }
0x1d5: {  	vm14 =	vge.f32 v44, $0.0e+00  }
0x1d6: {  	v44 =	vsel vm14, v44, v45  }
0x1d7: {  	v44 =	vmul.f32 $1.442695020e+00, v44;
	_ =	sdelay $0x1  }
0x1d8: {  	(erf) = vpow2.f32 v44;
	_ =	sdelay $0x8  }
0x1d9: {  	v44 =	vpop (erf)  }
0x1da: {  	[tilespmem:$0x6660] =	vst v44  }
0x1db: {  	v44 =	vld.idx.msk [tilespmem:v39+s30+$0x0], $0xffff  }
0x1dc: {  	v60 =	vld.idx.msk [tilespmem:v41+s31+$0x0], $0xffff;
	_ =	sdelay $0x4  }
0x1dd: {  	v44 =	vadd.f32 v60, v44;
	_ =	sdelay $0x1  }
0x1de: {  	v45 =	vmul.f32 $2.000000030e-01, v44  }
0x1df: {  	vm15 =	vge.f32 v44, $0.0e+00  }
0x1e0: {  	v44 =	vsel vm15, v44, v45  }
0x1e1: {  	v44 =	vmul.f32 $1.442695020e+00, v44;
	_ =	sdelay $0x1  }
0x1e2: {  	(erf) = vpow2.f32 v44;
	_ =	sdelay $0x5  }
0x1e3: {  	s2 =	simm.s32 $0x0  }
0x1e4: {  	v61 =	vmov s2  }
0x1e5: {  	v44 =	vshrl.u32 v61, $0x3  }
0x1e6: {  	v44 =	vshll.u32 v44, v42;
	v62 =	vpop (erf)  }
0x1e7: {  	v44 =	vbroadcast v44, $0x0;
	[tilespmem:$0x6670] =	vst v62  }
0x1e8: {  	s20 =	smul.u32 $0xA0, s8;
	_ =	swait.ge [sflag:s16], $0x2D00  }
0x1e9: {  	v44 =	vor.u32 v40, v44;
	s13 =	rddreg [dreg:$0x10]  }
0x1ea: {  	s2 =	sadd.s32 s20, s13  }
0x1eb: {  	[sflag:s16] =	ssyncset.done $0x0;
	s23 =	sshrl.u32 s2, $0x3  }
0x1ec: {  	[sflag:s16] =	ssyncadd.s32 $0xFFFFD300;
	s2 =	sadd.s32 s5, s23  }
0x1ed: {  	[tilespmem:s4], [sflag:$0x1] =	stream.linear.gather [hbm4b:s2+s4], $0x50, $0x38;
	[tilespmem:$0x1CE80] =	vst v63  }
0x1ee: {  	s2 =	simm.s32 $0x6C0;
	v46 =	vld.idx.msk [tilespmem:v44+s17+$0x0], $0xffff  }
0x1ef: {  	v56 =	vld [tilespmem:s2+$0xFFFFFEE0]  }
0x1f0: {  	v47 =	vld [tilespmem:s2+$0xFFFFFF50]  }
0x1f1: {  	v48 =	vld [tilespmem:s2+$0xFFFFFF30]  }
0x1f2: {  	v49 =	vld [tilespmem:s2+$0xFFFFFF00]  }
0x1f3: {  	s21 =	simm.s32 $0x4;
	v50 =	vld [tilespmem:s2+$0xFFFFFF10]  }
0x1f4: {  	v52 =	vmov s21;
	v51 =	vld [tilespmem:s2+$0xFFFFFEF0];
	v44 =	vmul.f32 v56, v46  }
0x1f5: {  	v52 =	vshrl.u32 v52, $0x3;
	v63 =	vld [tilespmem:s2+$0xFFFFFF40];
	v47 =	vmul.f32 v47, v46;
	[tilespmem:s2+$0xFFFFFF60] =	vst v46  }
0x1f6: {  	v57 =	vshll.u32 v52, v42;
	v53 =	vld [tilespmem:s2+$0xFFFFFF20];
	v48 =	vmul.f32 v48, v46;
	[tilespmem:s2+$0xFFFFFEE0] =	vst v44  }
0x1f7: {  	v49 =	vmul.f32 v49, v46;
	[tilespmem:s2+$0xFFFFFF50] =	vst v47;
	v44 =	vbroadcast v57, $0x0  }
0x1f8: {  	v58 =	vmul.f32 v50, v46;
	[tilespmem:s2+$0xFFFFFF30] =	vst v48  }
0x1f9: {  	v59 =	vmul.f32 v51, v46;
	[tilespmem:s2+$0xFFFFFF00] =	vst v49;
	v60 =	vor.u32 v43, v44  }
0x1fa: {  	v45 =	vmul.f32 v63, v46;
	[tilespmem:s2+$0xFFFFFF10] =	vst v58  }
0x1fb: {  	v46 =	vmul.f32 v53, v46;
	[tilespmem:s2+$0xFFFFFEF0] =	vst v59  }
0x1fc: {  	[tilespmem:s2+$0xFFFFFF40] =	vst v45  }
0x1fd: {  	v61 =	vld [tilespmem:s2+$0xFFFFFFC0];
	[tilespmem:s2+$0xFFFFFF20] =	vst v46  }
0x1fe: {  	v46 =	vld.idx.msk [tilespmem:v60+s17+$0x0], $0xffff  }
0x1ff: {  	v62 =	vld [tilespmem:s2+$0xFFFFFFA0]  }
0x200: {  	v63 =	vld [tilespmem:s2+$0xFFFFFF70]  }
0x201: {  	v47 =	vld [tilespmem:s2+$0xFFFFFFE0]  }
0x202: {  	s24 =	simm.s32 $0x8;
	v48 =	vld [tilespmem:s2+$0xFFFFFFB0]  }
0x203: {  	v54 =	vmov s24;
	v58 =	vld [tilespmem:s2+$0xFFFFFF80];
	v45 =	vmul.f32 v61, v46  }
0x204: {  	v54 =	vshrl.u32 v54, $0x3;
	v57 =	vld [tilespmem:s2+$0xFFFFFF90];
	[tilespmem:s2+$0xFFFFFFF0] =	vst v46;
	v49 =	vmul.f32 v62, v46  }
0x205: {  	v59 =	vld [tilespmem:s2+$0xFFFFFFD0];
	v60 =	vshll.u32 v54, v42;
	v50 =	vmul.f32 v63, v46;
	[tilespmem:s2+$0xFFFFFFC0] =	vst v45  }
0x206: {  	v47 =	vmul.f32 v47, v46;
	[tilespmem:s2+$0xFFFFFFA0] =	vst v49;
	v45 =	vbroadcast v60, $0x0  }
0x207: {  	v44 =	vld [tilespmem:s2+$0x10];
	v48 =	vmul.f32 v48, v46;
	[tilespmem:s2+$0xFFFFFF70] =	vst v50  }
0x208: {  	v61 =	vmul.f32 v58, v46;
	[tilespmem:s2+$0xFFFFFFE0] =	vst v47;
	v47 =	vld [tilespmem:s2+$0x70];
	v63 =	vor.u32 v40, v45  }
0x209: {  	v62 =	vmul.f32 v57, v46;
	[tilespmem:s2+$0xFFFFFFB0] =	vst v48;
	v49 =	vld [tilespmem:s2+$0x60]  }
0x20a: {  	v46 =	vmul.f32 v59, v46;
	[tilespmem:s2+$0xFFFFFF80] =	vst v61;
	v50 =	vld [tilespmem:s2+$0x50]  }
0x20b: {  	[tilespmem:s2+$0xFFFFFF90] =	vst v62;
	v48 =	vld [tilespmem:s2+$0x0]  }
0x20c: {  	[tilespmem:s2+$0xFFFFFFD0] =	vst v46;
	v45 =	vld [tilespmem:s2+$0x40]  }
0x20d: {  	s21 =	simm.s32 $0x1C;
	s20 =	simm.s32 $0xC;
	s13 =	simm.s32 $0x6C0;
	v46 =	vld.idx.msk [tilespmem:v63+s17+$0x0], $0xffff  }
.LBB2_5:
0x20e: {  	p0 =	sne.s32 s21, $0x13C  }
0x20f: {  	v51 =	vld [tilespmem:s2+$0x30];
	s13 =	sadd.s32 $0x240, s13;
	s24 =	smov.u32 s21;
	s21 =	sadd.s32 $0x10, s21  }
0x210: {  	v52 =	vld [tilespmem:s2+$0x20];
	_ =	sdelay $0x1  }
0x211: {  	v53 =	vmov s20;
	s20 =	smov.u32 s24;
	v49 =	vmul.f32 v49, v46;
	v50 =	vmul.f32 v50, v46;
	[tilespmem:s2+$0x80] =	vst v46  }
0x212: {  	v53 =	vshrl.u32 v53, $0x3;
	v47 =	vmul.f32 v47, v46;
	v48 =	vmul.f32 v48, v46  }
0x213: {  	v44 =	vmul.f32 v44, v46;
	v45 =	vmul.f32 v45, v46;
	[tilespmem:s2+$0x60] =	vst v49;
	v49 =	vshll.u32 v53, v42  }
0x214: {  	v51 =	vmul.f32 v51, v46;
	[tilespmem:s2+$0x70] =	vst v47;
	v47 =	vbroadcast v49, $0x0  }
0x215: {  	v46 =	vmul.f32 v52, v46;
	[tilespmem:s2+$0x50] =	vst v50  }
0x216: {  	[tilespmem:s2+$0x40] =	vst v45;
	v47 =	vor.u32 v43, v47;
	v49 =	vld [tilespmem:s2+$0xC0]  }
0x217: {  	v45 =	vld [tilespmem:s13+$0x40];
	[tilespmem:s2+$0x30] =	vst v51  }
0x218: {  	[tilespmem:s2+$0x20] =	vst v46;
	v46 =	vld [tilespmem:s2+$0x90]  }
0x219: {  	[tilespmem:s2+$0x0] =	vst v48;
	v48 =	vld [tilespmem:s2+$0xE0]  }
0x21a: {  	[tilespmem:s2+$0x10] =	vst v44;
	v50 =	vld [tilespmem:s2+$0xB0]  }
0x21b: {  	v47 =	vld.idx.msk [tilespmem:v47+s17+$0x0], $0xffff  }
0x21c: {  	v51 =	vld [tilespmem:s2+$0xA0]  }
0x21d: {  	v44 =	vld [tilespmem:s13+$0x10]  }
0x21e: {  	v52 =	vld [tilespmem:s2+$0xD0]  }
0x21f: {  	v53 =	vld [tilespmem:s2+$0xF0]  }
0x220: {  	s24 =	sadd.s32 $0xFFFFFFF4, s20;
	v54 =	vld [tilespmem:s2+$0x100]  }
0x221: {  	v55 =	vmov s24;
	v46 =	vmul.f32 v46, v47;
	v51 =	vmul.f32 v51, v47;
	[tilespmem:s2+$0x110] =	vst v47  }
0x222: {  	v55 =	vshrl.u32 v55, $0x3;
	v50 =	vmul.f32 v50, v47;
	v49 =	vmul.f32 v49, v47  }
0x223: {  	v55 =	vshll.u32 v55, v42;
	v48 =	vmul.f32 v48, v47;
	[tilespmem:s2+$0x90] =	vst v46;
	v46 =	vmul.f32 v52, v47  }
0x224: {  	v52 =	vbroadcast v55, $0x0;
	[tilespmem:s2+$0xC0] =	vst v49;
	v49 =	vmul.f32 v53, v47  }
0x225: {  	[tilespmem:s2+$0xB0] =	vst v50;
	v47 =	vmul.f32 v54, v47  }
0x226: {  	v50 =	vor.u32 v40, v52;
	[tilespmem:s2+$0xE0] =	vst v48  }
0x227: {  	v48 =	vld [tilespmem:s13+$0xFFFFFF20];
	[tilespmem:s2+$0xA0] =	vst v51  }
0x228: {  	v51 =	vld [tilespmem:s13+$0xFFFFFF40];
	[tilespmem:s2+$0x100] =	vst v47  }
0x229: {  	v47 =	vld [tilespmem:s13+$0xFFFFFF30];
	[tilespmem:s2+$0xD0] =	vst v46  }
0x22a: {  	v46 =	vld [tilespmem:s13+$0xFFFFFF50];
	[tilespmem:s2+$0xF0] =	vst v49;
	s2 =	smov.u32 s13  }
0x22b: {  	v49 =	vld.idx.msk [tilespmem:v50+s17+$0x0], $0xffff  }
0x22c: {  	v50 =	vld [tilespmem:s13+$0xFFFFFEE0]  }
0x22d: {  	v52 =	vld [tilespmem:s13+$0xFFFFFF00]  }
0x22e: {  	v53 =	vld [tilespmem:s13+$0xFFFFFEF0]  }
0x22f: {  	v54 =	vld [tilespmem:s13+$0xFFFFFF10]  }
0x230: {  	s24 =	sadd.s32 $0xFFFFFFF8, s20  }
0x231: {  	v55 =	vmov s24;
	v46 =	vmul.f32 v46, v49;
	v50 =	vmul.f32 v50, v49  }
0x232: {  	v55 =	vshrl.u32 v55, $0x3;
	v47 =	vmul.f32 v47, v49;
	v52 =	vmul.f32 v52, v49;
	[tilespmem:s13+$0xFFFFFF60] =	vst v49  }
0x233: {  	v51 =	vmul.f32 v51, v49;
	[tilespmem:s13+$0xFFFFFEE0] =	vst v50;
	v50 =	vmul.f32 v53, v49;
	v53 =	vshll.u32 v55, v42  }
0x234: {  	v54 =	vmul.f32 v54, v49;
	[tilespmem:s13+$0xFFFFFF50] =	vst v46;
	v46 =	vbroadcast v53, $0x0  }
0x235: {  	v48 =	vmul.f32 v48, v49;
	[tilespmem:s13+$0xFFFFFF30] =	vst v47  }
0x236: {  	[tilespmem:s13+$0xFFFFFF00] =	vst v52;
	v46 =	vor.u32 v43, v46  }
0x237: {  	[tilespmem:s13+$0xFFFFFF10] =	vst v54;
	v47 =	vld [tilespmem:s13+$0xFFFFFFE0]  }
0x238: {  	[tilespmem:s13+$0xFFFFFEF0] =	vst v50;
	v49 =	vld [tilespmem:s13+$0xFFFFFFB0]  }
0x239: {  	[tilespmem:s13+$0xFFFFFF40] =	vst v51;
	v50 =	vld [tilespmem:s13+$0xFFFFFFA0]  }
0x23a: {  	[tilespmem:s13+$0xFFFFFF20] =	vst v48;
	v48 =	vld [tilespmem:s13+$0xFFFFFFC0]  }
0x23b: {  	v46 =	vld.idx.msk [tilespmem:v46+s17+$0x0], $0xffff  }
0x23c: {  	v51 =	vld [tilespmem:s13+$0xFFFFFF70]  }
0x23d: {  	v52 =	vld [tilespmem:s13+$0xFFFFFF90]  }
0x23e: {  	v53 =	vld [tilespmem:s13+$0xFFFFFF80]  }
0x23f: {  	v54 =	vld [tilespmem:s13+$0xFFFFFFD0]  }
0x240: {  	s24 =	sadd.s32 $0xFFFFFFFC, s20  }
0x241: {  	v55 =	vmov s24;
	v48 =	vmul.f32 v48, v46;
	v51 =	vmul.f32 v51, v46;
	[tilespmem:s13+$0xFFFFFFF0] =	vst v46  }
0x242: {  	v55 =	vshrl.u32 v55, $0x3;
	v50 =	vmul.f32 v50, v46;
	v52 =	vmul.f32 v52, v46  }
0x243: {  	v49 =	vmul.f32 v49, v46;
	v53 =	vmul.f32 v53, v46;
	[tilespmem:s13+$0xFFFFFFC0] =	vst v48;
	v48 =	vshll.u32 v55, v42  }
0x244: {  	[tilespmem:s13+$0xFFFFFFA0] =	vst v50;
	v50 =	vmul.f32 v54, v46;
	v48 =	vbroadcast v48, $0x0  }
0x245: {  	v46 =	vmul.f32 v47, v46;
	[tilespmem:s13+$0xFFFFFF70] =	vst v51  }
0x246: {  	[tilespmem:s13+$0xFFFFFFB0] =	vst v49;
	v48 =	vor.u32 v40, v48  }
0x247: {  	[tilespmem:s13+$0xFFFFFF80] =	vst v53  }
0x248: {  	[tilespmem:s13+$0xFFFFFF90] =	vst v52  }
.Ltmp1:
0x249: {  	[tilespmem:s13+$0xFFFFFFE0] =	vst v46;
	v47 =	vld [tilespmem:s13+$0x70];
	(pc) =	sbr.rel @p0 .LBB2_5-.Ltmp1, $4  }
0x24a: {  	[tilespmem:s13+$0xFFFFFFD0] =	vst v50;
	v49 =	vld [tilespmem:s13+$0x60]  }
0x24b: {  	v46 =	vld.idx.msk [tilespmem:v48+s17+$0x0], $0xffff  }
0x24c: {  	v50 =	vld [tilespmem:s13+$0x50]  }
0x24d: {  	v48 =	vld [tilespmem:s13+$0x0]  }
0x24e: {  	_ =	sdelay $0x1  }
0x24f: {  	v53 =	vmov s20;
	v49 =	vmul.f32 v49, v46  }
0x250: {  	v51 =	vld [tilespmem:s2+$0x30];
	v53 =	vshrl.u32 v53, $0x3;
	[tilespmem:s2+$0x80] =	vst v46;
	v47 =	vmul.f32 v47, v46  }
0x251: {  	v52 =	vld [tilespmem:s2+$0x20];
	v57 =	vshll.u32 v53, v42;
	v45 =	vmul.f32 v45, v46;
	[tilespmem:s2+$0x60] =	vst v49  }
0x252: {  	v44 =	vmul.f32 v44, v46;
	v58 =	vbroadcast v57, $0x0;
	[tilespmem:s2+$0x70] =	vst v47  }
0x253: {  	v50 =	vmul.f32 v50, v46;
	[tilespmem:s2+$0x40] =	vst v45  }
0x254: {  	v62 =	vmul.f32 v48, v46;
	[tilespmem:s2+$0x10] =	vst v44;
	v61 =	vor.u32 v43, v58  }
0x255: {  	v59 =	vmul.f32 v51, v46;
	[tilespmem:s2+$0x50] =	vst v50  }
0x256: {  	v60 =	vmul.f32 v52, v46;
	[tilespmem:s2+$0x0] =	vst v62  }
0x257: {  	[tilespmem:s2+$0x30] =	vst v59  }
0x258: {  	v56 =	vld [tilespmem:s2+$0x90];
	[tilespmem:s2+$0x20] =	vst v60  }
0x259: {  	v44 =	vld.idx.msk [tilespmem:v61+s17+$0x0], $0xffff  }
0x25a: {  	v63 =	vld [tilespmem:s2+$0xC0]  }
0x25b: {  	v58 =	vld [tilespmem:s2+$0xB0]  }
0x25c: {  	v57 =	vld [tilespmem:s2+$0xE0]  }
0x25d: {  	v59 =	vld [tilespmem:s2+$0xA0]  }
0x25e: {  	v62 =	vld [tilespmem:s2+$0xD0];
	v47 =	vmul.f32 v56, v44  }
0x25f: {  	v61 =	vld [tilespmem:s2+$0x100];
	[tilespmem:s2+$0x110] =	vst v44;
	v46 =	vmul.f32 v63, v44  }
0x260: {  	v60 =	vld [tilespmem:s2+$0xF0];
	v48 =	vmul.f32 v58, v44;
	[tilespmem:s2+$0x90] =	vst v47  }
0x261: {  	v45 =	vmul.f32 v57, v44;
	[tilespmem:s2+$0xC0] =	vst v46  }
0x262: {  	v63 =	vmul.f32 v59, v44;
	[tilespmem:s2+$0xB0] =	vst v48  }
0x263: {  	v49 =	vmul.f32 v62, v44;
	[tilespmem:s2+$0xE0] =	vst v45  }
0x264: {  	v48 =	vmul.f32 v61, v44;
	[tilespmem:s2+$0xA0] =	vst v63  }
0x265: {  	v44 =	vmul.f32 v60, v44;
	[tilespmem:s2+$0xD0] =	vst v49  }
0x266: {  	[tilespmem:s2+$0x100] =	vst v48  }
0x267: {  	s20 =	rddreg [dreg:$0x2];
	s13 =	simm.s32 $0x5A0;
	[tilespmem:s2+$0xF0] =	vst v44  }
0x268: {  	[spmem:s20] =	stream.indirect.scatter.add.f32 [tilespmem:s13], [sflag:$0xB], $0x90, s26, s26, $0xb8;
	[tilespmem:$0x1CE80] =	vst v63  }
0x269: {  	_ =	swait.ge [sflag:s25], $0x2D00  }
0x26a: {  	[sflag:s25] =	ssyncset.done $0x0  }
0x26b: {  	s21 =	sadd.s32 s6, s23;
	[sflag:s25] =	ssyncadd.s32 $0xFFFFD300  }
0x26c: {  	[tilespmem:s26], [sflag:$0x2] =	stream.linear.gather [hbm4b:s21+s4], $0x50, $0x38;
	[tilespmem:$0x1CE80] =	vst v63  }
0x26d: {  	_ =	swait.ge [sflag:s28], $0x50  }
0x26e: {  	[sflag:s28] =	ssyncset.done $0x0  }
0x26f: {  	[sflag:s28] =	ssyncadd.s32 $0xFFFFFFB0  }
0x270: {  	_ =	swait.ge [sflag:s29], $0x50  }
0x271: {  	[sflag:s29] =	ssyncset.done $0x0  }
0x272: {  	[sflag:s29] =	ssyncadd.s32 $0xFFFFFFB0  }
0x273: {  	[tilespmem:s30], [sflag:$0x3] =	stream.indirect.gather [hbm4b:s0+s26], $0x8, s4, s26, $0xb8;
	[tilespmem:$0x1CE80] =	vst v63  }
0x274: {  	_ = 	snop  }
0x275: {  	[tilespmem:s31], [sflag:$0x4] =	stream.indirect.gather [hbm4b:s0+s26], $0x8, s26, s26, $0xb8;
	[tilespmem:$0x1CE80] =	vst v63  }
0x276: {  	_ = 	snop  }
0x277: {  	[tilespmem:s13], [sflag:$0x5] =	stream.indirect.gather [hbm4b:s7+s26], $0x90, s4, s26, $0xb8;
	[tilespmem:$0x1CE80] =	vst v63  }
0x278: {  	_ =	swait.ge [sflag:s18], $0x280  }
0x279: {  	[sflag:s18] =	ssyncset.done $0x0  }
0x27a: {  	[sflag:s18] =	ssyncadd.s32 $0xFFFFFD80  }
0x27b: {  	_ =	swait.ge [sflag:s19], $0x280  }
0x27c: {  	[sflag:s19] =	ssyncset.done $0x0  }
0x27d: {  	[sflag:s19] =	ssyncadd.s32 $0xFFFFFD80  }
0x27e: {  	v50 =	vld.idx.msk [tilespmem:v1+s11+$0x0], $0xffff  }
0x27f: {  	v51 =	vld.idx.msk [tilespmem:v2+s12+$0x0], $0xffff;
	_ =	sdelay $0x4  }
0x280: {  	v44 =	vadd.f32 v51, v50;
	_ =	sdelay $0x1  }
0x281: {  	v45 =	vmul.f32 $2.000000030e-01, v44  }
0x282: {  	vm0 =	vge.f32 v44, $0.0e+00  }
0x283: {  	v44 =	vsel vm0, v44, v45  }
0x284: {  	v44 =	vmul.f32 $1.442695020e+00, v44;
	_ =	sdelay $0x1  }
0x285: {  	(erf) = vpow2.f32 v44;
	_ =	sdelay $0x8  }
0x286: {  	v44 =	vpop (erf)  }
0x287: {  	[tilespmem:$0x6540] =	vst v44  }
0x288: {  	v44 =	vld.idx.msk [tilespmem:v3+s11+$0x0], $0xffff  }
0x289: {  	v52 =	vld.idx.msk [tilespmem:v4+s12+$0x0], $0xffff;
	_ =	sdelay $0x4  }
0x28a: {  	v44 =	vadd.f32 v52, v44;
	_ =	sdelay $0x1  }
0x28b: {  	v45 =	vmul.f32 $2.000000030e-01, v44  }
0x28c: {  	vm9 =	vge.f32 v44, $0.0e+00  }
0x28d: {  	v44 =	vsel vm9, v44, v45  }
0x28e: {  	v44 =	vmul.f32 $1.442695020e+00, v44;
	_ =	sdelay $0x1  }
0x28f: {  	(erf) = vpow2.f32 v44;
	_ =	sdelay $0x8  }
0x290: {  	v44 =	vpop (erf)  }
0x291: {  	[tilespmem:$0x6550] =	vst v44  }
0x292: {  	v44 =	vld.idx.msk [tilespmem:v5+s11+$0x0], $0xffff  }
0x293: {  	v53 =	vld.idx.msk [tilespmem:v6+s12+$0x0], $0xffff;
	_ =	sdelay $0x4  }
0x294: {  	v44 =	vadd.f32 v53, v44;
	_ =	sdelay $0x1  }
0x295: {  	v45 =	vmul.f32 $2.000000030e-01, v44  }
0x296: {  	vm10 =	vge.f32 v44, $0.0e+00  }
0x297: {  	v44 =	vsel vm10, v44, v45  }
0x298: {  	v44 =	vmul.f32 $1.442695020e+00, v44;
	_ =	sdelay $0x1  }
0x299: {  	(erf) = vpow2.f32 v44;
	_ =	sdelay $0x8  }
0x29a: {  	v44 =	vpop (erf)  }
0x29b: {  	[tilespmem:$0x6560] =	vst v44  }
0x29c: {  	v44 =	vld.idx.msk [tilespmem:v7+s11+$0x0], $0xffff  }
0x29d: {  	v54 =	vld.idx.msk [tilespmem:v8+s12+$0x0], $0xffff;
	_ =	sdelay $0x4  }
0x29e: {  	v44 =	vadd.f32 v54, v44;
	_ =	sdelay $0x1  }
0x29f: {  	v45 =	vmul.f32 $2.000000030e-01, v44  }
0x2a0: {  	vm11 =	vge.f32 v44, $0.0e+00  }
0x2a1: {  	v44 =	vsel vm11, v44, v45  }
0x2a2: {  	v44 =	vmul.f32 $1.442695020e+00, v44;
	_ =	sdelay $0x1  }
0x2a3: {  	(erf) = vpow2.f32 v44;
	_ =	sdelay $0x8  }
0x2a4: {  	v44 =	vpop (erf)  }
0x2a5: {  	[tilespmem:$0x6570] =	vst v44  }
0x2a6: {  	v44 =	vld.idx.msk [tilespmem:v9+s11+$0x0], $0xffff  }
0x2a7: {  	v55 =	vld.idx.msk [tilespmem:v10+s12+$0x0], $0xffff;
	_ =	sdelay $0x4  }
0x2a8: {  	v44 =	vadd.f32 v55, v44;
	_ =	sdelay $0x1  }
0x2a9: {  	v45 =	vmul.f32 $2.000000030e-01, v44  }
0x2aa: {  	vm12 =	vge.f32 v44, $0.0e+00  }
0x2ab: {  	v44 =	vsel vm12, v44, v45  }
0x2ac: {  	v44 =	vmul.f32 $1.442695020e+00, v44;
	_ =	sdelay $0x1  }
0x2ad: {  	(erf) = vpow2.f32 v44;
	_ =	sdelay $0x8  }
0x2ae: {  	v44 =	vpop (erf)  }
0x2af: {  	[tilespmem:$0x6580] =	vst v44  }
0x2b0: {  	v44 =	vld.idx.msk [tilespmem:v11+s11+$0x0], $0xffff  }
0x2b1: {  	v56 =	vld.idx.msk [tilespmem:v12+s12+$0x0], $0xffff;
	_ =	sdelay $0x4  }
0x2b2: {  	v44 =	vadd.f32 v56, v44;
	_ =	sdelay $0x1  }
0x2b3: {  	v45 =	vmul.f32 $2.000000030e-01, v44  }
0x2b4: {  	vm13 =	vge.f32 v44, $0.0e+00  }
0x2b5: {  	v44 =	vsel vm13, v44, v45  }
0x2b6: {  	v44 =	vmul.f32 $1.442695020e+00, v44;
	_ =	sdelay $0x1  }
0x2b7: {  	(erf) = vpow2.f32 v44;
	_ =	sdelay $0x8  }
0x2b8: {  	v44 =	vpop (erf)  }
0x2b9: {  	[tilespmem:$0x6590] =	vst v44  }
0x2ba: {  	v44 =	vld.idx.msk [tilespmem:v13+s11+$0x0], $0xffff  }
0x2bb: {  	v57 =	vld.idx.msk [tilespmem:v14+s12+$0x0], $0xffff;
	_ =	sdelay $0x4  }
0x2bc: {  	v44 =	vadd.f32 v57, v44;
	_ =	sdelay $0x1  }
0x2bd: {  	v45 =	vmul.f32 $2.000000030e-01, v44  }
0x2be: {  	vm14 =	vge.f32 v44, $0.0e+00  }
0x2bf: {  	v44 =	vsel vm14, v44, v45  }
0x2c0: {  	v44 =	vmul.f32 $1.442695020e+00, v44;
	_ =	sdelay $0x1  }
0x2c1: {  	(erf) = vpow2.f32 v44;
	_ =	sdelay $0x8  }
0x2c2: {  	v44 =	vpop (erf)  }
0x2c3: {  	[tilespmem:$0x65A0] =	vst v44  }
0x2c4: {  	v44 =	vld.idx.msk [tilespmem:v15+s11+$0x0], $0xffff  }
0x2c5: {  	v58 =	vld.idx.msk [tilespmem:v16+s12+$0x0], $0xffff;
	_ =	sdelay $0x4  }
0x2c6: {  	v44 =	vadd.f32 v58, v44;
	_ =	sdelay $0x1  }
0x2c7: {  	v45 =	vmul.f32 $2.000000030e-01, v44  }
0x2c8: {  	vm15 =	vge.f32 v44, $0.0e+00  }
0x2c9: {  	v44 =	vsel vm15, v44, v45  }
0x2ca: {  	v44 =	vmul.f32 $1.442695020e+00, v44;
	_ =	sdelay $0x1  }
0x2cb: {  	(erf) = vpow2.f32 v44;
	_ =	sdelay $0x8  }
0x2cc: {  	v44 =	vpop (erf)  }
0x2cd: {  	[tilespmem:$0x65B0] =	vst v44  }
0x2ce: {  	v44 =	vld.idx.msk [tilespmem:v17+s11+$0x0], $0xffff  }
0x2cf: {  	v59 =	vld.idx.msk [tilespmem:v18+s12+$0x0], $0xffff;
	_ =	sdelay $0x4  }
0x2d0: {  	v44 =	vadd.f32 v59, v44;
	_ =	sdelay $0x1  }
0x2d1: {  	v45 =	vmul.f32 $2.000000030e-01, v44  }
0x2d2: {  	vm4 =	vge.f32 v44, $0.0e+00  }
0x2d3: {  	v44 =	vsel vm4, v44, v45  }
0x2d4: {  	v44 =	vmul.f32 $1.442695020e+00, v44;
	_ =	sdelay $0x1  }
0x2d5: {  	(erf) = vpow2.f32 v44;
	_ =	sdelay $0x8  }
0x2d6: {  	v44 =	vpop (erf)  }
0x2d7: {  	[tilespmem:$0x65C0] =	vst v44  }
0x2d8: {  	v44 =	vld.idx.msk [tilespmem:v19+s11+$0x0], $0xffff  }
0x2d9: {  	v60 =	vld.idx.msk [tilespmem:v20+s12+$0x0], $0xffff;
	_ =	sdelay $0x4  }
0x2da: {  	v44 =	vadd.f32 v60, v44;
	_ =	sdelay $0x1  }
0x2db: {  	v45 =	vmul.f32 $2.000000030e-01, v44  }
0x2dc: {  	vm5 =	vge.f32 v44, $0.0e+00  }
0x2dd: {  	v44 =	vsel vm5, v44, v45  }
0x2de: {  	v44 =	vmul.f32 $1.442695020e+00, v44;
	_ =	sdelay $0x1  }
0x2df: {  	(erf) = vpow2.f32 v44;
	_ =	sdelay $0x8  }
0x2e0: {  	v44 =	vpop (erf)  }
0x2e1: {  	[tilespmem:$0x65D0] =	vst v44  }
0x2e2: {  	v44 =	vld.idx.msk [tilespmem:v21+s11+$0x0], $0xffff  }
0x2e3: {  	v61 =	vld.idx.msk [tilespmem:v22+s12+$0x0], $0xffff;
	_ =	sdelay $0x4  }
0x2e4: {  	v44 =	vadd.f32 v61, v44;
	_ =	sdelay $0x1  }
0x2e5: {  	v45 =	vmul.f32 $2.000000030e-01, v44  }
0x2e6: {  	vm6 =	vge.f32 v44, $0.0e+00  }
0x2e7: {  	v44 =	vsel vm6, v44, v45  }
0x2e8: {  	v44 =	vmul.f32 $1.442695020e+00, v44;
	_ =	sdelay $0x1  }
0x2e9: {  	(erf) = vpow2.f32 v44;
	_ =	sdelay $0x8  }
0x2ea: {  	v44 =	vpop (erf)  }
0x2eb: {  	[tilespmem:$0x65E0] =	vst v44  }
0x2ec: {  	v44 =	vld.idx.msk [tilespmem:v23+s11+$0x0], $0xffff  }
0x2ed: {  	v62 =	vld.idx.msk [tilespmem:v24+s12+$0x0], $0xffff;
	_ =	sdelay $0x4  }
0x2ee: {  	v44 =	vadd.f32 v62, v44;
	_ =	sdelay $0x1  }
0x2ef: {  	v45 =	vmul.f32 $2.000000030e-01, v44  }
0x2f0: {  	vm7 =	vge.f32 v44, $0.0e+00  }
0x2f1: {  	v44 =	vsel vm7, v44, v45  }
0x2f2: {  	v44 =	vmul.f32 $1.442695020e+00, v44;
	_ =	sdelay $0x1  }
0x2f3: {  	(erf) = vpow2.f32 v44;
	_ =	sdelay $0x8  }
0x2f4: {  	v44 =	vpop (erf)  }
0x2f5: {  	[tilespmem:$0x65F0] =	vst v44  }
0x2f6: {  	v44 =	vld.idx.msk [tilespmem:v25+s11+$0x0], $0xffff  }
0x2f7: {  	v63 =	vld.idx.msk [tilespmem:v26+s12+$0x0], $0xffff;
	_ =	sdelay $0x4  }
0x2f8: {  	v44 =	vadd.f32 v63, v44;
	_ =	sdelay $0x1  }
0x2f9: {  	v45 =	vmul.f32 $2.000000030e-01, v44  }
0x2fa: {  	vm8 =	vge.f32 v44, $0.0e+00  }
0x2fb: {  	v44 =	vsel vm8, v44, v45  }
0x2fc: {  	v44 =	vmul.f32 $1.442695020e+00, v44;
	_ =	sdelay $0x1  }
0x2fd: {  	(erf) = vpow2.f32 v44;
	_ =	sdelay $0x8  }
0x2fe: {  	v44 =	vpop (erf)  }
0x2ff: {  	[tilespmem:$0x6600] =	vst v44  }
0x300: {  	v44 =	vld.idx.msk [tilespmem:v27+s11+$0x0], $0xffff  }
0x301: {  	v48 =	vld.idx.msk [tilespmem:v28+s12+$0x0], $0xffff;
	_ =	sdelay $0x4  }
0x302: {  	v44 =	vadd.f32 v48, v44;
	_ =	sdelay $0x1  }
0x303: {  	v45 =	vmul.f32 $2.000000030e-01, v44  }
0x304: {  	vm9 =	vge.f32 v44, $0.0e+00  }
0x305: {  	v44 =	vsel vm9, v44, v45  }
0x306: {  	v44 =	vmul.f32 $1.442695020e+00, v44;
	_ =	sdelay $0x1  }
0x307: {  	(erf) = vpow2.f32 v44;
	_ =	sdelay $0x8  }
0x308: {  	v44 =	vpop (erf)  }
0x309: {  	[tilespmem:$0x6610] =	vst v44  }
0x30a: {  	v44 =	vld.idx.msk [tilespmem:v29+s11+$0x0], $0xffff  }
0x30b: {  	v49 =	vld.idx.msk [tilespmem:v30+s12+$0x0], $0xffff;
	_ =	sdelay $0x4  }
0x30c: {  	v44 =	vadd.f32 v49, v44;
	_ =	sdelay $0x1  }
0x30d: {  	v45 =	vmul.f32 $2.000000030e-01, v44  }
0x30e: {  	vm10 =	vge.f32 v44, $0.0e+00  }
0x30f: {  	v44 =	vsel vm10, v44, v45  }
0x310: {  	v44 =	vmul.f32 $1.442695020e+00, v44;
	_ =	sdelay $0x1  }
0x311: {  	(erf) = vpow2.f32 v44;
	_ =	sdelay $0x8  }
0x312: {  	v44 =	vpop (erf)  }
0x313: {  	[tilespmem:$0x6620] =	vst v44  }
0x314: {  	v44 =	vld.idx.msk [tilespmem:v31+s11+$0x0], $0xffff  }
0x315: {  	v50 =	vld.idx.msk [tilespmem:v32+s12+$0x0], $0xffff;
	_ =	sdelay $0x4  }
0x316: {  	v44 =	vadd.f32 v50, v44;
	_ =	sdelay $0x1  }
0x317: {  	v45 =	vmul.f32 $2.000000030e-01, v44  }
0x318: {  	vm11 =	vge.f32 v44, $0.0e+00  }
0x319: {  	v44 =	vsel vm11, v44, v45  }
0x31a: {  	v44 =	vmul.f32 $1.442695020e+00, v44;
	_ =	sdelay $0x1  }
0x31b: {  	(erf) = vpow2.f32 v44;
	_ =	sdelay $0x8  }
0x31c: {  	v44 =	vpop (erf)  }
0x31d: {  	[tilespmem:$0x6630] =	vst v44  }
0x31e: {  	v44 =	vld.idx.msk [tilespmem:v33+s11+$0x0], $0xffff  }
0x31f: {  	v51 =	vld.idx.msk [tilespmem:v34+s12+$0x0], $0xffff;
	_ =	sdelay $0x4  }
0x320: {  	v44 =	vadd.f32 v51, v44;
	_ =	sdelay $0x1  }
0x321: {  	v45 =	vmul.f32 $2.000000030e-01, v44  }
0x322: {  	vm12 =	vge.f32 v44, $0.0e+00  }
0x323: {  	v44 =	vsel vm12, v44, v45  }
0x324: {  	v44 =	vmul.f32 $1.442695020e+00, v44;
	_ =	sdelay $0x1  }
0x325: {  	(erf) = vpow2.f32 v44;
	_ =	sdelay $0x8  }
0x326: {  	v44 =	vpop (erf)  }
0x327: {  	[tilespmem:$0x6640] =	vst v44  }
0x328: {  	v44 =	vld.idx.msk [tilespmem:v35+s11+$0x0], $0xffff  }
0x329: {  	v52 =	vld.idx.msk [tilespmem:v36+s12+$0x0], $0xffff;
	_ =	sdelay $0x4  }
0x32a: {  	v44 =	vadd.f32 v52, v44;
	_ =	sdelay $0x1  }
0x32b: {  	v45 =	vmul.f32 $2.000000030e-01, v44  }
0x32c: {  	vm13 =	vge.f32 v44, $0.0e+00  }
0x32d: {  	v44 =	vsel vm13, v44, v45  }
0x32e: {  	v44 =	vmul.f32 $1.442695020e+00, v44;
	_ =	sdelay $0x1  }
0x32f: {  	(erf) = vpow2.f32 v44;
	_ =	sdelay $0x8  }
0x330: {  	v44 =	vpop (erf)  }
0x331: {  	[tilespmem:$0x6650] =	vst v44  }
0x332: {  	v44 =	vld.idx.msk [tilespmem:v37+s11+$0x0], $0xffff  }
0x333: {  	v53 =	vld.idx.msk [tilespmem:v38+s12+$0x0], $0xffff;
	_ =	sdelay $0x4  }
0x334: {  	v44 =	vadd.f32 v53, v44;
	_ =	sdelay $0x1  }
0x335: {  	v45 =	vmul.f32 $2.000000030e-01, v44  }
0x336: {  	vm14 =	vge.f32 v44, $0.0e+00  }
0x337: {  	v44 =	vsel vm14, v44, v45  }
0x338: {  	v44 =	vmul.f32 $1.442695020e+00, v44;
	_ =	sdelay $0x1  }
0x339: {  	(erf) = vpow2.f32 v44;
	_ =	sdelay $0x8  }
0x33a: {  	v44 =	vpop (erf)  }
0x33b: {  	[tilespmem:$0x6660] =	vst v44  }
0x33c: {  	v44 =	vld.idx.msk [tilespmem:v39+s11+$0x0], $0xffff  }
0x33d: {  	v54 =	vld.idx.msk [tilespmem:v41+s12+$0x0], $0xffff;
	_ =	sdelay $0x4  }
0x33e: {  	v44 =	vadd.f32 v54, v44;
	_ =	sdelay $0x1  }
0x33f: {  	v45 =	vmul.f32 $2.000000030e-01, v44  }
0x340: {  	vm15 =	vge.f32 v44, $0.0e+00  }
0x341: {  	v44 =	vsel vm15, v44, v45  }
0x342: {  	v44 =	vmul.f32 $1.442695020e+00, v44;
	_ =	sdelay $0x1  }
0x343: {  	(erf) = vpow2.f32 v44;
	_ =	sdelay $0x5  }
0x344: {  	s23 =	simm.s32 $0x0  }
0x345: {  	v55 =	vmov s23  }
0x346: {  	v44 =	vshrl.u32 v55, $0x3  }
0x347: {  	s24 =	sshll.u32 s8, $0x1;
	v44 =	vshll.u32 v44, v42;
	v56 =	vpop (erf)  }
0x348: {  	s13 =	smin.u32 s24, $0x79;
	v44 =	vbroadcast v44, $0x0;
	[tilespmem:$0x6670] =	vst v56  }
0x349: {  	s2 =	smul.u32 $0x50, s13;
	_ =	swait.ge [sflag:s22], $0x2D00  }
0x34a: {  	v44 =	vor.u32 v40, v44;
	s20 =	rddreg [dreg:$0x11]  }
0x34b: {  	s2 =	sadd.s32 s2, s20  }
0x34c: {  	[sflag:s22] =	ssyncset.done $0x0;
	s23 =	sshrl.u32 s2, $0x3  }
0x34d: {  	[sflag:s22] =	ssyncadd.s32 $0xFFFFD300;
	s2 =	sadd.s32 s5, s23  }
0x34e: {  	[tilespmem:s1], [sflag:$0x6] =	stream.linear.gather [hbm4b:s2+s4], $0x50, $0x38;
	[tilespmem:$0x1CE80] =	vst v63  }
0x34f: {  	s2 =	simm.s32 $0x3960;
	v46 =	vld.idx.msk [tilespmem:v44+s17+$0x0], $0xffff  }
0x350: {  	v57 =	vld [tilespmem:s2+$0xFFFFFEE0]  }
0x351: {  	v58 =	vld [tilespmem:s2+$0xFFFFFF50]  }
0x352: {  	v59 =	vld [tilespmem:s2+$0xFFFFFF30]  }
0x353: {  	v60 =	vld [tilespmem:s2+$0xFFFFFF00]  }
0x354: {  	s21 =	simm.s32 $0x4;
	v61 =	vld [tilespmem:s2+$0xFFFFFF10]  }
0x355: {  	v63 =	vmov s21;
	v62 =	vld [tilespmem:s2+$0xFFFFFEF0];
	v44 =	vmul.f32 v57, v46  }
0x356: {  	v52 =	vshrl.u32 v63, $0x3;
	v45 =	vld [tilespmem:s2+$0xFFFFFF40];
	v47 =	vmul.f32 v58, v46;
	[tilespmem:s2+$0xFFFFFF60] =	vst v46  }
0x357: {  	v56 =	vld [tilespmem:s2+$0xFFFFFF20];
	v48 =	vmul.f32 v59, v46;
	v57 =	vshll.u32 v52, v42;
	[tilespmem:s2+$0xFFFFFEE0] =	vst v44  }
0x358: {  	v49 =	vmul.f32 v60, v46;
	[tilespmem:s2+$0xFFFFFF50] =	vst v47;
	v44 =	vbroadcast v57, $0x0  }
0x359: {  	v58 =	vmul.f32 v61, v46;
	[tilespmem:s2+$0xFFFFFF30] =	vst v48  }
0x35a: {  	v59 =	vmul.f32 v62, v46;
	[tilespmem:s2+$0xFFFFFF00] =	vst v49;
	v60 =	vor.u32 v43, v44  }
0x35b: {  	v45 =	vmul.f32 v45, v46;
	[tilespmem:s2+$0xFFFFFF10] =	vst v58  }
0x35c: {  	v46 =	vmul.f32 v56, v46;
	[tilespmem:s2+$0xFFFFFEF0] =	vst v59  }
0x35d: {  	[tilespmem:s2+$0xFFFFFF40] =	vst v45  }
0x35e: {  	v61 =	vld [tilespmem:s2+$0xFFFFFFC0];
	[tilespmem:s2+$0xFFFFFF20] =	vst v46  }
0x35f: {  	v46 =	vld.idx.msk [tilespmem:v60+s17+$0x0], $0xffff  }
0x360: {  	v62 =	vld [tilespmem:s2+$0xFFFFFFA0]  }
0x361: {  	v63 =	vld [tilespmem:s2+$0xFFFFFF70]  }
0x362: {  	v47 =	vld [tilespmem:s2+$0xFFFFFFE0]  }
0x363: {  	s24 =	simm.s32 $0x8;
	v48 =	vld [tilespmem:s2+$0xFFFFFFB0]  }
0x364: {  	v54 =	vmov s24;
	v58 =	vld [tilespmem:s2+$0xFFFFFF80];
	v45 =	vmul.f32 v61, v46  }
0x365: {  	v54 =	vshrl.u32 v54, $0x3;
	v57 =	vld [tilespmem:s2+$0xFFFFFF90];
	[tilespmem:s2+$0xFFFFFFF0] =	vst v46;
	v49 =	vmul.f32 v62, v46  }
0x366: {  	v59 =	vld [tilespmem:s2+$0xFFFFFFD0];
	v60 =	vshll.u32 v54, v42;
	v50 =	vmul.f32 v63, v46;
	[tilespmem:s2+$0xFFFFFFC0] =	vst v45  }
0x367: {  	v47 =	vmul.f32 v47, v46;
	[tilespmem:s2+$0xFFFFFFA0] =	vst v49;
	v45 =	vbroadcast v60, $0x0  }
0x368: {  	v44 =	vld [tilespmem:s2+$0x10];
	v48 =	vmul.f32 v48, v46;
	[tilespmem:s2+$0xFFFFFF70] =	vst v50  }
0x369: {  	v61 =	vmul.f32 v58, v46;
	[tilespmem:s2+$0xFFFFFFE0] =	vst v47;
	v47 =	vld [tilespmem:s2+$0x70];
	v63 =	vor.u32 v40, v45  }
0x36a: {  	v62 =	vmul.f32 v57, v46;
	[tilespmem:s2+$0xFFFFFFB0] =	vst v48;
	v49 =	vld [tilespmem:s2+$0x60]  }
0x36b: {  	v46 =	vmul.f32 v59, v46;
	[tilespmem:s2+$0xFFFFFF80] =	vst v61;
	v50 =	vld [tilespmem:s2+$0x50]  }
0x36c: {  	[tilespmem:s2+$0xFFFFFF90] =	vst v62;
	v48 =	vld [tilespmem:s2+$0x0]  }
0x36d: {  	[tilespmem:s2+$0xFFFFFFD0] =	vst v46;
	v45 =	vld [tilespmem:s2+$0x40]  }
0x36e: {  	s13 =	simm.s32 $0x3960;
	s21 =	simm.s32 $0x1C;
	s20 =	simm.s32 $0xC;
	v46 =	vld.idx.msk [tilespmem:v63+s17+$0x0], $0xffff  }
.LBB2_7:
0x36f: {  	p0 =	sne.s32 s21, $0x13C  }
0x370: {  	v51 =	vld [tilespmem:s2+$0x30];
	s13 =	sadd.s32 $0x240, s13;
	s24 =	smov.u32 s21;
	s21 =	sadd.s32 $0x10, s21  }
0x371: {  	v52 =	vld [tilespmem:s2+$0x20];
	_ =	sdelay $0x1  }
0x372: {  	v53 =	vmov s20;
	s20 =	smov.u32 s24;
	v49 =	vmul.f32 v49, v46;
	v50 =	vmul.f32 v50, v46;
	[tilespmem:s2+$0x80] =	vst v46  }
0x373: {  	v53 =	vshrl.u32 v53, $0x3;
	v47 =	vmul.f32 v47, v46;
	v48 =	vmul.f32 v48, v46  }
0x374: {  	v44 =	vmul.f32 v44, v46;
	v45 =	vmul.f32 v45, v46;
	[tilespmem:s2+$0x60] =	vst v49;
	v49 =	vshll.u32 v53, v42  }
0x375: {  	v51 =	vmul.f32 v51, v46;
	[tilespmem:s2+$0x70] =	vst v47;
	v47 =	vbroadcast v49, $0x0  }
0x376: {  	v46 =	vmul.f32 v52, v46;
	[tilespmem:s2+$0x50] =	vst v50  }
0x377: {  	[tilespmem:s2+$0x40] =	vst v45;
	v47 =	vor.u32 v43, v47;
	v49 =	vld [tilespmem:s2+$0xC0]  }
0x378: {  	v45 =	vld [tilespmem:s13+$0x40];
	[tilespmem:s2+$0x30] =	vst v51  }
0x379: {  	[tilespmem:s2+$0x20] =	vst v46;
	v46 =	vld [tilespmem:s2+$0x90]  }
0x37a: {  	[tilespmem:s2+$0x0] =	vst v48;
	v48 =	vld [tilespmem:s2+$0xE0]  }
0x37b: {  	[tilespmem:s2+$0x10] =	vst v44;
	v50 =	vld [tilespmem:s2+$0xB0]  }
0x37c: {  	v47 =	vld.idx.msk [tilespmem:v47+s17+$0x0], $0xffff  }
0x37d: {  	v51 =	vld [tilespmem:s2+$0xA0]  }
0x37e: {  	v44 =	vld [tilespmem:s13+$0x10]  }
0x37f: {  	v52 =	vld [tilespmem:s2+$0xD0]  }
0x380: {  	v53 =	vld [tilespmem:s2+$0xF0]  }
0x381: {  	s24 =	sadd.s32 $0xFFFFFFF4, s20;
	v54 =	vld [tilespmem:s2+$0x100]  }
0x382: {  	v55 =	vmov s24;
	v46 =	vmul.f32 v46, v47;
	v51 =	vmul.f32 v51, v47;
	[tilespmem:s2+$0x110] =	vst v47  }
0x383: {  	v55 =	vshrl.u32 v55, $0x3;
	v50 =	vmul.f32 v50, v47;
	v49 =	vmul.f32 v49, v47  }
0x384: {  	v55 =	vshll.u32 v55, v42;
	v48 =	vmul.f32 v48, v47;
	[tilespmem:s2+$0x90] =	vst v46;
	v46 =	vmul.f32 v52, v47  }
0x385: {  	v52 =	vbroadcast v55, $0x0;
	[tilespmem:s2+$0xC0] =	vst v49;
	v49 =	vmul.f32 v53, v47  }
0x386: {  	[tilespmem:s2+$0xB0] =	vst v50;
	v47 =	vmul.f32 v54, v47  }
0x387: {  	v50 =	vor.u32 v40, v52;
	[tilespmem:s2+$0xE0] =	vst v48  }
0x388: {  	v48 =	vld [tilespmem:s13+$0xFFFFFF20];
	[tilespmem:s2+$0xA0] =	vst v51  }
0x389: {  	v51 =	vld [tilespmem:s13+$0xFFFFFF40];
	[tilespmem:s2+$0x100] =	vst v47  }
0x38a: {  	v47 =	vld [tilespmem:s13+$0xFFFFFF30];
	[tilespmem:s2+$0xD0] =	vst v46  }
0x38b: {  	v46 =	vld [tilespmem:s13+$0xFFFFFF50];
	[tilespmem:s2+$0xF0] =	vst v49;
	s2 =	smov.u32 s13  }
0x38c: {  	v49 =	vld.idx.msk [tilespmem:v50+s17+$0x0], $0xffff  }
0x38d: {  	v50 =	vld [tilespmem:s13+$0xFFFFFEE0]  }
0x38e: {  	v52 =	vld [tilespmem:s13+$0xFFFFFF00]  }
0x38f: {  	v53 =	vld [tilespmem:s13+$0xFFFFFEF0]  }
0x390: {  	v54 =	vld [tilespmem:s13+$0xFFFFFF10]  }
0x391: {  	s24 =	sadd.s32 $0xFFFFFFF8, s20  }
0x392: {  	v55 =	vmov s24;
	v46 =	vmul.f32 v46, v49;
	v50 =	vmul.f32 v50, v49  }
0x393: {  	v55 =	vshrl.u32 v55, $0x3;
	v47 =	vmul.f32 v47, v49;
	v52 =	vmul.f32 v52, v49;
	[tilespmem:s13+$0xFFFFFF60] =	vst v49  }
0x394: {  	v51 =	vmul.f32 v51, v49;
	[tilespmem:s13+$0xFFFFFEE0] =	vst v50;
	v50 =	vmul.f32 v53, v49;
	v53 =	vshll.u32 v55, v42  }
0x395: {  	v54 =	vmul.f32 v54, v49;
	[tilespmem:s13+$0xFFFFFF50] =	vst v46;
	v46 =	vbroadcast v53, $0x0  }
0x396: {  	v48 =	vmul.f32 v48, v49;
	[tilespmem:s13+$0xFFFFFF30] =	vst v47  }
0x397: {  	[tilespmem:s13+$0xFFFFFF00] =	vst v52;
	v46 =	vor.u32 v43, v46  }
0x398: {  	[tilespmem:s13+$0xFFFFFF10] =	vst v54;
	v47 =	vld [tilespmem:s13+$0xFFFFFFE0]  }
0x399: {  	[tilespmem:s13+$0xFFFFFEF0] =	vst v50;
	v49 =	vld [tilespmem:s13+$0xFFFFFFB0]  }
0x39a: {  	[tilespmem:s13+$0xFFFFFF40] =	vst v51;
	v50 =	vld [tilespmem:s13+$0xFFFFFFA0]  }
0x39b: {  	[tilespmem:s13+$0xFFFFFF20] =	vst v48;
	v48 =	vld [tilespmem:s13+$0xFFFFFFC0]  }
0x39c: {  	v46 =	vld.idx.msk [tilespmem:v46+s17+$0x0], $0xffff  }
0x39d: {  	v51 =	vld [tilespmem:s13+$0xFFFFFF70]  }
0x39e: {  	v52 =	vld [tilespmem:s13+$0xFFFFFF90]  }
0x39f: {  	v53 =	vld [tilespmem:s13+$0xFFFFFF80]  }
0x3a0: {  	v54 =	vld [tilespmem:s13+$0xFFFFFFD0]  }
0x3a1: {  	s24 =	sadd.s32 $0xFFFFFFFC, s20  }
0x3a2: {  	v55 =	vmov s24;
	v48 =	vmul.f32 v48, v46;
	v51 =	vmul.f32 v51, v46;
	[tilespmem:s13+$0xFFFFFFF0] =	vst v46  }
0x3a3: {  	v55 =	vshrl.u32 v55, $0x3;
	v50 =	vmul.f32 v50, v46;
	v52 =	vmul.f32 v52, v46  }
0x3a4: {  	v49 =	vmul.f32 v49, v46;
	v53 =	vmul.f32 v53, v46;
	[tilespmem:s13+$0xFFFFFFC0] =	vst v48;
	v48 =	vshll.u32 v55, v42  }
0x3a5: {  	[tilespmem:s13+$0xFFFFFFA0] =	vst v50;
	v50 =	vmul.f32 v54, v46;
	v48 =	vbroadcast v48, $0x0  }
0x3a6: {  	v46 =	vmul.f32 v47, v46;
	[tilespmem:s13+$0xFFFFFF70] =	vst v51  }
0x3a7: {  	[tilespmem:s13+$0xFFFFFFB0] =	vst v49;
	v48 =	vor.u32 v40, v48  }
0x3a8: {  	[tilespmem:s13+$0xFFFFFF80] =	vst v53  }
0x3a9: {  	[tilespmem:s13+$0xFFFFFF90] =	vst v52  }
.Ltmp2:
0x3aa: {  	[tilespmem:s13+$0xFFFFFFE0] =	vst v46;
	v47 =	vld [tilespmem:s13+$0x70];
	(pc) =	sbr.rel @p0 .LBB2_7-.Ltmp2, $4  }
0x3ab: {  	[tilespmem:s13+$0xFFFFFFD0] =	vst v50;
	v49 =	vld [tilespmem:s13+$0x60]  }
0x3ac: {  	v46 =	vld.idx.msk [tilespmem:v48+s17+$0x0], $0xffff  }
0x3ad: {  	v50 =	vld [tilespmem:s13+$0x50]  }
0x3ae: {  	v48 =	vld [tilespmem:s13+$0x0]  }
0x3af: {  	_ =	sdelay $0x1  }
0x3b0: {  	v53 =	vmov s20;
	v49 =	vmul.f32 v49, v46  }
0x3b1: {  	v51 =	vld [tilespmem:s2+$0x30];
	v53 =	vshrl.u32 v53, $0x3;
	[tilespmem:s2+$0x80] =	vst v46;
	v47 =	vmul.f32 v47, v46  }
0x3b2: {  	v52 =	vld [tilespmem:s2+$0x20];
	v55 =	vshll.u32 v53, v42;
	v45 =	vmul.f32 v45, v46;
	[tilespmem:s2+$0x60] =	vst v49  }
0x3b3: {  	v44 =	vmul.f32 v44, v46;
	v56 =	vbroadcast v55, $0x0;
	[tilespmem:s2+$0x70] =	vst v47  }
0x3b4: {  	v50 =	vmul.f32 v50, v46;
	[tilespmem:s2+$0x40] =	vst v45  }
0x3b5: {  	v60 =	vmul.f32 v48, v46;
	[tilespmem:s2+$0x10] =	vst v44;
	v59 =	vor.u32 v43, v56  }
0x3b6: {  	v57 =	vmul.f32 v51, v46;
	[tilespmem:s2+$0x50] =	vst v50  }
0x3b7: {  	v58 =	vmul.f32 v52, v46;
	[tilespmem:s2+$0x0] =	vst v60  }
0x3b8: {  	[tilespmem:s2+$0x30] =	vst v57  }
0x3b9: {  	v62 =	vld [tilespmem:s2+$0x90];
	[tilespmem:s2+$0x20] =	vst v58  }
0x3ba: {  	v44 =	vld.idx.msk [tilespmem:v59+s17+$0x0], $0xffff  }
0x3bb: {  	v61 =	vld [tilespmem:s2+$0xC0]  }
0x3bc: {  	v56 =	vld [tilespmem:s2+$0xB0]  }
0x3bd: {  	v63 =	vld [tilespmem:s2+$0xE0]  }
0x3be: {  	v57 =	vld [tilespmem:s2+$0xA0]  }
0x3bf: {  	v59 =	vld [tilespmem:s2+$0x100];
	v47 =	vmul.f32 v62, v44  }
0x3c0: {  	v60 =	vld [tilespmem:s2+$0xD0];
	[tilespmem:s2+$0x110] =	vst v44;
	v46 =	vmul.f32 v61, v44  }
0x3c1: {  	v58 =	vld [tilespmem:s2+$0xF0];
	v48 =	vmul.f32 v56, v44;
	[tilespmem:s2+$0x90] =	vst v47  }
0x3c2: {  	v45 =	vmul.f32 v63, v44;
	[tilespmem:s2+$0xC0] =	vst v46  }
0x3c3: {  	v61 =	vmul.f32 v57, v44;
	[tilespmem:s2+$0xB0] =	vst v48  }
0x3c4: {  	v62 =	vmul.f32 v59, v44;
	[tilespmem:s2+$0xE0] =	vst v45  }
0x3c5: {  	v63 =	vmul.f32 v60, v44;
	[tilespmem:s2+$0xA0] =	vst v61  }
0x3c6: {  	v44 =	vmul.f32 v58, v44;
	[tilespmem:s2+$0x100] =	vst v62  }
0x3c7: {  	s8 =	sadd.s32 $0x1, s8;
	[tilespmem:s2+$0xD0] =	vst v63  }
0x3c8: {  	s21 =	rddreg [dreg:$0x2];
	s24 =	simm.s32 $0x3840;
	p0 =	sne.s32 s8, $0x3E;
	[tilespmem:s2+$0xF0] =	vst v44  }
0x3c9: {  	[spmem:s21] =	stream.indirect.scatter.add.f32 [tilespmem:s24], [sflag:$0xB], $0x90, s3, s26, $0xb8;
	[tilespmem:$0x1CE80] =	vst v63  }
.Ltmp3:
0x3ca: {  	_ = 	snop;
	(pc) =	sbr.rel @p0 .LBB2_4-.Ltmp3, $4  }
0x3cb: {  	_ =	swait.ge [sflag:s25], $0x2D00  }
0x3cc: {  	[sflag:s25] =	ssyncset.done $0x0  }
0x3cd: {  	s23 =	sadd.s32 s6, s23;
	[sflag:s25] =	ssyncadd.s32 $0xFFFFD300  }
0x3ce: {  	[tilespmem:s3], [sflag:$0x7] =	stream.linear.gather [hbm4b:s23+s4], $0x50, $0x38;
	[tilespmem:$0x1CE80] =	vst v63  }
0x3cf: {  	_ =	swait.ge [sflag:s9], $0x50  }
0x3d0: {  	[sflag:s9] =	ssyncset.done $0x0  }
0x3d1: {  	[sflag:s9] =	ssyncadd.s32 $0xFFFFFFB0  }
0x3d2: {  	_ =	swait.ge [sflag:s10], $0x50  }
0x3d3: {  	[sflag:s10] =	ssyncset.done $0x0  }
0x3d4: {  	[sflag:s10] =	ssyncadd.s32 $0xFFFFFFB0  }
0x3d5: {  	_ =	swait.ge [sflag:s14], $0x280  }
0x3d6: {  	[sflag:s14] =	ssyncset.done $0x0  }
0x3d7: {  	[sflag:s14] =	ssyncadd.s32 $0xFFFFFD80  }
0x3d8: {  	_ =	swait.ge [sflag:s15], $0x280  }
0x3d9: {  	[sflag:s15] =	ssyncset.done $0x0  }
0x3da: {  	[sflag:s15] =	ssyncadd.s32 $0xFFFFFD80  }
0x3db: {  	v44 =	vld.idx.msk [tilespmem:v1+s30+$0x0], $0xffff  }
0x3dc: {  	v45 =	vld.idx.msk [tilespmem:v2+s31+$0x0], $0xffff;
	_ =	sdelay $0x4  }
0x3dd: {  	v44 =	vadd.f32 v45, v44;
	_ =	sdelay $0x1  }
0x3de: {  	v45 =	vmul.f32 $2.000000030e-01, v44  }
0x3df: {  	vm0 =	vge.f32 v44, $0.0e+00  }
0x3e0: {  	v44 =	vsel vm0, v44, v45  }
0x3e1: {  	v44 =	vmul.f32 $1.442695020e+00, v44;
	_ =	sdelay $0x1  }
0x3e2: {  	(erf) = vpow2.f32 v44;
	_ =	sdelay $0x8  }
0x3e3: {  	v44 =	vpop (erf)  }
0x3e4: {  	[tilespmem:$0x6540] =	vst v44  }
0x3e5: {  	v44 =	vld.idx.msk [tilespmem:v3+s30+$0x0], $0xffff  }
0x3e6: {  	v58 =	vld.idx.msk [tilespmem:v4+s31+$0x0], $0xffff;
	_ =	sdelay $0x4  }
0x3e7: {  	v44 =	vadd.f32 v58, v44;
	_ =	sdelay $0x1  }
0x3e8: {  	v45 =	vmul.f32 $2.000000030e-01, v44  }
0x3e9: {  	vm9 =	vge.f32 v44, $0.0e+00  }
0x3ea: {  	v44 =	vsel vm9, v44, v45  }
0x3eb: {  	v44 =	vmul.f32 $1.442695020e+00, v44;
	_ =	sdelay $0x1  }
0x3ec: {  	(erf) = vpow2.f32 v44;
	_ =	sdelay $0x8  }
0x3ed: {  	v44 =	vpop (erf)  }
0x3ee: {  	[tilespmem:$0x6550] =	vst v44  }
0x3ef: {  	v44 =	vld.idx.msk [tilespmem:v5+s30+$0x0], $0xffff  }
0x3f0: {  	v59 =	vld.idx.msk [tilespmem:v6+s31+$0x0], $0xffff;
	_ =	sdelay $0x4  }
0x3f1: {  	v44 =	vadd.f32 v59, v44;
	_ =	sdelay $0x1  }
0x3f2: {  	v45 =	vmul.f32 $2.000000030e-01, v44  }
0x3f3: {  	vm10 =	vge.f32 v44, $0.0e+00  }
0x3f4: {  	v44 =	vsel vm10, v44, v45  }
0x3f5: {  	v44 =	vmul.f32 $1.442695020e+00, v44;
	_ =	sdelay $0x1  }
0x3f6: {  	(erf) = vpow2.f32 v44;
	_ =	sdelay $0x8  }
0x3f7: {  	v44 =	vpop (erf)  }
0x3f8: {  	[tilespmem:$0x6560] =	vst v44  }
0x3f9: {  	v44 =	vld.idx.msk [tilespmem:v7+s30+$0x0], $0xffff  }
0x3fa: {  	v60 =	vld.idx.msk [tilespmem:v8+s31+$0x0], $0xffff;
	_ =	sdelay $0x4  }
0x3fb: {  	v44 =	vadd.f32 v60, v44;
	_ =	sdelay $0x1  }
0x3fc: {  	v45 =	vmul.f32 $2.000000030e-01, v44  }
0x3fd: {  	vm11 =	vge.f32 v44, $0.0e+00  }
0x3fe: {  	v44 =	vsel vm11, v44, v45  }
0x3ff: {  	v44 =	vmul.f32 $1.442695020e+00, v44;
	_ =	sdelay $0x1  }
0x400: {  	(erf) = vpow2.f32 v44;
	_ =	sdelay $0x8  }
0x401: {  	v44 =	vpop (erf)  }
0x402: {  	[tilespmem:$0x6570] =	vst v44  }
0x403: {  	v44 =	vld.idx.msk [tilespmem:v9+s30+$0x0], $0xffff  }
0x404: {  	v61 =	vld.idx.msk [tilespmem:v10+s31+$0x0], $0xffff;
	_ =	sdelay $0x4  }
0x405: {  	v44 =	vadd.f32 v61, v44;
	_ =	sdelay $0x1  }
0x406: {  	v45 =	vmul.f32 $2.000000030e-01, v44  }
0x407: {  	vm12 =	vge.f32 v44, $0.0e+00  }
0x408: {  	v44 =	vsel vm12, v44, v45  }
0x409: {  	v44 =	vmul.f32 $1.442695020e+00, v44;
	_ =	sdelay $0x1  }
0x40a: {  	(erf) = vpow2.f32 v44;
	_ =	sdelay $0x8  }
0x40b: {  	v44 =	vpop (erf)  }
0x40c: {  	[tilespmem:$0x6580] =	vst v44  }
0x40d: {  	v44 =	vld.idx.msk [tilespmem:v11+s30+$0x0], $0xffff  }
0x40e: {  	v62 =	vld.idx.msk [tilespmem:v12+s31+$0x0], $0xffff;
	_ =	sdelay $0x4  }
0x40f: {  	v44 =	vadd.f32 v62, v44;
	_ =	sdelay $0x1  }
0x410: {  	v45 =	vmul.f32 $2.000000030e-01, v44  }
0x411: {  	vm13 =	vge.f32 v44, $0.0e+00  }
0x412: {  	v44 =	vsel vm13, v44, v45  }
0x413: {  	v44 =	vmul.f32 $1.442695020e+00, v44;
	_ =	sdelay $0x1  }
0x414: {  	(erf) = vpow2.f32 v44;
	_ =	sdelay $0x8  }
0x415: {  	v44 =	vpop (erf)  }
0x416: {  	[tilespmem:$0x6590] =	vst v44  }
0x417: {  	v44 =	vld.idx.msk [tilespmem:v13+s30+$0x0], $0xffff  }
0x418: {  	v63 =	vld.idx.msk [tilespmem:v14+s31+$0x0], $0xffff;
	_ =	sdelay $0x4  }
0x419: {  	v44 =	vadd.f32 v63, v44;
	_ =	sdelay $0x1  }
0x41a: {  	v45 =	vmul.f32 $2.000000030e-01, v44  }
0x41b: {  	vm14 =	vge.f32 v44, $0.0e+00  }
0x41c: {  	v44 =	vsel vm14, v44, v45  }
0x41d: {  	v44 =	vmul.f32 $1.442695020e+00, v44;
	_ =	sdelay $0x1  }
0x41e: {  	(erf) = vpow2.f32 v44;
	_ =	sdelay $0x8  }
0x41f: {  	v44 =	vpop (erf)  }
0x420: {  	[tilespmem:$0x65A0] =	vst v44  }
0x421: {  	v44 =	vld.idx.msk [tilespmem:v15+s30+$0x0], $0xffff  }
0x422: {  	v48 =	vld.idx.msk [tilespmem:v16+s31+$0x0], $0xffff;
	_ =	sdelay $0x4  }
0x423: {  	v44 =	vadd.f32 v48, v44;
	_ =	sdelay $0x1  }
0x424: {  	v45 =	vmul.f32 $2.000000030e-01, v44  }
0x425: {  	vm15 =	vge.f32 v44, $0.0e+00  }
0x426: {  	v44 =	vsel vm15, v44, v45  }
0x427: {  	v44 =	vmul.f32 $1.442695020e+00, v44;
	_ =	sdelay $0x1  }
0x428: {  	(erf) = vpow2.f32 v44;
	_ =	sdelay $0x8  }
0x429: {  	v44 =	vpop (erf)  }
0x42a: {  	[tilespmem:$0x65B0] =	vst v44  }
0x42b: {  	v44 =	vld.idx.msk [tilespmem:v17+s30+$0x0], $0xffff  }
0x42c: {  	v49 =	vld.idx.msk [tilespmem:v18+s31+$0x0], $0xffff;
	_ =	sdelay $0x4  }
0x42d: {  	v44 =	vadd.f32 v49, v44;
	_ =	sdelay $0x1  }
0x42e: {  	v45 =	vmul.f32 $2.000000030e-01, v44  }
0x42f: {  	vm4 =	vge.f32 v44, $0.0e+00  }
0x430: {  	v44 =	vsel vm4, v44, v45  }
0x431: {  	v44 =	vmul.f32 $1.442695020e+00, v44;
	_ =	sdelay $0x1  }
0x432: {  	(erf) = vpow2.f32 v44;
	_ =	sdelay $0x8  }
0x433: {  	v44 =	vpop (erf)  }
0x434: {  	[tilespmem:$0x65C0] =	vst v44  }
0x435: {  	v44 =	vld.idx.msk [tilespmem:v19+s30+$0x0], $0xffff  }
0x436: {  	v50 =	vld.idx.msk [tilespmem:v20+s31+$0x0], $0xffff;
	_ =	sdelay $0x4  }
0x437: {  	v44 =	vadd.f32 v50, v44;
	_ =	sdelay $0x1  }
0x438: {  	v45 =	vmul.f32 $2.000000030e-01, v44  }
0x439: {  	vm5 =	vge.f32 v44, $0.0e+00  }
0x43a: {  	v44 =	vsel vm5, v44, v45  }
0x43b: {  	v44 =	vmul.f32 $1.442695020e+00, v44;
	_ =	sdelay $0x1  }
0x43c: {  	(erf) = vpow2.f32 v44;
	_ =	sdelay $0x8  }
0x43d: {  	v44 =	vpop (erf)  }
0x43e: {  	[tilespmem:$0x65D0] =	vst v44  }
0x43f: {  	v44 =	vld.idx.msk [tilespmem:v21+s30+$0x0], $0xffff  }
0x440: {  	v51 =	vld.idx.msk [tilespmem:v22+s31+$0x0], $0xffff;
	_ =	sdelay $0x4  }
0x441: {  	v44 =	vadd.f32 v51, v44;
	_ =	sdelay $0x1  }
0x442: {  	v45 =	vmul.f32 $2.000000030e-01, v44  }
0x443: {  	vm6 =	vge.f32 v44, $0.0e+00  }
0x444: {  	v44 =	vsel vm6, v44, v45  }
0x445: {  	v44 =	vmul.f32 $1.442695020e+00, v44;
	_ =	sdelay $0x1  }
0x446: {  	(erf) = vpow2.f32 v44;
	_ =	sdelay $0x8  }
0x447: {  	v44 =	vpop (erf)  }
0x448: {  	[tilespmem:$0x65E0] =	vst v44  }
0x449: {  	v44 =	vld.idx.msk [tilespmem:v23+s30+$0x0], $0xffff  }
0x44a: {  	v52 =	vld.idx.msk [tilespmem:v24+s31+$0x0], $0xffff;
	_ =	sdelay $0x4  }
0x44b: {  	v44 =	vadd.f32 v52, v44;
	_ =	sdelay $0x1  }
0x44c: {  	v45 =	vmul.f32 $2.000000030e-01, v44  }
0x44d: {  	vm7 =	vge.f32 v44, $0.0e+00  }
0x44e: {  	v44 =	vsel vm7, v44, v45  }
0x44f: {  	v44 =	vmul.f32 $1.442695020e+00, v44;
	_ =	sdelay $0x1  }
0x450: {  	(erf) = vpow2.f32 v44;
	_ =	sdelay $0x8  }
0x451: {  	v44 =	vpop (erf)  }
0x452: {  	[tilespmem:$0x65F0] =	vst v44  }
0x453: {  	v44 =	vld.idx.msk [tilespmem:v25+s30+$0x0], $0xffff  }
0x454: {  	v53 =	vld.idx.msk [tilespmem:v26+s31+$0x0], $0xffff;
	_ =	sdelay $0x4  }
0x455: {  	v44 =	vadd.f32 v53, v44;
	_ =	sdelay $0x1  }
0x456: {  	v45 =	vmul.f32 $2.000000030e-01, v44  }
0x457: {  	vm8 =	vge.f32 v44, $0.0e+00  }
0x458: {  	v44 =	vsel vm8, v44, v45  }
0x459: {  	v44 =	vmul.f32 $1.442695020e+00, v44;
	_ =	sdelay $0x1  }
0x45a: {  	(erf) = vpow2.f32 v44;
	_ =	sdelay $0x8  }
0x45b: {  	v44 =	vpop (erf)  }
0x45c: {  	[tilespmem:$0x6600] =	vst v44  }
0x45d: {  	v44 =	vld.idx.msk [tilespmem:v27+s30+$0x0], $0xffff  }
0x45e: {  	v54 =	vld.idx.msk [tilespmem:v28+s31+$0x0], $0xffff;
	_ =	sdelay $0x4  }
0x45f: {  	v44 =	vadd.f32 v54, v44;
	_ =	sdelay $0x1  }
0x460: {  	v45 =	vmul.f32 $2.000000030e-01, v44  }
0x461: {  	vm9 =	vge.f32 v44, $0.0e+00  }
0x462: {  	v44 =	vsel vm9, v44, v45  }
0x463: {  	v44 =	vmul.f32 $1.442695020e+00, v44;
	_ =	sdelay $0x1  }
0x464: {  	(erf) = vpow2.f32 v44;
	_ =	sdelay $0x8  }
0x465: {  	v44 =	vpop (erf)  }
0x466: {  	[tilespmem:$0x6610] =	vst v44  }
0x467: {  	v44 =	vld.idx.msk [tilespmem:v29+s30+$0x0], $0xffff  }
0x468: {  	v55 =	vld.idx.msk [tilespmem:v30+s31+$0x0], $0xffff;
	_ =	sdelay $0x4  }
0x469: {  	v44 =	vadd.f32 v55, v44;
	_ =	sdelay $0x1  }
0x46a: {  	v45 =	vmul.f32 $2.000000030e-01, v44  }
0x46b: {  	vm10 =	vge.f32 v44, $0.0e+00  }
0x46c: {  	v44 =	vsel vm10, v44, v45  }
0x46d: {  	v44 =	vmul.f32 $1.442695020e+00, v44;
	_ =	sdelay $0x1  }
0x46e: {  	(erf) = vpow2.f32 v44;
	_ =	sdelay $0x8  }
0x46f: {  	v44 =	vpop (erf)  }
0x470: {  	[tilespmem:$0x6620] =	vst v44  }
0x471: {  	v44 =	vld.idx.msk [tilespmem:v31+s30+$0x0], $0xffff  }
0x472: {  	v56 =	vld.idx.msk [tilespmem:v32+s31+$0x0], $0xffff;
	_ =	sdelay $0x4  }
0x473: {  	v44 =	vadd.f32 v56, v44;
	_ =	sdelay $0x1  }
0x474: {  	v45 =	vmul.f32 $2.000000030e-01, v44  }
0x475: {  	vm11 =	vge.f32 v44, $0.0e+00  }
0x476: {  	v44 =	vsel vm11, v44, v45  }
0x477: {  	v44 =	vmul.f32 $1.442695020e+00, v44;
	_ =	sdelay $0x1  }
0x478: {  	(erf) = vpow2.f32 v44;
	_ =	sdelay $0x8  }
0x479: {  	v44 =	vpop (erf)  }
0x47a: {  	[tilespmem:$0x6630] =	vst v44  }
0x47b: {  	v44 =	vld.idx.msk [tilespmem:v33+s30+$0x0], $0xffff  }
0x47c: {  	v57 =	vld.idx.msk [tilespmem:v34+s31+$0x0], $0xffff;
	_ =	sdelay $0x4  }
0x47d: {  	v44 =	vadd.f32 v57, v44;
	_ =	sdelay $0x1  }
0x47e: {  	v45 =	vmul.f32 $2.000000030e-01, v44  }
0x47f: {  	vm12 =	vge.f32 v44, $0.0e+00  }
0x480: {  	v44 =	vsel vm12, v44, v45  }
0x481: {  	v44 =	vmul.f32 $1.442695020e+00, v44;
	_ =	sdelay $0x1  }
0x482: {  	(erf) = vpow2.f32 v44;
	_ =	sdelay $0x8  }
0x483: {  	v44 =	vpop (erf)  }
0x484: {  	[tilespmem:$0x6640] =	vst v44  }
0x485: {  	v44 =	vld.idx.msk [tilespmem:v35+s30+$0x0], $0xffff  }
0x486: {  	v58 =	vld.idx.msk [tilespmem:v36+s31+$0x0], $0xffff;
	_ =	sdelay $0x4  }
0x487: {  	v44 =	vadd.f32 v58, v44;
	_ =	sdelay $0x1  }
0x488: {  	v45 =	vmul.f32 $2.000000030e-01, v44  }
0x489: {  	vm13 =	vge.f32 v44, $0.0e+00  }
0x48a: {  	v44 =	vsel vm13, v44, v45  }
0x48b: {  	v44 =	vmul.f32 $1.442695020e+00, v44;
	_ =	sdelay $0x1  }
0x48c: {  	(erf) = vpow2.f32 v44;
	_ =	sdelay $0x8  }
0x48d: {  	v44 =	vpop (erf)  }
0x48e: {  	[tilespmem:$0x6650] =	vst v44  }
0x48f: {  	v44 =	vld.idx.msk [tilespmem:v37+s30+$0x0], $0xffff  }
0x490: {  	v59 =	vld.idx.msk [tilespmem:v38+s31+$0x0], $0xffff;
	_ =	sdelay $0x4  }
0x491: {  	v44 =	vadd.f32 v59, v44;
	_ =	sdelay $0x1  }
0x492: {  	v45 =	vmul.f32 $2.000000030e-01, v44  }
0x493: {  	vm14 =	vge.f32 v44, $0.0e+00  }
0x494: {  	v44 =	vsel vm14, v44, v45  }
0x495: {  	v44 =	vmul.f32 $1.442695020e+00, v44;
	_ =	sdelay $0x1  }
0x496: {  	(erf) = vpow2.f32 v44;
	_ =	sdelay $0x8  }
0x497: {  	v44 =	vpop (erf)  }
0x498: {  	[tilespmem:$0x6660] =	vst v44  }
0x499: {  	v44 =	vld.idx.msk [tilespmem:v39+s30+$0x0], $0xffff  }
0x49a: {  	v60 =	vld.idx.msk [tilespmem:v41+s31+$0x0], $0xffff;
	_ =	sdelay $0x4  }
0x49b: {  	v44 =	vadd.f32 v60, v44;
	_ =	sdelay $0x1  }
0x49c: {  	v45 =	vmul.f32 $2.000000030e-01, v44  }
0x49d: {  	vm15 =	vge.f32 v44, $0.0e+00  }
0x49e: {  	v44 =	vsel vm15, v44, v45  }
0x49f: {  	v44 =	vmul.f32 $1.442695020e+00, v44;
	_ =	sdelay $0x1  }
0x4a0: {  	(erf) = vpow2.f32 v44;
	_ =	sdelay $0x2  }
0x4a1: {  	s2 =	simm.s32 $0x0  }
0x4a2: {  	v61 =	vmov s2  }
0x4a3: {  	v44 =	vshrl.u32 v61, $0x3  }
0x4a4: {  	v44 =	vshll.u32 v44, v42  }
0x4a5: {  	v44 =	vbroadcast v44, $0x0;
	_ =	sdelay $0x1  }
0x4a6: {  	v44 =	vor.u32 v40, v44;
	v62 =	vpop (erf)  }
0x4a7: {  	[tilespmem:$0x6670] =	vst v62  }
0x4a8: {  	_ =	swait.ge [sflag:s16], $0x2D00  }
0x4a9: {  	[sflag:s16] =	ssyncset.done $0x0  }
0x4aa: {  	[sflag:s16] =	ssyncadd.s32 $0xFFFFD300  }
0x4ab: {  	s2 =	simm.s32 $0x6C0;
	v46 =	vld.idx.msk [tilespmem:v44+s17+$0x0], $0xffff  }
0x4ac: {  	v56 =	vld [tilespmem:s2+$0xFFFFFEE0]  }
0x4ad: {  	v47 =	vld [tilespmem:s2+$0xFFFFFF50]  }
0x4ae: {  	v48 =	vld [tilespmem:s2+$0xFFFFFF30]  }
0x4af: {  	v49 =	vld [tilespmem:s2+$0xFFFFFF00]  }
0x4b0: {  	s8 =	simm.s32 $0x4;
	v50 =	vld [tilespmem:s2+$0xFFFFFF10]  }
0x4b1: {  	v52 =	vmov s8;
	v51 =	vld [tilespmem:s2+$0xFFFFFEF0];
	v44 =	vmul.f32 v56, v46  }
0x4b2: {  	v52 =	vshrl.u32 v52, $0x3;
	v63 =	vld [tilespmem:s2+$0xFFFFFF40];
	v47 =	vmul.f32 v47, v46;
	[tilespmem:s2+$0xFFFFFF60] =	vst v46  }
0x4b3: {  	v57 =	vshll.u32 v52, v42;
	v53 =	vld [tilespmem:s2+$0xFFFFFF20];
	v48 =	vmul.f32 v48, v46;
	[tilespmem:s2+$0xFFFFFEE0] =	vst v44  }
0x4b4: {  	v49 =	vmul.f32 v49, v46;
	[tilespmem:s2+$0xFFFFFF50] =	vst v47;
	v44 =	vbroadcast v57, $0x0  }
0x4b5: {  	v58 =	vmul.f32 v50, v46;
	[tilespmem:s2+$0xFFFFFF30] =	vst v48  }
0x4b6: {  	v59 =	vmul.f32 v51, v46;
	[tilespmem:s2+$0xFFFFFF00] =	vst v49;
	v60 =	vor.u32 v43, v44  }
0x4b7: {  	v45 =	vmul.f32 v63, v46;
	[tilespmem:s2+$0xFFFFFF10] =	vst v58  }
0x4b8: {  	v46 =	vmul.f32 v53, v46;
	[tilespmem:s2+$0xFFFFFEF0] =	vst v59  }
0x4b9: {  	[tilespmem:s2+$0xFFFFFF40] =	vst v45  }
0x4ba: {  	v61 =	vld [tilespmem:s2+$0xFFFFFFC0];
	[tilespmem:s2+$0xFFFFFF20] =	vst v46  }
0x4bb: {  	v46 =	vld.idx.msk [tilespmem:v60+s17+$0x0], $0xffff  }
0x4bc: {  	v62 =	vld [tilespmem:s2+$0xFFFFFFA0]  }
0x4bd: {  	v63 =	vld [tilespmem:s2+$0xFFFFFF70]  }
0x4be: {  	v47 =	vld [tilespmem:s2+$0xFFFFFFE0]  }
0x4bf: {  	s23 =	simm.s32 $0x8;
	v48 =	vld [tilespmem:s2+$0xFFFFFFB0]  }
0x4c0: {  	v54 =	vmov s23;
	v58 =	vld [tilespmem:s2+$0xFFFFFF80];
	v45 =	vmul.f32 v61, v46  }
0x4c1: {  	v54 =	vshrl.u32 v54, $0x3;
	v57 =	vld [tilespmem:s2+$0xFFFFFF90];
	[tilespmem:s2+$0xFFFFFFF0] =	vst v46;
	v49 =	vmul.f32 v62, v46  }
0x4c2: {  	v59 =	vld [tilespmem:s2+$0xFFFFFFD0];
	v60 =	vshll.u32 v54, v42;
	v50 =	vmul.f32 v63, v46;
	[tilespmem:s2+$0xFFFFFFC0] =	vst v45  }
0x4c3: {  	v47 =	vmul.f32 v47, v46;
	[tilespmem:s2+$0xFFFFFFA0] =	vst v49;
	v45 =	vbroadcast v60, $0x0  }
0x4c4: {  	v44 =	vld [tilespmem:s2+$0x10];
	v48 =	vmul.f32 v48, v46;
	[tilespmem:s2+$0xFFFFFF70] =	vst v50  }
0x4c5: {  	v61 =	vmul.f32 v58, v46;
	[tilespmem:s2+$0xFFFFFFE0] =	vst v47;
	v47 =	vld [tilespmem:s2+$0x70];
	v63 =	vor.u32 v40, v45  }
0x4c6: {  	v62 =	vmul.f32 v57, v46;
	[tilespmem:s2+$0xFFFFFFB0] =	vst v48;
	v49 =	vld [tilespmem:s2+$0x60]  }
0x4c7: {  	v46 =	vmul.f32 v59, v46;
	[tilespmem:s2+$0xFFFFFF80] =	vst v61;
	v50 =	vld [tilespmem:s2+$0x50]  }
0x4c8: {  	[tilespmem:s2+$0xFFFFFF90] =	vst v62;
	v48 =	vld [tilespmem:s2+$0x0]  }
0x4c9: {  	[tilespmem:s2+$0xFFFFFFD0] =	vst v46;
	v45 =	vld [tilespmem:s2+$0x40]  }
0x4ca: {  	s20 =	simm.s32 $0x1C;
	s13 =	simm.s32 $0x6C0;
	s8 =	simm.s32 $0xC;
	v46 =	vld.idx.msk [tilespmem:v63+s17+$0x0], $0xffff  }
.LBB2_10:
0x4cb: {  	p0 =	sne.s32 s20, $0x13C  }
0x4cc: {  	v51 =	vld [tilespmem:s2+$0x30];
	s13 =	sadd.s32 $0x240, s13;
	s21 =	smov.u32 s20;
	s20 =	sadd.s32 $0x10, s20  }
0x4cd: {  	v52 =	vld [tilespmem:s2+$0x20];
	_ =	sdelay $0x1  }
0x4ce: {  	v53 =	vmov s8;
	s8 =	smov.u32 s21;
	v49 =	vmul.f32 v49, v46;
	v50 =	vmul.f32 v50, v46;
	[tilespmem:s2+$0x80] =	vst v46  }
0x4cf: {  	v53 =	vshrl.u32 v53, $0x3;
	v47 =	vmul.f32 v47, v46;
	v48 =	vmul.f32 v48, v46  }
0x4d0: {  	v44 =	vmul.f32 v44, v46;
	v45 =	vmul.f32 v45, v46;
	[tilespmem:s2+$0x60] =	vst v49;
	v49 =	vshll.u32 v53, v42  }
0x4d1: {  	v51 =	vmul.f32 v51, v46;
	[tilespmem:s2+$0x70] =	vst v47;
	v47 =	vbroadcast v49, $0x0  }
0x4d2: {  	v46 =	vmul.f32 v52, v46;
	[tilespmem:s2+$0x50] =	vst v50  }
0x4d3: {  	[tilespmem:s2+$0x40] =	vst v45;
	v47 =	vor.u32 v43, v47;
	v49 =	vld [tilespmem:s2+$0xC0]  }
0x4d4: {  	v45 =	vld [tilespmem:s13+$0x40];
	[tilespmem:s2+$0x30] =	vst v51  }
0x4d5: {  	[tilespmem:s2+$0x20] =	vst v46;
	v46 =	vld [tilespmem:s2+$0x90]  }
0x4d6: {  	[tilespmem:s2+$0x0] =	vst v48;
	v48 =	vld [tilespmem:s2+$0xE0]  }
0x4d7: {  	[tilespmem:s2+$0x10] =	vst v44;
	v50 =	vld [tilespmem:s2+$0xB0]  }
0x4d8: {  	v47 =	vld.idx.msk [tilespmem:v47+s17+$0x0], $0xffff  }
0x4d9: {  	v51 =	vld [tilespmem:s2+$0xA0]  }
0x4da: {  	v44 =	vld [tilespmem:s13+$0x10]  }
0x4db: {  	v52 =	vld [tilespmem:s2+$0xD0]  }
0x4dc: {  	v53 =	vld [tilespmem:s2+$0xF0]  }
0x4dd: {  	s21 =	sadd.s32 $0xFFFFFFF4, s8;
	v54 =	vld [tilespmem:s2+$0x100]  }
0x4de: {  	v55 =	vmov s21;
	v46 =	vmul.f32 v46, v47;
	v51 =	vmul.f32 v51, v47;
	[tilespmem:s2+$0x110] =	vst v47  }
0x4df: {  	v55 =	vshrl.u32 v55, $0x3;
	v50 =	vmul.f32 v50, v47;
	v49 =	vmul.f32 v49, v47  }
0x4e0: {  	v55 =	vshll.u32 v55, v42;
	v48 =	vmul.f32 v48, v47;
	[tilespmem:s2+$0x90] =	vst v46;
	v46 =	vmul.f32 v52, v47  }
0x4e1: {  	v52 =	vbroadcast v55, $0x0;
	[tilespmem:s2+$0xC0] =	vst v49;
	v49 =	vmul.f32 v53, v47  }
0x4e2: {  	[tilespmem:s2+$0xB0] =	vst v50;
	v47 =	vmul.f32 v54, v47  }
0x4e3: {  	v50 =	vor.u32 v40, v52;
	[tilespmem:s2+$0xE0] =	vst v48  }
0x4e4: {  	v48 =	vld [tilespmem:s13+$0xFFFFFF20];
	[tilespmem:s2+$0xA0] =	vst v51  }
0x4e5: {  	v51 =	vld [tilespmem:s13+$0xFFFFFF40];
	[tilespmem:s2+$0x100] =	vst v47  }
0x4e6: {  	v47 =	vld [tilespmem:s13+$0xFFFFFF30];
	[tilespmem:s2+$0xD0] =	vst v46  }
0x4e7: {  	v46 =	vld [tilespmem:s13+$0xFFFFFF50];
	[tilespmem:s2+$0xF0] =	vst v49;
	s2 =	smov.u32 s13  }
0x4e8: {  	v49 =	vld.idx.msk [tilespmem:v50+s17+$0x0], $0xffff  }
0x4e9: {  	v50 =	vld [tilespmem:s13+$0xFFFFFEE0]  }
0x4ea: {  	v52 =	vld [tilespmem:s13+$0xFFFFFF00]  }
0x4eb: {  	v53 =	vld [tilespmem:s13+$0xFFFFFEF0]  }
0x4ec: {  	v54 =	vld [tilespmem:s13+$0xFFFFFF10]  }
0x4ed: {  	s21 =	sadd.s32 $0xFFFFFFF8, s8  }
0x4ee: {  	v55 =	vmov s21;
	v46 =	vmul.f32 v46, v49;
	v50 =	vmul.f32 v50, v49  }
0x4ef: {  	v55 =	vshrl.u32 v55, $0x3;
	v47 =	vmul.f32 v47, v49;
	v52 =	vmul.f32 v52, v49;
	[tilespmem:s13+$0xFFFFFF60] =	vst v49  }
0x4f0: {  	v51 =	vmul.f32 v51, v49;
	[tilespmem:s13+$0xFFFFFEE0] =	vst v50;
	v50 =	vmul.f32 v53, v49;
	v53 =	vshll.u32 v55, v42  }
0x4f1: {  	v54 =	vmul.f32 v54, v49;
	[tilespmem:s13+$0xFFFFFF50] =	vst v46;
	v46 =	vbroadcast v53, $0x0  }
0x4f2: {  	v48 =	vmul.f32 v48, v49;
	[tilespmem:s13+$0xFFFFFF30] =	vst v47  }
0x4f3: {  	[tilespmem:s13+$0xFFFFFF00] =	vst v52;
	v46 =	vor.u32 v43, v46  }
0x4f4: {  	[tilespmem:s13+$0xFFFFFF10] =	vst v54;
	v47 =	vld [tilespmem:s13+$0xFFFFFFE0]  }
0x4f5: {  	[tilespmem:s13+$0xFFFFFEF0] =	vst v50;
	v49 =	vld [tilespmem:s13+$0xFFFFFFB0]  }
0x4f6: {  	[tilespmem:s13+$0xFFFFFF40] =	vst v51;
	v50 =	vld [tilespmem:s13+$0xFFFFFFA0]  }
0x4f7: {  	[tilespmem:s13+$0xFFFFFF20] =	vst v48;
	v48 =	vld [tilespmem:s13+$0xFFFFFFC0]  }
0x4f8: {  	v46 =	vld.idx.msk [tilespmem:v46+s17+$0x0], $0xffff  }
0x4f9: {  	v51 =	vld [tilespmem:s13+$0xFFFFFF70]  }
0x4fa: {  	v52 =	vld [tilespmem:s13+$0xFFFFFF90]  }
0x4fb: {  	v53 =	vld [tilespmem:s13+$0xFFFFFF80]  }
0x4fc: {  	v54 =	vld [tilespmem:s13+$0xFFFFFFD0]  }
0x4fd: {  	s21 =	sadd.s32 $0xFFFFFFFC, s8  }
0x4fe: {  	v55 =	vmov s21;
	v48 =	vmul.f32 v48, v46;
	v51 =	vmul.f32 v51, v46;
	[tilespmem:s13+$0xFFFFFFF0] =	vst v46  }
0x4ff: {  	v55 =	vshrl.u32 v55, $0x3;
	v50 =	vmul.f32 v50, v46;
	v52 =	vmul.f32 v52, v46  }
0x500: {  	v49 =	vmul.f32 v49, v46;
	v53 =	vmul.f32 v53, v46;
	[tilespmem:s13+$0xFFFFFFC0] =	vst v48;
	v48 =	vshll.u32 v55, v42  }
0x501: {  	[tilespmem:s13+$0xFFFFFFA0] =	vst v50;
	v50 =	vmul.f32 v54, v46;
	v48 =	vbroadcast v48, $0x0  }
0x502: {  	v46 =	vmul.f32 v47, v46;
	[tilespmem:s13+$0xFFFFFF70] =	vst v51  }
0x503: {  	[tilespmem:s13+$0xFFFFFFB0] =	vst v49;
	v48 =	vor.u32 v40, v48  }
0x504: {  	[tilespmem:s13+$0xFFFFFF80] =	vst v53  }
0x505: {  	[tilespmem:s13+$0xFFFFFF90] =	vst v52  }
.Ltmp4:
0x506: {  	[tilespmem:s13+$0xFFFFFFE0] =	vst v46;
	v47 =	vld [tilespmem:s13+$0x70];
	(pc) =	sbr.rel @p0 .LBB2_10-.Ltmp4, $4  }
0x507: {  	[tilespmem:s13+$0xFFFFFFD0] =	vst v50;
	v49 =	vld [tilespmem:s13+$0x60]  }
0x508: {  	v46 =	vld.idx.msk [tilespmem:v48+s17+$0x0], $0xffff  }
0x509: {  	v50 =	vld [tilespmem:s13+$0x50]  }
0x50a: {  	v48 =	vld [tilespmem:s13+$0x0]  }
0x50b: {  	_ =	sdelay $0x1  }
0x50c: {  	v53 =	vmov s8;
	v49 =	vmul.f32 v49, v46  }
0x50d: {  	v51 =	vld [tilespmem:s2+$0x30];
	v53 =	vshrl.u32 v53, $0x3;
	[tilespmem:s2+$0x80] =	vst v46;
	v47 =	vmul.f32 v47, v46  }
0x50e: {  	v52 =	vld [tilespmem:s2+$0x20];
	v55 =	vshll.u32 v53, v42;
	v45 =	vmul.f32 v45, v46;
	[tilespmem:s2+$0x60] =	vst v49  }
0x50f: {  	v44 =	vmul.f32 v44, v46;
	v56 =	vbroadcast v55, $0x0;
	[tilespmem:s2+$0x70] =	vst v47  }
0x510: {  	v50 =	vmul.f32 v50, v46;
	[tilespmem:s2+$0x40] =	vst v45  }
0x511: {  	v60 =	vmul.f32 v48, v46;
	[tilespmem:s2+$0x10] =	vst v44;
	v59 =	vor.u32 v43, v56  }
0x512: {  	v57 =	vmul.f32 v51, v46;
	[tilespmem:s2+$0x50] =	vst v50  }
0x513: {  	v58 =	vmul.f32 v52, v46;
	[tilespmem:s2+$0x0] =	vst v60  }
0x514: {  	[tilespmem:s2+$0x30] =	vst v57  }
0x515: {  	v62 =	vld [tilespmem:s2+$0x90];
	[tilespmem:s2+$0x20] =	vst v58  }
0x516: {  	v44 =	vld.idx.msk [tilespmem:v59+s17+$0x0], $0xffff  }
0x517: {  	v61 =	vld [tilespmem:s2+$0xC0]  }
0x518: {  	v56 =	vld [tilespmem:s2+$0xB0]  }
0x519: {  	v63 =	vld [tilespmem:s2+$0xE0]  }
0x51a: {  	v57 =	vld [tilespmem:s2+$0xA0]  }
0x51b: {  	v59 =	vld [tilespmem:s2+$0x100];
	v47 =	vmul.f32 v62, v44  }
0x51c: {  	v60 =	vld [tilespmem:s2+$0xD0];
	[tilespmem:s2+$0x110] =	vst v44;
	v46 =	vmul.f32 v61, v44  }
0x51d: {  	v58 =	vld [tilespmem:s2+$0xF0];
	v48 =	vmul.f32 v56, v44;
	[tilespmem:s2+$0x90] =	vst v47  }
0x51e: {  	v45 =	vmul.f32 v63, v44;
	[tilespmem:s2+$0xC0] =	vst v46  }
0x51f: {  	v61 =	vmul.f32 v57, v44;
	[tilespmem:s2+$0xB0] =	vst v48  }
0x520: {  	v62 =	vmul.f32 v59, v44;
	[tilespmem:s2+$0xE0] =	vst v45  }
0x521: {  	v63 =	vmul.f32 v60, v44;
	[tilespmem:s2+$0xA0] =	vst v61  }
0x522: {  	v44 =	vmul.f32 v58, v44;
	[tilespmem:s2+$0x100] =	vst v62  }
0x523: {  	[tilespmem:s2+$0xD0] =	vst v63  }
0x524: {  	s13 =	rddreg [dreg:$0x2];
	s20 =	simm.s32 $0x5A0;
	[tilespmem:s2+$0xF0] =	vst v44  }
0x525: {  	[spmem:s13] =	stream.indirect.scatter.add.f32 [tilespmem:s20], [sflag:$0xB], $0x90, s26, s26, $0xb8;
	[tilespmem:$0x1CE80] =	vst v63  }
0x526: {  	_ =	swait.ge [sflag:s25], $0x2D00  }
0x527: {  	[sflag:s25] =	ssyncset.done $0x0  }
0x528: {  	[sflag:s25] =	ssyncadd.s32 $0xFFFFD300  }
0x529: {  	s21 =	stileid.u32;
	[bflag:$0x0] =	sbarrier.arrive $0xFFFF  }
0x52a: {  	s2 =	sshll.u32 s21, $0x6;
	s13 =	rddreg [dreg:$0x4]  }
0x52b: {  	s2 =	sor.u32 $0x1C0B, s2;
	s20 =	rddreg [dreg:$0x12];
	s23 =	sshrl.u32 s13, $0x3  }
0x52c: {  	[hbm:s20], [sflag:s2] =	dma.local [spmem:s23], $0x2D00  }
0x52d: {  	_ =	swait.ge [sflag:s25], $0x2D00  }
0x52e: {  	s21 =	rddreg [dreg:$0x14]  }
0x52f: {  	s23 =	rddreg [dreg:$0x13];
	s8 =	sadd.s32 $0x1, s21  }
0x530: {  	p0 =	sne.s32 s8, s23  }
.Ltmp5:
0x531: {  	_ = 	snop;
	(pc) =	sbr.rel @p0 .LBB2_1-.Ltmp5, $3  }
0x532: {  	_ =	sdelay $0x1  }
0x533: {  	[sflag:s25] =	ssyncset.done $0x0  }
0x534: {  	[sflag:s25] =	ssyncadd.s32 $0xFFFFD300  }
0x535: {  	_ =	sfence.sel $0x180000  }
0x536: {  	[bflag:$0x0] =	sbarrier.arrive $0xFFFF  }
0x537: {  	_ =	strace $0x90000047  }
0x538: {  	s0 =	stileid.u32;
	[bflag:$0x2] =	sbarrier.arrive $0xFFFF  }
0x539: {  	p0 =	sne.s32 s0, $0x0;
	s0 =	rddreg [dreg:$0x3]  }
0x53a: {  	s0 =	sadd.s32 @!p0 $0x100000, s0  }
0x53b: {  	[sflag:s0] =	ssyncadd.tile.s32 @!p0 $0x1;
	_ =	shalt  }
.Lfunc_end2:
_tile_overlayer_lowered:
.L_overlay_start_2:
0x53c: {  	(tag) =	ssettag $0x2  }
0x53d: {  	s0 =	rddreg [dreg:$0x0];
	s2 =	stileid.u32  }
0x53e: {  	s1 =	rddreg [dreg:$0x1];
	p0 =	sne.s32 s2, $0x0  }
0x53f: {  	s3 =	rddreg [dreg:$0x2];
	[bflag:$0x3] =	sbarrier.arrive $0xFFFF;
	s2 =	simm.s32 @!p0 $0x1C0B  }
0x540: {  	[timem:s3], [sflag:s2] =	dma.local @!p0 [hbm:s0], s1  }
0x541: {  	s0 =	simm.s32 @!p0 $0xB  }
0x542: {  	_ =	swait.ge @!p0 [sflag:s0], s1  }
0x543: {  	s1 =	ssub.s32 @!p0 $0x0, s1;
	[sflag:s0] =	ssyncset.done @!p0 $0x0  }
0x544: {  	[sflag:s0] =	ssyncadd.s32 @!p0 s1  }
0x545: {  	[bflag:$0x3] =	sbarrier.arrive $0xFFFF  }
0x546: {  	_ =	shalt  }

</sc_bundles>
